<compile_context>
chip_gen: v7x
topology: tpu7x:2x2x1
jax: 0.10.2.dev20260603
libtpu: 0.0.44.dev20260713+nightly
codegen_flags: <defaults>
</compile_context>

<pallas_src>
import functools

import jax
import jax.numpy as jnp
from jax import lax
from jax.experimental import pallas as pl
from jax.experimental.pallas import tpu as pltpu
from jax.experimental.pallas import tpu_sc as plsc

N, D, E, D_OUT = 10000, 128, 320000, 64
HD = D // 2
NC, NS = 2, 16
NW = NC * NS
EW = E // NW
K = 128
CHUNKS = 80
EWP = CHUNKS * K
NPAD = 10240
RPT = NPAD // NS

_MESH = plsc.VectorSubcoreMesh(core_axis_name="c", subcore_axis_name="s",
                               num_cores=NC, num_subcores=NS)


@functools.partial(
    pl.kernel,
    out_type=(jax.ShapeDtypeStruct((2, NC, NPAD, HD), jnp.float32),
              jax.ShapeDtypeStruct((NW, NPAD), jnp.float32)),
    mesh=_MESH,
    compiler_params=pltpu.CompilerParams(needs_layout_passes=False,
                                        use_tc_tiling_on_sc=False),
    scratch_types=[
        pltpu.VMEM((8, K), jnp.int32),
        pltpu.VMEM((2, K, HD), jnp.float32),
        pltpu.VMEM((NPAD,), jnp.float32),
        pltpu.VMEM_SHARED((NPAD, HD), jnp.float32),
        pltpu.VMEM_SHARED((NPAD, HD), jnp.float32),
        pltpu.SemaphoreType.DMA((4,)),
        pltpu.SemaphoreType.DMA((2,)),
        pltpu.SemaphoreType.DMA((2,)),
    ],
)
def _sc_aggregate(srcdst_hbm, x_hbm, zeros_hbm, agg_out, cnt_out,
                  idx_v, rows_v, cnt_v, x_s, agg_s, isem, gsem, ssem):
    cid = lax.axis_index("c")
    sid = lax.axis_index("s")
    wid = cid * NS + sid

    zero16 = jnp.zeros((16,), jnp.float32)
    one16 = jnp.ones((16,), jnp.float32)
    base = sid * RPT

    def load_idx(j, slot):
        pltpu.async_copy(srcdst_hbm.at[wid, j],
                         idx_v.at[pl.ds(2 * slot, 2)], isem.at[slot])

    def wait_idx(j, slot):
        pltpu.make_async_copy(srcdst_hbm.at[wid, j],
                              idx_v.at[pl.ds(2 * slot, 2)],
                              isem.at[slot]).wait()

    def start_gather(slot, b):
        pltpu.async_copy(x_s.at[idx_v.at[2 * slot]], rows_v.at[b],
                         gsem.at[b])

    def wait_gather(slot, b):
        pltpu.make_async_copy(x_s.at[idx_v.at[2 * slot]], rows_v.at[b],
                              gsem.at[b]).wait()

    def start_scatter(slot, b):
        pltpu.async_copy(rows_v.at[b], agg_s.at[idx_v.at[2 * slot + 1]],
                         ssem.at[b], add=True)

    def wait_scatter(slot, b):
        pltpu.make_async_copy(rows_v.at[b], agg_s.at[idx_v.at[2 * slot + 1]],
                              ssem.at[b]).wait()

    def hist(slot):
        for c in range(K // 16):
            idx16 = idx_v[2 * slot + 1, pl.ds(c * 16, 16)]
            plsc.addupdate_scatter(cnt_v, [idx16], one16)

    def step(j, si, do_hist, *, w1=True, w2=True, i1=True, i2=True):
        b = si % 2
        ob = 1 - b
        sn = (si + 1) % 4
        sl = (si + 3) % 4
        if w1:
            wait_idx(j + 1, sn)
        if w2:
            wait_scatter(sl, ob)
        if i1:
            start_gather(sn, ob)
        if i2:
            load_idx(j + 3, sl)
        wait_gather(si, b)
        start_scatter(si, b)
        if do_hist:
            hist(si)

    def run_pass(p, do_hist):
        xoff = pl.multiple_of(jnp.minimum(base, N - RPT), 8)
        pltpu.sync_copy(x_hbm.at[pl.ds(xoff, RPT), pl.ds(p * HD, HD)],
                        x_s.at[pl.ds(xoff, RPT)])
        pltpu.sync_copy(zeros_hbm, agg_s.at[pl.ds(base, RPT)])
        load_idx(0, 0)
        load_idx(1, 1)
        load_idx(2, 2)
        wait_idx(0, 0)
        plsc.subcore_barrier()
        start_gather(0, 0)

        step(0, 0, do_hist, w2=False)
        step(1, 1, do_hist)
        step(2, 2, do_hist)
        step(3, 3, do_hist)

        @pl.loop(1, 19)
        def _(g):
            for i in range(4):
                step(4 * g + i, i, do_hist)

        step(76, 0, do_hist)
        step(77, 1, do_hist, i2=False)
        step(78, 2, do_hist, i2=False)
        step(79, 3, do_hist, w1=False, i1=False, i2=False)
        wait_scatter(3, 1)

        plsc.subcore_barrier()
        pltpu.sync_copy(agg_s.at[pl.ds(base, RPT)],
                        agg_out.at[p, cid, pl.ds(base, RPT)])

    @pl.loop(0, NPAD // 16)
    def _(r):
        cnt_v[pl.ds(r * 16, 16)] = zero16

    run_pass(0, True)
    plsc.subcore_barrier()
    run_pass(1, False)
    pltpu.sync_copy(cnt_v, cnt_out.at[wid])


BN = 2000


def _tc_body(x_ref, a00_ref, a01_ref, a10_ref, a11_ref, c_ref,
             wl_lo_ref, wl_hi_ref, wrs_ref, w1_ref, w2_ref,
             b0_ref, b1_ref, b2_ref, out_ref):
    cnt = jnp.sum(c_ref[...], axis=1, keepdims=True)
    r = 1.0 / jnp.maximum(cnt, 1.0)
    mean_lo = (a00_ref[0] + a01_ref[0]) * r
    mean_hi = (a10_ref[0] + a11_ref[0]) * r
    h = (jnp.dot(mean_lo, wl_lo_ref[...], preferred_element_type=jnp.float32)
         + jnp.dot(mean_hi, wl_hi_ref[...], preferred_element_type=jnp.float32)
         + jnp.dot(x_ref[...], wrs_ref[...], preferred_element_type=jnp.float32)
         + b0_ref[...])
    h = jnp.maximum(
        jnp.dot(h, w1_ref[...], preferred_element_type=jnp.float32)
        + b1_ref[...], 0.0)
    out_ref[...] = (jnp.dot(h, w2_ref[...], preferred_element_type=jnp.float32)
                    + b2_ref[...])


def kernel(x, edge_idxes, Wl, bl, Wr, Wsk, bsk, W1, b1, W2, b2):
    ei = edge_idxes[0]
    pad = EWP - EW
    pad_vals = jnp.broadcast_to(
        jnp.array([0, N], jnp.int32).reshape(2, 1, 1), (2, NW, pad))
    padded = jnp.concatenate([ei.reshape(2, NW, EW), pad_vals], axis=2)
    srcdst = padded.reshape(2, NW, CHUNKS, K).transpose(1, 2, 0, 3)
    zeros = jnp.zeros((RPT, HD), jnp.float32)
    agg4, cnt32 = _sc_aggregate(srcdst, x, zeros)
    agg4 = agg4.reshape(4, NPAD, HD)
    cnt_t = cnt32.T[:N]

    wlT = Wl.T
    wl_lo = wlT[:HD]
    wl_hi = wlT[HD:]
    wrs = (Wr + Wsk).T
    w1 = W1.T
    w2 = W2.T
    b0 = (bl + bsk).reshape(1, D)
    b1r = b1.reshape(1, D)
    b2r = b2.reshape(1, D_OUT)

    row_spec = pl.BlockSpec((BN, D), lambda i: (i, 0))
    cnt_spec = pl.BlockSpec((BN, NW), lambda i: (i, 0))
    agg_spec = lambda k: pl.BlockSpec((1, BN, HD), lambda i, k=k: (k, i, 0))
    full = lambda shape: pl.BlockSpec(shape, lambda i: (0, 0))
    out = pl.pallas_call(
        _tc_body,
        grid=(N // BN,),
        in_specs=[
            row_spec, agg_spec(0), agg_spec(1), agg_spec(2), agg_spec(3),
            cnt_spec,
            full((HD, D)), full((HD, D)), full((D, D)), full((D, D)),
            full((D, D_OUT)),
            full((1, D)), full((1, D)), full((1, D_OUT)),
        ],
        out_specs=pl.BlockSpec((BN, D_OUT), lambda i: (i, 0)),
        out_shape=jax.ShapeDtypeStruct((N, D_OUT), jnp.float32),
    )(x, agg4, agg4, agg4, agg4, cnt_t, wl_lo, wl_hi, wrs, w1, w2,
      b0, b1r, b2r)
    return out

# --- scband reference (transcript-rebuilt; emitter-appended) ---
"""Pipeline reference for scband-general-net-38878043963420 (READ-ONLY COPY).

The authoritative reference and input builder live on the scoring server;
editing this copy changes nothing except your own understanding.
"""

import jax, jax.numpy as jnp
import numpy as np

N, D, E, D_OUT = 10000, 128, 320000, 64


def setup_inputs(seed: int = 0):
    key = jax.random.key(seed)
    ks = jax.random.split(key, 12)
    scale = 0.05
    x = jax.random.normal(ks[0], (N, D), dtype=jnp.float32)
    # edge_idxes is a list-like of edge_index tensors, one per GCN layer (GCN_layer=1)
    edge_idxes = jax.random.randint(ks[1], (1, 2, E), 0, N, dtype=jnp.int32)
    # SAGEConv params (PyG defaults: aggr='mean', lin_l has bias, lin_r bias=False)
    Wl = jax.random.normal(ks[2], (D, D), dtype=jnp.float32) * scale
    bl = jax.random.normal(ks[3], (D,), dtype=jnp.float32) * scale
    Wr = jax.random.normal(ks[4], (D, D), dtype=jnp.float32) * scale
    # skip_fc: Linear(128 -> 128)
    Wsk = jax.random.normal(ks[5], (D, D), dtype=jnp.float32) * scale
    bsk = jax.random.normal(ks[6], (D,), dtype=jnp.float32) * scale
    # linear_layers: Linear(128,128)+ReLU, Linear(128,64)
    W1 = jax.random.normal(ks[7], (D, D), dtype=jnp.float32) * scale
    b1 = jax.random.normal(ks[8], (D,), dtype=jnp.float32) * scale
    W2 = jax.random.normal(ks[9], (D_OUT, D), dtype=jnp.float32) * scale
    b2 = jax.random.normal(ks[10], (D_OUT,), dtype=jnp.float32) * scale
    return {"x": x, "edge_idxes": edge_idxes, "Wl": Wl, "bl": bl, "Wr": Wr,
            "Wsk": Wsk, "bsk": bsk, "W1": W1, "b1": b1, "W2": W2, "b2": b2}


def _sage_conv(x, edge_index, Wl, bl, Wr):
    # PyG SAGEConv: out = lin_l(mean_{j in N(i)} x_j) + lin_r(x_i)
    src = edge_index[0]
    dst = edge_index[1]
    msgs = jnp.take(x, src, axis=0)
    n = x.shape[0]
    agg = jax.ops.segment_sum(msgs, dst, num_segments=n)
    cnt = jax.ops.segment_sum(jnp.ones((msgs.shape[0],), dtype=x.dtype), dst, num_segments=n)
    mean = agg / jnp.clip(cnt, 1.0, None)[:, None]
    return mean @ Wl.T + bl + x @ Wr.T


def reference(x, edge_idxes, Wl, bl, Wr, Wsk, bsk, W1, b1, W2, b2):
    inp = x
    h = _sage_conv(x, edge_idxes[0], Wl, bl, Wr)
    h = h + (inp @ Wsk.T + bsk)
    h = jax.nn.relu(h @ W1.T + b1)
    h = h @ W2.T + b2
    return h

if __name__ == "__main__":
    import jax
    _d = setup_inputs()
    print(jax.jit(kernel)(*tuple(_d.values())))

</pallas_src>

<mosaic_0001>
#map = affine_map<(d0, d1) -> (0, 0, 0, 0)>
#map1 = affine_map<(d0, d1) -> (0, 0)>
module attributes {stable_mosaic.version = 14 : i64} {
  func.func @_sc_aggregate(%arg0: i32, %arg1: i32, %arg2: memref<32x80x2x128xi32, #tpu.memory_space<hbm>>, %arg3: memref<10000x128xf32, #tpu.memory_space<hbm>>, %arg4: memref<640x64xf32, #tpu.memory_space<hbm>>, %arg5: memref<2x2x10240x64xf32, #tpu.memory_space<hbm>>, %arg6: memref<32x10240xf32, #tpu.memory_space<hbm>>, %arg7: memref<8x128xi32, #tpu.memory_space<vmem>>, %arg8: memref<2x128x64xf32, #tpu.memory_space<vmem>>, %arg9: memref<10240xf32, #tpu.memory_space<vmem>>, %arg10: memref<10240x64xf32, #tpu.memory_space<vmem_shared>>, %arg11: memref<10240x64xf32, #tpu.memory_space<vmem_shared>>, %arg12: memref<4x!tpu.dma_semaphore, #tpu.memory_space<semaphore_mem>>, %arg13: memref<2x!tpu.dma_semaphore, #tpu.memory_space<semaphore_mem>>, %arg14: memref<2x!tpu.dma_semaphore, #tpu.memory_space<semaphore_mem>>) attributes {dimension_semantics = [#tpu.dimension_semantics<core_parallel>, #tpu.dimension_semantics<subcore_parallel>], iteration_bounds = array<i64: 2, 16>, scalar_prefetch = 0 : i64, scratch_operands = 8 : i64, tpu.core_type = #tpu.core_type<sc_vector_subcore>, window_params = [{transform_indices = #map}, {transform_indices = #map1}, {transform_indices = #map1}, {transform_indices = #map}, {transform_indices = #map1}]} {
    %mul3A = arith.constant 16 : i32
    %mul3A_0 = arith.muli %arg0, %mul3A : i32
    %add3A = arith.addi %mul3A_0, %arg1 : i32
    %broadcast_in_dim3A = arith.constant 0.000000e+00 : f32
    %broadcast_in_dim3A_1 = vector.broadcast %broadcast_in_dim3A : f32 to vector<16xf32>
    %broadcast_in_dim3A_2 = arith.constant 1.000000e+00 : f32
    %broadcast_in_dim3A_3 = vector.broadcast %broadcast_in_dim3A_2 : f32 to vector<16xf32>
    %mul3A_4 = arith.constant 640 : i32
    %mul3A_5 = arith.muli %arg1, %mul3A_4 : i32
    %scan3A = arith.constant 0 : i32
    %scan3A_6 = arith.constant 640 : i32
    %scan3A_7 = arith.addi %scan3A, %scan3A_6 : i32
    %scan3A_8 = arith.constant 1 : i32
    scf.for %scan3A_1818 = %scan3A to %scan3A_7 step %scan3A_8  : i32 {
      %mul3A_1819 = arith.constant 1 : i32
      %mul3A_1820 = arith.muli %scan3A_1818, %mul3A_1819 : i32
      %add3A_1821 = arith.constant 0 : i32
      %add3A_1822 = arith.addi %add3A_1821, %mul3A_1820 : i32
      %mul3A_1823 = arith.constant 16 : i32
      %mul3A_1824 = arith.muli %add3A_1822, %mul3A_1823 : i32
      %swap3A = arith.index_cast %mul3A_1824 : i32 to index
      %swap3A_1825 = tpu.vector_load %arg9[%swap3A] {strides = array<i32>} : memref<10240xf32, #tpu.memory_space<vmem>>, vector<16xf32>,
      tpu.vector_store %arg9[%swap3A], %broadcast_in_dim3A_1 {strides = array<i32>} : memref<10240xf32, #tpu.memory_space<vmem>>, vector<16xf32>,
    }
    %scan3A_9 = arith.constant 640 : i32
    %min3A = arith.constant 9360 : i32
    %min3A_10 = arith.minsi %mul3A_5, %min3A : i32
    %multiple_of3A = tpu.assume_multiple %min3A_10, 8 : i32
    "tpu.region"() ({
      %run_scoped3A_1818 = tpu.sem_alloc : memref<!tpu.dma_semaphore, #tpu.memory_space<semaphore_mem>>
      %dma_start3A_1819 = arith.constant 0 : i32
      %dma_start3A_1820 = tpu.memref_slice %arg10[%multiple_of3A, %dma_start3A_1819] : memref<10240x64xf32, #tpu.memory_space<vmem_shared>> -> memref<640x64xf32, #tpu.memory_space<vmem_shared>>
      %dma_start3A_1821 = arith.constant 0 : i32
      %dma_start3A_1822 = tpu.memref_slice %arg3[%multiple_of3A, %dma_start3A_1821] : memref<10000x128xf32, #tpu.memory_space<hbm>> -> memref<640x64xf32, #tpu.memory_space<hbm>>
      tpu.enqueue_dma source(%dma_start3A_1822 : memref<640x64xf32, #tpu.memory_space<hbm>>) target(%dma_start3A_1820 : memref<640x64xf32, #tpu.memory_space<vmem_shared>>) target_semaphore(%run_scoped3A_1818 : memref<!tpu.dma_semaphore, #tpu.memory_space<semaphore_mem>>)
      %dma_wait3A_1823 = arith.constant 0 : i32
      %dma_wait3A_1824 = tpu.memref_slice %arg10[%multiple_of3A, %dma_wait3A_1823] : memref<10240x64xf32, #tpu.memory_space<vmem_shared>> -> memref<640x64xf32, #tpu.memory_space<vmem_shared>>
      %dma_wait3A_1825 = arith.constant 0 : i32
      %dma_wait3A_1826 = tpu.memref_slice %arg3[%multiple_of3A, %dma_wait3A_1825] : memref<10000x128xf32, #tpu.memory_space<hbm>> -> memref<640x64xf32, #tpu.memory_space<hbm>>
      tpu.wait_dma2 semaphore(%run_scoped3A_1818 : memref<!tpu.dma_semaphore, #tpu.memory_space<semaphore_mem>>) src(%dma_wait3A_1826 : memref<640x64xf32, #tpu.memory_space<hbm>>) dst(%dma_wait3A_1824 : memref<640x64xf32, #tpu.memory_space<vmem_shared>>)
      tpu.yield
    }) : () -> ()
    "tpu.region"() ({
      %run_scoped3A_1818 = tpu.sem_alloc : memref<!tpu.dma_semaphore, #tpu.memory_space<semaphore_mem>>
      %dma_start3A_1819 = arith.constant 0 : i32
      %dma_start3A_1820 = tpu.memref_slice %arg11[%mul3A_5, %dma_start3A_1819] : memref<10240x64xf32, #tpu.memory_space<vmem_shared>> -> memref<640x64xf32, #tpu.memory_space<vmem_shared>>
      tpu.enqueue_dma source(%arg4 : memref<640x64xf32, #tpu.memory_space<hbm>>) target(%dma_start3A_1820 : memref<640x64xf32, #tpu.memory_space<vmem_shared>>) target_semaphore(%run_scoped3A_1818 : memref<!tpu.dma_semaphore, #tpu.memory_space<semaphore_mem>>)
      %dma_wait3A_1821 = arith.constant 0 : i32
      %dma_wait3A_1822 = tpu.memref_slice %arg11[%mul3A_5, %dma_wait3A_1821] : memref<10240x64xf32, #tpu.memory_space<vmem_shared>> -> memref<640x64xf32, #tpu.memory_space<vmem_shared>>
      tpu.wait_dma2 semaphore(%run_scoped3A_1818 : memref<!tpu.dma_semaphore, #tpu.memory_space<semaphore_mem>>) src(%arg4 : memref<640x64xf32, #tpu.memory_space<hbm>>) dst(%dma_wait3A_1822 : memref<640x64xf32, #tpu.memory_space<vmem_shared>>)
      tpu.yield
    }) : () -> ()
    %dma_start3A = arith.constant 0 : i32
    %dma_start3A_11 = arith.constant 0 : i32
    %dma_start3A_12 = arith.constant 0 : i32
    %dma_start3A_13 = arith.constant 0 : i32
    %dma_start3A_14 = tpu.memref_slice %arg7[%dma_start3A_12, %dma_start3A_13] : memref<8x128xi32, #tpu.memory_space<vmem>> -> memref<2x128xi32, #tpu.memory_space<vmem>>
    %dma_start3A_15 = arith.constant 0 : i32
    %dma_start3A_16 = arith.constant 0 : i32
    %dma_start3A_17 = tpu.memref_slice %arg2[%add3A, %dma_start3A, %dma_start3A_15, %dma_start3A_16] : memref<32x80x2x128xi32, #tpu.memory_space<hbm>> -> memref<1x1x2x128xi32, #tpu.memory_space<hbm>>
    %dma_start3A_18 = tpu.memref_squeeze %dma_start3A_17 : memref<1x1x2x128xi32, #tpu.memory_space<hbm>> -> memref<2x128xi32, #tpu.memory_space<hbm>>
    %dma_start3A_19 = tpu.memref_slice %arg12[%dma_start3A_11] : memref<4x!tpu.dma_semaphore, #tpu.memory_space<semaphore_mem>> -> memref<1x!tpu.dma_semaphore, #tpu.memory_space<semaphore_mem>>
    %dma_start3A_20 = tpu.memref_squeeze %dma_start3A_19 : memref<1x!tpu.dma_semaphore, #tpu.memory_space<semaphore_mem>> -> memref<!tpu.dma_semaphore, #tpu.memory_space<semaphore_mem>>
    %dma_start3A_21 = arith.constant 0 : i32
    %dma_start3A_22 = arith.constant 0 : i32
    %dma_start3A_23 = tpu.memref_slice %arg7[%dma_start3A_21, %dma_start3A_22] : memref<8x128xi32, #tpu.memory_space<vmem>> -> memref<2x128xi32, #tpu.memory_space<vmem>>
    %dma_start3A_24 = arith.constant 0 : i32
    %dma_start3A_25 = arith.constant 0 : i32
    %dma_start3A_26 = tpu.memref_slice %arg2[%add3A, %dma_start3A, %dma_start3A_24, %dma_start3A_25] : memref<32x80x2x128xi32, #tpu.memory_space<hbm>> -> memref<1x1x2x128xi32, #tpu.memory_space<hbm>>
    %dma_start3A_27 = tpu.memref_squeeze %dma_start3A_26 : memref<1x1x2x128xi32, #tpu.memory_space<hbm>> -> memref<2x128xi32, #tpu.memory_space<hbm>>
    tpu.enqueue_dma source(%dma_start3A_27 : memref<2x128xi32, #tpu.memory_space<hbm>>) target(%dma_start3A_23 : memref<2x128xi32, #tpu.memory_space<vmem>>) target_semaphore(%dma_start3A_20 : memref<!tpu.dma_semaphore, #tpu.memory_space<semaphore_mem>>)
    %dma_start3A_28 = arith.constant 1 : i32
    %dma_start3A_29 = arith.constant 1 : i32
    %dma_start3A_30 = arith.constant 2 : i32
    %dma_start3A_31 = arith.constant 0 : i32
    %dma_start3A_32 = tpu.memref_slice %arg7[%dma_start3A_30, %dma_start3A_31] : memref<8x128xi32, #tpu.memory_space<vmem>> -> memref<2x128xi32, #tpu.memory_space<vmem>>
    %dma_start3A_33 = arith.constant 0 : i32
    %dma_start3A_34 = arith.constant 0 : i32
    %dma_start3A_35 = tpu.memref_slice %arg2[%add3A, %dma_start3A_28, %dma_start3A_33, %dma_start3A_34] : memref<32x80x2x128xi32, #tpu.memory_space<hbm>> -> memref<1x1x2x128xi32, #tpu.memory_space<hbm>>
    %dma_start3A_36 = tpu.memref_squeeze %dma_start3A_35 : memref<1x1x2x128xi32, #tpu.memory_space<hbm>> -> memref<2x128xi32, #tpu.memory_space<hbm>>
    %dma_start3A_37 = tpu.memref_slice %arg12[%dma_start3A_29] : memref<4x!tpu.dma_semaphore, #tpu.memory_space<semaphore_mem>> -> memref<1x!tpu.dma_semaphore, #tpu.memory_space<semaphore_mem>>
    %dma_start3A_38 = tpu.memref_squeeze %dma_start3A_37 : memref<1x!tpu.dma_semaphore, #tpu.memory_space<semaphore_mem>> -> memref<!tpu.dma_semaphore, #tpu.memory_space<semaphore_mem>>
    %dma_start3A_39 = arith.constant 2 : i32
    %dma_start3A_40 = arith.constant 0 : i32
    %dma_start3A_41 = tpu.memref_slice %arg7[%dma_start3A_39, %dma_start3A_40] : memref<8x128xi32, #tpu.memory_space<vmem>> -> memref<2x128xi32, #tpu.memory_space<vmem>>
    %dma_start3A_42 = arith.constant 0 : i32
    %dma_start3A_43 = arith.constant 0 : i32
    %dma_start3A_44 = tpu.memref_slice %arg2[%add3A, %dma_start3A_28, %dma_start3A_42, %dma_start3A_43] : memref<32x80x2x128xi32, #tpu.memory_space<hbm>> -> memref<1x1x2x128xi32, #tpu.memory_space<hbm>>
    %dma_start3A_45 = tpu.memref_squeeze %dma_start3A_44 : memref<1x1x2x128xi32, #tpu.memory_space<hbm>> -> memref<2x128xi32, #tpu.memory_space<hbm>>
    tpu.enqueue_dma source(%dma_start3A_45 : memref<2x128xi32, #tpu.memory_space<hbm>>) target(%dma_start3A_41 : memref<2x128xi32, #tpu.memory_space<vmem>>) target_semaphore(%dma_start3A_38 : memref<!tpu.dma_semaphore, #tpu.memory_space<semaphore_mem>>)
    %dma_start3A_46 = arith.constant 2 : i32
    %dma_start3A_47 = arith.constant 2 : i32
    %dma_start3A_48 = arith.constant 4 : i32
    %dma_start3A_49 = arith.constant 0 : i32
    %dma_start3A_50 = tpu.memref_slice %arg7[%dma_start3A_48, %dma_start3A_49] : memref<8x128xi32, #tpu.memory_space<vmem>> -> memref<2x128xi32, #tpu.memory_space<vmem>>
    %dma_start3A_51 = arith.constant 0 : i32
    %dma_start3A_52 = arith.constant 0 : i32
    %dma_start3A_53 = tpu.memref_slice %arg2[%add3A, %dma_start3A_46, %dma_start3A_51, %dma_start3A_52] : memref<32x80x2x128xi32, #tpu.memory_space<hbm>> -> memref<1x1x2x128xi32, #tpu.memory_space<hbm>>
    %dma_start3A_54 = tpu.memref_squeeze %dma_start3A_53 : memref<1x1x2x128xi32, #tpu.memory_space<hbm>> -> memref<2x128xi32, #tpu.memory_space<hbm>>
    %dma_start3A_55 = tpu.memref_slice %arg12[%dma_start3A_47] : memref<4x!tpu.dma_semaphore, #tpu.memory_space<semaphore_mem>> -> memref<1x!tpu.dma_semaphore, #tpu.memory_space<semaphore_mem>>
    %dma_start3A_56 = tpu.memref_squeeze %dma_start3A_55 : memref<1x!tpu.dma_semaphore, #tpu.memory_space<semaphore_mem>> -> memref<!tpu.dma_semaphore, #tpu.memory_space<semaphore_mem>>
    %dma_start3A_57 = arith.constant 4 : i32
    %dma_start3A_58 = arith.constant 0 : i32
    %dma_start3A_59 = tpu.memref_slice %arg7[%dma_start3A_57, %dma_start3A_58] : memref<8x128xi32, #tpu.memory_space<vmem>> -> memref<2x128xi32, #tpu.memory_space<vmem>>
    %dma_start3A_60 = arith.constant 0 : i32
    %dma_start3A_61 = arith.constant 0 : i32
    %dma_start3A_62 = tpu.memref_slice %arg2[%add3A, %dma_start3A_46, %dma_start3A_60, %dma_start3A_61] : memref<32x80x2x128xi32, #tpu.memory_space<hbm>> -> memref<1x1x2x128xi32, #tpu.memory_space<hbm>>
    %dma_start3A_63 = tpu.memref_squeeze %dma_start3A_62 : memref<1x1x2x128xi32, #tpu.memory_space<hbm>> -> memref<2x128xi32, #tpu.memory_space<hbm>>
    tpu.enqueue_dma source(%dma_start3A_63 : memref<2x128xi32, #tpu.memory_space<hbm>>) target(%dma_start3A_59 : memref<2x128xi32, #tpu.memory_space<vmem>>) target_semaphore(%dma_start3A_56 : memref<!tpu.dma_semaphore, #tpu.memory_space<semaphore_mem>>)
    %dma_wait3A = arith.constant 0 : i32
    %dma_wait3A_64 = arith.constant 0 : i32
    %dma_wait3A_65 = arith.constant 0 : i32
    %dma_wait3A_66 = arith.constant 0 : i32
    %dma_wait3A_67 = tpu.memref_slice %arg7[%dma_wait3A_65, %dma_wait3A_66] : memref<8x128xi32, #tpu.memory_space<vmem>> -> memref<2x128xi32, #tpu.memory_space<vmem>>
    %dma_wait3A_68 = arith.constant 0 : i32
    %dma_wait3A_69 = arith.constant 0 : i32
    %dma_wait3A_70 = tpu.memref_slice %arg2[%add3A, %dma_wait3A, %dma_wait3A_68, %dma_wait3A_69] : memref<32x80x2x128xi32, #tpu.memory_space<hbm>> -> memref<1x1x2x128xi32, #tpu.memory_space<hbm>>
    %dma_wait3A_71 = tpu.memref_squeeze %dma_wait3A_70 : memref<1x1x2x128xi32, #tpu.memory_space<hbm>> -> memref<2x128xi32, #tpu.memory_space<hbm>>
    %dma_wait3A_72 = tpu.memref_slice %arg12[%dma_wait3A_64] : memref<4x!tpu.dma_semaphore, #tpu.memory_space<semaphore_mem>> -> memref<1x!tpu.dma_semaphore, #tpu.memory_space<semaphore_mem>>
    %dma_wait3A_73 = tpu.memref_squeeze %dma_wait3A_72 : memref<1x!tpu.dma_semaphore, #tpu.memory_space<semaphore_mem>> -> memref<!tpu.dma_semaphore, #tpu.memory_space<semaphore_mem>>
    %dma_wait3A_74 = arith.constant 0 : i32
    %dma_wait3A_75 = arith.constant 0 : i32
    %dma_wait3A_76 = tpu.memref_slice %arg7[%dma_wait3A_74, %dma_wait3A_75] : memref<8x128xi32, #tpu.memory_space<vmem>> -> memref<2x128xi32, #tpu.memory_space<vmem>>
    %dma_wait3A_77 = arith.constant 0 : i32
    %dma_wait3A_78 = arith.constant 0 : i32
    %dma_wait3A_79 = tpu.memref_slice %arg2[%add3A, %dma_wait3A, %dma_wait3A_77, %dma_wait3A_78] : memref<32x80x2x128xi32, #tpu.memory_space<hbm>> -> memref<1x1x2x128xi32, #tpu.memory_space<hbm>>
    %dma_wait3A_80 = tpu.memref_squeeze %dma_wait3A_79 : memref<1x1x2x128xi32, #tpu.memory_space<hbm>> -> memref<2x128xi32, #tpu.memory_space<hbm>>
    tpu.wait_dma2 semaphore(%dma_wait3A_73 : memref<!tpu.dma_semaphore, #tpu.memory_space<semaphore_mem>>) src(%dma_wait3A_80 : memref<2x128xi32, #tpu.memory_space<hbm>>) dst(%dma_wait3A_76 : memref<2x128xi32, #tpu.memory_space<vmem>>)
    %barrier3A = arith.constant 0 : index
    tpu.barrier barrier_id(%barrier3A)
    %dma_start3A_81 = arith.constant 0 : i32
    %dma_start3A_82 = arith.constant 0 : i32
    %dma_start3A_83 = arith.constant 0 : i32
    %dma_start3A_84 = arith.constant 0 : i32
    %dma_start3A_85 = arith.constant 0 : i32
    %dma_start3A_86 = tpu.memref_slice %arg8[%dma_start3A_82, %dma_start3A_84, %dma_start3A_85] : memref<2x128x64xf32, #tpu.memory_space<vmem>> -> memref<1x128x64xf32, #tpu.memory_space<vmem>>
    %dma_start3A_87 = tpu.memref_squeeze %dma_start3A_86 : memref<1x128x64xf32, #tpu.memory_space<vmem>> -> memref<128x64xf32, #tpu.memory_space<vmem>>
    %dma_start3A_88 = arith.constant 0 : i32
    %dma_start3A_89 = tpu.memref_slice %arg7[%dma_start3A_81, %dma_start3A_88] : memref<8x128xi32, #tpu.memory_space<vmem>> -> memref<1x128xi32, #tpu.memory_space<vmem>>
    %dma_start3A_90 = tpu.memref_squeeze %dma_start3A_89 : memref<1x128xi32, #tpu.memory_space<vmem>> -> memref<128xi32, #tpu.memory_space<vmem>>
    %dma_start3A_91 = arith.constant 0 : i32
    %dma_start3A_92 = arith.constant 0 : i32
    %dma_start3A_93 = tpu.memref_slice %arg10[%dma_start3A_91, %dma_start3A_92] : memref<10240x64xf32, #tpu.memory_space<vmem_shared>> -> memref<10240x64xf32, #tpu.memory_space<vmem_shared>>
    %dma_start3A_94 = tpu.memref_slice %arg13[%dma_start3A_83] : memref<2x!tpu.dma_semaphore, #tpu.memory_space<semaphore_mem>> -> memref<1x!tpu.dma_semaphore, #tpu.memory_space<semaphore_mem>>
    %dma_start3A_95 = tpu.memref_squeeze %dma_start3A_94 : memref<1x!tpu.dma_semaphore, #tpu.memory_space<semaphore_mem>> -> memref<!tpu.dma_semaphore, #tpu.memory_space<semaphore_mem>>
    tpu.enqueue_indirect_dma source(%dma_start3A_93 : memref<10240x64xf32, #tpu.memory_space<vmem_shared>>) target(%dma_start3A_87 : memref<128x64xf32, #tpu.memory_space<vmem>>) offsets(%dma_start3A_90 : memref<128xi32, #tpu.memory_space<vmem>>) semaphore(%dma_start3A_95 : memref<!tpu.dma_semaphore, #tpu.memory_space<semaphore_mem>>)
    %dma_wait3A_96 = arith.constant 1 : i32
    %dma_wait3A_97 = arith.constant 1 : i32
    %dma_wait3A_98 = arith.constant 2 : i32
    %dma_wait3A_99 = arith.constant 0 : i32
    %dma_wait3A_100 = tpu.memref_slice %arg7[%dma_wait3A_98, %dma_wait3A_99] : memref<8x128xi32, #tpu.memory_space<vmem>> -> memref<2x128xi32, #tpu.memory_space<vmem>>
    %dma_wait3A_101 = arith.constant 0 : i32
    %dma_wait3A_102 = arith.constant 0 : i32
    %dma_wait3A_103 = tpu.memref_slice %arg2[%add3A, %dma_wait3A_96, %dma_wait3A_101, %dma_wait3A_102] : memref<32x80x2x128xi32, #tpu.memory_space<hbm>> -> memref<1x1x2x128xi32, #tpu.memory_space<hbm>>
    %dma_wait3A_104 = tpu.memref_squeeze %dma_wait3A_103 : memref<1x1x2x128xi32, #tpu.memory_space<hbm>> -> memref<2x128xi32, #tpu.memory_space<hbm>>
    %dma_wait3A_105 = tpu.memref_slice %arg12[%dma_wait3A_97] : memref<4x!tpu.dma_semaphore, #tpu.memory_space<semaphore_mem>> -> memref<1x!tpu.dma_semaphore, #tpu.memory_space<semaphore_mem>>
    %dma_wait3A_106 = tpu.memref_squeeze %dma_wait3A_105 : memref<1x!tpu.dma_semaphore, #tpu.memory_space<semaphore_mem>> -> memref<!tpu.dma_semaphore, #tpu.memory_space<semaphore_mem>>
    %dma_wait3A_107 = arith.constant 2 : i32
    %dma_wait3A_108 = arith.constant 0 : i32
    %dma_wait3A_109 = tpu.memref_slice %arg7[%dma_wait3A_107, %dma_wait3A_108] : memref<8x128xi32, #tpu.memory_space<vmem>> -> memref<2x128xi32, #tpu.memory_space<vmem>>
    %dma_wait3A_110 = arith.constant 0 : i32
    %dma_wait3A_111 = arith.constant 0 : i32
    %dma_wait3A_112 = tpu.memref_slice %arg2[%add3A, %dma_wait3A_96, %dma_wait3A_110, %dma_wait3A_111] : memref<32x80x2x128xi32, #tpu.memory_space<hbm>> -> memref<1x1x2x128xi32, #tpu.memory_space<hbm>>
    %dma_wait3A_113 = tpu.memref_squeeze %dma_wait3A_112 : memref<1x1x2x128xi32, #tpu.memory_space<hbm>> -> memref<2x128xi32, #tpu.memory_space<hbm>>
    tpu.wait_dma2 semaphore(%dma_wait3A_106 : memref<!tpu.dma_semaphore, #tpu.memory_space<semaphore_mem>>) src(%dma_wait3A_113 : memref<2x128xi32, #tpu.memory_space<hbm>>) dst(%dma_wait3A_109 : memref<2x128xi32, #tpu.memory_space<vmem>>)
    %dma_start3A_114 = arith.constant 2 : i32
    %dma_start3A_115 = arith.constant 1 : i32
    %dma_start3A_116 = arith.constant 1 : i32
    %dma_start3A_117 = arith.constant 0 : i32
    %dma_start3A_118 = arith.constant 0 : i32
    %dma_start3A_119 = tpu.memref_slice %arg8[%dma_start3A_115, %dma_start3A_117, %dma_start3A_118] : memref<2x128x64xf32, #tpu.memory_space<vmem>> -> memref<1x128x64xf32, #tpu.memory_space<vmem>>
    %dma_start3A_120 = tpu.memref_squeeze %dma_start3A_119 : memref<1x128x64xf32, #tpu.memory_space<vmem>> -> memref<128x64xf32, #tpu.memory_space<vmem>>
    %dma_start3A_121 = arith.constant 0 : i32
    %dma_start3A_122 = tpu.memref_slice %arg7[%dma_start3A_114, %dma_start3A_121] : memref<8x128xi32, #tpu.memory_space<vmem>> -> memref<1x128xi32, #tpu.memory_space<vmem>>
    %dma_start3A_123 = tpu.memref_squeeze %dma_start3A_122 : memref<1x128xi32, #tpu.memory_space<vmem>> -> memref<128xi32, #tpu.memory_space<vmem>>
    %dma_start3A_124 = arith.constant 0 : i32
    %dma_start3A_125 = arith.constant 0 : i32
    %dma_start3A_126 = tpu.memref_slice %arg10[%dma_start3A_124, %dma_start3A_125] : memref<10240x64xf32, #tpu.memory_space<vmem_shared>> -> memref<10240x64xf32, #tpu.memory_space<vmem_shared>>
    %dma_start3A_127 = tpu.memref_slice %arg13[%dma_start3A_116] : memref<2x!tpu.dma_semaphore, #tpu.memory_space<semaphore_mem>> -> memref<1x!tpu.dma_semaphore, #tpu.memory_space<semaphore_mem>>
    %dma_start3A_128 = tpu.memref_squeeze %dma_start3A_127 : memref<1x!tpu.dma_semaphore, #tpu.memory_space<semaphore_mem>> -> memref<!tpu.dma_semaphore, #tpu.memory_space<semaphore_mem>>
    tpu.enqueue_indirect_dma source(%dma_start3A_126 : memref<10240x64xf32, #tpu.memory_space<vmem_shared>>) target(%dma_start3A_120 : memref<128x64xf32, #tpu.memory_space<vmem>>) offsets(%dma_start3A_123 : memref<128xi32, #tpu.memory_space<vmem>>) semaphore(%dma_start3A_128 : memref<!tpu.dma_semaphore, #tpu.memory_space<semaphore_mem>>)
    %dma_start3A_129 = arith.constant 3 : i32
    %dma_start3A_130 = arith.constant 3 : i32
    %dma_start3A_131 = arith.constant 6 : i32
    %dma_start3A_132 = arith.constant 0 : i32
    %dma_start3A_133 = tpu.memref_slice %arg7[%dma_start3A_131, %dma_start3A_132] : memref<8x128xi32, #tpu.memory_space<vmem>> -> memref<2x128xi32, #tpu.memory_space<vmem>>
    %dma_start3A_134 = arith.constant 0 : i32
    %dma_start3A_135 = arith.constant 0 : i32
    %dma_start3A_136 = tpu.memref_slice %arg2[%add3A, %dma_start3A_129, %dma_start3A_134, %dma_start3A_135] : memref<32x80x2x128xi32, #tpu.memory_space<hbm>> -> memref<1x1x2x128xi32, #tpu.memory_space<hbm>>
    %dma_start3A_137 = tpu.memref_squeeze %dma_start3A_136 : memref<1x1x2x128xi32, #tpu.memory_space<hbm>> -> memref<2x128xi32, #tpu.memory_space<hbm>>
    %dma_start3A_138 = tpu.memref_slice %arg12[%dma_start3A_130] : memref<4x!tpu.dma_semaphore, #tpu.memory_space<semaphore_mem>> -> memref<1x!tpu.dma_semaphore, #tpu.memory_space<semaphore_mem>>
    %dma_start3A_139 = tpu.memref_squeeze %dma_start3A_138 : memref<1x!tpu.dma_semaphore, #tpu.memory_space<semaphore_mem>> -> memref<!tpu.dma_semaphore, #tpu.memory_space<semaphore_mem>>
    %dma_start3A_140 = arith.constant 6 : i32
    %dma_start3A_141 = arith.constant 0 : i32
    %dma_start3A_142 = tpu.memref_slice %arg7[%dma_start3A_140, %dma_start3A_141] : memref<8x128xi32, #tpu.memory_space<vmem>> -> memref<2x128xi32, #tpu.memory_space<vmem>>
    %dma_start3A_143 = arith.constant 0 : i32
    %dma_start3A_144 = arith.constant 0 : i32
    %dma_start3A_145 = tpu.memref_slice %arg2[%add3A, %dma_start3A_129, %dma_start3A_143, %dma_start3A_144] : memref<32x80x2x128xi32, #tpu.memory_space<hbm>> -> memref<1x1x2x128xi32, #tpu.memory_space<hbm>>
    %dma_start3A_146 = tpu.memref_squeeze %dma_start3A_145 : memref<1x1x2x128xi32, #tpu.memory_space<hbm>> -> memref<2x128xi32, #tpu.memory_space<hbm>>
    tpu.enqueue_dma source(%dma_start3A_146 : memref<2x128xi32, #tpu.memory_space<hbm>>) target(%dma_start3A_142 : memref<2x128xi32, #tpu.memory_space<vmem>>) target_semaphore(%dma_start3A_139 : memref<!tpu.dma_semaphore, #tpu.memory_space<semaphore_mem>>)
    %dma_wait3A_147 = arith.constant 0 : i32
    %dma_wait3A_148 = arith.constant 0 : i32
    %dma_wait3A_149 = arith.constant 0 : i32
    %dma_wait3A_150 = arith.constant 0 : i32
    %dma_wait3A_151 = arith.constant 0 : i32
    %dma_wait3A_152 = tpu.memref_slice %arg8[%dma_wait3A_148, %dma_wait3A_150, %dma_wait3A_151] : memref<2x128x64xf32, #tpu.memory_space<vmem>> -> memref<1x128x64xf32, #tpu.memory_space<vmem>>
    %dma_wait3A_153 = tpu.memref_squeeze %dma_wait3A_152 : memref<1x128x64xf32, #tpu.memory_space<vmem>> -> memref<128x64xf32, #tpu.memory_space<vmem>>
    %dma_wait3A_154 = arith.constant 0 : i32
    %dma_wait3A_155 = tpu.memref_slice %arg7[%dma_wait3A_147, %dma_wait3A_154] : memref<8x128xi32, #tpu.memory_space<vmem>> -> memref<1x128xi32, #tpu.memory_space<vmem>>
    %dma_wait3A_156 = tpu.memref_squeeze %dma_wait3A_155 : memref<1x128xi32, #tpu.memory_space<vmem>> -> memref<128xi32, #tpu.memory_space<vmem>>
    %dma_wait3A_157 = arith.constant 0 : i32
    %dma_wait3A_158 = arith.constant 0 : i32
    %dma_wait3A_159 = tpu.memref_slice %arg10[%dma_wait3A_157, %dma_wait3A_158] : memref<10240x64xf32, #tpu.memory_space<vmem_shared>> -> memref<10240x64xf32, #tpu.memory_space<vmem_shared>>
    %dma_wait3A_160 = tpu.memref_slice %arg13[%dma_wait3A_149] : memref<2x!tpu.dma_semaphore, #tpu.memory_space<semaphore_mem>> -> memref<1x!tpu.dma_semaphore, #tpu.memory_space<semaphore_mem>>
    %dma_wait3A_161 = tpu.memref_squeeze %dma_wait3A_160 : memref<1x!tpu.dma_semaphore, #tpu.memory_space<semaphore_mem>> -> memref<!tpu.dma_semaphore, #tpu.memory_space<semaphore_mem>>
    tpu.wait_indirect_dma semaphore(%dma_wait3A_161 : memref<!tpu.dma_semaphore, #tpu.memory_space<semaphore_mem>>) src(%dma_wait3A_159 : memref<10240x64xf32, #tpu.memory_space<vmem_shared>>) dst(%dma_wait3A_153 : memref<128x64xf32, #tpu.memory_space<vmem>>)
    %dma_start3A_162 = arith.constant 0 : i32
    %dma_start3A_163 = arith.constant 1 : i32
    %dma_start3A_164 = arith.constant 0 : i32
    %dma_start3A_165 = arith.constant 0 : i32
    %dma_start3A_166 = arith.constant 0 : i32
    %dma_start3A_167 = tpu.memref_slice %arg8[%dma_start3A_162, %dma_start3A_165, %dma_start3A_166] : memref<2x128x64xf32, #tpu.memory_space<vmem>> -> memref<1x128x64xf32, #tpu.memory_space<vmem>>
    %dma_start3A_168 = tpu.memref_squeeze %dma_start3A_167 : memref<1x128x64xf32, #tpu.memory_space<vmem>> -> memref<128x64xf32, #tpu.memory_space<vmem>>
    %dma_start3A_169 = arith.constant 0 : i32
    %dma_start3A_170 = tpu.memref_slice %arg7[%dma_start3A_163, %dma_start3A_169] : memref<8x128xi32, #tpu.memory_space<vmem>> -> memref<1x128xi32, #tpu.memory_space<vmem>>
    %dma_start3A_171 = tpu.memref_squeeze %dma_start3A_170 : memref<1x128xi32, #tpu.memory_space<vmem>> -> memref<128xi32, #tpu.memory_space<vmem>>
    %dma_start3A_172 = arith.constant 0 : i32
    %dma_start3A_173 = arith.constant 0 : i32
    %dma_start3A_174 = tpu.memref_slice %arg11[%dma_start3A_172, %dma_start3A_173] : memref<10240x64xf32, #tpu.memory_space<vmem_shared>> -> memref<10240x64xf32, #tpu.memory_space<vmem_shared>>
    %dma_start3A_175 = tpu.memref_slice %arg14[%dma_start3A_164] : memref<2x!tpu.dma_semaphore, #tpu.memory_space<semaphore_mem>> -> memref<1x!tpu.dma_semaphore, #tpu.memory_space<semaphore_mem>>
    %dma_start3A_176 = tpu.memref_squeeze %dma_start3A_175 : memref<1x!tpu.dma_semaphore, #tpu.memory_space<semaphore_mem>> -> memref<!tpu.dma_semaphore, #tpu.memory_space<semaphore_mem>>
    tpu.enqueue_indirect_dma source(%dma_start3A_168 : memref<128x64xf32, #tpu.memory_space<vmem>>) target(%dma_start3A_174 : memref<10240x64xf32, #tpu.memory_space<vmem_shared>>) offsets(%dma_start3A_171 : memref<128xi32, #tpu.memory_space<vmem>>) semaphore(%dma_start3A_176 : memref<!tpu.dma_semaphore, #tpu.memory_space<semaphore_mem>>) {add = true}
    %get3A = arith.constant 1 : i32
    %get3A_177 = arith.index_cast %get3A : i32 to index
    %get3A_178 = arith.constant 0 : index
    %get3A_179 = tpu.vector_load %arg7[%get3A_177, %get3A_178] {strides = array<i32>} : memref<8x128xi32, #tpu.memory_space<vmem>>, vector<16xi32>,
    tpu.vector_store_idx %arg9[%get3A_179], %broadcast_in_dim3A_3 {add = true} : memref<10240xf32, #tpu.memory_space<vmem>>[vector<16xi32>], vector<16xf32>,
    %get3A_180 = arith.constant 1 : i32
    %get3A_181 = arith.index_cast %get3A_180 : i32 to index
    %get3A_182 = arith.constant 16 : index
    %get3A_183 = tpu.vector_load %arg7[%get3A_181, %get3A_182] {strides = array<i32>} : memref<8x128xi32, #tpu.memory_space<vmem>>, vector<16xi32>,
    tpu.vector_store_idx %arg9[%get3A_183], %broadcast_in_dim3A_3 {add = true} : memref<10240xf32, #tpu.memory_space<vmem>>[vector<16xi32>], vector<16xf32>,
    %get3A_184 = arith.constant 1 : i32
    %get3A_185 = arith.index_cast %get3A_184 : i32 to index
    %get3A_186 = arith.constant 32 : index
    %get3A_187 = tpu.vector_load %arg7[%get3A_185, %get3A_186] {strides = array<i32>} : memref<8x128xi32, #tpu.memory_space<vmem>>, vector<16xi32>,
    tpu.vector_store_idx %arg9[%get3A_187], %broadcast_in_dim3A_3 {add = true} : memref<10240xf32, #tpu.memory_space<vmem>>[vector<16xi32>], vector<16xf32>,
    %get3A_188 = arith.constant 1 : i32
    %get3A_189 = arith.index_cast %get3A_188 : i32 to index
    %get3A_190 = arith.constant 48 : index
    %get3A_191 = tpu.vector_load %arg7[%get3A_189, %get3A_190] {strides = array<i32>} : memref<8x128xi32, #tpu.memory_space<vmem>>, vector<16xi32>,
    tpu.vector_store_idx %arg9[%get3A_191], %broadcast_in_dim3A_3 {add = true} : memref<10240xf32, #tpu.memory_space<vmem>>[vector<16xi32>], vector<16xf32>,
    %get3A_192 = arith.constant 1 : i32
    %get3A_193 = arith.index_cast %get3A_192 : i32 to index
    %get3A_194 = arith.constant 64 : index
    %get3A_195 = tpu.vector_load %arg7[%get3A_193, %get3A_194] {strides = array<i32>} : memref<8x128xi32, #tpu.memory_space<vmem>>, vector<16xi32>,
    tpu.vector_store_idx %arg9[%get3A_195], %broadcast_in_dim3A_3 {add = true} : memref<10240xf32, #tpu.memory_space<vmem>>[vector<16xi32>], vector<16xf32>,
    %get3A_196 = arith.constant 1 : i32
    %get3A_197 = arith.index_cast %get3A_196 : i32 to index
    %get3A_198 = arith.constant 80 : index
    %get3A_199 = tpu.vector_load %arg7[%get3A_197, %get3A_198] {strides = array<i32>} : memref<8x128xi32, #tpu.memory_space<vmem>>, vector<16xi32>,
    tpu.vector_store_idx %arg9[%get3A_199], %broadcast_in_dim3A_3 {add = true} : memref<10240xf32, #tpu.memory_space<vmem>>[vector<16xi32>], vector<16xf32>,
    %get3A_200 = arith.constant 1 : i32
    %get3A_201 = arith.index_cast %get3A_200 : i32 to index
    %get3A_202 = arith.constant 96 : index
    %get3A_203 = tpu.vector_load %arg7[%get3A_201, %get3A_202] {strides = array<i32>} : memref<8x128xi32, #tpu.memory_space<vmem>>, vector<16xi32>,
    tpu.vector_store_idx %arg9[%get3A_203], %broadcast_in_dim3A_3 {add = true} : memref<10240xf32, #tpu.memory_space<vmem>>[vector<16xi32>], vector<16xf32>,
    %get3A_204 = arith.constant 1 : i32
    %get3A_205 = arith.index_cast %get3A_204 : i32 to index
    %get3A_206 = arith.constant 112 : index
    %get3A_207 = tpu.vector_load %arg7[%get3A_205, %get3A_206] {strides = array<i32>} : memref<8x128xi32, #tpu.memory_space<vmem>>, vector<16xi32>,
    tpu.vector_store_idx %arg9[%get3A_207], %broadcast_in_dim3A_3 {add = true} : memref<10240xf32, #tpu.memory_space<vmem>>[vector<16xi32>], vector<16xf32>,
    %dma_wait3A_208 = arith.constant 2 : i32
    %dma_wait3A_209 = arith.constant 2 : i32
    %dma_wait3A_210 = arith.constant 4 : i32
    %dma_wait3A_211 = arith.constant 0 : i32
    %dma_wait3A_212 = tpu.memref_slice %arg7[%dma_wait3A_210, %dma_wait3A_211] : memref<8x128xi32, #tpu.memory_space<vmem>> -> memref<2x128xi32, #tpu.memory_space<vmem>>
    %dma_wait3A_213 = arith.constant 0 : i32
    %dma_wait3A_214 = arith.constant 0 : i32
    %dma_wait3A_215 = tpu.memref_slice %arg2[%add3A, %dma_wait3A_208, %dma_wait3A_213, %dma_wait3A_214] : memref<32x80x2x128xi32, #tpu.memory_space<hbm>> -> memref<1x1x2x128xi32, #tpu.memory_space<hbm>>
    %dma_wait3A_216 = tpu.memref_squeeze %dma_wait3A_215 : memref<1x1x2x128xi32, #tpu.memory_space<hbm>> -> memref<2x128xi32, #tpu.memory_space<hbm>>
    %dma_wait3A_217 = tpu.memref_slice %arg12[%dma_wait3A_209] : memref<4x!tpu.dma_semaphore, #tpu.memory_space<semaphore_mem>> -> memref<1x!tpu.dma_semaphore, #tpu.memory_space<semaphore_mem>>
    %dma_wait3A_218 = tpu.memref_squeeze %dma_wait3A_217 : memref<1x!tpu.dma_semaphore, #tpu.memory_space<semaphore_mem>> -> memref<!tpu.dma_semaphore, #tpu.memory_space<semaphore_mem>>
    %dma_wait3A_219 = arith.constant 4 : i32
    %dma_wait3A_220 = arith.constant 0 : i32
    %dma_wait3A_221 = tpu.memref_slice %arg7[%dma_wait3A_219, %dma_wait3A_220] : memref<8x128xi32, #tpu.memory_space<vmem>> -> memref<2x128xi32, #tpu.memory_space<vmem>>
    %dma_wait3A_222 = arith.constant 0 : i32
    %dma_wait3A_223 = arith.constant 0 : i32
    %dma_wait3A_224 = tpu.memref_slice %arg2[%add3A, %dma_wait3A_208, %dma_wait3A_222, %dma_wait3A_223] : memref<32x80x2x128xi32, #tpu.memory_space<hbm>> -> memref<1x1x2x128xi32, #tpu.memory_space<hbm>>
    %dma_wait3A_225 = tpu.memref_squeeze %dma_wait3A_224 : memref<1x1x2x128xi32, #tpu.memory_space<hbm>> -> memref<2x128xi32, #tpu.memory_space<hbm>>
    tpu.wait_dma2 semaphore(%dma_wait3A_218 : memref<!tpu.dma_semaphore, #tpu.memory_space<semaphore_mem>>) src(%dma_wait3A_225 : memref<2x128xi32, #tpu.memory_space<hbm>>) dst(%dma_wait3A_221 : memref<2x128xi32, #tpu.memory_space<vmem>>)
    %dma_wait3A_226 = arith.constant 0 : i32
    %dma_wait3A_227 = arith.constant 1 : i32
    %dma_wait3A_228 = arith.constant 0 : i32
    %dma_wait3A_229 = arith.constant 0 : i32
    %dma_wait3A_230 = arith.constant 0 : i32
    %dma_wait3A_231 = tpu.memref_slice %arg8[%dma_wait3A_226, %dma_wait3A_229, %dma_wait3A_230] : memref<2x128x64xf32, #tpu.memory_space<vmem>> -> memref<1x128x64xf32, #tpu.memory_space<vmem>>
    %dma_wait3A_232 = tpu.memref_squeeze %dma_wait3A_231 : memref<1x128x64xf32, #tpu.memory_space<vmem>> -> memref<128x64xf32, #tpu.memory_space<vmem>>
    %dma_wait3A_233 = arith.constant 0 : i32
    %dma_wait3A_234 = tpu.memref_slice %arg7[%dma_wait3A_227, %dma_wait3A_233] : memref<8x128xi32, #tpu.memory_space<vmem>> -> memref<1x128xi32, #tpu.memory_space<vmem>>
    %dma_wait3A_235 = tpu.memref_squeeze %dma_wait3A_234 : memref<1x128xi32, #tpu.memory_space<vmem>> -> memref<128xi32, #tpu.memory_space<vmem>>
    %dma_wait3A_236 = arith.constant 0 : i32
    %dma_wait3A_237 = arith.constant 0 : i32
    %dma_wait3A_238 = tpu.memref_slice %arg11[%dma_wait3A_236, %dma_wait3A_237] : memref<10240x64xf32, #tpu.memory_space<vmem_shared>> -> memref<10240x64xf32, #tpu.memory_space<vmem_shared>>
    %dma_wait3A_239 = tpu.memref_slice %arg14[%dma_wait3A_228] : memref<2x!tpu.dma_semaphore, #tpu.memory_space<semaphore_mem>> -> memref<1x!tpu.dma_semaphore, #tpu.memory_space<semaphore_mem>>
    %dma_wait3A_240 = tpu.memref_squeeze %dma_wait3A_239 : memref<1x!tpu.dma_semaphore, #tpu.memory_space<semaphore_mem>> -> memref<!tpu.dma_semaphore, #tpu.memory_space<semaphore_mem>>
    tpu.wait_indirect_dma semaphore(%dma_wait3A_240 : memref<!tpu.dma_semaphore, #tpu.memory_space<semaphore_mem>>) src(%dma_wait3A_232 : memref<128x64xf32, #tpu.memory_space<vmem>>) dst(%dma_wait3A_238 : memref<10240x64xf32, #tpu.memory_space<vmem_shared>>)
    %dma_start3A_241 = arith.constant 4 : i32
    %dma_start3A_242 = arith.constant 0 : i32
    %dma_start3A_243 = arith.constant 0 : i32
    %dma_start3A_244 = arith.constant 0 : i32
    %dma_start3A_245 = arith.constant 0 : i32
    %dma_start3A_246 = tpu.memref_slice %arg8[%dma_start3A_242, %dma_start3A_244, %dma_start3A_245] : memref<2x128x64xf32, #tpu.memory_space<vmem>> -> memref<1x128x64xf32, #tpu.memory_space<vmem>>
    %dma_start3A_247 = tpu.memref_squeeze %dma_start3A_246 : memref<1x128x64xf32, #tpu.memory_space<vmem>> -> memref<128x64xf32, #tpu.memory_space<vmem>>
    %dma_start3A_248 = arith.constant 0 : i32
    %dma_start3A_249 = tpu.memref_slice %arg7[%dma_start3A_241, %dma_start3A_248] : memref<8x128xi32, #tpu.memory_space<vmem>> -> memref<1x128xi32, #tpu.memory_space<vmem>>
    %dma_start3A_250 = tpu.memref_squeeze %dma_start3A_249 : memref<1x128xi32, #tpu.memory_space<vmem>> -> memref<128xi32, #tpu.memory_space<vmem>>
    %dma_start3A_251 = arith.constant 0 : i32
    %dma_start3A_252 = arith.constant 0 : i32
    %dma_start3A_253 = tpu.memref_slice %arg10[%dma_start3A_251, %dma_start3A_252] : memref<10240x64xf32, #tpu.memory_space<vmem_shared>> -> memref<10240x64xf32, #tpu.memory_space<vmem_shared>>
    %dma_start3A_254 = tpu.memref_slice %arg13[%dma_start3A_243] : memref<2x!tpu.dma_semaphore, #tpu.memory_space<semaphore_mem>> -> memref<1x!tpu.dma_semaphore, #tpu.memory_space<semaphore_mem>>
    %dma_start3A_255 = tpu.memref_squeeze %dma_start3A_254 : memref<1x!tpu.dma_semaphore, #tpu.memory_space<semaphore_mem>> -> memref<!tpu.dma_semaphore, #tpu.memory_space<semaphore_mem>>
    tpu.enqueue_indirect_dma source(%dma_start3A_253 : memref<10240x64xf32, #tpu.memory_space<vmem_shared>>) target(%dma_start3A_247 : memref<128x64xf32, #tpu.memory_space<vmem>>) offsets(%dma_start3A_250 : memref<128xi32, #tpu.memory_space<vmem>>) semaphore(%dma_start3A_255 : memref<!tpu.dma_semaphore, #tpu.memory_space<semaphore_mem>>)
    %dma_start3A_256 = arith.constant 4 : i32
    %dma_start3A_257 = arith.constant 0 : i32
    %dma_start3A_258 = arith.constant 0 : i32
    %dma_start3A_259 = arith.constant 0 : i32
    %dma_start3A_260 = tpu.memref_slice %arg7[%dma_start3A_258, %dma_start3A_259] : memref<8x128xi32, #tpu.memory_space<vmem>> -> memref<2x128xi32, #tpu.memory_space<vmem>>
    %dma_start3A_261 = arith.constant 0 : i32
    %dma_start3A_262 = arith.constant 0 : i32
    %dma_start3A_263 = tpu.memref_slice %arg2[%add3A, %dma_start3A_256, %dma_start3A_261, %dma_start3A_262] : memref<32x80x2x128xi32, #tpu.memory_space<hbm>> -> memref<1x1x2x128xi32, #tpu.memory_space<hbm>>
    %dma_start3A_264 = tpu.memref_squeeze %dma_start3A_263 : memref<1x1x2x128xi32, #tpu.memory_space<hbm>> -> memref<2x128xi32, #tpu.memory_space<hbm>>
    %dma_start3A_265 = tpu.memref_slice %arg12[%dma_start3A_257] : memref<4x!tpu.dma_semaphore, #tpu.memory_space<semaphore_mem>> -> memref<1x!tpu.dma_semaphore, #tpu.memory_space<semaphore_mem>>
    %dma_start3A_266 = tpu.memref_squeeze %dma_start3A_265 : memref<1x!tpu.dma_semaphore, #tpu.memory_space<semaphore_mem>> -> memref<!tpu.dma_semaphore, #tpu.memory_space<semaphore_mem>>
    %dma_start3A_267 = arith.constant 0 : i32
    %dma_start3A_268 = arith.constant 0 : i32
    %dma_start3A_269 = tpu.memref_slice %arg7[%dma_start3A_267, %dma_start3A_268] : memref<8x128xi32, #tpu.memory_space<vmem>> -> memref<2x128xi32, #tpu.memory_space<vmem>>
    %dma_start3A_270 = arith.constant 0 : i32
    %dma_start3A_271 = arith.constant 0 : i32
    %dma_start3A_272 = tpu.memref_slice %arg2[%add3A, %dma_start3A_256, %dma_start3A_270, %dma_start3A_271] : memref<32x80x2x128xi32, #tpu.memory_space<hbm>> -> memref<1x1x2x128xi32, #tpu.memory_space<hbm>>
    %dma_start3A_273 = tpu.memref_squeeze %dma_start3A_272 : memref<1x1x2x128xi32, #tpu.memory_space<hbm>> -> memref<2x128xi32, #tpu.memory_space<hbm>>
    tpu.enqueue_dma source(%dma_start3A_273 : memref<2x128xi32, #tpu.memory_space<hbm>>) target(%dma_start3A_269 : memref<2x128xi32, #tpu.memory_space<vmem>>) target_semaphore(%dma_start3A_266 : memref<!tpu.dma_semaphore, #tpu.memory_space<semaphore_mem>>)
    %dma_wait3A_274 = arith.constant 2 : i32
    %dma_wait3A_275 = arith.constant 1 : i32
    %dma_wait3A_276 = arith.constant 1 : i32
    %dma_wait3A_277 = arith.constant 0 : i32
    %dma_wait3A_278 = arith.constant 0 : i32
    %dma_wait3A_279 = tpu.memref_slice %arg8[%dma_wait3A_275, %dma_wait3A_277, %dma_wait3A_278] : memref<2x128x64xf32, #tpu.memory_space<vmem>> -> memref<1x128x64xf32, #tpu.memory_space<vmem>>
    %dma_wait3A_280 = tpu.memref_squeeze %dma_wait3A_279 : memref<1x128x64xf32, #tpu.memory_space<vmem>> -> memref<128x64xf32, #tpu.memory_space<vmem>>
    %dma_wait3A_281 = arith.constant 0 : i32
    %dma_wait3A_282 = tpu.memref_slice %arg7[%dma_wait3A_274, %dma_wait3A_281] : memref<8x128xi32, #tpu.memory_space<vmem>> -> memref<1x128xi32, #tpu.memory_space<vmem>>
    %dma_wait3A_283 = tpu.memref_squeeze %dma_wait3A_282 : memref<1x128xi32, #tpu.memory_space<vmem>> -> memref<128xi32, #tpu.memory_space<vmem>>
    %dma_wait3A_284 = arith.constant 0 : i32
    %dma_wait3A_285 = arith.constant 0 : i32
    %dma_wait3A_286 = tpu.memref_slice %arg10[%dma_wait3A_284, %dma_wait3A_285] : memref<10240x64xf32, #tpu.memory_space<vmem_shared>> -> memref<10240x64xf32, #tpu.memory_space<vmem_shared>>
    %dma_wait3A_287 = tpu.memref_slice %arg13[%dma_wait3A_276] : memref<2x!tpu.dma_semaphore, #tpu.memory_space<semaphore_mem>> -> memref<1x!tpu.dma_semaphore, #tpu.memory_space<semaphore_mem>>
    %dma_wait3A_288 = tpu.memref_squeeze %dma_wait3A_287 : memref<1x!tpu.dma_semaphore, #tpu.memory_space<semaphore_mem>> -> memref<!tpu.dma_semaphore, #tpu.memory_space<semaphore_mem>>
    tpu.wait_indirect_dma semaphore(%dma_wait3A_288 : memref<!tpu.dma_semaphore, #tpu.memory_space<semaphore_mem>>) src(%dma_wait3A_286 : memref<10240x64xf32, #tpu.memory_space<vmem_shared>>) dst(%dma_wait3A_280 : memref<128x64xf32, #tpu.memory_space<vmem>>)
    %dma_start3A_289 = arith.constant 1 : i32
    %dma_start3A_290 = arith.constant 3 : i32
    %dma_start3A_291 = arith.constant 1 : i32
    %dma_start3A_292 = arith.constant 0 : i32
    %dma_start3A_293 = arith.constant 0 : i32
    %dma_start3A_294 = tpu.memref_slice %arg8[%dma_start3A_289, %dma_start3A_292, %dma_start3A_293] : memref<2x128x64xf32, #tpu.memory_space<vmem>> -> memref<1x128x64xf32, #tpu.memory_space<vmem>>
    %dma_start3A_295 = tpu.memref_squeeze %dma_start3A_294 : memref<1x128x64xf32, #tpu.memory_space<vmem>> -> memref<128x64xf32, #tpu.memory_space<vmem>>
    %dma_start3A_296 = arith.constant 0 : i32
    %dma_start3A_297 = tpu.memref_slice %arg7[%dma_start3A_290, %dma_start3A_296] : memref<8x128xi32, #tpu.memory_space<vmem>> -> memref<1x128xi32, #tpu.memory_space<vmem>>
    %dma_start3A_298 = tpu.memref_squeeze %dma_start3A_297 : memref<1x128xi32, #tpu.memory_space<vmem>> -> memref<128xi32, #tpu.memory_space<vmem>>
    %dma_start3A_299 = arith.constant 0 : i32
    %dma_start3A_300 = arith.constant 0 : i32
    %dma_start3A_301 = tpu.memref_slice %arg11[%dma_start3A_299, %dma_start3A_300] : memref<10240x64xf32, #tpu.memory_space<vmem_shared>> -> memref<10240x64xf32, #tpu.memory_space<vmem_shared>>
    %dma_start3A_302 = tpu.memref_slice %arg14[%dma_start3A_291] : memref<2x!tpu.dma_semaphore, #tpu.memory_space<semaphore_mem>> -> memref<1x!tpu.dma_semaphore, #tpu.memory_space<semaphore_mem>>
    %dma_start3A_303 = tpu.memref_squeeze %dma_start3A_302 : memref<1x!tpu.dma_semaphore, #tpu.memory_space<semaphore_mem>> -> memref<!tpu.dma_semaphore, #tpu.memory_space<semaphore_mem>>
    tpu.enqueue_indirect_dma source(%dma_start3A_295 : memref<128x64xf32, #tpu.memory_space<vmem>>) target(%dma_start3A_301 : memref<10240x64xf32, #tpu.memory_space<vmem_shared>>) offsets(%dma_start3A_298 : memref<128xi32, #tpu.memory_space<vmem>>) semaphore(%dma_start3A_303 : memref<!tpu.dma_semaphore, #tpu.memory_space<semaphore_mem>>) {add = true}
    %get3A_304 = arith.constant 3 : i32
    %get3A_305 = arith.index_cast %get3A_304 : i32 to index
    %get3A_306 = arith.constant 0 : index
    %get3A_307 = tpu.vector_load %arg7[%get3A_305, %get3A_306] {strides = array<i32>} : memref<8x128xi32, #tpu.memory_space<vmem>>, vector<16xi32>,
    tpu.vector_store_idx %arg9[%get3A_307], %broadcast_in_dim3A_3 {add = true} : memref<10240xf32, #tpu.memory_space<vmem>>[vector<16xi32>], vector<16xf32>,
    %get3A_308 = arith.constant 3 : i32
    %get3A_309 = arith.index_cast %get3A_308 : i32 to index
    %get3A_310 = arith.constant 16 : index
    %get3A_311 = tpu.vector_load %arg7[%get3A_309, %get3A_310] {strides = array<i32>} : memref<8x128xi32, #tpu.memory_space<vmem>>, vector<16xi32>,
    tpu.vector_store_idx %arg9[%get3A_311], %broadcast_in_dim3A_3 {add = true} : memref<10240xf32, #tpu.memory_space<vmem>>[vector<16xi32>], vector<16xf32>,
    %get3A_312 = arith.constant 3 : i32
    %get3A_313 = arith.index_cast %get3A_312 : i32 to index
    %get3A_314 = arith.constant 32 : index
    %get3A_315 = tpu.vector_load %arg7[%get3A_313, %get3A_314] {strides = array<i32>} : memref<8x128xi32, #tpu.memory_space<vmem>>, vector<16xi32>,
    tpu.vector_store_idx %arg9[%get3A_315], %broadcast_in_dim3A_3 {add = true} : memref<10240xf32, #tpu.memory_space<vmem>>[vector<16xi32>], vector<16xf32>,
    %get3A_316 = arith.constant 3 : i32
    %get3A_317 = arith.index_cast %get3A_316 : i32 to index
    %get3A_318 = arith.constant 48 : index
    %get3A_319 = tpu.vector_load %arg7[%get3A_317, %get3A_318] {strides = array<i32>} : memref<8x128xi32, #tpu.memory_space<vmem>>, vector<16xi32>,
    tpu.vector_store_idx %arg9[%get3A_319], %broadcast_in_dim3A_3 {add = true} : memref<10240xf32, #tpu.memory_space<vmem>>[vector<16xi32>], vector<16xf32>,
    %get3A_320 = arith.constant 3 : i32
    %get3A_321 = arith.index_cast %get3A_320 : i32 to index
    %get3A_322 = arith.constant 64 : index
    %get3A_323 = tpu.vector_load %arg7[%get3A_321, %get3A_322] {strides = array<i32>} : memref<8x128xi32, #tpu.memory_space<vmem>>, vector<16xi32>,
    tpu.vector_store_idx %arg9[%get3A_323], %broadcast_in_dim3A_3 {add = true} : memref<10240xf32, #tpu.memory_space<vmem>>[vector<16xi32>], vector<16xf32>,
    %get3A_324 = arith.constant 3 : i32
    %get3A_325 = arith.index_cast %get3A_324 : i32 to index
    %get3A_326 = arith.constant 80 : index
    %get3A_327 = tpu.vector_load %arg7[%get3A_325, %get3A_326] {strides = array<i32>} : memref<8x128xi32, #tpu.memory_space<vmem>>, vector<16xi32>,
    tpu.vector_store_idx %arg9[%get3A_327], %broadcast_in_dim3A_3 {add = true} : memref<10240xf32, #tpu.memory_space<vmem>>[vector<16xi32>], vector<16xf32>,
    %get3A_328 = arith.constant 3 : i32
    %get3A_329 = arith.index_cast %get3A_328 : i32 to index
    %get3A_330 = arith.constant 96 : index
    %get3A_331 = tpu.vector_load %arg7[%get3A_329, %get3A_330] {strides = array<i32>} : memref<8x128xi32, #tpu.memory_space<vmem>>, vector<16xi32>,
    tpu.vector_store_idx %arg9[%get3A_331], %broadcast_in_dim3A_3 {add = true} : memref<10240xf32, #tpu.memory_space<vmem>>[vector<16xi32>], vector<16xf32>,
    %get3A_332 = arith.constant 3 : i32
    %get3A_333 = arith.index_cast %get3A_332 : i32 to index
    %get3A_334 = arith.constant 112 : index
    %get3A_335 = tpu.vector_load %arg7[%get3A_333, %get3A_334] {strides = array<i32>} : memref<8x128xi32, #tpu.memory_space<vmem>>, vector<16xi32>,
    tpu.vector_store_idx %arg9[%get3A_335], %broadcast_in_dim3A_3 {add = true} : memref<10240xf32, #tpu.memory_space<vmem>>[vector<16xi32>], vector<16xf32>,
    %dma_wait3A_336 = arith.constant 3 : i32
    %dma_wait3A_337 = arith.constant 3 : i32
    %dma_wait3A_338 = arith.constant 6 : i32
    %dma_wait3A_339 = arith.constant 0 : i32
    %dma_wait3A_340 = tpu.memref_slice %arg7[%dma_wait3A_338, %dma_wait3A_339] : memref<8x128xi32, #tpu.memory_space<vmem>> -> memref<2x128xi32, #tpu.memory_space<vmem>>
    %dma_wait3A_341 = arith.constant 0 : i32
    %dma_wait3A_342 = arith.constant 0 : i32
    %dma_wait3A_343 = tpu.memref_slice %arg2[%add3A, %dma_wait3A_336, %dma_wait3A_341, %dma_wait3A_342] : memref<32x80x2x128xi32, #tpu.memory_space<hbm>> -> memref<1x1x2x128xi32, #tpu.memory_space<hbm>>
    %dma_wait3A_344 = tpu.memref_squeeze %dma_wait3A_343 : memref<1x1x2x128xi32, #tpu.memory_space<hbm>> -> memref<2x128xi32, #tpu.memory_space<hbm>>
    %dma_wait3A_345 = tpu.memref_slice %arg12[%dma_wait3A_337] : memref<4x!tpu.dma_semaphore, #tpu.memory_space<semaphore_mem>> -> memref<1x!tpu.dma_semaphore, #tpu.memory_space<semaphore_mem>>
    %dma_wait3A_346 = tpu.memref_squeeze %dma_wait3A_345 : memref<1x!tpu.dma_semaphore, #tpu.memory_space<semaphore_mem>> -> memref<!tpu.dma_semaphore, #tpu.memory_space<semaphore_mem>>
    %dma_wait3A_347 = arith.constant 6 : i32
    %dma_wait3A_348 = arith.constant 0 : i32
    %dma_wait3A_349 = tpu.memref_slice %arg7[%dma_wait3A_347, %dma_wait3A_348] : memref<8x128xi32, #tpu.memory_space<vmem>> -> memref<2x128xi32, #tpu.memory_space<vmem>>
    %dma_wait3A_350 = arith.constant 0 : i32
    %dma_wait3A_351 = arith.constant 0 : i32
    %dma_wait3A_352 = tpu.memref_slice %arg2[%add3A, %dma_wait3A_336, %dma_wait3A_350, %dma_wait3A_351] : memref<32x80x2x128xi32, #tpu.memory_space<hbm>> -> memref<1x1x2x128xi32, #tpu.memory_space<hbm>>
    %dma_wait3A_353 = tpu.memref_squeeze %dma_wait3A_352 : memref<1x1x2x128xi32, #tpu.memory_space<hbm>> -> memref<2x128xi32, #tpu.memory_space<hbm>>
    tpu.wait_dma2 semaphore(%dma_wait3A_346 : memref<!tpu.dma_semaphore, #tpu.memory_space<semaphore_mem>>) src(%dma_wait3A_353 : memref<2x128xi32, #tpu.memory_space<hbm>>) dst(%dma_wait3A_349 : memref<2x128xi32, #tpu.memory_space<vmem>>)
    %dma_wait3A_354 = arith.constant 1 : i32
    %dma_wait3A_355 = arith.constant 3 : i32
    %dma_wait3A_356 = arith.constant 1 : i32
    %dma_wait3A_357 = arith.constant 0 : i32
    %dma_wait3A_358 = arith.constant 0 : i32
    %dma_wait3A_359 = tpu.memref_slice %arg8[%dma_wait3A_354, %dma_wait3A_357, %dma_wait3A_358] : memref<2x128x64xf32, #tpu.memory_space<vmem>> -> memref<1x128x64xf32, #tpu.memory_space<vmem>>
    %dma_wait3A_360 = tpu.memref_squeeze %dma_wait3A_359 : memref<1x128x64xf32, #tpu.memory_space<vmem>> -> memref<128x64xf32, #tpu.memory_space<vmem>>
    %dma_wait3A_361 = arith.constant 0 : i32
    %dma_wait3A_362 = tpu.memref_slice %arg7[%dma_wait3A_355, %dma_wait3A_361] : memref<8x128xi32, #tpu.memory_space<vmem>> -> memref<1x128xi32, #tpu.memory_space<vmem>>
    %dma_wait3A_363 = tpu.memref_squeeze %dma_wait3A_362 : memref<1x128xi32, #tpu.memory_space<vmem>> -> memref<128xi32, #tpu.memory_space<vmem>>
    %dma_wait3A_364 = arith.constant 0 : i32
    %dma_wait3A_365 = arith.constant 0 : i32
    %dma_wait3A_366 = tpu.memref_slice %arg11[%dma_wait3A_364, %dma_wait3A_365] : memref<10240x64xf32, #tpu.memory_space<vmem_shared>> -> memref<10240x64xf32, #tpu.memory_space<vmem_shared>>
    %dma_wait3A_367 = tpu.memref_slice %arg14[%dma_wait3A_356] : memref<2x!tpu.dma_semaphore, #tpu.memory_space<semaphore_mem>> -> memref<1x!tpu.dma_semaphore, #tpu.memory_space<semaphore_mem>>
    %dma_wait3A_368 = tpu.memref_squeeze %dma_wait3A_367 : memref<1x!tpu.dma_semaphore, #tpu.memory_space<semaphore_mem>> -> memref<!tpu.dma_semaphore, #tpu.memory_space<semaphore_mem>>
    tpu.wait_indirect_dma semaphore(%dma_wait3A_368 : memref<!tpu.dma_semaphore, #tpu.memory_space<semaphore_mem>>) src(%dma_wait3A_360 : memref<128x64xf32, #tpu.memory_space<vmem>>) dst(%dma_wait3A_366 : memref<10240x64xf32, #tpu.memory_space<vmem_shared>>)
    %dma_start3A_369 = arith.constant 6 : i32
    %dma_start3A_370 = arith.constant 1 : i32
    %dma_start3A_371 = arith.constant 1 : i32
    %dma_start3A_372 = arith.constant 0 : i32
    %dma_start3A_373 = arith.constant 0 : i32
    %dma_start3A_374 = tpu.memref_slice %arg8[%dma_start3A_370, %dma_start3A_372, %dma_start3A_373] : memref<2x128x64xf32, #tpu.memory_space<vmem>> -> memref<1x128x64xf32, #tpu.memory_space<vmem>>
    %dma_start3A_375 = tpu.memref_squeeze %dma_start3A_374 : memref<1x128x64xf32, #tpu.memory_space<vmem>> -> memref<128x64xf32, #tpu.memory_space<vmem>>
    %dma_start3A_376 = arith.constant 0 : i32
    %dma_start3A_377 = tpu.memref_slice %arg7[%dma_start3A_369, %dma_start3A_376] : memref<8x128xi32, #tpu.memory_space<vmem>> -> memref<1x128xi32, #tpu.memory_space<vmem>>
    %dma_start3A_378 = tpu.memref_squeeze %dma_start3A_377 : memref<1x128xi32, #tpu.memory_space<vmem>> -> memref<128xi32, #tpu.memory_space<vmem>>
    %dma_start3A_379 = arith.constant 0 : i32
    %dma_start3A_380 = arith.constant 0 : i32
    %dma_start3A_381 = tpu.memref_slice %arg10[%dma_start3A_379, %dma_start3A_380] : memref<10240x64xf32, #tpu.memory_space<vmem_shared>> -> memref<10240x64xf32, #tpu.memory_space<vmem_shared>>
    %dma_start3A_382 = tpu.memref_slice %arg13[%dma_start3A_371] : memref<2x!tpu.dma_semaphore, #tpu.memory_space<semaphore_mem>> -> memref<1x!tpu.dma_semaphore, #tpu.memory_space<semaphore_mem>>
    %dma_start3A_383 = tpu.memref_squeeze %dma_start3A_382 : memref<1x!tpu.dma_semaphore, #tpu.memory_space<semaphore_mem>> -> memref<!tpu.dma_semaphore, #tpu.memory_space<semaphore_mem>>
    tpu.enqueue_indirect_dma source(%dma_start3A_381 : memref<10240x64xf32, #tpu.memory_space<vmem_shared>>) target(%dma_start3A_375 : memref<128x64xf32, #tpu.memory_space<vmem>>) offsets(%dma_start3A_378 : memref<128xi32, #tpu.memory_space<vmem>>) semaphore(%dma_start3A_383 : memref<!tpu.dma_semaphore, #tpu.memory_space<semaphore_mem>>)
    %dma_start3A_384 = arith.constant 5 : i32
    %dma_start3A_385 = arith.constant 1 : i32
    %dma_start3A_386 = arith.constant 2 : i32
    %dma_start3A_387 = arith.constant 0 : i32
    %dma_start3A_388 = tpu.memref_slice %arg7[%dma_start3A_386, %dma_start3A_387] : memref<8x128xi32, #tpu.memory_space<vmem>> -> memref<2x128xi32, #tpu.memory_space<vmem>>
    %dma_start3A_389 = arith.constant 0 : i32
    %dma_start3A_390 = arith.constant 0 : i32
    %dma_start3A_391 = tpu.memref_slice %arg2[%add3A, %dma_start3A_384, %dma_start3A_389, %dma_start3A_390] : memref<32x80x2x128xi32, #tpu.memory_space<hbm>> -> memref<1x1x2x128xi32, #tpu.memory_space<hbm>>
    %dma_start3A_392 = tpu.memref_squeeze %dma_start3A_391 : memref<1x1x2x128xi32, #tpu.memory_space<hbm>> -> memref<2x128xi32, #tpu.memory_space<hbm>>
    %dma_start3A_393 = tpu.memref_slice %arg12[%dma_start3A_385] : memref<4x!tpu.dma_semaphore, #tpu.memory_space<semaphore_mem>> -> memref<1x!tpu.dma_semaphore, #tpu.memory_space<semaphore_mem>>
    %dma_start3A_394 = tpu.memref_squeeze %dma_start3A_393 : memref<1x!tpu.dma_semaphore, #tpu.memory_space<semaphore_mem>> -> memref<!tpu.dma_semaphore, #tpu.memory_space<semaphore_mem>>
    %dma_start3A_395 = arith.constant 2 : i32
    %dma_start3A_396 = arith.constant 0 : i32
    %dma_start3A_397 = tpu.memref_slice %arg7[%dma_start3A_395, %dma_start3A_396] : memref<8x128xi32, #tpu.memory_space<vmem>> -> memref<2x128xi32, #tpu.memory_space<vmem>>
    %dma_start3A_398 = arith.constant 0 : i32
    %dma_start3A_399 = arith.constant 0 : i32
    %dma_start3A_400 = tpu.memref_slice %arg2[%add3A, %dma_start3A_384, %dma_start3A_398, %dma_start3A_399] : memref<32x80x2x128xi32, #tpu.memory_space<hbm>> -> memref<1x1x2x128xi32, #tpu.memory_space<hbm>>
    %dma_start3A_401 = tpu.memref_squeeze %dma_start3A_400 : memref<1x1x2x128xi32, #tpu.memory_space<hbm>> -> memref<2x128xi32, #tpu.memory_space<hbm>>
    tpu.enqueue_dma source(%dma_start3A_401 : memref<2x128xi32, #tpu.memory_space<hbm>>) target(%dma_start3A_397 : memref<2x128xi32, #tpu.memory_space<vmem>>) target_semaphore(%dma_start3A_394 : memref<!tpu.dma_semaphore, #tpu.memory_space<semaphore_mem>>)
    %dma_wait3A_402 = arith.constant 4 : i32
    %dma_wait3A_403 = arith.constant 0 : i32
    %dma_wait3A_404 = arith.constant 0 : i32
    %dma_wait3A_405 = arith.constant 0 : i32
    %dma_wait3A_406 = arith.constant 0 : i32
    %dma_wait3A_407 = tpu.memref_slice %arg8[%dma_wait3A_403, %dma_wait3A_405, %dma_wait3A_406] : memref<2x128x64xf32, #tpu.memory_space<vmem>> -> memref<1x128x64xf32, #tpu.memory_space<vmem>>
    %dma_wait3A_408 = tpu.memref_squeeze %dma_wait3A_407 : memref<1x128x64xf32, #tpu.memory_space<vmem>> -> memref<128x64xf32, #tpu.memory_space<vmem>>
    %dma_wait3A_409 = arith.constant 0 : i32
    %dma_wait3A_410 = tpu.memref_slice %arg7[%dma_wait3A_402, %dma_wait3A_409] : memref<8x128xi32, #tpu.memory_space<vmem>> -> memref<1x128xi32, #tpu.memory_space<vmem>>
    %dma_wait3A_411 = tpu.memref_squeeze %dma_wait3A_410 : memref<1x128xi32, #tpu.memory_space<vmem>> -> memref<128xi32, #tpu.memory_space<vmem>>
    %dma_wait3A_412 = arith.constant 0 : i32
    %dma_wait3A_413 = arith.constant 0 : i32
    %dma_wait3A_414 = tpu.memref_slice %arg10[%dma_wait3A_412, %dma_wait3A_413] : memref<10240x64xf32, #tpu.memory_space<vmem_shared>> -> memref<10240x64xf32, #tpu.memory_space<vmem_shared>>
    %dma_wait3A_415 = tpu.memref_slice %arg13[%dma_wait3A_404] : memref<2x!tpu.dma_semaphore, #tpu.memory_space<semaphore_mem>> -> memref<1x!tpu.dma_semaphore, #tpu.memory_space<semaphore_mem>>
    %dma_wait3A_416 = tpu.memref_squeeze %dma_wait3A_415 : memref<1x!tpu.dma_semaphore, #tpu.memory_space<semaphore_mem>> -> memref<!tpu.dma_semaphore, #tpu.memory_space<semaphore_mem>>
    tpu.wait_indirect_dma semaphore(%dma_wait3A_416 : memref<!tpu.dma_semaphore, #tpu.memory_space<semaphore_mem>>) src(%dma_wait3A_414 : memref<10240x64xf32, #tpu.memory_space<vmem_shared>>) dst(%dma_wait3A_408 : memref<128x64xf32, #tpu.memory_space<vmem>>)
    %dma_start3A_417 = arith.constant 0 : i32
    %dma_start3A_418 = arith.constant 5 : i32
    %dma_start3A_419 = arith.constant 0 : i32
    %dma_start3A_420 = arith.constant 0 : i32
    %dma_start3A_421 = arith.constant 0 : i32
    %dma_start3A_422 = tpu.memref_slice %arg8[%dma_start3A_417, %dma_start3A_420, %dma_start3A_421] : memref<2x128x64xf32, #tpu.memory_space<vmem>> -> memref<1x128x64xf32, #tpu.memory_space<vmem>>
    %dma_start3A_423 = tpu.memref_squeeze %dma_start3A_422 : memref<1x128x64xf32, #tpu.memory_space<vmem>> -> memref<128x64xf32, #tpu.memory_space<vmem>>
    %dma_start3A_424 = arith.constant 0 : i32
    %dma_start3A_425 = tpu.memref_slice %arg7[%dma_start3A_418, %dma_start3A_424] : memref<8x128xi32, #tpu.memory_space<vmem>> -> memref<1x128xi32, #tpu.memory_space<vmem>>
    %dma_start3A_426 = tpu.memref_squeeze %dma_start3A_425 : memref<1x128xi32, #tpu.memory_space<vmem>> -> memref<128xi32, #tpu.memory_space<vmem>>
    %dma_start3A_427 = arith.constant 0 : i32
    %dma_start3A_428 = arith.constant 0 : i32
    %dma_start3A_429 = tpu.memref_slice %arg11[%dma_start3A_427, %dma_start3A_428] : memref<10240x64xf32, #tpu.memory_space<vmem_shared>> -> memref<10240x64xf32, #tpu.memory_space<vmem_shared>>
    %dma_start3A_430 = tpu.memref_slice %arg14[%dma_start3A_419] : memref<2x!tpu.dma_semaphore, #tpu.memory_space<semaphore_mem>> -> memref<1x!tpu.dma_semaphore, #tpu.memory_space<semaphore_mem>>
    %dma_start3A_431 = tpu.memref_squeeze %dma_start3A_430 : memref<1x!tpu.dma_semaphore, #tpu.memory_space<semaphore_mem>> -> memref<!tpu.dma_semaphore, #tpu.memory_space<semaphore_mem>>
    tpu.enqueue_indirect_dma source(%dma_start3A_423 : memref<128x64xf32, #tpu.memory_space<vmem>>) target(%dma_start3A_429 : memref<10240x64xf32, #tpu.memory_space<vmem_shared>>) offsets(%dma_start3A_426 : memref<128xi32, #tpu.memory_space<vmem>>) semaphore(%dma_start3A_431 : memref<!tpu.dma_semaphore, #tpu.memory_space<semaphore_mem>>) {add = true}
    %get3A_432 = arith.constant 5 : i32
    %get3A_433 = arith.index_cast %get3A_432 : i32 to index
    %get3A_434 = arith.constant 0 : index
    %get3A_435 = tpu.vector_load %arg7[%get3A_433, %get3A_434] {strides = array<i32>} : memref<8x128xi32, #tpu.memory_space<vmem>>, vector<16xi32>,
    tpu.vector_store_idx %arg9[%get3A_435], %broadcast_in_dim3A_3 {add = true} : memref<10240xf32, #tpu.memory_space<vmem>>[vector<16xi32>], vector<16xf32>,
    %get3A_436 = arith.constant 5 : i32
    %get3A_437 = arith.index_cast %get3A_436 : i32 to index
    %get3A_438 = arith.constant 16 : index
    %get3A_439 = tpu.vector_load %arg7[%get3A_437, %get3A_438] {strides = array<i32>} : memref<8x128xi32, #tpu.memory_space<vmem>>, vector<16xi32>,
    tpu.vector_store_idx %arg9[%get3A_439], %broadcast_in_dim3A_3 {add = true} : memref<10240xf32, #tpu.memory_space<vmem>>[vector<16xi32>], vector<16xf32>,
    %get3A_440 = arith.constant 5 : i32
    %get3A_441 = arith.index_cast %get3A_440 : i32 to index
    %get3A_442 = arith.constant 32 : index
    %get3A_443 = tpu.vector_load %arg7[%get3A_441, %get3A_442] {strides = array<i32>} : memref<8x128xi32, #tpu.memory_space<vmem>>, vector<16xi32>,
    tpu.vector_store_idx %arg9[%get3A_443], %broadcast_in_dim3A_3 {add = true} : memref<10240xf32, #tpu.memory_space<vmem>>[vector<16xi32>], vector<16xf32>,
    %get3A_444 = arith.constant 5 : i32
    %get3A_445 = arith.index_cast %get3A_444 : i32 to index
    %get3A_446 = arith.constant 48 : index
    %get3A_447 = tpu.vector_load %arg7[%get3A_445, %get3A_446] {strides = array<i32>} : memref<8x128xi32, #tpu.memory_space<vmem>>, vector<16xi32>,
    tpu.vector_store_idx %arg9[%get3A_447], %broadcast_in_dim3A_3 {add = true} : memref<10240xf32, #tpu.memory_space<vmem>>[vector<16xi32>], vector<16xf32>,
    %get3A_448 = arith.constant 5 : i32
    %get3A_449 = arith.index_cast %get3A_448 : i32 to index
    %get3A_450 = arith.constant 64 : index
    %get3A_451 = tpu.vector_load %arg7[%get3A_449, %get3A_450] {strides = array<i32>} : memref<8x128xi32, #tpu.memory_space<vmem>>, vector<16xi32>,
    tpu.vector_store_idx %arg9[%get3A_451], %broadcast_in_dim3A_3 {add = true} : memref<10240xf32, #tpu.memory_space<vmem>>[vector<16xi32>], vector<16xf32>,
    %get3A_452 = arith.constant 5 : i32
    %get3A_453 = arith.index_cast %get3A_452 : i32 to index
    %get3A_454 = arith.constant 80 : index
    %get3A_455 = tpu.vector_load %arg7[%get3A_453, %get3A_454] {strides = array<i32>} : memref<8x128xi32, #tpu.memory_space<vmem>>, vector<16xi32>,
    tpu.vector_store_idx %arg9[%get3A_455], %broadcast_in_dim3A_3 {add = true} : memref<10240xf32, #tpu.memory_space<vmem>>[vector<16xi32>], vector<16xf32>,
    %get3A_456 = arith.constant 5 : i32
    %get3A_457 = arith.index_cast %get3A_456 : i32 to index
    %get3A_458 = arith.constant 96 : index
    %get3A_459 = tpu.vector_load %arg7[%get3A_457, %get3A_458] {strides = array<i32>} : memref<8x128xi32, #tpu.memory_space<vmem>>, vector<16xi32>,
    tpu.vector_store_idx %arg9[%get3A_459], %broadcast_in_dim3A_3 {add = true} : memref<10240xf32, #tpu.memory_space<vmem>>[vector<16xi32>], vector<16xf32>,
    %get3A_460 = arith.constant 5 : i32
    %get3A_461 = arith.index_cast %get3A_460 : i32 to index
    %get3A_462 = arith.constant 112 : index
    %get3A_463 = tpu.vector_load %arg7[%get3A_461, %get3A_462] {strides = array<i32>} : memref<8x128xi32, #tpu.memory_space<vmem>>, vector<16xi32>,
    tpu.vector_store_idx %arg9[%get3A_463], %broadcast_in_dim3A_3 {add = true} : memref<10240xf32, #tpu.memory_space<vmem>>[vector<16xi32>], vector<16xf32>,
    %dma_wait3A_464 = arith.constant 4 : i32
    %dma_wait3A_465 = arith.constant 0 : i32
    %dma_wait3A_466 = arith.constant 0 : i32
    %dma_wait3A_467 = arith.constant 0 : i32
    %dma_wait3A_468 = tpu.memref_slice %arg7[%dma_wait3A_466, %dma_wait3A_467] : memref<8x128xi32, #tpu.memory_space<vmem>> -> memref<2x128xi32, #tpu.memory_space<vmem>>
    %dma_wait3A_469 = arith.constant 0 : i32
    %dma_wait3A_470 = arith.constant 0 : i32
    %dma_wait3A_471 = tpu.memref_slice %arg2[%add3A, %dma_wait3A_464, %dma_wait3A_469, %dma_wait3A_470] : memref<32x80x2x128xi32, #tpu.memory_space<hbm>> -> memref<1x1x2x128xi32, #tpu.memory_space<hbm>>
    %dma_wait3A_472 = tpu.memref_squeeze %dma_wait3A_471 : memref<1x1x2x128xi32, #tpu.memory_space<hbm>> -> memref<2x128xi32, #tpu.memory_space<hbm>>
    %dma_wait3A_473 = tpu.memref_slice %arg12[%dma_wait3A_465] : memref<4x!tpu.dma_semaphore, #tpu.memory_space<semaphore_mem>> -> memref<1x!tpu.dma_semaphore, #tpu.memory_space<semaphore_mem>>
    %dma_wait3A_474 = tpu.memref_squeeze %dma_wait3A_473 : memref<1x!tpu.dma_semaphore, #tpu.memory_space<semaphore_mem>> -> memref<!tpu.dma_semaphore, #tpu.memory_space<semaphore_mem>>
    %dma_wait3A_475 = arith.constant 0 : i32
    %dma_wait3A_476 = arith.constant 0 : i32
    %dma_wait3A_477 = tpu.memref_slice %arg7[%dma_wait3A_475, %dma_wait3A_476] : memref<8x128xi32, #tpu.memory_space<vmem>> -> memref<2x128xi32, #tpu.memory_space<vmem>>
    %dma_wait3A_478 = arith.constant 0 : i32
    %dma_wait3A_479 = arith.constant 0 : i32
    %dma_wait3A_480 = tpu.memref_slice %arg2[%add3A, %dma_wait3A_464, %dma_wait3A_478, %dma_wait3A_479] : memref<32x80x2x128xi32, #tpu.memory_space<hbm>> -> memref<1x1x2x128xi32, #tpu.memory_space<hbm>>
    %dma_wait3A_481 = tpu.memref_squeeze %dma_wait3A_480 : memref<1x1x2x128xi32, #tpu.memory_space<hbm>> -> memref<2x128xi32, #tpu.memory_space<hbm>>
    tpu.wait_dma2 semaphore(%dma_wait3A_474 : memref<!tpu.dma_semaphore, #tpu.memory_space<semaphore_mem>>) src(%dma_wait3A_481 : memref<2x128xi32, #tpu.memory_space<hbm>>) dst(%dma_wait3A_477 : memref<2x128xi32, #tpu.memory_space<vmem>>)
    %dma_wait3A_482 = arith.constant 0 : i32
    %dma_wait3A_483 = arith.constant 5 : i32
    %dma_wait3A_484 = arith.constant 0 : i32
    %dma_wait3A_485 = arith.constant 0 : i32
    %dma_wait3A_486 = arith.constant 0 : i32
    %dma_wait3A_487 = tpu.memref_slice %arg8[%dma_wait3A_482, %dma_wait3A_485, %dma_wait3A_486] : memref<2x128x64xf32, #tpu.memory_space<vmem>> -> memref<1x128x64xf32, #tpu.memory_space<vmem>>
    %dma_wait3A_488 = tpu.memref_squeeze %dma_wait3A_487 : memref<1x128x64xf32, #tpu.memory_space<vmem>> -> memref<128x64xf32, #tpu.memory_space<vmem>>
    %dma_wait3A_489 = arith.constant 0 : i32
    %dma_wait3A_490 = tpu.memref_slice %arg7[%dma_wait3A_483, %dma_wait3A_489] : memref<8x128xi32, #tpu.memory_space<vmem>> -> memref<1x128xi32, #tpu.memory_space<vmem>>
    %dma_wait3A_491 = tpu.memref_squeeze %dma_wait3A_490 : memref<1x128xi32, #tpu.memory_space<vmem>> -> memref<128xi32, #tpu.memory_space<vmem>>
    %dma_wait3A_492 = arith.constant 0 : i32
    %dma_wait3A_493 = arith.constant 0 : i32
    %dma_wait3A_494 = tpu.memref_slice %arg11[%dma_wait3A_492, %dma_wait3A_493] : memref<10240x64xf32, #tpu.memory_space<vmem_shared>> -> memref<10240x64xf32, #tpu.memory_space<vmem_shared>>
    %dma_wait3A_495 = tpu.memref_slice %arg14[%dma_wait3A_484] : memref<2x!tpu.dma_semaphore, #tpu.memory_space<semaphore_mem>> -> memref<1x!tpu.dma_semaphore, #tpu.memory_space<semaphore_mem>>
    %dma_wait3A_496 = tpu.memref_squeeze %dma_wait3A_495 : memref<1x!tpu.dma_semaphore, #tpu.memory_space<semaphore_mem>> -> memref<!tpu.dma_semaphore, #tpu.memory_space<semaphore_mem>>
    tpu.wait_indirect_dma semaphore(%dma_wait3A_496 : memref<!tpu.dma_semaphore, #tpu.memory_space<semaphore_mem>>) src(%dma_wait3A_488 : memref<128x64xf32, #tpu.memory_space<vmem>>) dst(%dma_wait3A_494 : memref<10240x64xf32, #tpu.memory_space<vmem_shared>>)
    %dma_start3A_497 = arith.constant 0 : i32
    %dma_start3A_498 = arith.constant 0 : i32
    %dma_start3A_499 = arith.constant 0 : i32
    %dma_start3A_500 = arith.constant 0 : i32
    %dma_start3A_501 = arith.constant 0 : i32
    %dma_start3A_502 = tpu.memref_slice %arg8[%dma_start3A_498, %dma_start3A_500, %dma_start3A_501] : memref<2x128x64xf32, #tpu.memory_space<vmem>> -> memref<1x128x64xf32, #tpu.memory_space<vmem>>
    %dma_start3A_503 = tpu.memref_squeeze %dma_start3A_502 : memref<1x128x64xf32, #tpu.memory_space<vmem>> -> memref<128x64xf32, #tpu.memory_space<vmem>>
    %dma_start3A_504 = arith.constant 0 : i32
    %dma_start3A_505 = tpu.memref_slice %arg7[%dma_start3A_497, %dma_start3A_504] : memref<8x128xi32, #tpu.memory_space<vmem>> -> memref<1x128xi32, #tpu.memory_space<vmem>>
    %dma_start3A_506 = tpu.memref_squeeze %dma_start3A_505 : memref<1x128xi32, #tpu.memory_space<vmem>> -> memref<128xi32, #tpu.memory_space<vmem>>
    %dma_start3A_507 = arith.constant 0 : i32
    %dma_start3A_508 = arith.constant 0 : i32
    %dma_start3A_509 = tpu.memref_slice %arg10[%dma_start3A_507, %dma_start3A_508] : memref<10240x64xf32, #tpu.memory_space<vmem_shared>> -> memref<10240x64xf32, #tpu.memory_space<vmem_shared>>
    %dma_start3A_510 = tpu.memref_slice %arg13[%dma_start3A_499] : memref<2x!tpu.dma_semaphore, #tpu.memory_space<semaphore_mem>> -> memref<1x!tpu.dma_semaphore, #tpu.memory_space<semaphore_mem>>
    %dma_start3A_511 = tpu.memref_squeeze %dma_start3A_510 : memref<1x!tpu.dma_semaphore, #tpu.memory_space<semaphore_mem>> -> memref<!tpu.dma_semaphore, #tpu.memory_space<semaphore_mem>>
    tpu.enqueue_indirect_dma source(%dma_start3A_509 : memref<10240x64xf32, #tpu.memory_space<vmem_shared>>) target(%dma_start3A_503 : memref<128x64xf32, #tpu.memory_space<vmem>>) offsets(%dma_start3A_506 : memref<128xi32, #tpu.memory_space<vmem>>) semaphore(%dma_start3A_511 : memref<!tpu.dma_semaphore, #tpu.memory_space<semaphore_mem>>)
    %dma_start3A_512 = arith.constant 6 : i32
    %dma_start3A_513 = arith.constant 2 : i32
    %dma_start3A_514 = arith.constant 4 : i32
    %dma_start3A_515 = arith.constant 0 : i32
    %dma_start3A_516 = tpu.memref_slice %arg7[%dma_start3A_514, %dma_start3A_515] : memref<8x128xi32, #tpu.memory_space<vmem>> -> memref<2x128xi32, #tpu.memory_space<vmem>>
    %dma_start3A_517 = arith.constant 0 : i32
    %dma_start3A_518 = arith.constant 0 : i32
    %dma_start3A_519 = tpu.memref_slice %arg2[%add3A, %dma_start3A_512, %dma_start3A_517, %dma_start3A_518] : memref<32x80x2x128xi32, #tpu.memory_space<hbm>> -> memref<1x1x2x128xi32, #tpu.memory_space<hbm>>
    %dma_start3A_520 = tpu.memref_squeeze %dma_start3A_519 : memref<1x1x2x128xi32, #tpu.memory_space<hbm>> -> memref<2x128xi32, #tpu.memory_space<hbm>>
    %dma_start3A_521 = tpu.memref_slice %arg12[%dma_start3A_513] : memref<4x!tpu.dma_semaphore, #tpu.memory_space<semaphore_mem>> -> memref<1x!tpu.dma_semaphore, #tpu.memory_space<semaphore_mem>>
    %dma_start3A_522 = tpu.memref_squeeze %dma_start3A_521 : memref<1x!tpu.dma_semaphore, #tpu.memory_space<semaphore_mem>> -> memref<!tpu.dma_semaphore, #tpu.memory_space<semaphore_mem>>
    %dma_start3A_523 = arith.constant 4 : i32
    %dma_start3A_524 = arith.constant 0 : i32
    %dma_start3A_525 = tpu.memref_slice %arg7[%dma_start3A_523, %dma_start3A_524] : memref<8x128xi32, #tpu.memory_space<vmem>> -> memref<2x128xi32, #tpu.memory_space<vmem>>
    %dma_start3A_526 = arith.constant 0 : i32
    %dma_start3A_527 = arith.constant 0 : i32
    %dma_start3A_528 = tpu.memref_slice %arg2[%add3A, %dma_start3A_512, %dma_start3A_526, %dma_start3A_527] : memref<32x80x2x128xi32, #tpu.memory_space<hbm>> -> memref<1x1x2x128xi32, #tpu.memory_space<hbm>>
    %dma_start3A_529 = tpu.memref_squeeze %dma_start3A_528 : memref<1x1x2x128xi32, #tpu.memory_space<hbm>> -> memref<2x128xi32, #tpu.memory_space<hbm>>
    tpu.enqueue_dma source(%dma_start3A_529 : memref<2x128xi32, #tpu.memory_space<hbm>>) target(%dma_start3A_525 : memref<2x128xi32, #tpu.memory_space<vmem>>) target_semaphore(%dma_start3A_522 : memref<!tpu.dma_semaphore, #tpu.memory_space<semaphore_mem>>)
    %dma_wait3A_530 = arith.constant 6 : i32
    %dma_wait3A_531 = arith.constant 1 : i32
    %dma_wait3A_532 = arith.constant 1 : i32
    %dma_wait3A_533 = arith.constant 0 : i32
    %dma_wait3A_534 = arith.constant 0 : i32
    %dma_wait3A_535 = tpu.memref_slice %arg8[%dma_wait3A_531, %dma_wait3A_533, %dma_wait3A_534] : memref<2x128x64xf32, #tpu.memory_space<vmem>> -> memref<1x128x64xf32, #tpu.memory_space<vmem>>
    %dma_wait3A_536 = tpu.memref_squeeze %dma_wait3A_535 : memref<1x128x64xf32, #tpu.memory_space<vmem>> -> memref<128x64xf32, #tpu.memory_space<vmem>>
    %dma_wait3A_537 = arith.constant 0 : i32
    %dma_wait3A_538 = tpu.memref_slice %arg7[%dma_wait3A_530, %dma_wait3A_537] : memref<8x128xi32, #tpu.memory_space<vmem>> -> memref<1x128xi32, #tpu.memory_space<vmem>>
    %dma_wait3A_539 = tpu.memref_squeeze %dma_wait3A_538 : memref<1x128xi32, #tpu.memory_space<vmem>> -> memref<128xi32, #tpu.memory_space<vmem>>
    %dma_wait3A_540 = arith.constant 0 : i32
    %dma_wait3A_541 = arith.constant 0 : i32
    %dma_wait3A_542 = tpu.memref_slice %arg10[%dma_wait3A_540, %dma_wait3A_541] : memref<10240x64xf32, #tpu.memory_space<vmem_shared>> -> memref<10240x64xf32, #tpu.memory_space<vmem_shared>>
    %dma_wait3A_543 = tpu.memref_slice %arg13[%dma_wait3A_532] : memref<2x!tpu.dma_semaphore, #tpu.memory_space<semaphore_mem>> -> memref<1x!tpu.dma_semaphore, #tpu.memory_space<semaphore_mem>>
    %dma_wait3A_544 = tpu.memref_squeeze %dma_wait3A_543 : memref<1x!tpu.dma_semaphore, #tpu.memory_space<semaphore_mem>> -> memref<!tpu.dma_semaphore, #tpu.memory_space<semaphore_mem>>
    tpu.wait_indirect_dma semaphore(%dma_wait3A_544 : memref<!tpu.dma_semaphore, #tpu.memory_space<semaphore_mem>>) src(%dma_wait3A_542 : memref<10240x64xf32, #tpu.memory_space<vmem_shared>>) dst(%dma_wait3A_536 : memref<128x64xf32, #tpu.memory_space<vmem>>)
    %dma_start3A_545 = arith.constant 1 : i32
    %dma_start3A_546 = arith.constant 7 : i32
    %dma_start3A_547 = arith.constant 1 : i32
    %dma_start3A_548 = arith.constant 0 : i32
    %dma_start3A_549 = arith.constant 0 : i32
    %dma_start3A_550 = tpu.memref_slice %arg8[%dma_start3A_545, %dma_start3A_548, %dma_start3A_549] : memref<2x128x64xf32, #tpu.memory_space<vmem>> -> memref<1x128x64xf32, #tpu.memory_space<vmem>>
    %dma_start3A_551 = tpu.memref_squeeze %dma_start3A_550 : memref<1x128x64xf32, #tpu.memory_space<vmem>> -> memref<128x64xf32, #tpu.memory_space<vmem>>
    %dma_start3A_552 = arith.constant 0 : i32
    %dma_start3A_553 = tpu.memref_slice %arg7[%dma_start3A_546, %dma_start3A_552] : memref<8x128xi32, #tpu.memory_space<vmem>> -> memref<1x128xi32, #tpu.memory_space<vmem>>
    %dma_start3A_554 = tpu.memref_squeeze %dma_start3A_553 : memref<1x128xi32, #tpu.memory_space<vmem>> -> memref<128xi32, #tpu.memory_space<vmem>>
    %dma_start3A_555 = arith.constant 0 : i32
    %dma_start3A_556 = arith.constant 0 : i32
    %dma_start3A_557 = tpu.memref_slice %arg11[%dma_start3A_555, %dma_start3A_556] : memref<10240x64xf32, #tpu.memory_space<vmem_shared>> -> memref<10240x64xf32, #tpu.memory_space<vmem_shared>>
    %dma_start3A_558 = tpu.memref_slice %arg14[%dma_start3A_547] : memref<2x!tpu.dma_semaphore, #tpu.memory_space<semaphore_mem>> -> memref<1x!tpu.dma_semaphore, #tpu.memory_space<semaphore_mem>>
    %dma_start3A_559 = tpu.memref_squeeze %dma_start3A_558 : memref<1x!tpu.dma_semaphore, #tpu.memory_space<semaphore_mem>> -> memref<!tpu.dma_semaphore, #tpu.memory_space<semaphore_mem>>
    tpu.enqueue_indirect_dma source(%dma_start3A_551 : memref<128x64xf32, #tpu.memory_space<vmem>>) target(%dma_start3A_557 : memref<10240x64xf32, #tpu.memory_space<vmem_shared>>) offsets(%dma_start3A_554 : memref<128xi32, #tpu.memory_space<vmem>>) semaphore(%dma_start3A_559 : memref<!tpu.dma_semaphore, #tpu.memory_space<semaphore_mem>>) {add = true}
    %get3A_560 = arith.constant 7 : i32
    %get3A_561 = arith.index_cast %get3A_560 : i32 to index
    %get3A_562 = arith.constant 0 : index
    %get3A_563 = tpu.vector_load %arg7[%get3A_561, %get3A_562] {strides = array<i32>} : memref<8x128xi32, #tpu.memory_space<vmem>>, vector<16xi32>,
    tpu.vector_store_idx %arg9[%get3A_563], %broadcast_in_dim3A_3 {add = true} : memref<10240xf32, #tpu.memory_space<vmem>>[vector<16xi32>], vector<16xf32>,
    %get3A_564 = arith.constant 7 : i32
    %get3A_565 = arith.index_cast %get3A_564 : i32 to index
    %get3A_566 = arith.constant 16 : index
    %get3A_567 = tpu.vector_load %arg7[%get3A_565, %get3A_566] {strides = array<i32>} : memref<8x128xi32, #tpu.memory_space<vmem>>, vector<16xi32>,
    tpu.vector_store_idx %arg9[%get3A_567], %broadcast_in_dim3A_3 {add = true} : memref<10240xf32, #tpu.memory_space<vmem>>[vector<16xi32>], vector<16xf32>,
    %get3A_568 = arith.constant 7 : i32
    %get3A_569 = arith.index_cast %get3A_568 : i32 to index
    %get3A_570 = arith.constant 32 : index
    %get3A_571 = tpu.vector_load %arg7[%get3A_569, %get3A_570] {strides = array<i32>} : memref<8x128xi32, #tpu.memory_space<vmem>>, vector<16xi32>,
    tpu.vector_store_idx %arg9[%get3A_571], %broadcast_in_dim3A_3 {add = true} : memref<10240xf32, #tpu.memory_space<vmem>>[vector<16xi32>], vector<16xf32>,
    %get3A_572 = arith.constant 7 : i32
    %get3A_573 = arith.index_cast %get3A_572 : i32 to index
    %get3A_574 = arith.constant 48 : index
    %get3A_575 = tpu.vector_load %arg7[%get3A_573, %get3A_574] {strides = array<i32>} : memref<8x128xi32, #tpu.memory_space<vmem>>, vector<16xi32>,
    tpu.vector_store_idx %arg9[%get3A_575], %broadcast_in_dim3A_3 {add = true} : memref<10240xf32, #tpu.memory_space<vmem>>[vector<16xi32>], vector<16xf32>,
    %get3A_576 = arith.constant 7 : i32
    %get3A_577 = arith.index_cast %get3A_576 : i32 to index
    %get3A_578 = arith.constant 64 : index
    %get3A_579 = tpu.vector_load %arg7[%get3A_577, %get3A_578] {strides = array<i32>} : memref<8x128xi32, #tpu.memory_space<vmem>>, vector<16xi32>,
    tpu.vector_store_idx %arg9[%get3A_579], %broadcast_in_dim3A_3 {add = true} : memref<10240xf32, #tpu.memory_space<vmem>>[vector<16xi32>], vector<16xf32>,
    %get3A_580 = arith.constant 7 : i32
    %get3A_581 = arith.index_cast %get3A_580 : i32 to index
    %get3A_582 = arith.constant 80 : index
    %get3A_583 = tpu.vector_load %arg7[%get3A_581, %get3A_582] {strides = array<i32>} : memref<8x128xi32, #tpu.memory_space<vmem>>, vector<16xi32>,
    tpu.vector_store_idx %arg9[%get3A_583], %broadcast_in_dim3A_3 {add = true} : memref<10240xf32, #tpu.memory_space<vmem>>[vector<16xi32>], vector<16xf32>,
    %get3A_584 = arith.constant 7 : i32
    %get3A_585 = arith.index_cast %get3A_584 : i32 to index
    %get3A_586 = arith.constant 96 : index
    %get3A_587 = tpu.vector_load %arg7[%get3A_585, %get3A_586] {strides = array<i32>} : memref<8x128xi32, #tpu.memory_space<vmem>>, vector<16xi32>,
    tpu.vector_store_idx %arg9[%get3A_587], %broadcast_in_dim3A_3 {add = true} : memref<10240xf32, #tpu.memory_space<vmem>>[vector<16xi32>], vector<16xf32>,
    %get3A_588 = arith.constant 7 : i32
    %get3A_589 = arith.index_cast %get3A_588 : i32 to index
    %get3A_590 = arith.constant 112 : index
    %get3A_591 = tpu.vector_load %arg7[%get3A_589, %get3A_590] {strides = array<i32>} : memref<8x128xi32, #tpu.memory_space<vmem>>, vector<16xi32>,
    tpu.vector_store_idx %arg9[%get3A_591], %broadcast_in_dim3A_3 {add = true} : memref<10240xf32, #tpu.memory_space<vmem>>[vector<16xi32>], vector<16xf32>,
    %scan3A_592 = arith.constant 0 : i32
    %scan3A_593 = arith.constant 18 : i32
    %scan3A_594 = arith.addi %scan3A_592, %scan3A_593 : i32
    %scan3A_595 = arith.constant 1 : i32
    scf.for %scan3A_1818 = %scan3A_592 to %scan3A_594 step %scan3A_595  : i32 {
      %mul3A_1819 = arith.constant 1 : i32
      %mul3A_1820 = arith.muli %scan3A_1818, %mul3A_1819 : i32
      %add3A_1821 = arith.constant 1 : i32
      %add3A_1822 = arith.addi %add3A_1821, %mul3A_1820 : i32
      %mul3A_1823 = arith.constant 4 : i32
      %mul3A_1824 = arith.muli %mul3A_1823, %add3A_1822 : i32
      %add3A_1825 = arith.constant 0 : i32
      %add3A_1826 = arith.addi %mul3A_1824, %add3A_1825 : i32
      %add3A_1827 = arith.constant 1 : i32
      %add3A_1828 = arith.addi %add3A_1826, %add3A_1827 : i32
      %dma_wait3A_1829 = arith.constant 1 : i32
      %dma_wait3A_1830 = arith.constant 2 : i32
      %dma_wait3A_1831 = arith.constant 0 : i32
      %dma_wait3A_1832 = tpu.memref_slice %arg7[%dma_wait3A_1830, %dma_wait3A_1831] : memref<8x128xi32, #tpu.memory_space<vmem>> -> memref<2x128xi32, #tpu.memory_space<vmem>>
      %dma_wait3A_1833 = arith.constant 0 : i32
      %dma_wait3A_1834 = arith.constant 0 : i32
      %dma_wait3A_1835 = tpu.memref_slice %arg2[%add3A, %add3A_1828, %dma_wait3A_1833, %dma_wait3A_1834] : memref<32x80x2x128xi32, #tpu.memory_space<hbm>> -> memref<1x1x2x128xi32, #tpu.memory_space<hbm>>
      %dma_wait3A_1836 = tpu.memref_squeeze %dma_wait3A_1835 : memref<1x1x2x128xi32, #tpu.memory_space<hbm>> -> memref<2x128xi32, #tpu.memory_space<hbm>>
      %dma_wait3A_1837 = tpu.memref_slice %arg12[%dma_wait3A_1829] : memref<4x!tpu.dma_semaphore, #tpu.memory_space<semaphore_mem>> -> memref<1x!tpu.dma_semaphore, #tpu.memory_space<semaphore_mem>>
      %dma_wait3A_1838 = tpu.memref_squeeze %dma_wait3A_1837 : memref<1x!tpu.dma_semaphore, #tpu.memory_space<semaphore_mem>> -> memref<!tpu.dma_semaphore, #tpu.memory_space<semaphore_mem>>
      %dma_wait3A_1839 = arith.constant 2 : i32
      %dma_wait3A_1840 = arith.constant 0 : i32
      %dma_wait3A_1841 = tpu.memref_slice %arg7[%dma_wait3A_1839, %dma_wait3A_1840] : memref<8x128xi32, #tpu.memory_space<vmem>> -> memref<2x128xi32, #tpu.memory_space<vmem>>
      %dma_wait3A_1842 = arith.constant 0 : i32
      %dma_wait3A_1843 = arith.constant 0 : i32
      %dma_wait3A_1844 = tpu.memref_slice %arg2[%add3A, %add3A_1828, %dma_wait3A_1842, %dma_wait3A_1843] : memref<32x80x2x128xi32, #tpu.memory_space<hbm>> -> memref<1x1x2x128xi32, #tpu.memory_space<hbm>>
      %dma_wait3A_1845 = tpu.memref_squeeze %dma_wait3A_1844 : memref<1x1x2x128xi32, #tpu.memory_space<hbm>> -> memref<2x128xi32, #tpu.memory_space<hbm>>
      tpu.wait_dma2 semaphore(%dma_wait3A_1838 : memref<!tpu.dma_semaphore, #tpu.memory_space<semaphore_mem>>) src(%dma_wait3A_1845 : memref<2x128xi32, #tpu.memory_space<hbm>>) dst(%dma_wait3A_1841 : memref<2x128xi32, #tpu.memory_space<vmem>>)
      %dma_wait3A_1846 = arith.constant 1 : i32
      %dma_wait3A_1847 = arith.constant 7 : i32
      %dma_wait3A_1848 = arith.constant 1 : i32
      %dma_wait3A_1849 = arith.constant 0 : i32
      %dma_wait3A_1850 = arith.constant 0 : i32
      %dma_wait3A_1851 = tpu.memref_slice %arg8[%dma_wait3A_1846, %dma_wait3A_1849, %dma_wait3A_1850] : memref<2x128x64xf32, #tpu.memory_space<vmem>> -> memref<1x128x64xf32, #tpu.memory_space<vmem>>
      %dma_wait3A_1852 = tpu.memref_squeeze %dma_wait3A_1851 : memref<1x128x64xf32, #tpu.memory_space<vmem>> -> memref<128x64xf32, #tpu.memory_space<vmem>>
      %dma_wait3A_1853 = arith.constant 0 : i32
      %dma_wait3A_1854 = tpu.memref_slice %arg7[%dma_wait3A_1847, %dma_wait3A_1853] : memref<8x128xi32, #tpu.memory_space<vmem>> -> memref<1x128xi32, #tpu.memory_space<vmem>>
      %dma_wait3A_1855 = tpu.memref_squeeze %dma_wait3A_1854 : memref<1x128xi32, #tpu.memory_space<vmem>> -> memref<128xi32, #tpu.memory_space<vmem>>
      %dma_wait3A_1856 = arith.constant 0 : i32
      %dma_wait3A_1857 = arith.constant 0 : i32
      %dma_wait3A_1858 = tpu.memref_slice %arg11[%dma_wait3A_1856, %dma_wait3A_1857] : memref<10240x64xf32, #tpu.memory_space<vmem_shared>> -> memref<10240x64xf32, #tpu.memory_space<vmem_shared>>
      %dma_wait3A_1859 = tpu.memref_slice %arg14[%dma_wait3A_1848] : memref<2x!tpu.dma_semaphore, #tpu.memory_space<semaphore_mem>> -> memref<1x!tpu.dma_semaphore, #tpu.memory_space<semaphore_mem>>
      %dma_wait3A_1860 = tpu.memref_squeeze %dma_wait3A_1859 : memref<1x!tpu.dma_semaphore, #tpu.memory_space<semaphore_mem>> -> memref<!tpu.dma_semaphore, #tpu.memory_space<semaphore_mem>>
      tpu.wait_indirect_dma semaphore(%dma_wait3A_1860 : memref<!tpu.dma_semaphore, #tpu.memory_space<semaphore_mem>>) src(%dma_wait3A_1852 : memref<128x64xf32, #tpu.memory_space<vmem>>) dst(%dma_wait3A_1858 : memref<10240x64xf32, #tpu.memory_space<vmem_shared>>)
      %dma_start3A_1861 = arith.constant 2 : i32
      %dma_start3A_1862 = arith.constant 1 : i32
      %dma_start3A_1863 = arith.constant 1 : i32
      %dma_start3A_1864 = arith.constant 0 : i32
      %dma_start3A_1865 = arith.constant 0 : i32
      %dma_start3A_1866 = tpu.memref_slice %arg8[%dma_start3A_1862, %dma_start3A_1864, %dma_start3A_1865] : memref<2x128x64xf32, #tpu.memory_space<vmem>> -> memref<1x128x64xf32, #tpu.memory_space<vmem>>
      %dma_start3A_1867 = tpu.memref_squeeze %dma_start3A_1866 : memref<1x128x64xf32, #tpu.memory_space<vmem>> -> memref<128x64xf32, #tpu.memory_space<vmem>>
      %dma_start3A_1868 = arith.constant 0 : i32
      %dma_start3A_1869 = tpu.memref_slice %arg7[%dma_start3A_1861, %dma_start3A_1868] : memref<8x128xi32, #tpu.memory_space<vmem>> -> memref<1x128xi32, #tpu.memory_space<vmem>>
      %dma_start3A_1870 = tpu.memref_squeeze %dma_start3A_1869 : memref<1x128xi32, #tpu.memory_space<vmem>> -> memref<128xi32, #tpu.memory_space<vmem>>
      %dma_start3A_1871 = arith.constant 0 : i32
      %dma_start3A_1872 = arith.constant 0 : i32
      %dma_start3A_1873 = tpu.memref_slice %arg10[%dma_start3A_1871, %dma_start3A_1872] : memref<10240x64xf32, #tpu.memory_space<vmem_shared>> -> memref<10240x64xf32, #tpu.memory_space<vmem_shared>>
      %dma_start3A_1874 = tpu.memref_slice %arg13[%dma_start3A_1863] : memref<2x!tpu.dma_semaphore, #tpu.memory_space<semaphore_mem>> -> memref<1x!tpu.dma_semaphore, #tpu.memory_space<semaphore_mem>>
      %dma_start3A_1875 = tpu.memref_squeeze %dma_start3A_1874 : memref<1x!tpu.dma_semaphore, #tpu.memory_space<semaphore_mem>> -> memref<!tpu.dma_semaphore, #tpu.memory_space<semaphore_mem>>
      tpu.enqueue_indirect_dma source(%dma_start3A_1873 : memref<10240x64xf32, #tpu.memory_space<vmem_shared>>) target(%dma_start3A_1867 : memref<128x64xf32, #tpu.memory_space<vmem>>) offsets(%dma_start3A_1870 : memref<128xi32, #tpu.memory_space<vmem>>) semaphore(%dma_start3A_1875 : memref<!tpu.dma_semaphore, #tpu.memory_space<semaphore_mem>>)
      %add3A_1876 = arith.constant 3 : i32
      %add3A_1877 = arith.addi %add3A_1826, %add3A_1876 : i32
      %dma_start3A_1878 = arith.constant 3 : i32
      %dma_start3A_1879 = arith.constant 6 : i32
      %dma_start3A_1880 = arith.constant 0 : i32
      %dma_start3A_1881 = tpu.memref_slice %arg7[%dma_start3A_1879, %dma_start3A_1880] : memref<8x128xi32, #tpu.memory_space<vmem>> -> memref<2x128xi32, #tpu.memory_space<vmem>>
      %dma_start3A_1882 = arith.constant 0 : i32
      %dma_start3A_1883 = arith.constant 0 : i32
      %dma_start3A_1884 = tpu.memref_slice %arg2[%add3A, %add3A_1877, %dma_start3A_1882, %dma_start3A_1883] : memref<32x80x2x128xi32, #tpu.memory_space<hbm>> -> memref<1x1x2x128xi32, #tpu.memory_space<hbm>>
      %dma_start3A_1885 = tpu.memref_squeeze %dma_start3A_1884 : memref<1x1x2x128xi32, #tpu.memory_space<hbm>> -> memref<2x128xi32, #tpu.memory_space<hbm>>
      %dma_start3A_1886 = tpu.memref_slice %arg12[%dma_start3A_1878] : memref<4x!tpu.dma_semaphore, #tpu.memory_space<semaphore_mem>> -> memref<1x!tpu.dma_semaphore, #tpu.memory_space<semaphore_mem>>
      %dma_start3A_1887 = tpu.memref_squeeze %dma_start3A_1886 : memref<1x!tpu.dma_semaphore, #tpu.memory_space<semaphore_mem>> -> memref<!tpu.dma_semaphore, #tpu.memory_space<semaphore_mem>>
      %dma_start3A_1888 = arith.constant 6 : i32
      %dma_start3A_1889 = arith.constant 0 : i32
      %dma_start3A_1890 = tpu.memref_slice %arg7[%dma_start3A_1888, %dma_start3A_1889] : memref<8x128xi32, #tpu.memory_space<vmem>> -> memref<2x128xi32, #tpu.memory_space<vmem>>
      %dma_start3A_1891 = arith.constant 0 : i32
      %dma_start3A_1892 = arith.constant 0 : i32
      %dma_start3A_1893 = tpu.memref_slice %arg2[%add3A, %add3A_1877, %dma_start3A_1891, %dma_start3A_1892] : memref<32x80x2x128xi32, #tpu.memory_space<hbm>> -> memref<1x1x2x128xi32, #tpu.memory_space<hbm>>
      %dma_start3A_1894 = tpu.memref_squeeze %dma_start3A_1893 : memref<1x1x2x128xi32, #tpu.memory_space<hbm>> -> memref<2x128xi32, #tpu.memory_space<hbm>>
      tpu.enqueue_dma source(%dma_start3A_1894 : memref<2x128xi32, #tpu.memory_space<hbm>>) target(%dma_start3A_1890 : memref<2x128xi32, #tpu.memory_space<vmem>>) target_semaphore(%dma_start3A_1887 : memref<!tpu.dma_semaphore, #tpu.memory_space<semaphore_mem>>)
      %dma_wait3A_1895 = arith.constant 0 : i32
      %dma_wait3A_1896 = arith.constant 0 : i32
      %dma_wait3A_1897 = arith.constant 0 : i32
      %dma_wait3A_1898 = arith.constant 0 : i32
      %dma_wait3A_1899 = arith.constant 0 : i32
      %dma_wait3A_1900 = tpu.memref_slice %arg8[%dma_wait3A_1896, %dma_wait3A_1898, %dma_wait3A_1899] : memref<2x128x64xf32, #tpu.memory_space<vmem>> -> memref<1x128x64xf32, #tpu.memory_space<vmem>>
      %dma_wait3A_1901 = tpu.memref_squeeze %dma_wait3A_1900 : memref<1x128x64xf32, #tpu.memory_space<vmem>> -> memref<128x64xf32, #tpu.memory_space<vmem>>
      %dma_wait3A_1902 = arith.constant 0 : i32
      %dma_wait3A_1903 = tpu.memref_slice %arg7[%dma_wait3A_1895, %dma_wait3A_1902] : memref<8x128xi32, #tpu.memory_space<vmem>> -> memref<1x128xi32, #tpu.memory_space<vmem>>
      %dma_wait3A_1904 = tpu.memref_squeeze %dma_wait3A_1903 : memref<1x128xi32, #tpu.memory_space<vmem>> -> memref<128xi32, #tpu.memory_space<vmem>>
      %dma_wait3A_1905 = arith.constant 0 : i32
      %dma_wait3A_1906 = arith.constant 0 : i32
      %dma_wait3A_1907 = tpu.memref_slice %arg10[%dma_wait3A_1905, %dma_wait3A_1906] : memref<10240x64xf32, #tpu.memory_space<vmem_shared>> -> memref<10240x64xf32, #tpu.memory_space<vmem_shared>>
      %dma_wait3A_1908 = tpu.memref_slice %arg13[%dma_wait3A_1897] : memref<2x!tpu.dma_semaphore, #tpu.memory_space<semaphore_mem>> -> memref<1x!tpu.dma_semaphore, #tpu.memory_space<semaphore_mem>>
      %dma_wait3A_1909 = tpu.memref_squeeze %dma_wait3A_1908 : memref<1x!tpu.dma_semaphore, #tpu.memory_space<semaphore_mem>> -> memref<!tpu.dma_semaphore, #tpu.memory_space<semaphore_mem>>
      tpu.wait_indirect_dma semaphore(%dma_wait3A_1909 : memref<!tpu.dma_semaphore, #tpu.memory_space<semaphore_mem>>) src(%dma_wait3A_1907 : memref<10240x64xf32, #tpu.memory_space<vmem_shared>>) dst(%dma_wait3A_1901 : memref<128x64xf32, #tpu.memory_space<vmem>>)
      %dma_start3A_1910 = arith.constant 0 : i32
      %dma_start3A_1911 = arith.constant 1 : i32
      %dma_start3A_1912 = arith.constant 0 : i32
      %dma_start3A_1913 = arith.constant 0 : i32
      %dma_start3A_1914 = arith.constant 0 : i32
      %dma_start3A_1915 = tpu.memref_slice %arg8[%dma_start3A_1910, %dma_start3A_1913, %dma_start3A_1914] : memref<2x128x64xf32, #tpu.memory_space<vmem>> -> memref<1x128x64xf32, #tpu.memory_space<vmem>>
      %dma_start3A_1916 = tpu.memref_squeeze %dma_start3A_1915 : memref<1x128x64xf32, #tpu.memory_space<vmem>> -> memref<128x64xf32, #tpu.memory_space<vmem>>
      %dma_start3A_1917 = arith.constant 0 : i32
      %dma_start3A_1918 = tpu.memref_slice %arg7[%dma_start3A_1911, %dma_start3A_1917] : memref<8x128xi32, #tpu.memory_space<vmem>> -> memref<1x128xi32, #tpu.memory_space<vmem>>
      %dma_start3A_1919 = tpu.memref_squeeze %dma_start3A_1918 : memref<1x128xi32, #tpu.memory_space<vmem>> -> memref<128xi32, #tpu.memory_space<vmem>>
      %dma_start3A_1920 = arith.constant 0 : i32
      %dma_start3A_1921 = arith.constant 0 : i32
      %dma_start3A_1922 = tpu.memref_slice %arg11[%dma_start3A_1920, %dma_start3A_1921] : memref<10240x64xf32, #tpu.memory_space<vmem_shared>> -> memref<10240x64xf32, #tpu.memory_space<vmem_shared>>
      %dma_start3A_1923 = tpu.memref_slice %arg14[%dma_start3A_1912] : memref<2x!tpu.dma_semaphore, #tpu.memory_space<semaphore_mem>> -> memref<1x!tpu.dma_semaphore, #tpu.memory_space<semaphore_mem>>
      %dma_start3A_1924 = tpu.memref_squeeze %dma_start3A_1923 : memref<1x!tpu.dma_semaphore, #tpu.memory_space<semaphore_mem>> -> memref<!tpu.dma_semaphore, #tpu.memory_space<semaphore_mem>>
      tpu.enqueue_indirect_dma source(%dma_start3A_1916 : memref<128x64xf32, #tpu.memory_space<vmem>>) target(%dma_start3A_1922 : memref<10240x64xf32, #tpu.memory_space<vmem_shared>>) offsets(%dma_start3A_1919 : memref<128xi32, #tpu.memory_space<vmem>>) semaphore(%dma_start3A_1924 : memref<!tpu.dma_semaphore, #tpu.memory_space<semaphore_mem>>) {add = true}
      %get3A_1925 = arith.constant 1 : i32
      %get3A_1926 = arith.index_cast %get3A_1925 : i32 to index
      %get3A_1927 = arith.constant 0 : index
      %get3A_1928 = tpu.vector_load %arg7[%get3A_1926, %get3A_1927] {strides = array<i32>} : memref<8x128xi32, #tpu.memory_space<vmem>>, vector<16xi32>,
      tpu.vector_store_idx %arg9[%get3A_1928], %broadcast_in_dim3A_3 {add = true} : memref<10240xf32, #tpu.memory_space<vmem>>[vector<16xi32>], vector<16xf32>,
      %get3A_1929 = arith.constant 1 : i32
      %get3A_1930 = arith.index_cast %get3A_1929 : i32 to index
      %get3A_1931 = arith.constant 16 : index
      %get3A_1932 = tpu.vector_load %arg7[%get3A_1930, %get3A_1931] {strides = array<i32>} : memref<8x128xi32, #tpu.memory_space<vmem>>, vector<16xi32>,
      tpu.vector_store_idx %arg9[%get3A_1932], %broadcast_in_dim3A_3 {add = true} : memref<10240xf32, #tpu.memory_space<vmem>>[vector<16xi32>], vector<16xf32>,
      %get3A_1933 = arith.constant 1 : i32
      %get3A_1934 = arith.index_cast %get3A_1933 : i32 to index
      %get3A_1935 = arith.constant 32 : index
      %get3A_1936 = tpu.vector_load %arg7[%get3A_1934, %get3A_1935] {strides = array<i32>} : memref<8x128xi32, #tpu.memory_space<vmem>>, vector<16xi32>,
      tpu.vector_store_idx %arg9[%get3A_1936], %broadcast_in_dim3A_3 {add = true} : memref<10240xf32, #tpu.memory_space<vmem>>[vector<16xi32>], vector<16xf32>,
      %get3A_1937 = arith.constant 1 : i32
      %get3A_1938 = arith.index_cast %get3A_1937 : i32 to index
      %get3A_1939 = arith.constant 48 : index
      %get3A_1940 = tpu.vector_load %arg7[%get3A_1938, %get3A_1939] {strides = array<i32>} : memref<8x128xi32, #tpu.memory_space<vmem>>, vector<16xi32>,
      tpu.vector_store_idx %arg9[%get3A_1940], %broadcast_in_dim3A_3 {add = true} : memref<10240xf32, #tpu.memory_space<vmem>>[vector<16xi32>], vector<16xf32>,
      %get3A_1941 = arith.constant 1 : i32
      %get3A_1942 = arith.index_cast %get3A_1941 : i32 to index
      %get3A_1943 = arith.constant 64 : index
      %get3A_1944 = tpu.vector_load %arg7[%get3A_1942, %get3A_1943] {strides = array<i32>} : memref<8x128xi32, #tpu.memory_space<vmem>>, vector<16xi32>,
      tpu.vector_store_idx %arg9[%get3A_1944], %broadcast_in_dim3A_3 {add = true} : memref<10240xf32, #tpu.memory_space<vmem>>[vector<16xi32>], vector<16xf32>,
      %get3A_1945 = arith.constant 1 : i32
      %get3A_1946 = arith.index_cast %get3A_1945 : i32 to index
      %get3A_1947 = arith.constant 80 : index
      %get3A_1948 = tpu.vector_load %arg7[%get3A_1946, %get3A_1947] {strides = array<i32>} : memref<8x128xi32, #tpu.memory_space<vmem>>, vector<16xi32>,
      tpu.vector_store_idx %arg9[%get3A_1948], %broadcast_in_dim3A_3 {add = true} : memref<10240xf32, #tpu.memory_space<vmem>>[vector<16xi32>], vector<16xf32>,
      %get3A_1949 = arith.constant 1 : i32
      %get3A_1950 = arith.index_cast %get3A_1949 : i32 to index
      %get3A_1951 = arith.constant 96 : index
      %get3A_1952 = tpu.vector_load %arg7[%get3A_1950, %get3A_1951] {strides = array<i32>} : memref<8x128xi32, #tpu.memory_space<vmem>>, vector<16xi32>,
      tpu.vector_store_idx %arg9[%get3A_1952], %broadcast_in_dim3A_3 {add = true} : memref<10240xf32, #tpu.memory_space<vmem>>[vector<16xi32>], vector<16xf32>,
      %get3A_1953 = arith.constant 1 : i32
      %get3A_1954 = arith.index_cast %get3A_1953 : i32 to index
      %get3A_1955 = arith.constant 112 : index
      %get3A_1956 = tpu.vector_load %arg7[%get3A_1954, %get3A_1955] {strides = array<i32>} : memref<8x128xi32, #tpu.memory_space<vmem>>, vector<16xi32>,
      tpu.vector_store_idx %arg9[%get3A_1956], %broadcast_in_dim3A_3 {add = true} : memref<10240xf32, #tpu.memory_space<vmem>>[vector<16xi32>], vector<16xf32>,
      %mul3A_1957 = arith.constant 4 : i32
      %mul3A_1958 = arith.muli %mul3A_1957, %add3A_1822 : i32
      %add3A_1959 = arith.constant 1 : i32
      %add3A_1960 = arith.addi %mul3A_1958, %add3A_1959 : i32
      %add3A_1961 = arith.constant 1 : i32
      %add3A_1962 = arith.addi %add3A_1960, %add3A_1961 : i32
      %dma_wait3A_1963 = arith.constant 2 : i32
      %dma_wait3A_1964 = arith.constant 4 : i32
      %dma_wait3A_1965 = arith.constant 0 : i32
      %dma_wait3A_1966 = tpu.memref_slice %arg7[%dma_wait3A_1964, %dma_wait3A_1965] : memref<8x128xi32, #tpu.memory_space<vmem>> -> memref<2x128xi32, #tpu.memory_space<vmem>>
      %dma_wait3A_1967 = arith.constant 0 : i32
      %dma_wait3A_1968 = arith.constant 0 : i32
      %dma_wait3A_1969 = tpu.memref_slice %arg2[%add3A, %add3A_1962, %dma_wait3A_1967, %dma_wait3A_1968] : memref<32x80x2x128xi32, #tpu.memory_space<hbm>> -> memref<1x1x2x128xi32, #tpu.memory_space<hbm>>
      %dma_wait3A_1970 = tpu.memref_squeeze %dma_wait3A_1969 : memref<1x1x2x128xi32, #tpu.memory_space<hbm>> -> memref<2x128xi32, #tpu.memory_space<hbm>>
      %dma_wait3A_1971 = tpu.memref_slice %arg12[%dma_wait3A_1963] : memref<4x!tpu.dma_semaphore, #tpu.memory_space<semaphore_mem>> -> memref<1x!tpu.dma_semaphore, #tpu.memory_space<semaphore_mem>>
      %dma_wait3A_1972 = tpu.memref_squeeze %dma_wait3A_1971 : memref<1x!tpu.dma_semaphore, #tpu.memory_space<semaphore_mem>> -> memref<!tpu.dma_semaphore, #tpu.memory_space<semaphore_mem>>
      %dma_wait3A_1973 = arith.constant 4 : i32
      %dma_wait3A_1974 = arith.constant 0 : i32
      %dma_wait3A_1975 = tpu.memref_slice %arg7[%dma_wait3A_1973, %dma_wait3A_1974] : memref<8x128xi32, #tpu.memory_space<vmem>> -> memref<2x128xi32, #tpu.memory_space<vmem>>
      %dma_wait3A_1976 = arith.constant 0 : i32
      %dma_wait3A_1977 = arith.constant 0 : i32
      %dma_wait3A_1978 = tpu.memref_slice %arg2[%add3A, %add3A_1962, %dma_wait3A_1976, %dma_wait3A_1977] : memref<32x80x2x128xi32, #tpu.memory_space<hbm>> -> memref<1x1x2x128xi32, #tpu.memory_space<hbm>>
      %dma_wait3A_1979 = tpu.memref_squeeze %dma_wait3A_1978 : memref<1x1x2x128xi32, #tpu.memory_space<hbm>> -> memref<2x128xi32, #tpu.memory_space<hbm>>
      tpu.wait_dma2 semaphore(%dma_wait3A_1972 : memref<!tpu.dma_semaphore, #tpu.memory_space<semaphore_mem>>) src(%dma_wait3A_1979 : memref<2x128xi32, #tpu.memory_space<hbm>>) dst(%dma_wait3A_1975 : memref<2x128xi32, #tpu.memory_space<vmem>>)
      %dma_wait3A_1980 = arith.constant 0 : i32
      %dma_wait3A_1981 = arith.constant 1 : i32
      %dma_wait3A_1982 = arith.constant 0 : i32
      %dma_wait3A_1983 = arith.constant 0 : i32
      %dma_wait3A_1984 = arith.constant 0 : i32
      %dma_wait3A_1985 = tpu.memref_slice %arg8[%dma_wait3A_1980, %dma_wait3A_1983, %dma_wait3A_1984] : memref<2x128x64xf32, #tpu.memory_space<vmem>> -> memref<1x128x64xf32, #tpu.memory_space<vmem>>
      %dma_wait3A_1986 = tpu.memref_squeeze %dma_wait3A_1985 : memref<1x128x64xf32, #tpu.memory_space<vmem>> -> memref<128x64xf32, #tpu.memory_space<vmem>>
      %dma_wait3A_1987 = arith.constant 0 : i32
      %dma_wait3A_1988 = tpu.memref_slice %arg7[%dma_wait3A_1981, %dma_wait3A_1987] : memref<8x128xi32, #tpu.memory_space<vmem>> -> memref<1x128xi32, #tpu.memory_space<vmem>>
      %dma_wait3A_1989 = tpu.memref_squeeze %dma_wait3A_1988 : memref<1x128xi32, #tpu.memory_space<vmem>> -> memref<128xi32, #tpu.memory_space<vmem>>
      %dma_wait3A_1990 = arith.constant 0 : i32
      %dma_wait3A_1991 = arith.constant 0 : i32
      %dma_wait3A_1992 = tpu.memref_slice %arg11[%dma_wait3A_1990, %dma_wait3A_1991] : memref<10240x64xf32, #tpu.memory_space<vmem_shared>> -> memref<10240x64xf32, #tpu.memory_space<vmem_shared>>
      %dma_wait3A_1993 = tpu.memref_slice %arg14[%dma_wait3A_1982] : memref<2x!tpu.dma_semaphore, #tpu.memory_space<semaphore_mem>> -> memref<1x!tpu.dma_semaphore, #tpu.memory_space<semaphore_mem>>
      %dma_wait3A_1994 = tpu.memref_squeeze %dma_wait3A_1993 : memref<1x!tpu.dma_semaphore, #tpu.memory_space<semaphore_mem>> -> memref<!tpu.dma_semaphore, #tpu.memory_space<semaphore_mem>>
      tpu.wait_indirect_dma semaphore(%dma_wait3A_1994 : memref<!tpu.dma_semaphore, #tpu.memory_space<semaphore_mem>>) src(%dma_wait3A_1986 : memref<128x64xf32, #tpu.memory_space<vmem>>) dst(%dma_wait3A_1992 : memref<10240x64xf32, #tpu.memory_space<vmem_shared>>)
      %dma_start3A_1995 = arith.constant 4 : i32
      %dma_start3A_1996 = arith.constant 0 : i32
      %dma_start3A_1997 = arith.constant 0 : i32
      %dma_start3A_1998 = arith.constant 0 : i32
      %dma_start3A_1999 = arith.constant 0 : i32
      %dma_start3A_2000 = tpu.memref_slice %arg8[%dma_start3A_1996, %dma_start3A_1998, %dma_start3A_1999] : memref<2x128x64xf32, #tpu.memory_space<vmem>> -> memref<1x128x64xf32, #tpu.memory_space<vmem>>
      %dma_start3A_2001 = tpu.memref_squeeze %dma_start3A_2000 : memref<1x128x64xf32, #tpu.memory_space<vmem>> -> memref<128x64xf32, #tpu.memory_space<vmem>>
      %dma_start3A_2002 = arith.constant 0 : i32
      %dma_start3A_2003 = tpu.memref_slice %arg7[%dma_start3A_1995, %dma_start3A_2002] : memref<8x128xi32, #tpu.memory_space<vmem>> -> memref<1x128xi32, #tpu.memory_space<vmem>>
      %dma_start3A_2004 = tpu.memref_squeeze %dma_start3A_2003 : memref<1x128xi32, #tpu.memory_space<vmem>> -> memref<128xi32, #tpu.memory_space<vmem>>
      %dma_start3A_2005 = arith.constant 0 : i32
      %dma_start3A_2006 = arith.constant 0 : i32
      %dma_start3A_2007 = tpu.memref_slice %arg10[%dma_start3A_2005, %dma_start3A_2006] : memref<10240x64xf32, #tpu.memory_space<vmem_shared>> -> memref<10240x64xf32, #tpu.memory_space<vmem_shared>>
      %dma_start3A_2008 = tpu.memref_slice %arg13[%dma_start3A_1997] : memref<2x!tpu.dma_semaphore, #tpu.memory_space<semaphore_mem>> -> memref<1x!tpu.dma_semaphore, #tpu.memory_space<semaphore_mem>>
      %dma_start3A_2009 = tpu.memref_squeeze %dma_start3A_2008 : memref<1x!tpu.dma_semaphore, #tpu.memory_space<semaphore_mem>> -> memref<!tpu.dma_semaphore, #tpu.memory_space<semaphore_mem>>
      tpu.enqueue_indirect_dma source(%dma_start3A_2007 : memref<10240x64xf32, #tpu.memory_space<vmem_shared>>) target(%dma_start3A_2001 : memref<128x64xf32, #tpu.memory_space<vmem>>) offsets(%dma_start3A_2004 : memref<128xi32, #tpu.memory_space<vmem>>) semaphore(%dma_start3A_2009 : memref<!tpu.dma_semaphore, #tpu.memory_space<semaphore_mem>>)
      %add3A_2010 = arith.constant 3 : i32
      %add3A_2011 = arith.addi %add3A_1960, %add3A_2010 : i32
      %dma_start3A_2012 = arith.constant 0 : i32
      %dma_start3A_2013 = arith.constant 0 : i32
      %dma_start3A_2014 = arith.constant 0 : i32
      %dma_start3A_2015 = tpu.memref_slice %arg7[%dma_start3A_2013, %dma_start3A_2014] : memref<8x128xi32, #tpu.memory_space<vmem>> -> memref<2x128xi32, #tpu.memory_space<vmem>>
      %dma_start3A_2016 = arith.constant 0 : i32
      %dma_start3A_2017 = arith.constant 0 : i32
      %dma_start3A_2018 = tpu.memref_slice %arg2[%add3A, %add3A_2011, %dma_start3A_2016, %dma_start3A_2017] : memref<32x80x2x128xi32, #tpu.memory_space<hbm>> -> memref<1x1x2x128xi32, #tpu.memory_space<hbm>>
      %dma_start3A_2019 = tpu.memref_squeeze %dma_start3A_2018 : memref<1x1x2x128xi32, #tpu.memory_space<hbm>> -> memref<2x128xi32, #tpu.memory_space<hbm>>
      %dma_start3A_2020 = tpu.memref_slice %arg12[%dma_start3A_2012] : memref<4x!tpu.dma_semaphore, #tpu.memory_space<semaphore_mem>> -> memref<1x!tpu.dma_semaphore, #tpu.memory_space<semaphore_mem>>
      %dma_start3A_2021 = tpu.memref_squeeze %dma_start3A_2020 : memref<1x!tpu.dma_semaphore, #tpu.memory_space<semaphore_mem>> -> memref<!tpu.dma_semaphore, #tpu.memory_space<semaphore_mem>>
      %dma_start3A_2022 = arith.constant 0 : i32
      %dma_start3A_2023 = arith.constant 0 : i32
      %dma_start3A_2024 = tpu.memref_slice %arg7[%dma_start3A_2022, %dma_start3A_2023] : memref<8x128xi32, #tpu.memory_space<vmem>> -> memref<2x128xi32, #tpu.memory_space<vmem>>
      %dma_start3A_2025 = arith.constant 0 : i32
      %dma_start3A_2026 = arith.constant 0 : i32
      %dma_start3A_2027 = tpu.memref_slice %arg2[%add3A, %add3A_2011, %dma_start3A_2025, %dma_start3A_2026] : memref<32x80x2x128xi32, #tpu.memory_space<hbm>> -> memref<1x1x2x128xi32, #tpu.memory_space<hbm>>
      %dma_start3A_2028 = tpu.memref_squeeze %dma_start3A_2027 : memref<1x1x2x128xi32, #tpu.memory_space<hbm>> -> memref<2x128xi32, #tpu.memory_space<hbm>>
      tpu.enqueue_dma source(%dma_start3A_2028 : memref<2x128xi32, #tpu.memory_space<hbm>>) target(%dma_start3A_2024 : memref<2x128xi32, #tpu.memory_space<vmem>>) target_semaphore(%dma_start3A_2021 : memref<!tpu.dma_semaphore, #tpu.memory_space<semaphore_mem>>)
      %dma_wait3A_2029 = arith.constant 2 : i32
      %dma_wait3A_2030 = arith.constant 1 : i32
      %dma_wait3A_2031 = arith.constant 1 : i32
      %dma_wait3A_2032 = arith.constant 0 : i32
      %dma_wait3A_2033 = arith.constant 0 : i32
      %dma_wait3A_2034 = tpu.memref_slice %arg8[%dma_wait3A_2030, %dma_wait3A_2032, %dma_wait3A_2033] : memref<2x128x64xf32, #tpu.memory_space<vmem>> -> memref<1x128x64xf32, #tpu.memory_space<vmem>>
      %dma_wait3A_2035 = tpu.memref_squeeze %dma_wait3A_2034 : memref<1x128x64xf32, #tpu.memory_space<vmem>> -> memref<128x64xf32, #tpu.memory_space<vmem>>
      %dma_wait3A_2036 = arith.constant 0 : i32
      %dma_wait3A_2037 = tpu.memref_slice %arg7[%dma_wait3A_2029, %dma_wait3A_2036] : memref<8x128xi32, #tpu.memory_space<vmem>> -> memref<1x128xi32, #tpu.memory_space<vmem>>
      %dma_wait3A_2038 = tpu.memref_squeeze %dma_wait3A_2037 : memref<1x128xi32, #tpu.memory_space<vmem>> -> memref<128xi32, #tpu.memory_space<vmem>>
      %dma_wait3A_2039 = arith.constant 0 : i32
      %dma_wait3A_2040 = arith.constant 0 : i32
      %dma_wait3A_2041 = tpu.memref_slice %arg10[%dma_wait3A_2039, %dma_wait3A_2040] : memref<10240x64xf32, #tpu.memory_space<vmem_shared>> -> memref<10240x64xf32, #tpu.memory_space<vmem_shared>>
      %dma_wait3A_2042 = tpu.memref_slice %arg13[%dma_wait3A_2031] : memref<2x!tpu.dma_semaphore, #tpu.memory_space<semaphore_mem>> -> memref<1x!tpu.dma_semaphore, #tpu.memory_space<semaphore_mem>>
      %dma_wait3A_2043 = tpu.memref_squeeze %dma_wait3A_2042 : memref<1x!tpu.dma_semaphore, #tpu.memory_space<semaphore_mem>> -> memref<!tpu.dma_semaphore, #tpu.memory_space<semaphore_mem>>
      tpu.wait_indirect_dma semaphore(%dma_wait3A_2043 : memref<!tpu.dma_semaphore, #tpu.memory_space<semaphore_mem>>) src(%dma_wait3A_2041 : memref<10240x64xf32, #tpu.memory_space<vmem_shared>>) dst(%dma_wait3A_2035 : memref<128x64xf32, #tpu.memory_space<vmem>>)
      %dma_start3A_2044 = arith.constant 1 : i32
      %dma_start3A_2045 = arith.constant 3 : i32
      %dma_start3A_2046 = arith.constant 1 : i32
      %dma_start3A_2047 = arith.constant 0 : i32
      %dma_start3A_2048 = arith.constant 0 : i32
      %dma_start3A_2049 = tpu.memref_slice %arg8[%dma_start3A_2044, %dma_start3A_2047, %dma_start3A_2048] : memref<2x128x64xf32, #tpu.memory_space<vmem>> -> memref<1x128x64xf32, #tpu.memory_space<vmem>>
      %dma_start3A_2050 = tpu.memref_squeeze %dma_start3A_2049 : memref<1x128x64xf32, #tpu.memory_space<vmem>> -> memref<128x64xf32, #tpu.memory_space<vmem>>
      %dma_start3A_2051 = arith.constant 0 : i32
      %dma_start3A_2052 = tpu.memref_slice %arg7[%dma_start3A_2045, %dma_start3A_2051] : memref<8x128xi32, #tpu.memory_space<vmem>> -> memref<1x128xi32, #tpu.memory_space<vmem>>
      %dma_start3A_2053 = tpu.memref_squeeze %dma_start3A_2052 : memref<1x128xi32, #tpu.memory_space<vmem>> -> memref<128xi32, #tpu.memory_space<vmem>>
      %dma_start3A_2054 = arith.constant 0 : i32
      %dma_start3A_2055 = arith.constant 0 : i32
      %dma_start3A_2056 = tpu.memref_slice %arg11[%dma_start3A_2054, %dma_start3A_2055] : memref<10240x64xf32, #tpu.memory_space<vmem_shared>> -> memref<10240x64xf32, #tpu.memory_space<vmem_shared>>
      %dma_start3A_2057 = tpu.memref_slice %arg14[%dma_start3A_2046] : memref<2x!tpu.dma_semaphore, #tpu.memory_space<semaphore_mem>> -> memref<1x!tpu.dma_semaphore, #tpu.memory_space<semaphore_mem>>
      %dma_start3A_2058 = tpu.memref_squeeze %dma_start3A_2057 : memref<1x!tpu.dma_semaphore, #tpu.memory_space<semaphore_mem>> -> memref<!tpu.dma_semaphore, #tpu.memory_space<semaphore_mem>>
      tpu.enqueue_indirect_dma source(%dma_start3A_2050 : memref<128x64xf32, #tpu.memory_space<vmem>>) target(%dma_start3A_2056 : memref<10240x64xf32, #tpu.memory_space<vmem_shared>>) offsets(%dma_start3A_2053 : memref<128xi32, #tpu.memory_space<vmem>>) semaphore(%dma_start3A_2058 : memref<!tpu.dma_semaphore, #tpu.memory_space<semaphore_mem>>) {add = true}
      %get3A_2059 = arith.constant 3 : i32
      %get3A_2060 = arith.index_cast %get3A_2059 : i32 to index
      %get3A_2061 = arith.constant 0 : index
      %get3A_2062 = tpu.vector_load %arg7[%get3A_2060, %get3A_2061] {strides = array<i32>} : memref<8x128xi32, #tpu.memory_space<vmem>>, vector<16xi32>,
      tpu.vector_store_idx %arg9[%get3A_2062], %broadcast_in_dim3A_3 {add = true} : memref<10240xf32, #tpu.memory_space<vmem>>[vector<16xi32>], vector<16xf32>,
      %get3A_2063 = arith.constant 3 : i32
      %get3A_2064 = arith.index_cast %get3A_2063 : i32 to index
      %get3A_2065 = arith.constant 16 : index
      %get3A_2066 = tpu.vector_load %arg7[%get3A_2064, %get3A_2065] {strides = array<i32>} : memref<8x128xi32, #tpu.memory_space<vmem>>, vector<16xi32>,
      tpu.vector_store_idx %arg9[%get3A_2066], %broadcast_in_dim3A_3 {add = true} : memref<10240xf32, #tpu.memory_space<vmem>>[vector<16xi32>], vector<16xf32>,
      %get3A_2067 = arith.constant 3 : i32
      %get3A_2068 = arith.index_cast %get3A_2067 : i32 to index
      %get3A_2069 = arith.constant 32 : index
      %get3A_2070 = tpu.vector_load %arg7[%get3A_2068, %get3A_2069] {strides = array<i32>} : memref<8x128xi32, #tpu.memory_space<vmem>>, vector<16xi32>,
      tpu.vector_store_idx %arg9[%get3A_2070], %broadcast_in_dim3A_3 {add = true} : memref<10240xf32, #tpu.memory_space<vmem>>[vector<16xi32>], vector<16xf32>,
      %get3A_2071 = arith.constant 3 : i32
      %get3A_2072 = arith.index_cast %get3A_2071 : i32 to index
      %get3A_2073 = arith.constant 48 : index
      %get3A_2074 = tpu.vector_load %arg7[%get3A_2072, %get3A_2073] {strides = array<i32>} : memref<8x128xi32, #tpu.memory_space<vmem>>, vector<16xi32>,
      tpu.vector_store_idx %arg9[%get3A_2074], %broadcast_in_dim3A_3 {add = true} : memref<10240xf32, #tpu.memory_space<vmem>>[vector<16xi32>], vector<16xf32>,
      %get3A_2075 = arith.constant 3 : i32
      %get3A_2076 = arith.index_cast %get3A_2075 : i32 to index
      %get3A_2077 = arith.constant 64 : index
      %get3A_2078 = tpu.vector_load %arg7[%get3A_2076, %get3A_2077] {strides = array<i32>} : memref<8x128xi32, #tpu.memory_space<vmem>>, vector<16xi32>,
      tpu.vector_store_idx %arg9[%get3A_2078], %broadcast_in_dim3A_3 {add = true} : memref<10240xf32, #tpu.memory_space<vmem>>[vector<16xi32>], vector<16xf32>,
      %get3A_2079 = arith.constant 3 : i32
      %get3A_2080 = arith.index_cast %get3A_2079 : i32 to index
      %get3A_2081 = arith.constant 80 : index
      %get3A_2082 = tpu.vector_load %arg7[%get3A_2080, %get3A_2081] {strides = array<i32>} : memref<8x128xi32, #tpu.memory_space<vmem>>, vector<16xi32>,
      tpu.vector_store_idx %arg9[%get3A_2082], %broadcast_in_dim3A_3 {add = true} : memref<10240xf32, #tpu.memory_space<vmem>>[vector<16xi32>], vector<16xf32>,
      %get3A_2083 = arith.constant 3 : i32
      %get3A_2084 = arith.index_cast %get3A_2083 : i32 to index
      %get3A_2085 = arith.constant 96 : index
      %get3A_2086 = tpu.vector_load %arg7[%get3A_2084, %get3A_2085] {strides = array<i32>} : memref<8x128xi32, #tpu.memory_space<vmem>>, vector<16xi32>,
      tpu.vector_store_idx %arg9[%get3A_2086], %broadcast_in_dim3A_3 {add = true} : memref<10240xf32, #tpu.memory_space<vmem>>[vector<16xi32>], vector<16xf32>,
      %get3A_2087 = arith.constant 3 : i32
      %get3A_2088 = arith.index_cast %get3A_2087 : i32 to index
      %get3A_2089 = arith.constant 112 : index
      %get3A_2090 = tpu.vector_load %arg7[%get3A_2088, %get3A_2089] {strides = array<i32>} : memref<8x128xi32, #tpu.memory_space<vmem>>, vector<16xi32>,
      tpu.vector_store_idx %arg9[%get3A_2090], %broadcast_in_dim3A_3 {add = true} : memref<10240xf32, #tpu.memory_space<vmem>>[vector<16xi32>], vector<16xf32>,
      %mul3A_2091 = arith.constant 4 : i32
      %mul3A_2092 = arith.muli %mul3A_2091, %add3A_1822 : i32
      %add3A_2093 = arith.constant 2 : i32
      %add3A_2094 = arith.addi %mul3A_2092, %add3A_2093 : i32
      %add3A_2095 = arith.constant 1 : i32
      %add3A_2096 = arith.addi %add3A_2094, %add3A_2095 : i32
      %dma_wait3A_2097 = arith.constant 3 : i32
      %dma_wait3A_2098 = arith.constant 6 : i32
      %dma_wait3A_2099 = arith.constant 0 : i32
      %dma_wait3A_2100 = tpu.memref_slice %arg7[%dma_wait3A_2098, %dma_wait3A_2099] : memref<8x128xi32, #tpu.memory_space<vmem>> -> memref<2x128xi32, #tpu.memory_space<vmem>>
      %dma_wait3A_2101 = arith.constant 0 : i32
      %dma_wait3A_2102 = arith.constant 0 : i32
      %dma_wait3A_2103 = tpu.memref_slice %arg2[%add3A, %add3A_2096, %dma_wait3A_2101, %dma_wait3A_2102] : memref<32x80x2x128xi32, #tpu.memory_space<hbm>> -> memref<1x1x2x128xi32, #tpu.memory_space<hbm>>
      %dma_wait3A_2104 = tpu.memref_squeeze %dma_wait3A_2103 : memref<1x1x2x128xi32, #tpu.memory_space<hbm>> -> memref<2x128xi32, #tpu.memory_space<hbm>>
      %dma_wait3A_2105 = tpu.memref_slice %arg12[%dma_wait3A_2097] : memref<4x!tpu.dma_semaphore, #tpu.memory_space<semaphore_mem>> -> memref<1x!tpu.dma_semaphore, #tpu.memory_space<semaphore_mem>>
      %dma_wait3A_2106 = tpu.memref_squeeze %dma_wait3A_2105 : memref<1x!tpu.dma_semaphore, #tpu.memory_space<semaphore_mem>> -> memref<!tpu.dma_semaphore, #tpu.memory_space<semaphore_mem>>
      %dma_wait3A_2107 = arith.constant 6 : i32
      %dma_wait3A_2108 = arith.constant 0 : i32
      %dma_wait3A_2109 = tpu.memref_slice %arg7[%dma_wait3A_2107, %dma_wait3A_2108] : memref<8x128xi32, #tpu.memory_space<vmem>> -> memref<2x128xi32, #tpu.memory_space<vmem>>
      %dma_wait3A_2110 = arith.constant 0 : i32
      %dma_wait3A_2111 = arith.constant 0 : i32
      %dma_wait3A_2112 = tpu.memref_slice %arg2[%add3A, %add3A_2096, %dma_wait3A_2110, %dma_wait3A_2111] : memref<32x80x2x128xi32, #tpu.memory_space<hbm>> -> memref<1x1x2x128xi32, #tpu.memory_space<hbm>>
      %dma_wait3A_2113 = tpu.memref_squeeze %dma_wait3A_2112 : memref<1x1x2x128xi32, #tpu.memory_space<hbm>> -> memref<2x128xi32, #tpu.memory_space<hbm>>
      tpu.wait_dma2 semaphore(%dma_wait3A_2106 : memref<!tpu.dma_semaphore, #tpu.memory_space<semaphore_mem>>) src(%dma_wait3A_2113 : memref<2x128xi32, #tpu.memory_space<hbm>>) dst(%dma_wait3A_2109 : memref<2x128xi32, #tpu.memory_space<vmem>>)
      %dma_wait3A_2114 = arith.constant 1 : i32
      %dma_wait3A_2115 = arith.constant 3 : i32
      %dma_wait3A_2116 = arith.constant 1 : i32
      %dma_wait3A_2117 = arith.constant 0 : i32
      %dma_wait3A_2118 = arith.constant 0 : i32
      %dma_wait3A_2119 = tpu.memref_slice %arg8[%dma_wait3A_2114, %dma_wait3A_2117, %dma_wait3A_2118] : memref<2x128x64xf32, #tpu.memory_space<vmem>> -> memref<1x128x64xf32, #tpu.memory_space<vmem>>
      %dma_wait3A_2120 = tpu.memref_squeeze %dma_wait3A_2119 : memref<1x128x64xf32, #tpu.memory_space<vmem>> -> memref<128x64xf32, #tpu.memory_space<vmem>>
      %dma_wait3A_2121 = arith.constant 0 : i32
      %dma_wait3A_2122 = tpu.memref_slice %arg7[%dma_wait3A_2115, %dma_wait3A_2121] : memref<8x128xi32, #tpu.memory_space<vmem>> -> memref<1x128xi32, #tpu.memory_space<vmem>>
      %dma_wait3A_2123 = tpu.memref_squeeze %dma_wait3A_2122 : memref<1x128xi32, #tpu.memory_space<vmem>> -> memref<128xi32, #tpu.memory_space<vmem>>
      %dma_wait3A_2124 = arith.constant 0 : i32
      %dma_wait3A_2125 = arith.constant 0 : i32
      %dma_wait3A_2126 = tpu.memref_slice %arg11[%dma_wait3A_2124, %dma_wait3A_2125] : memref<10240x64xf32, #tpu.memory_space<vmem_shared>> -> memref<10240x64xf32, #tpu.memory_space<vmem_shared>>
      %dma_wait3A_2127 = tpu.memref_slice %arg14[%dma_wait3A_2116] : memref<2x!tpu.dma_semaphore, #tpu.memory_space<semaphore_mem>> -> memref<1x!tpu.dma_semaphore, #tpu.memory_space<semaphore_mem>>
      %dma_wait3A_2128 = tpu.memref_squeeze %dma_wait3A_2127 : memref<1x!tpu.dma_semaphore, #tpu.memory_space<semaphore_mem>> -> memref<!tpu.dma_semaphore, #tpu.memory_space<semaphore_mem>>
      tpu.wait_indirect_dma semaphore(%dma_wait3A_2128 : memref<!tpu.dma_semaphore, #tpu.memory_space<semaphore_mem>>) src(%dma_wait3A_2120 : memref<128x64xf32, #tpu.memory_space<vmem>>) dst(%dma_wait3A_2126 : memref<10240x64xf32, #tpu.memory_space<vmem_shared>>)
      %dma_start3A_2129 = arith.constant 6 : i32
      %dma_start3A_2130 = arith.constant 1 : i32
      %dma_start3A_2131 = arith.constant 1 : i32
      %dma_start3A_2132 = arith.constant 0 : i32
      %dma_start3A_2133 = arith.constant 0 : i32
      %dma_start3A_2134 = tpu.memref_slice %arg8[%dma_start3A_2130, %dma_start3A_2132, %dma_start3A_2133] : memref<2x128x64xf32, #tpu.memory_space<vmem>> -> memref<1x128x64xf32, #tpu.memory_space<vmem>>
      %dma_start3A_2135 = tpu.memref_squeeze %dma_start3A_2134 : memref<1x128x64xf32, #tpu.memory_space<vmem>> -> memref<128x64xf32, #tpu.memory_space<vmem>>
      %dma_start3A_2136 = arith.constant 0 : i32
      %dma_start3A_2137 = tpu.memref_slice %arg7[%dma_start3A_2129, %dma_start3A_2136] : memref<8x128xi32, #tpu.memory_space<vmem>> -> memref<1x128xi32, #tpu.memory_space<vmem>>
      %dma_start3A_2138 = tpu.memref_squeeze %dma_start3A_2137 : memref<1x128xi32, #tpu.memory_space<vmem>> -> memref<128xi32, #tpu.memory_space<vmem>>
      %dma_start3A_2139 = arith.constant 0 : i32
      %dma_start3A_2140 = arith.constant 0 : i32
      %dma_start3A_2141 = tpu.memref_slice %arg10[%dma_start3A_2139, %dma_start3A_2140] : memref<10240x64xf32, #tpu.memory_space<vmem_shared>> -> memref<10240x64xf32, #tpu.memory_space<vmem_shared>>
      %dma_start3A_2142 = tpu.memref_slice %arg13[%dma_start3A_2131] : memref<2x!tpu.dma_semaphore, #tpu.memory_space<semaphore_mem>> -> memref<1x!tpu.dma_semaphore, #tpu.memory_space<semaphore_mem>>
      %dma_start3A_2143 = tpu.memref_squeeze %dma_start3A_2142 : memref<1x!tpu.dma_semaphore, #tpu.memory_space<semaphore_mem>> -> memref<!tpu.dma_semaphore, #tpu.memory_space<semaphore_mem>>
      tpu.enqueue_indirect_dma source(%dma_start3A_2141 : memref<10240x64xf32, #tpu.memory_space<vmem_shared>>) target(%dma_start3A_2135 : memref<128x64xf32, #tpu.memory_space<vmem>>) offsets(%dma_start3A_2138 : memref<128xi32, #tpu.memory_space<vmem>>) semaphore(%dma_start3A_2143 : memref<!tpu.dma_semaphore, #tpu.memory_space<semaphore_mem>>)
      %add3A_2144 = arith.constant 3 : i32
      %add3A_2145 = arith.addi %add3A_2094, %add3A_2144 : i32
      %dma_start3A_2146 = arith.constant 1 : i32
      %dma_start3A_2147 = arith.constant 2 : i32
      %dma_start3A_2148 = arith.constant 0 : i32
      %dma_start3A_2149 = tpu.memref_slice %arg7[%dma_start3A_2147, %dma_start3A_2148] : memref<8x128xi32, #tpu.memory_space<vmem>> -> memref<2x128xi32, #tpu.memory_space<vmem>>
      %dma_start3A_2150 = arith.constant 0 : i32
      %dma_start3A_2151 = arith.constant 0 : i32
      %dma_start3A_2152 = tpu.memref_slice %arg2[%add3A, %add3A_2145, %dma_start3A_2150, %dma_start3A_2151] : memref<32x80x2x128xi32, #tpu.memory_space<hbm>> -> memref<1x1x2x128xi32, #tpu.memory_space<hbm>>
      %dma_start3A_2153 = tpu.memref_squeeze %dma_start3A_2152 : memref<1x1x2x128xi32, #tpu.memory_space<hbm>> -> memref<2x128xi32, #tpu.memory_space<hbm>>
      %dma_start3A_2154 = tpu.memref_slice %arg12[%dma_start3A_2146] : memref<4x!tpu.dma_semaphore, #tpu.memory_space<semaphore_mem>> -> memref<1x!tpu.dma_semaphore, #tpu.memory_space<semaphore_mem>>
      %dma_start3A_2155 = tpu.memref_squeeze %dma_start3A_2154 : memref<1x!tpu.dma_semaphore, #tpu.memory_space<semaphore_mem>> -> memref<!tpu.dma_semaphore, #tpu.memory_space<semaphore_mem>>
      %dma_start3A_2156 = arith.constant 2 : i32
      %dma_start3A_2157 = arith.constant 0 : i32
      %dma_start3A_2158 = tpu.memref_slice %arg7[%dma_start3A_2156, %dma_start3A_2157] : memref<8x128xi32, #tpu.memory_space<vmem>> -> memref<2x128xi32, #tpu.memory_space<vmem>>
      %dma_start3A_2159 = arith.constant 0 : i32
      %dma_start3A_2160 = arith.constant 0 : i32
      %dma_start3A_2161 = tpu.memref_slice %arg2[%add3A, %add3A_2145, %dma_start3A_2159, %dma_start3A_2160] : memref<32x80x2x128xi32, #tpu.memory_space<hbm>> -> memref<1x1x2x128xi32, #tpu.memory_space<hbm>>
      %dma_start3A_2162 = tpu.memref_squeeze %dma_start3A_2161 : memref<1x1x2x128xi32, #tpu.memory_space<hbm>> -> memref<2x128xi32, #tpu.memory_space<hbm>>
      tpu.enqueue_dma source(%dma_start3A_2162 : memref<2x128xi32, #tpu.memory_space<hbm>>) target(%dma_start3A_2158 : memref<2x128xi32, #tpu.memory_space<vmem>>) target_semaphore(%dma_start3A_2155 : memref<!tpu.dma_semaphore, #tpu.memory_space<semaphore_mem>>)
      %dma_wait3A_2163 = arith.constant 4 : i32
      %dma_wait3A_2164 = arith.constant 0 : i32
      %dma_wait3A_2165 = arith.constant 0 : i32
      %dma_wait3A_2166 = arith.constant 0 : i32
      %dma_wait3A_2167 = arith.constant 0 : i32
      %dma_wait3A_2168 = tpu.memref_slice %arg8[%dma_wait3A_2164, %dma_wait3A_2166, %dma_wait3A_2167] : memref<2x128x64xf32, #tpu.memory_space<vmem>> -> memref<1x128x64xf32, #tpu.memory_space<vmem>>
      %dma_wait3A_2169 = tpu.memref_squeeze %dma_wait3A_2168 : memref<1x128x64xf32, #tpu.memory_space<vmem>> -> memref<128x64xf32, #tpu.memory_space<vmem>>
      %dma_wait3A_2170 = arith.constant 0 : i32
      %dma_wait3A_2171 = tpu.memref_slice %arg7[%dma_wait3A_2163, %dma_wait3A_2170] : memref<8x128xi32, #tpu.memory_space<vmem>> -> memref<1x128xi32, #tpu.memory_space<vmem>>
      %dma_wait3A_2172 = tpu.memref_squeeze %dma_wait3A_2171 : memref<1x128xi32, #tpu.memory_space<vmem>> -> memref<128xi32, #tpu.memory_space<vmem>>
      %dma_wait3A_2173 = arith.constant 0 : i32
      %dma_wait3A_2174 = arith.constant 0 : i32
      %dma_wait3A_2175 = tpu.memref_slice %arg10[%dma_wait3A_2173, %dma_wait3A_2174] : memref<10240x64xf32, #tpu.memory_space<vmem_shared>> -> memref<10240x64xf32, #tpu.memory_space<vmem_shared>>
      %dma_wait3A_2176 = tpu.memref_slice %arg13[%dma_wait3A_2165] : memref<2x!tpu.dma_semaphore, #tpu.memory_space<semaphore_mem>> -> memref<1x!tpu.dma_semaphore, #tpu.memory_space<semaphore_mem>>
      %dma_wait3A_2177 = tpu.memref_squeeze %dma_wait3A_2176 : memref<1x!tpu.dma_semaphore, #tpu.memory_space<semaphore_mem>> -> memref<!tpu.dma_semaphore, #tpu.memory_space<semaphore_mem>>
      tpu.wait_indirect_dma semaphore(%dma_wait3A_2177 : memref<!tpu.dma_semaphore, #tpu.memory_space<semaphore_mem>>) src(%dma_wait3A_2175 : memref<10240x64xf32, #tpu.memory_space<vmem_shared>>) dst(%dma_wait3A_2169 : memref<128x64xf32, #tpu.memory_space<vmem>>)
      %dma_start3A_2178 = arith.constant 0 : i32
      %dma_start3A_2179 = arith.constant 5 : i32
      %dma_start3A_2180 = arith.constant 0 : i32
      %dma_start3A_2181 = arith.constant 0 : i32
      %dma_start3A_2182 = arith.constant 0 : i32
      %dma_start3A_2183 = tpu.memref_slice %arg8[%dma_start3A_2178, %dma_start3A_2181, %dma_start3A_2182] : memref<2x128x64xf32, #tpu.memory_space<vmem>> -> memref<1x128x64xf32, #tpu.memory_space<vmem>>
      %dma_start3A_2184 = tpu.memref_squeeze %dma_start3A_2183 : memref<1x128x64xf32, #tpu.memory_space<vmem>> -> memref<128x64xf32, #tpu.memory_space<vmem>>
      %dma_start3A_2185 = arith.constant 0 : i32
      %dma_start3A_2186 = tpu.memref_slice %arg7[%dma_start3A_2179, %dma_start3A_2185] : memref<8x128xi32, #tpu.memory_space<vmem>> -> memref<1x128xi32, #tpu.memory_space<vmem>>
      %dma_start3A_2187 = tpu.memref_squeeze %dma_start3A_2186 : memref<1x128xi32, #tpu.memory_space<vmem>> -> memref<128xi32, #tpu.memory_space<vmem>>
      %dma_start3A_2188 = arith.constant 0 : i32
      %dma_start3A_2189 = arith.constant 0 : i32
      %dma_start3A_2190 = tpu.memref_slice %arg11[%dma_start3A_2188, %dma_start3A_2189] : memref<10240x64xf32, #tpu.memory_space<vmem_shared>> -> memref<10240x64xf32, #tpu.memory_space<vmem_shared>>
      %dma_start3A_2191 = tpu.memref_slice %arg14[%dma_start3A_2180] : memref<2x!tpu.dma_semaphore, #tpu.memory_space<semaphore_mem>> -> memref<1x!tpu.dma_semaphore, #tpu.memory_space<semaphore_mem>>
      %dma_start3A_2192 = tpu.memref_squeeze %dma_start3A_2191 : memref<1x!tpu.dma_semaphore, #tpu.memory_space<semaphore_mem>> -> memref<!tpu.dma_semaphore, #tpu.memory_space<semaphore_mem>>
      tpu.enqueue_indirect_dma source(%dma_start3A_2184 : memref<128x64xf32, #tpu.memory_space<vmem>>) target(%dma_start3A_2190 : memref<10240x64xf32, #tpu.memory_space<vmem_shared>>) offsets(%dma_start3A_2187 : memref<128xi32, #tpu.memory_space<vmem>>) semaphore(%dma_start3A_2192 : memref<!tpu.dma_semaphore, #tpu.memory_space<semaphore_mem>>) {add = true}
      %get3A_2193 = arith.constant 5 : i32
      %get3A_2194 = arith.index_cast %get3A_2193 : i32 to index
      %get3A_2195 = arith.constant 0 : index
      %get3A_2196 = tpu.vector_load %arg7[%get3A_2194, %get3A_2195] {strides = array<i32>} : memref<8x128xi32, #tpu.memory_space<vmem>>, vector<16xi32>,
      tpu.vector_store_idx %arg9[%get3A_2196], %broadcast_in_dim3A_3 {add = true} : memref<10240xf32, #tpu.memory_space<vmem>>[vector<16xi32>], vector<16xf32>,
      %get3A_2197 = arith.constant 5 : i32
      %get3A_2198 = arith.index_cast %get3A_2197 : i32 to index
      %get3A_2199 = arith.constant 16 : index
      %get3A_2200 = tpu.vector_load %arg7[%get3A_2198, %get3A_2199] {strides = array<i32>} : memref<8x128xi32, #tpu.memory_space<vmem>>, vector<16xi32>,
      tpu.vector_store_idx %arg9[%get3A_2200], %broadcast_in_dim3A_3 {add = true} : memref<10240xf32, #tpu.memory_space<vmem>>[vector<16xi32>], vector<16xf32>,
      %get3A_2201 = arith.constant 5 : i32
      %get3A_2202 = arith.index_cast %get3A_2201 : i32 to index
      %get3A_2203 = arith.constant 32 : index
      %get3A_2204 = tpu.vector_load %arg7[%get3A_2202, %get3A_2203] {strides = array<i32>} : memref<8x128xi32, #tpu.memory_space<vmem>>, vector<16xi32>,
      tpu.vector_store_idx %arg9[%get3A_2204], %broadcast_in_dim3A_3 {add = true} : memref<10240xf32, #tpu.memory_space<vmem>>[vector<16xi32>], vector<16xf32>,
      %get3A_2205 = arith.constant 5 : i32
      %get3A_2206 = arith.index_cast %get3A_2205 : i32 to index
      %get3A_2207 = arith.constant 48 : index
      %get3A_2208 = tpu.vector_load %arg7[%get3A_2206, %get3A_2207] {strides = array<i32>} : memref<8x128xi32, #tpu.memory_space<vmem>>, vector<16xi32>,
      tpu.vector_store_idx %arg9[%get3A_2208], %broadcast_in_dim3A_3 {add = true} : memref<10240xf32, #tpu.memory_space<vmem>>[vector<16xi32>], vector<16xf32>,
      %get3A_2209 = arith.constant 5 : i32
      %get3A_2210 = arith.index_cast %get3A_2209 : i32 to index
      %get3A_2211 = arith.constant 64 : index
      %get3A_2212 = tpu.vector_load %arg7[%get3A_2210, %get3A_2211] {strides = array<i32>} : memref<8x128xi32, #tpu.memory_space<vmem>>, vector<16xi32>,
      tpu.vector_store_idx %arg9[%get3A_2212], %broadcast_in_dim3A_3 {add = true} : memref<10240xf32, #tpu.memory_space<vmem>>[vector<16xi32>], vector<16xf32>,
      %get3A_2213 = arith.constant 5 : i32
      %get3A_2214 = arith.index_cast %get3A_2213 : i32 to index
      %get3A_2215 = arith.constant 80 : index
      %get3A_2216 = tpu.vector_load %arg7[%get3A_2214, %get3A_2215] {strides = array<i32>} : memref<8x128xi32, #tpu.memory_space<vmem>>, vector<16xi32>,
      tpu.vector_store_idx %arg9[%get3A_2216], %broadcast_in_dim3A_3 {add = true} : memref<10240xf32, #tpu.memory_space<vmem>>[vector<16xi32>], vector<16xf32>,
      %get3A_2217 = arith.constant 5 : i32
      %get3A_2218 = arith.index_cast %get3A_2217 : i32 to index
      %get3A_2219 = arith.constant 96 : index
      %get3A_2220 = tpu.vector_load %arg7[%get3A_2218, %get3A_2219] {strides = array<i32>} : memref<8x128xi32, #tpu.memory_space<vmem>>, vector<16xi32>,
      tpu.vector_store_idx %arg9[%get3A_2220], %broadcast_in_dim3A_3 {add = true} : memref<10240xf32, #tpu.memory_space<vmem>>[vector<16xi32>], vector<16xf32>,
      %get3A_2221 = arith.constant 5 : i32
      %get3A_2222 = arith.index_cast %get3A_2221 : i32 to index
      %get3A_2223 = arith.constant 112 : index
      %get3A_2224 = tpu.vector_load %arg7[%get3A_2222, %get3A_2223] {strides = array<i32>} : memref<8x128xi32, #tpu.memory_space<vmem>>, vector<16xi32>,
      tpu.vector_store_idx %arg9[%get3A_2224], %broadcast_in_dim3A_3 {add = true} : memref<10240xf32, #tpu.memory_space<vmem>>[vector<16xi32>], vector<16xf32>,
      %mul3A_2225 = arith.constant 4 : i32
      %mul3A_2226 = arith.muli %mul3A_2225, %add3A_1822 : i32
      %add3A_2227 = arith.constant 3 : i32
      %add3A_2228 = arith.addi %mul3A_2226, %add3A_2227 : i32
      %add3A_2229 = arith.constant 1 : i32
      %add3A_2230 = arith.addi %add3A_2228, %add3A_2229 : i32
      %dma_wait3A_2231 = arith.constant 0 : i32
      %dma_wait3A_2232 = arith.constant 0 : i32
      %dma_wait3A_2233 = arith.constant 0 : i32
      %dma_wait3A_2234 = tpu.memref_slice %arg7[%dma_wait3A_2232, %dma_wait3A_2233] : memref<8x128xi32, #tpu.memory_space<vmem>> -> memref<2x128xi32, #tpu.memory_space<vmem>>
      %dma_wait3A_2235 = arith.constant 0 : i32
      %dma_wait3A_2236 = arith.constant 0 : i32
      %dma_wait3A_2237 = tpu.memref_slice %arg2[%add3A, %add3A_2230, %dma_wait3A_2235, %dma_wait3A_2236] : memref<32x80x2x128xi32, #tpu.memory_space<hbm>> -> memref<1x1x2x128xi32, #tpu.memory_space<hbm>>
      %dma_wait3A_2238 = tpu.memref_squeeze %dma_wait3A_2237 : memref<1x1x2x128xi32, #tpu.memory_space<hbm>> -> memref<2x128xi32, #tpu.memory_space<hbm>>
      %dma_wait3A_2239 = tpu.memref_slice %arg12[%dma_wait3A_2231] : memref<4x!tpu.dma_semaphore, #tpu.memory_space<semaphore_mem>> -> memref<1x!tpu.dma_semaphore, #tpu.memory_space<semaphore_mem>>
      %dma_wait3A_2240 = tpu.memref_squeeze %dma_wait3A_2239 : memref<1x!tpu.dma_semaphore, #tpu.memory_space<semaphore_mem>> -> memref<!tpu.dma_semaphore, #tpu.memory_space<semaphore_mem>>
      %dma_wait3A_2241 = arith.constant 0 : i32
      %dma_wait3A_2242 = arith.constant 0 : i32
      %dma_wait3A_2243 = tpu.memref_slice %arg7[%dma_wait3A_2241, %dma_wait3A_2242] : memref<8x128xi32, #tpu.memory_space<vmem>> -> memref<2x128xi32, #tpu.memory_space<vmem>>
      %dma_wait3A_2244 = arith.constant 0 : i32
      %dma_wait3A_2245 = arith.constant 0 : i32
      %dma_wait3A_2246 = tpu.memref_slice %arg2[%add3A, %add3A_2230, %dma_wait3A_2244, %dma_wait3A_2245] : memref<32x80x2x128xi32, #tpu.memory_space<hbm>> -> memref<1x1x2x128xi32, #tpu.memory_space<hbm>>
      %dma_wait3A_2247 = tpu.memref_squeeze %dma_wait3A_2246 : memref<1x1x2x128xi32, #tpu.memory_space<hbm>> -> memref<2x128xi32, #tpu.memory_space<hbm>>
      tpu.wait_dma2 semaphore(%dma_wait3A_2240 : memref<!tpu.dma_semaphore, #tpu.memory_space<semaphore_mem>>) src(%dma_wait3A_2247 : memref<2x128xi32, #tpu.memory_space<hbm>>) dst(%dma_wait3A_2243 : memref<2x128xi32, #tpu.memory_space<vmem>>)
      %dma_wait3A_2248 = arith.constant 0 : i32
      %dma_wait3A_2249 = arith.constant 5 : i32
      %dma_wait3A_2250 = arith.constant 0 : i32
      %dma_wait3A_2251 = arith.constant 0 : i32
      %dma_wait3A_2252 = arith.constant 0 : i32
      %dma_wait3A_2253 = tpu.memref_slice %arg8[%dma_wait3A_2248, %dma_wait3A_2251, %dma_wait3A_2252] : memref<2x128x64xf32, #tpu.memory_space<vmem>> -> memref<1x128x64xf32, #tpu.memory_space<vmem>>
      %dma_wait3A_2254 = tpu.memref_squeeze %dma_wait3A_2253 : memref<1x128x64xf32, #tpu.memory_space<vmem>> -> memref<128x64xf32, #tpu.memory_space<vmem>>
      %dma_wait3A_2255 = arith.constant 0 : i32
      %dma_wait3A_2256 = tpu.memref_slice %arg7[%dma_wait3A_2249, %dma_wait3A_2255] : memref<8x128xi32, #tpu.memory_space<vmem>> -> memref<1x128xi32, #tpu.memory_space<vmem>>
      %dma_wait3A_2257 = tpu.memref_squeeze %dma_wait3A_2256 : memref<1x128xi32, #tpu.memory_space<vmem>> -> memref<128xi32, #tpu.memory_space<vmem>>
      %dma_wait3A_2258 = arith.constant 0 : i32
      %dma_wait3A_2259 = arith.constant 0 : i32
      %dma_wait3A_2260 = tpu.memref_slice %arg11[%dma_wait3A_2258, %dma_wait3A_2259] : memref<10240x64xf32, #tpu.memory_space<vmem_shared>> -> memref<10240x64xf32, #tpu.memory_space<vmem_shared>>
      %dma_wait3A_2261 = tpu.memref_slice %arg14[%dma_wait3A_2250] : memref<2x!tpu.dma_semaphore, #tpu.memory_space<semaphore_mem>> -> memref<1x!tpu.dma_semaphore, #tpu.memory_space<semaphore_mem>>
      %dma_wait3A_2262 = tpu.memref_squeeze %dma_wait3A_2261 : memref<1x!tpu.dma_semaphore, #tpu.memory_space<semaphore_mem>> -> memref<!tpu.dma_semaphore, #tpu.memory_space<semaphore_mem>>
      tpu.wait_indirect_dma semaphore(%dma_wait3A_2262 : memref<!tpu.dma_semaphore, #tpu.memory_space<semaphore_mem>>) src(%dma_wait3A_2254 : memref<128x64xf32, #tpu.memory_space<vmem>>) dst(%dma_wait3A_2260 : memref<10240x64xf32, #tpu.memory_space<vmem_shared>>)
      %dma_start3A_2263 = arith.constant 0 : i32
      %dma_start3A_2264 = arith.constant 0 : i32
      %dma_start3A_2265 = arith.constant 0 : i32
      %dma_start3A_2266 = arith.constant 0 : i32
      %dma_start3A_2267 = arith.constant 0 : i32
      %dma_start3A_2268 = tpu.memref_slice %arg8[%dma_start3A_2264, %dma_start3A_2266, %dma_start3A_2267] : memref<2x128x64xf32, #tpu.memory_space<vmem>> -> memref<1x128x64xf32, #tpu.memory_space<vmem>>
      %dma_start3A_2269 = tpu.memref_squeeze %dma_start3A_2268 : memref<1x128x64xf32, #tpu.memory_space<vmem>> -> memref<128x64xf32, #tpu.memory_space<vmem>>
      %dma_start3A_2270 = arith.constant 0 : i32
      %dma_start3A_2271 = tpu.memref_slice %arg7[%dma_start3A_2263, %dma_start3A_2270] : memref<8x128xi32, #tpu.memory_space<vmem>> -> memref<1x128xi32, #tpu.memory_space<vmem>>
      %dma_start3A_2272 = tpu.memref_squeeze %dma_start3A_2271 : memref<1x128xi32, #tpu.memory_space<vmem>> -> memref<128xi32, #tpu.memory_space<vmem>>
      %dma_start3A_2273 = arith.constant 0 : i32
      %dma_start3A_2274 = arith.constant 0 : i32
      %dma_start3A_2275 = tpu.memref_slice %arg10[%dma_start3A_2273, %dma_start3A_2274] : memref<10240x64xf32, #tpu.memory_space<vmem_shared>> -> memref<10240x64xf32, #tpu.memory_space<vmem_shared>>
      %dma_start3A_2276 = tpu.memref_slice %arg13[%dma_start3A_2265] : memref<2x!tpu.dma_semaphore, #tpu.memory_space<semaphore_mem>> -> memref<1x!tpu.dma_semaphore, #tpu.memory_space<semaphore_mem>>
      %dma_start3A_2277 = tpu.memref_squeeze %dma_start3A_2276 : memref<1x!tpu.dma_semaphore, #tpu.memory_space<semaphore_mem>> -> memref<!tpu.dma_semaphore, #tpu.memory_space<semaphore_mem>>
      tpu.enqueue_indirect_dma source(%dma_start3A_2275 : memref<10240x64xf32, #tpu.memory_space<vmem_shared>>) target(%dma_start3A_2269 : memref<128x64xf32, #tpu.memory_space<vmem>>) offsets(%dma_start3A_2272 : memref<128xi32, #tpu.memory_space<vmem>>) semaphore(%dma_start3A_2277 : memref<!tpu.dma_semaphore, #tpu.memory_space<semaphore_mem>>)
      %add3A_2278 = arith.constant 3 : i32
      %add3A_2279 = arith.addi %add3A_2228, %add3A_2278 : i32
      %dma_start3A_2280 = arith.constant 2 : i32
      %dma_start3A_2281 = arith.constant 4 : i32
      %dma_start3A_2282 = arith.constant 0 : i32
      %dma_start3A_2283 = tpu.memref_slice %arg7[%dma_start3A_2281, %dma_start3A_2282] : memref<8x128xi32, #tpu.memory_space<vmem>> -> memref<2x128xi32, #tpu.memory_space<vmem>>
      %dma_start3A_2284 = arith.constant 0 : i32
      %dma_start3A_2285 = arith.constant 0 : i32
      %dma_start3A_2286 = tpu.memref_slice %arg2[%add3A, %add3A_2279, %dma_start3A_2284, %dma_start3A_2285] : memref<32x80x2x128xi32, #tpu.memory_space<hbm>> -> memref<1x1x2x128xi32, #tpu.memory_space<hbm>>
      %dma_start3A_2287 = tpu.memref_squeeze %dma_start3A_2286 : memref<1x1x2x128xi32, #tpu.memory_space<hbm>> -> memref<2x128xi32, #tpu.memory_space<hbm>>
      %dma_start3A_2288 = tpu.memref_slice %arg12[%dma_start3A_2280] : memref<4x!tpu.dma_semaphore, #tpu.memory_space<semaphore_mem>> -> memref<1x!tpu.dma_semaphore, #tpu.memory_space<semaphore_mem>>
      %dma_start3A_2289 = tpu.memref_squeeze %dma_start3A_2288 : memref<1x!tpu.dma_semaphore, #tpu.memory_space<semaphore_mem>> -> memref<!tpu.dma_semaphore, #tpu.memory_space<semaphore_mem>>
      %dma_start3A_2290 = arith.constant 4 : i32
      %dma_start3A_2291 = arith.constant 0 : i32
      %dma_start3A_2292 = tpu.memref_slice %arg7[%dma_start3A_2290, %dma_start3A_2291] : memref<8x128xi32, #tpu.memory_space<vmem>> -> memref<2x128xi32, #tpu.memory_space<vmem>>
      %dma_start3A_2293 = arith.constant 0 : i32
      %dma_start3A_2294 = arith.constant 0 : i32
      %dma_start3A_2295 = tpu.memref_slice %arg2[%add3A, %add3A_2279, %dma_start3A_2293, %dma_start3A_2294] : memref<32x80x2x128xi32, #tpu.memory_space<hbm>> -> memref<1x1x2x128xi32, #tpu.memory_space<hbm>>
      %dma_start3A_2296 = tpu.memref_squeeze %dma_start3A_2295 : memref<1x1x2x128xi32, #tpu.memory_space<hbm>> -> memref<2x128xi32, #tpu.memory_space<hbm>>
      tpu.enqueue_dma source(%dma_start3A_2296 : memref<2x128xi32, #tpu.memory_space<hbm>>) target(%dma_start3A_2292 : memref<2x128xi32, #tpu.memory_space<vmem>>) target_semaphore(%dma_start3A_2289 : memref<!tpu.dma_semaphore, #tpu.memory_space<semaphore_mem>>)
      %dma_wait3A_2297 = arith.constant 6 : i32
      %dma_wait3A_2298 = arith.constant 1 : i32
      %dma_wait3A_2299 = arith.constant 1 : i32
      %dma_wait3A_2300 = arith.constant 0 : i32
      %dma_wait3A_2301 = arith.constant 0 : i32
      %dma_wait3A_2302 = tpu.memref_slice %arg8[%dma_wait3A_2298, %dma_wait3A_2300, %dma_wait3A_2301] : memref<2x128x64xf32, #tpu.memory_space<vmem>> -> memref<1x128x64xf32, #tpu.memory_space<vmem>>
      %dma_wait3A_2303 = tpu.memref_squeeze %dma_wait3A_2302 : memref<1x128x64xf32, #tpu.memory_space<vmem>> -> memref<128x64xf32, #tpu.memory_space<vmem>>
      %dma_wait3A_2304 = arith.constant 0 : i32
      %dma_wait3A_2305 = tpu.memref_slice %arg7[%dma_wait3A_2297, %dma_wait3A_2304] : memref<8x128xi32, #tpu.memory_space<vmem>> -> memref<1x128xi32, #tpu.memory_space<vmem>>
      %dma_wait3A_2306 = tpu.memref_squeeze %dma_wait3A_2305 : memref<1x128xi32, #tpu.memory_space<vmem>> -> memref<128xi32, #tpu.memory_space<vmem>>
      %dma_wait3A_2307 = arith.constant 0 : i32
      %dma_wait3A_2308 = arith.constant 0 : i32
      %dma_wait3A_2309 = tpu.memref_slice %arg10[%dma_wait3A_2307, %dma_wait3A_2308] : memref<10240x64xf32, #tpu.memory_space<vmem_shared>> -> memref<10240x64xf32, #tpu.memory_space<vmem_shared>>
      %dma_wait3A_2310 = tpu.memref_slice %arg13[%dma_wait3A_2299] : memref<2x!tpu.dma_semaphore, #tpu.memory_space<semaphore_mem>> -> memref<1x!tpu.dma_semaphore, #tpu.memory_space<semaphore_mem>>
      %dma_wait3A_2311 = tpu.memref_squeeze %dma_wait3A_2310 : memref<1x!tpu.dma_semaphore, #tpu.memory_space<semaphore_mem>> -> memref<!tpu.dma_semaphore, #tpu.memory_space<semaphore_mem>>
      tpu.wait_indirect_dma semaphore(%dma_wait3A_2311 : memref<!tpu.dma_semaphore, #tpu.memory_space<semaphore_mem>>) src(%dma_wait3A_2309 : memref<10240x64xf32, #tpu.memory_space<vmem_shared>>) dst(%dma_wait3A_2303 : memref<128x64xf32, #tpu.memory_space<vmem>>)
      %dma_start3A_2312 = arith.constant 1 : i32
      %dma_start3A_2313 = arith.constant 7 : i32
      %dma_start3A_2314 = arith.constant 1 : i32
      %dma_start3A_2315 = arith.constant 0 : i32
      %dma_start3A_2316 = arith.constant 0 : i32
      %dma_start3A_2317 = tpu.memref_slice %arg8[%dma_start3A_2312, %dma_start3A_2315, %dma_start3A_2316] : memref<2x128x64xf32, #tpu.memory_space<vmem>> -> memref<1x128x64xf32, #tpu.memory_space<vmem>>
      %dma_start3A_2318 = tpu.memref_squeeze %dma_start3A_2317 : memref<1x128x64xf32, #tpu.memory_space<vmem>> -> memref<128x64xf32, #tpu.memory_space<vmem>>
      %dma_start3A_2319 = arith.constant 0 : i32
      %dma_start3A_2320 = tpu.memref_slice %arg7[%dma_start3A_2313, %dma_start3A_2319] : memref<8x128xi32, #tpu.memory_space<vmem>> -> memref<1x128xi32, #tpu.memory_space<vmem>>
      %dma_start3A_2321 = tpu.memref_squeeze %dma_start3A_2320 : memref<1x128xi32, #tpu.memory_space<vmem>> -> memref<128xi32, #tpu.memory_space<vmem>>
      %dma_start3A_2322 = arith.constant 0 : i32
      %dma_start3A_2323 = arith.constant 0 : i32
      %dma_start3A_2324 = tpu.memref_slice %arg11[%dma_start3A_2322, %dma_start3A_2323] : memref<10240x64xf32, #tpu.memory_space<vmem_shared>> -> memref<10240x64xf32, #tpu.memory_space<vmem_shared>>
      %dma_start3A_2325 = tpu.memref_slice %arg14[%dma_start3A_2314] : memref<2x!tpu.dma_semaphore, #tpu.memory_space<semaphore_mem>> -> memref<1x!tpu.dma_semaphore, #tpu.memory_space<semaphore_mem>>
      %dma_start3A_2326 = tpu.memref_squeeze %dma_start3A_2325 : memref<1x!tpu.dma_semaphore, #tpu.memory_space<semaphore_mem>> -> memref<!tpu.dma_semaphore, #tpu.memory_space<semaphore_mem>>
      tpu.enqueue_indirect_dma source(%dma_start3A_2318 : memref<128x64xf32, #tpu.memory_space<vmem>>) target(%dma_start3A_2324 : memref<10240x64xf32, #tpu.memory_space<vmem_shared>>) offsets(%dma_start3A_2321 : memref<128xi32, #tpu.memory_space<vmem>>) semaphore(%dma_start3A_2326 : memref<!tpu.dma_semaphore, #tpu.memory_space<semaphore_mem>>) {add = true}
      %get3A_2327 = arith.constant 7 : i32
      %get3A_2328 = arith.index_cast %get3A_2327 : i32 to index
      %get3A_2329 = arith.constant 0 : index
      %get3A_2330 = tpu.vector_load %arg7[%get3A_2328, %get3A_2329] {strides = array<i32>} : memref<8x128xi32, #tpu.memory_space<vmem>>, vector<16xi32>,
      tpu.vector_store_idx %arg9[%get3A_2330], %broadcast_in_dim3A_3 {add = true} : memref<10240xf32, #tpu.memory_space<vmem>>[vector<16xi32>], vector<16xf32>,
      %get3A_2331 = arith.constant 7 : i32
      %get3A_2332 = arith.index_cast %get3A_2331 : i32 to index
      %get3A_2333 = arith.constant 16 : index
      %get3A_2334 = tpu.vector_load %arg7[%get3A_2332, %get3A_2333] {strides = array<i32>} : memref<8x128xi32, #tpu.memory_space<vmem>>, vector<16xi32>,
      tpu.vector_store_idx %arg9[%get3A_2334], %broadcast_in_dim3A_3 {add = true} : memref<10240xf32, #tpu.memory_space<vmem>>[vector<16xi32>], vector<16xf32>,
      %get3A_2335 = arith.constant 7 : i32
      %get3A_2336 = arith.index_cast %get3A_2335 : i32 to index
      %get3A_2337 = arith.constant 32 : index
      %get3A_2338 = tpu.vector_load %arg7[%get3A_2336, %get3A_2337] {strides = array<i32>} : memref<8x128xi32, #tpu.memory_space<vmem>>, vector<16xi32>,
      tpu.vector_store_idx %arg9[%get3A_2338], %broadcast_in_dim3A_3 {add = true} : memref<10240xf32, #tpu.memory_space<vmem>>[vector<16xi32>], vector<16xf32>,
      %get3A_2339 = arith.constant 7 : i32
      %get3A_2340 = arith.index_cast %get3A_2339 : i32 to index
      %get3A_2341 = arith.constant 48 : index
      %get3A_2342 = tpu.vector_load %arg7[%get3A_2340, %get3A_2341] {strides = array<i32>} : memref<8x128xi32, #tpu.memory_space<vmem>>, vector<16xi32>,
      tpu.vector_store_idx %arg9[%get3A_2342], %broadcast_in_dim3A_3 {add = true} : memref<10240xf32, #tpu.memory_space<vmem>>[vector<16xi32>], vector<16xf32>,
      %get3A_2343 = arith.constant 7 : i32
      %get3A_2344 = arith.index_cast %get3A_2343 : i32 to index
      %get3A_2345 = arith.constant 64 : index
      %get3A_2346 = tpu.vector_load %arg7[%get3A_2344, %get3A_2345] {strides = array<i32>} : memref<8x128xi32, #tpu.memory_space<vmem>>, vector<16xi32>,
      tpu.vector_store_idx %arg9[%get3A_2346], %broadcast_in_dim3A_3 {add = true} : memref<10240xf32, #tpu.memory_space<vmem>>[vector<16xi32>], vector<16xf32>,
      %get3A_2347 = arith.constant 7 : i32
      %get3A_2348 = arith.index_cast %get3A_2347 : i32 to index
      %get3A_2349 = arith.constant 80 : index
      %get3A_2350 = tpu.vector_load %arg7[%get3A_2348, %get3A_2349] {strides = array<i32>} : memref<8x128xi32, #tpu.memory_space<vmem>>, vector<16xi32>,
      tpu.vector_store_idx %arg9[%get3A_2350], %broadcast_in_dim3A_3 {add = true} : memref<10240xf32, #tpu.memory_space<vmem>>[vector<16xi32>], vector<16xf32>,
      %get3A_2351 = arith.constant 7 : i32
      %get3A_2352 = arith.index_cast %get3A_2351 : i32 to index
      %get3A_2353 = arith.constant 96 : index
      %get3A_2354 = tpu.vector_load %arg7[%get3A_2352, %get3A_2353] {strides = array<i32>} : memref<8x128xi32, #tpu.memory_space<vmem>>, vector<16xi32>,
      tpu.vector_store_idx %arg9[%get3A_2354], %broadcast_in_dim3A_3 {add = true} : memref<10240xf32, #tpu.memory_space<vmem>>[vector<16xi32>], vector<16xf32>,
      %get3A_2355 = arith.constant 7 : i32
      %get3A_2356 = arith.index_cast %get3A_2355 : i32 to index
      %get3A_2357 = arith.constant 112 : index
      %get3A_2358 = tpu.vector_load %arg7[%get3A_2356, %get3A_2357] {strides = array<i32>} : memref<8x128xi32, #tpu.memory_space<vmem>>, vector<16xi32>,
      tpu.vector_store_idx %arg9[%get3A_2358], %broadcast_in_dim3A_3 {add = true} : memref<10240xf32, #tpu.memory_space<vmem>>[vector<16xi32>], vector<16xf32>,
    }
    %scan3A_596 = arith.constant 18 : i32
    %dma_wait3A_597 = arith.constant 77 : i32
    %dma_wait3A_598 = arith.constant 1 : i32
    %dma_wait3A_599 = arith.constant 2 : i32
    %dma_wait3A_600 = arith.constant 0 : i32
    %dma_wait3A_601 = tpu.memref_slice %arg7[%dma_wait3A_599, %dma_wait3A_600] : memref<8x128xi32, #tpu.memory_space<vmem>> -> memref<2x128xi32, #tpu.memory_space<vmem>>
    %dma_wait3A_602 = arith.constant 0 : i32
    %dma_wait3A_603 = arith.constant 0 : i32
    %dma_wait3A_604 = tpu.memref_slice %arg2[%add3A, %dma_wait3A_597, %dma_wait3A_602, %dma_wait3A_603] : memref<32x80x2x128xi32, #tpu.memory_space<hbm>> -> memref<1x1x2x128xi32, #tpu.memory_space<hbm>>
    %dma_wait3A_605 = tpu.memref_squeeze %dma_wait3A_604 : memref<1x1x2x128xi32, #tpu.memory_space<hbm>> -> memref<2x128xi32, #tpu.memory_space<hbm>>
    %dma_wait3A_606 = tpu.memref_slice %arg12[%dma_wait3A_598] : memref<4x!tpu.dma_semaphore, #tpu.memory_space<semaphore_mem>> -> memref<1x!tpu.dma_semaphore, #tpu.memory_space<semaphore_mem>>
    %dma_wait3A_607 = tpu.memref_squeeze %dma_wait3A_606 : memref<1x!tpu.dma_semaphore, #tpu.memory_space<semaphore_mem>> -> memref<!tpu.dma_semaphore, #tpu.memory_space<semaphore_mem>>
    %dma_wait3A_608 = arith.constant 2 : i32
    %dma_wait3A_609 = arith.constant 0 : i32
    %dma_wait3A_610 = tpu.memref_slice %arg7[%dma_wait3A_608, %dma_wait3A_609] : memref<8x128xi32, #tpu.memory_space<vmem>> -> memref<2x128xi32, #tpu.memory_space<vmem>>
    %dma_wait3A_611 = arith.constant 0 : i32
    %dma_wait3A_612 = arith.constant 0 : i32
    %dma_wait3A_613 = tpu.memref_slice %arg2[%add3A, %dma_wait3A_597, %dma_wait3A_611, %dma_wait3A_612] : memref<32x80x2x128xi32, #tpu.memory_space<hbm>> -> memref<1x1x2x128xi32, #tpu.memory_space<hbm>>
    %dma_wait3A_614 = tpu.memref_squeeze %dma_wait3A_613 : memref<1x1x2x128xi32, #tpu.memory_space<hbm>> -> memref<2x128xi32, #tpu.memory_space<hbm>>
    tpu.wait_dma2 semaphore(%dma_wait3A_607 : memref<!tpu.dma_semaphore, #tpu.memory_space<semaphore_mem>>) src(%dma_wait3A_614 : memref<2x128xi32, #tpu.memory_space<hbm>>) dst(%dma_wait3A_610 : memref<2x128xi32, #tpu.memory_space<vmem>>)
    %dma_wait3A_615 = arith.constant 1 : i32
    %dma_wait3A_616 = arith.constant 7 : i32
    %dma_wait3A_617 = arith.constant 1 : i32
    %dma_wait3A_618 = arith.constant 0 : i32
    %dma_wait3A_619 = arith.constant 0 : i32
    %dma_wait3A_620 = tpu.memref_slice %arg8[%dma_wait3A_615, %dma_wait3A_618, %dma_wait3A_619] : memref<2x128x64xf32, #tpu.memory_space<vmem>> -> memref<1x128x64xf32, #tpu.memory_space<vmem>>
    %dma_wait3A_621 = tpu.memref_squeeze %dma_wait3A_620 : memref<1x128x64xf32, #tpu.memory_space<vmem>> -> memref<128x64xf32, #tpu.memory_space<vmem>>
    %dma_wait3A_622 = arith.constant 0 : i32
    %dma_wait3A_623 = tpu.memref_slice %arg7[%dma_wait3A_616, %dma_wait3A_622] : memref<8x128xi32, #tpu.memory_space<vmem>> -> memref<1x128xi32, #tpu.memory_space<vmem>>
    %dma_wait3A_624 = tpu.memref_squeeze %dma_wait3A_623 : memref<1x128xi32, #tpu.memory_space<vmem>> -> memref<128xi32, #tpu.memory_space<vmem>>
    %dma_wait3A_625 = arith.constant 0 : i32
    %dma_wait3A_626 = arith.constant 0 : i32
    %dma_wait3A_627 = tpu.memref_slice %arg11[%dma_wait3A_625, %dma_wait3A_626] : memref<10240x64xf32, #tpu.memory_space<vmem_shared>> -> memref<10240x64xf32, #tpu.memory_space<vmem_shared>>
    %dma_wait3A_628 = tpu.memref_slice %arg14[%dma_wait3A_617] : memref<2x!tpu.dma_semaphore, #tpu.memory_space<semaphore_mem>> -> memref<1x!tpu.dma_semaphore, #tpu.memory_space<semaphore_mem>>
    %dma_wait3A_629 = tpu.memref_squeeze %dma_wait3A_628 : memref<1x!tpu.dma_semaphore, #tpu.memory_space<semaphore_mem>> -> memref<!tpu.dma_semaphore, #tpu.memory_space<semaphore_mem>>
    tpu.wait_indirect_dma semaphore(%dma_wait3A_629 : memref<!tpu.dma_semaphore, #tpu.memory_space<semaphore_mem>>) src(%dma_wait3A_621 : memref<128x64xf32, #tpu.memory_space<vmem>>) dst(%dma_wait3A_627 : memref<10240x64xf32, #tpu.memory_space<vmem_shared>>)
    %dma_start3A_630 = arith.constant 2 : i32
    %dma_start3A_631 = arith.constant 1 : i32
    %dma_start3A_632 = arith.constant 1 : i32
    %dma_start3A_633 = arith.constant 0 : i32
    %dma_start3A_634 = arith.constant 0 : i32
    %dma_start3A_635 = tpu.memref_slice %arg8[%dma_start3A_631, %dma_start3A_633, %dma_start3A_634] : memref<2x128x64xf32, #tpu.memory_space<vmem>> -> memref<1x128x64xf32, #tpu.memory_space<vmem>>
    %dma_start3A_636 = tpu.memref_squeeze %dma_start3A_635 : memref<1x128x64xf32, #tpu.memory_space<vmem>> -> memref<128x64xf32, #tpu.memory_space<vmem>>
    %dma_start3A_637 = arith.constant 0 : i32
    %dma_start3A_638 = tpu.memref_slice %arg7[%dma_start3A_630, %dma_start3A_637] : memref<8x128xi32, #tpu.memory_space<vmem>> -> memref<1x128xi32, #tpu.memory_space<vmem>>
    %dma_start3A_639 = tpu.memref_squeeze %dma_start3A_638 : memref<1x128xi32, #tpu.memory_space<vmem>> -> memref<128xi32, #tpu.memory_space<vmem>>
    %dma_start3A_640 = arith.constant 0 : i32
    %dma_start3A_641 = arith.constant 0 : i32
    %dma_start3A_642 = tpu.memref_slice %arg10[%dma_start3A_640, %dma_start3A_641] : memref<10240x64xf32, #tpu.memory_space<vmem_shared>> -> memref<10240x64xf32, #tpu.memory_space<vmem_shared>>
    %dma_start3A_643 = tpu.memref_slice %arg13[%dma_start3A_632] : memref<2x!tpu.dma_semaphore, #tpu.memory_space<semaphore_mem>> -> memref<1x!tpu.dma_semaphore, #tpu.memory_space<semaphore_mem>>
    %dma_start3A_644 = tpu.memref_squeeze %dma_start3A_643 : memref<1x!tpu.dma_semaphore, #tpu.memory_space<semaphore_mem>> -> memref<!tpu.dma_semaphore, #tpu.memory_space<semaphore_mem>>
    tpu.enqueue_indirect_dma source(%dma_start3A_642 : memref<10240x64xf32, #tpu.memory_space<vmem_shared>>) target(%dma_start3A_636 : memref<128x64xf32, #tpu.memory_space<vmem>>) offsets(%dma_start3A_639 : memref<128xi32, #tpu.memory_space<vmem>>) semaphore(%dma_start3A_644 : memref<!tpu.dma_semaphore, #tpu.memory_space<semaphore_mem>>)
    %dma_start3A_645 = arith.constant 79 : i32
    %dma_start3A_646 = arith.constant 3 : i32
    %dma_start3A_647 = arith.constant 6 : i32
    %dma_start3A_648 = arith.constant 0 : i32
    %dma_start3A_649 = tpu.memref_slice %arg7[%dma_start3A_647, %dma_start3A_648] : memref<8x128xi32, #tpu.memory_space<vmem>> -> memref<2x128xi32, #tpu.memory_space<vmem>>
    %dma_start3A_650 = arith.constant 0 : i32
    %dma_start3A_651 = arith.constant 0 : i32
    %dma_start3A_652 = tpu.memref_slice %arg2[%add3A, %dma_start3A_645, %dma_start3A_650, %dma_start3A_651] : memref<32x80x2x128xi32, #tpu.memory_space<hbm>> -> memref<1x1x2x128xi32, #tpu.memory_space<hbm>>
    %dma_start3A_653 = tpu.memref_squeeze %dma_start3A_652 : memref<1x1x2x128xi32, #tpu.memory_space<hbm>> -> memref<2x128xi32, #tpu.memory_space<hbm>>
    %dma_start3A_654 = tpu.memref_slice %arg12[%dma_start3A_646] : memref<4x!tpu.dma_semaphore, #tpu.memory_space<semaphore_mem>> -> memref<1x!tpu.dma_semaphore, #tpu.memory_space<semaphore_mem>>
    %dma_start3A_655 = tpu.memref_squeeze %dma_start3A_654 : memref<1x!tpu.dma_semaphore, #tpu.memory_space<semaphore_mem>> -> memref<!tpu.dma_semaphore, #tpu.memory_space<semaphore_mem>>
    %dma_start3A_656 = arith.constant 6 : i32
    %dma_start3A_657 = arith.constant 0 : i32
    %dma_start3A_658 = tpu.memref_slice %arg7[%dma_start3A_656, %dma_start3A_657] : memref<8x128xi32, #tpu.memory_space<vmem>> -> memref<2x128xi32, #tpu.memory_space<vmem>>
    %dma_start3A_659 = arith.constant 0 : i32
    %dma_start3A_660 = arith.constant 0 : i32
    %dma_start3A_661 = tpu.memref_slice %arg2[%add3A, %dma_start3A_645, %dma_start3A_659, %dma_start3A_660] : memref<32x80x2x128xi32, #tpu.memory_space<hbm>> -> memref<1x1x2x128xi32, #tpu.memory_space<hbm>>
    %dma_start3A_662 = tpu.memref_squeeze %dma_start3A_661 : memref<1x1x2x128xi32, #tpu.memory_space<hbm>> -> memref<2x128xi32, #tpu.memory_space<hbm>>
    tpu.enqueue_dma source(%dma_start3A_662 : memref<2x128xi32, #tpu.memory_space<hbm>>) target(%dma_start3A_658 : memref<2x128xi32, #tpu.memory_space<vmem>>) target_semaphore(%dma_start3A_655 : memref<!tpu.dma_semaphore, #tpu.memory_space<semaphore_mem>>)
    %dma_wait3A_663 = arith.constant 0 : i32
    %dma_wait3A_664 = arith.constant 0 : i32
    %dma_wait3A_665 = arith.constant 0 : i32
    %dma_wait3A_666 = arith.constant 0 : i32
    %dma_wait3A_667 = arith.constant 0 : i32
    %dma_wait3A_668 = tpu.memref_slice %arg8[%dma_wait3A_664, %dma_wait3A_666, %dma_wait3A_667] : memref<2x128x64xf32, #tpu.memory_space<vmem>> -> memref<1x128x64xf32, #tpu.memory_space<vmem>>
    %dma_wait3A_669 = tpu.memref_squeeze %dma_wait3A_668 : memref<1x128x64xf32, #tpu.memory_space<vmem>> -> memref<128x64xf32, #tpu.memory_space<vmem>>
    %dma_wait3A_670 = arith.constant 0 : i32
    %dma_wait3A_671 = tpu.memref_slice %arg7[%dma_wait3A_663, %dma_wait3A_670] : memref<8x128xi32, #tpu.memory_space<vmem>> -> memref<1x128xi32, #tpu.memory_space<vmem>>
    %dma_wait3A_672 = tpu.memref_squeeze %dma_wait3A_671 : memref<1x128xi32, #tpu.memory_space<vmem>> -> memref<128xi32, #tpu.memory_space<vmem>>
    %dma_wait3A_673 = arith.constant 0 : i32
    %dma_wait3A_674 = arith.constant 0 : i32
    %dma_wait3A_675 = tpu.memref_slice %arg10[%dma_wait3A_673, %dma_wait3A_674] : memref<10240x64xf32, #tpu.memory_space<vmem_shared>> -> memref<10240x64xf32, #tpu.memory_space<vmem_shared>>
    %dma_wait3A_676 = tpu.memref_slice %arg13[%dma_wait3A_665] : memref<2x!tpu.dma_semaphore, #tpu.memory_space<semaphore_mem>> -> memref<1x!tpu.dma_semaphore, #tpu.memory_space<semaphore_mem>>
    %dma_wait3A_677 = tpu.memref_squeeze %dma_wait3A_676 : memref<1x!tpu.dma_semaphore, #tpu.memory_space<semaphore_mem>> -> memref<!tpu.dma_semaphore, #tpu.memory_space<semaphore_mem>>
    tpu.wait_indirect_dma semaphore(%dma_wait3A_677 : memref<!tpu.dma_semaphore, #tpu.memory_space<semaphore_mem>>) src(%dma_wait3A_675 : memref<10240x64xf32, #tpu.memory_space<vmem_shared>>) dst(%dma_wait3A_669 : memref<128x64xf32, #tpu.memory_space<vmem>>)
    %dma_start3A_678 = arith.constant 0 : i32
    %dma_start3A_679 = arith.constant 1 : i32
    %dma_start3A_680 = arith.constant 0 : i32
    %dma_start3A_681 = arith.constant 0 : i32
    %dma_start3A_682 = arith.constant 0 : i32
    %dma_start3A_683 = tpu.memref_slice %arg8[%dma_start3A_678, %dma_start3A_681, %dma_start3A_682] : memref<2x128x64xf32, #tpu.memory_space<vmem>> -> memref<1x128x64xf32, #tpu.memory_space<vmem>>
    %dma_start3A_684 = tpu.memref_squeeze %dma_start3A_683 : memref<1x128x64xf32, #tpu.memory_space<vmem>> -> memref<128x64xf32, #tpu.memory_space<vmem>>
    %dma_start3A_685 = arith.constant 0 : i32
    %dma_start3A_686 = tpu.memref_slice %arg7[%dma_start3A_679, %dma_start3A_685] : memref<8x128xi32, #tpu.memory_space<vmem>> -> memref<1x128xi32, #tpu.memory_space<vmem>>
    %dma_start3A_687 = tpu.memref_squeeze %dma_start3A_686 : memref<1x128xi32, #tpu.memory_space<vmem>> -> memref<128xi32, #tpu.memory_space<vmem>>
    %dma_start3A_688 = arith.constant 0 : i32
    %dma_start3A_689 = arith.constant 0 : i32
    %dma_start3A_690 = tpu.memref_slice %arg11[%dma_start3A_688, %dma_start3A_689] : memref<10240x64xf32, #tpu.memory_space<vmem_shared>> -> memref<10240x64xf32, #tpu.memory_space<vmem_shared>>
    %dma_start3A_691 = tpu.memref_slice %arg14[%dma_start3A_680] : memref<2x!tpu.dma_semaphore, #tpu.memory_space<semaphore_mem>> -> memref<1x!tpu.dma_semaphore, #tpu.memory_space<semaphore_mem>>
    %dma_start3A_692 = tpu.memref_squeeze %dma_start3A_691 : memref<1x!tpu.dma_semaphore, #tpu.memory_space<semaphore_mem>> -> memref<!tpu.dma_semaphore, #tpu.memory_space<semaphore_mem>>
    tpu.enqueue_indirect_dma source(%dma_start3A_684 : memref<128x64xf32, #tpu.memory_space<vmem>>) target(%dma_start3A_690 : memref<10240x64xf32, #tpu.memory_space<vmem_shared>>) offsets(%dma_start3A_687 : memref<128xi32, #tpu.memory_space<vmem>>) semaphore(%dma_start3A_692 : memref<!tpu.dma_semaphore, #tpu.memory_space<semaphore_mem>>) {add = true}
    %get3A_693 = arith.constant 1 : i32
    %get3A_694 = arith.index_cast %get3A_693 : i32 to index
    %get3A_695 = arith.constant 0 : index
    %get3A_696 = tpu.vector_load %arg7[%get3A_694, %get3A_695] {strides = array<i32>} : memref<8x128xi32, #tpu.memory_space<vmem>>, vector<16xi32>,
    tpu.vector_store_idx %arg9[%get3A_696], %broadcast_in_dim3A_3 {add = true} : memref<10240xf32, #tpu.memory_space<vmem>>[vector<16xi32>], vector<16xf32>,
    %get3A_697 = arith.constant 1 : i32
    %get3A_698 = arith.index_cast %get3A_697 : i32 to index
    %get3A_699 = arith.constant 16 : index
    %get3A_700 = tpu.vector_load %arg7[%get3A_698, %get3A_699] {strides = array<i32>} : memref<8x128xi32, #tpu.memory_space<vmem>>, vector<16xi32>,
    tpu.vector_store_idx %arg9[%get3A_700], %broadcast_in_dim3A_3 {add = true} : memref<10240xf32, #tpu.memory_space<vmem>>[vector<16xi32>], vector<16xf32>,
    %get3A_701 = arith.constant 1 : i32
    %get3A_702 = arith.index_cast %get3A_701 : i32 to index
    %get3A_703 = arith.constant 32 : index
    %get3A_704 = tpu.vector_load %arg7[%get3A_702, %get3A_703] {strides = array<i32>} : memref<8x128xi32, #tpu.memory_space<vmem>>, vector<16xi32>,
    tpu.vector_store_idx %arg9[%get3A_704], %broadcast_in_dim3A_3 {add = true} : memref<10240xf32, #tpu.memory_space<vmem>>[vector<16xi32>], vector<16xf32>,
    %get3A_705 = arith.constant 1 : i32
    %get3A_706 = arith.index_cast %get3A_705 : i32 to index
    %get3A_707 = arith.constant 48 : index
    %get3A_708 = tpu.vector_load %arg7[%get3A_706, %get3A_707] {strides = array<i32>} : memref<8x128xi32, #tpu.memory_space<vmem>>, vector<16xi32>,
    tpu.vector_store_idx %arg9[%get3A_708], %broadcast_in_dim3A_3 {add = true} : memref<10240xf32, #tpu.memory_space<vmem>>[vector<16xi32>], vector<16xf32>,
    %get3A_709 = arith.constant 1 : i32
    %get3A_710 = arith.index_cast %get3A_709 : i32 to index
    %get3A_711 = arith.constant 64 : index
    %get3A_712 = tpu.vector_load %arg7[%get3A_710, %get3A_711] {strides = array<i32>} : memref<8x128xi32, #tpu.memory_space<vmem>>, vector<16xi32>,
    tpu.vector_store_idx %arg9[%get3A_712], %broadcast_in_dim3A_3 {add = true} : memref<10240xf32, #tpu.memory_space<vmem>>[vector<16xi32>], vector<16xf32>,
    %get3A_713 = arith.constant 1 : i32
    %get3A_714 = arith.index_cast %get3A_713 : i32 to index
    %get3A_715 = arith.constant 80 : index
    %get3A_716 = tpu.vector_load %arg7[%get3A_714, %get3A_715] {strides = array<i32>} : memref<8x128xi32, #tpu.memory_space<vmem>>, vector<16xi32>,
    tpu.vector_store_idx %arg9[%get3A_716], %broadcast_in_dim3A_3 {add = true} : memref<10240xf32, #tpu.memory_space<vmem>>[vector<16xi32>], vector<16xf32>,
    %get3A_717 = arith.constant 1 : i32
    %get3A_718 = arith.index_cast %get3A_717 : i32 to index
    %get3A_719 = arith.constant 96 : index
    %get3A_720 = tpu.vector_load %arg7[%get3A_718, %get3A_719] {strides = array<i32>} : memref<8x128xi32, #tpu.memory_space<vmem>>, vector<16xi32>,
    tpu.vector_store_idx %arg9[%get3A_720], %broadcast_in_dim3A_3 {add = true} : memref<10240xf32, #tpu.memory_space<vmem>>[vector<16xi32>], vector<16xf32>,
    %get3A_721 = arith.constant 1 : i32
    %get3A_722 = arith.index_cast %get3A_721 : i32 to index
    %get3A_723 = arith.constant 112 : index
    %get3A_724 = tpu.vector_load %arg7[%get3A_722, %get3A_723] {strides = array<i32>} : memref<8x128xi32, #tpu.memory_space<vmem>>, vector<16xi32>,
    tpu.vector_store_idx %arg9[%get3A_724], %broadcast_in_dim3A_3 {add = true} : memref<10240xf32, #tpu.memory_space<vmem>>[vector<16xi32>], vector<16xf32>,
    %dma_wait3A_725 = arith.constant 78 : i32
    %dma_wait3A_726 = arith.constant 2 : i32
    %dma_wait3A_727 = arith.constant 4 : i32
    %dma_wait3A_728 = arith.constant 0 : i32
    %dma_wait3A_729 = tpu.memref_slice %arg7[%dma_wait3A_727, %dma_wait3A_728] : memref<8x128xi32, #tpu.memory_space<vmem>> -> memref<2x128xi32, #tpu.memory_space<vmem>>
    %dma_wait3A_730 = arith.constant 0 : i32
    %dma_wait3A_731 = arith.constant 0 : i32
    %dma_wait3A_732 = tpu.memref_slice %arg2[%add3A, %dma_wait3A_725, %dma_wait3A_730, %dma_wait3A_731] : memref<32x80x2x128xi32, #tpu.memory_space<hbm>> -> memref<1x1x2x128xi32, #tpu.memory_space<hbm>>
    %dma_wait3A_733 = tpu.memref_squeeze %dma_wait3A_732 : memref<1x1x2x128xi32, #tpu.memory_space<hbm>> -> memref<2x128xi32, #tpu.memory_space<hbm>>
    %dma_wait3A_734 = tpu.memref_slice %arg12[%dma_wait3A_726] : memref<4x!tpu.dma_semaphore, #tpu.memory_space<semaphore_mem>> -> memref<1x!tpu.dma_semaphore, #tpu.memory_space<semaphore_mem>>
    %dma_wait3A_735 = tpu.memref_squeeze %dma_wait3A_734 : memref<1x!tpu.dma_semaphore, #tpu.memory_space<semaphore_mem>> -> memref<!tpu.dma_semaphore, #tpu.memory_space<semaphore_mem>>
    %dma_wait3A_736 = arith.constant 4 : i32
    %dma_wait3A_737 = arith.constant 0 : i32
    %dma_wait3A_738 = tpu.memref_slice %arg7[%dma_wait3A_736, %dma_wait3A_737] : memref<8x128xi32, #tpu.memory_space<vmem>> -> memref<2x128xi32, #tpu.memory_space<vmem>>
    %dma_wait3A_739 = arith.constant 0 : i32
    %dma_wait3A_740 = arith.constant 0 : i32
    %dma_wait3A_741 = tpu.memref_slice %arg2[%add3A, %dma_wait3A_725, %dma_wait3A_739, %dma_wait3A_740] : memref<32x80x2x128xi32, #tpu.memory_space<hbm>> -> memref<1x1x2x128xi32, #tpu.memory_space<hbm>>
    %dma_wait3A_742 = tpu.memref_squeeze %dma_wait3A_741 : memref<1x1x2x128xi32, #tpu.memory_space<hbm>> -> memref<2x128xi32, #tpu.memory_space<hbm>>
    tpu.wait_dma2 semaphore(%dma_wait3A_735 : memref<!tpu.dma_semaphore, #tpu.memory_space<semaphore_mem>>) src(%dma_wait3A_742 : memref<2x128xi32, #tpu.memory_space<hbm>>) dst(%dma_wait3A_738 : memref<2x128xi32, #tpu.memory_space<vmem>>)
    %dma_wait3A_743 = arith.constant 0 : i32
    %dma_wait3A_744 = arith.constant 1 : i32
    %dma_wait3A_745 = arith.constant 0 : i32
    %dma_wait3A_746 = arith.constant 0 : i32
    %dma_wait3A_747 = arith.constant 0 : i32
    %dma_wait3A_748 = tpu.memref_slice %arg8[%dma_wait3A_743, %dma_wait3A_746, %dma_wait3A_747] : memref<2x128x64xf32, #tpu.memory_space<vmem>> -> memref<1x128x64xf32, #tpu.memory_space<vmem>>
    %dma_wait3A_749 = tpu.memref_squeeze %dma_wait3A_748 : memref<1x128x64xf32, #tpu.memory_space<vmem>> -> memref<128x64xf32, #tpu.memory_space<vmem>>
    %dma_wait3A_750 = arith.constant 0 : i32
    %dma_wait3A_751 = tpu.memref_slice %arg7[%dma_wait3A_744, %dma_wait3A_750] : memref<8x128xi32, #tpu.memory_space<vmem>> -> memref<1x128xi32, #tpu.memory_space<vmem>>
    %dma_wait3A_752 = tpu.memref_squeeze %dma_wait3A_751 : memref<1x128xi32, #tpu.memory_space<vmem>> -> memref<128xi32, #tpu.memory_space<vmem>>
    %dma_wait3A_753 = arith.constant 0 : i32
    %dma_wait3A_754 = arith.constant 0 : i32
    %dma_wait3A_755 = tpu.memref_slice %arg11[%dma_wait3A_753, %dma_wait3A_754] : memref<10240x64xf32, #tpu.memory_space<vmem_shared>> -> memref<10240x64xf32, #tpu.memory_space<vmem_shared>>
    %dma_wait3A_756 = tpu.memref_slice %arg14[%dma_wait3A_745] : memref<2x!tpu.dma_semaphore, #tpu.memory_space<semaphore_mem>> -> memref<1x!tpu.dma_semaphore, #tpu.memory_space<semaphore_mem>>
    %dma_wait3A_757 = tpu.memref_squeeze %dma_wait3A_756 : memref<1x!tpu.dma_semaphore, #tpu.memory_space<semaphore_mem>> -> memref<!tpu.dma_semaphore, #tpu.memory_space<semaphore_mem>>
    tpu.wait_indirect_dma semaphore(%dma_wait3A_757 : memref<!tpu.dma_semaphore, #tpu.memory_space<semaphore_mem>>) src(%dma_wait3A_749 : memref<128x64xf32, #tpu.memory_space<vmem>>) dst(%dma_wait3A_755 : memref<10240x64xf32, #tpu.memory_space<vmem_shared>>)
    %dma_start3A_758 = arith.constant 4 : i32
    %dma_start3A_759 = arith.constant 0 : i32
    %dma_start3A_760 = arith.constant 0 : i32
    %dma_start3A_761 = arith.constant 0 : i32
    %dma_start3A_762 = arith.constant 0 : i32
    %dma_start3A_763 = tpu.memref_slice %arg8[%dma_start3A_759, %dma_start3A_761, %dma_start3A_762] : memref<2x128x64xf32, #tpu.memory_space<vmem>> -> memref<1x128x64xf32, #tpu.memory_space<vmem>>
    %dma_start3A_764 = tpu.memref_squeeze %dma_start3A_763 : memref<1x128x64xf32, #tpu.memory_space<vmem>> -> memref<128x64xf32, #tpu.memory_space<vmem>>
    %dma_start3A_765 = arith.constant 0 : i32
    %dma_start3A_766 = tpu.memref_slice %arg7[%dma_start3A_758, %dma_start3A_765] : memref<8x128xi32, #tpu.memory_space<vmem>> -> memref<1x128xi32, #tpu.memory_space<vmem>>
    %dma_start3A_767 = tpu.memref_squeeze %dma_start3A_766 : memref<1x128xi32, #tpu.memory_space<vmem>> -> memref<128xi32, #tpu.memory_space<vmem>>
    %dma_start3A_768 = arith.constant 0 : i32
    %dma_start3A_769 = arith.constant 0 : i32
    %dma_start3A_770 = tpu.memref_slice %arg10[%dma_start3A_768, %dma_start3A_769] : memref<10240x64xf32, #tpu.memory_space<vmem_shared>> -> memref<10240x64xf32, #tpu.memory_space<vmem_shared>>
    %dma_start3A_771 = tpu.memref_slice %arg13[%dma_start3A_760] : memref<2x!tpu.dma_semaphore, #tpu.memory_space<semaphore_mem>> -> memref<1x!tpu.dma_semaphore, #tpu.memory_space<semaphore_mem>>
    %dma_start3A_772 = tpu.memref_squeeze %dma_start3A_771 : memref<1x!tpu.dma_semaphore, #tpu.memory_space<semaphore_mem>> -> memref<!tpu.dma_semaphore, #tpu.memory_space<semaphore_mem>>
    tpu.enqueue_indirect_dma source(%dma_start3A_770 : memref<10240x64xf32, #tpu.memory_space<vmem_shared>>) target(%dma_start3A_764 : memref<128x64xf32, #tpu.memory_space<vmem>>) offsets(%dma_start3A_767 : memref<128xi32, #tpu.memory_space<vmem>>) semaphore(%dma_start3A_772 : memref<!tpu.dma_semaphore, #tpu.memory_space<semaphore_mem>>)
    %dma_wait3A_773 = arith.constant 2 : i32
    %dma_wait3A_774 = arith.constant 1 : i32
    %dma_wait3A_775 = arith.constant 1 : i32
    %dma_wait3A_776 = arith.constant 0 : i32
    %dma_wait3A_777 = arith.constant 0 : i32
    %dma_wait3A_778 = tpu.memref_slice %arg8[%dma_wait3A_774, %dma_wait3A_776, %dma_wait3A_777] : memref<2x128x64xf32, #tpu.memory_space<vmem>> -> memref<1x128x64xf32, #tpu.memory_space<vmem>>
    %dma_wait3A_779 = tpu.memref_squeeze %dma_wait3A_778 : memref<1x128x64xf32, #tpu.memory_space<vmem>> -> memref<128x64xf32, #tpu.memory_space<vmem>>
    %dma_wait3A_780 = arith.constant 0 : i32
    %dma_wait3A_781 = tpu.memref_slice %arg7[%dma_wait3A_773, %dma_wait3A_780] : memref<8x128xi32, #tpu.memory_space<vmem>> -> memref<1x128xi32, #tpu.memory_space<vmem>>
    %dma_wait3A_782 = tpu.memref_squeeze %dma_wait3A_781 : memref<1x128xi32, #tpu.memory_space<vmem>> -> memref<128xi32, #tpu.memory_space<vmem>>
    %dma_wait3A_783 = arith.constant 0 : i32
    %dma_wait3A_784 = arith.constant 0 : i32
    %dma_wait3A_785 = tpu.memref_slice %arg10[%dma_wait3A_783, %dma_wait3A_784] : memref<10240x64xf32, #tpu.memory_space<vmem_shared>> -> memref<10240x64xf32, #tpu.memory_space<vmem_shared>>
    %dma_wait3A_786 = tpu.memref_slice %arg13[%dma_wait3A_775] : memref<2x!tpu.dma_semaphore, #tpu.memory_space<semaphore_mem>> -> memref<1x!tpu.dma_semaphore, #tpu.memory_space<semaphore_mem>>
    %dma_wait3A_787 = tpu.memref_squeeze %dma_wait3A_786 : memref<1x!tpu.dma_semaphore, #tpu.memory_space<semaphore_mem>> -> memref<!tpu.dma_semaphore, #tpu.memory_space<semaphore_mem>>
    tpu.wait_indirect_dma semaphore(%dma_wait3A_787 : memref<!tpu.dma_semaphore, #tpu.memory_space<semaphore_mem>>) src(%dma_wait3A_785 : memref<10240x64xf32, #tpu.memory_space<vmem_shared>>) dst(%dma_wait3A_779 : memref<128x64xf32, #tpu.memory_space<vmem>>)
    %dma_start3A_788 = arith.constant 1 : i32
    %dma_start3A_789 = arith.constant 3 : i32
    %dma_start3A_790 = arith.constant 1 : i32
    %dma_start3A_791 = arith.constant 0 : i32
    %dma_start3A_792 = arith.constant 0 : i32
    %dma_start3A_793 = tpu.memref_slice %arg8[%dma_start3A_788, %dma_start3A_791, %dma_start3A_792] : memref<2x128x64xf32, #tpu.memory_space<vmem>> -> memref<1x128x64xf32, #tpu.memory_space<vmem>>
    %dma_start3A_794 = tpu.memref_squeeze %dma_start3A_793 : memref<1x128x64xf32, #tpu.memory_space<vmem>> -> memref<128x64xf32, #tpu.memory_space<vmem>>
    %dma_start3A_795 = arith.constant 0 : i32
    %dma_start3A_796 = tpu.memref_slice %arg7[%dma_start3A_789, %dma_start3A_795] : memref<8x128xi32, #tpu.memory_space<vmem>> -> memref<1x128xi32, #tpu.memory_space<vmem>>
    %dma_start3A_797 = tpu.memref_squeeze %dma_start3A_796 : memref<1x128xi32, #tpu.memory_space<vmem>> -> memref<128xi32, #tpu.memory_space<vmem>>
    %dma_start3A_798 = arith.constant 0 : i32
    %dma_start3A_799 = arith.constant 0 : i32
    %dma_start3A_800 = tpu.memref_slice %arg11[%dma_start3A_798, %dma_start3A_799] : memref<10240x64xf32, #tpu.memory_space<vmem_shared>> -> memref<10240x64xf32, #tpu.memory_space<vmem_shared>>
    %dma_start3A_801 = tpu.memref_slice %arg14[%dma_start3A_790] : memref<2x!tpu.dma_semaphore, #tpu.memory_space<semaphore_mem>> -> memref<1x!tpu.dma_semaphore, #tpu.memory_space<semaphore_mem>>
    %dma_start3A_802 = tpu.memref_squeeze %dma_start3A_801 : memref<1x!tpu.dma_semaphore, #tpu.memory_space<semaphore_mem>> -> memref<!tpu.dma_semaphore, #tpu.memory_space<semaphore_mem>>
    tpu.enqueue_indirect_dma source(%dma_start3A_794 : memref<128x64xf32, #tpu.memory_space<vmem>>) target(%dma_start3A_800 : memref<10240x64xf32, #tpu.memory_space<vmem_shared>>) offsets(%dma_start3A_797 : memref<128xi32, #tpu.memory_space<vmem>>) semaphore(%dma_start3A_802 : memref<!tpu.dma_semaphore, #tpu.memory_space<semaphore_mem>>) {add = true}
    %get3A_803 = arith.constant 3 : i32
    %get3A_804 = arith.index_cast %get3A_803 : i32 to index
    %get3A_805 = arith.constant 0 : index
    %get3A_806 = tpu.vector_load %arg7[%get3A_804, %get3A_805] {strides = array<i32>} : memref<8x128xi32, #tpu.memory_space<vmem>>, vector<16xi32>,
    tpu.vector_store_idx %arg9[%get3A_806], %broadcast_in_dim3A_3 {add = true} : memref<10240xf32, #tpu.memory_space<vmem>>[vector<16xi32>], vector<16xf32>,
    %get3A_807 = arith.constant 3 : i32
    %get3A_808 = arith.index_cast %get3A_807 : i32 to index
    %get3A_809 = arith.constant 16 : index
    %get3A_810 = tpu.vector_load %arg7[%get3A_808, %get3A_809] {strides = array<i32>} : memref<8x128xi32, #tpu.memory_space<vmem>>, vector<16xi32>,
    tpu.vector_store_idx %arg9[%get3A_810], %broadcast_in_dim3A_3 {add = true} : memref<10240xf32, #tpu.memory_space<vmem>>[vector<16xi32>], vector<16xf32>,
    %get3A_811 = arith.constant 3 : i32
    %get3A_812 = arith.index_cast %get3A_811 : i32 to index
    %get3A_813 = arith.constant 32 : index
    %get3A_814 = tpu.vector_load %arg7[%get3A_812, %get3A_813] {strides = array<i32>} : memref<8x128xi32, #tpu.memory_space<vmem>>, vector<16xi32>,
    tpu.vector_store_idx %arg9[%get3A_814], %broadcast_in_dim3A_3 {add = true} : memref<10240xf32, #tpu.memory_space<vmem>>[vector<16xi32>], vector<16xf32>,
    %get3A_815 = arith.constant 3 : i32
    %get3A_816 = arith.index_cast %get3A_815 : i32 to index
    %get3A_817 = arith.constant 48 : index
    %get3A_818 = tpu.vector_load %arg7[%get3A_816, %get3A_817] {strides = array<i32>} : memref<8x128xi32, #tpu.memory_space<vmem>>, vector<16xi32>,
    tpu.vector_store_idx %arg9[%get3A_818], %broadcast_in_dim3A_3 {add = true} : memref<10240xf32, #tpu.memory_space<vmem>>[vector<16xi32>], vector<16xf32>,
    %get3A_819 = arith.constant 3 : i32
    %get3A_820 = arith.index_cast %get3A_819 : i32 to index
    %get3A_821 = arith.constant 64 : index
    %get3A_822 = tpu.vector_load %arg7[%get3A_820, %get3A_821] {strides = array<i32>} : memref<8x128xi32, #tpu.memory_space<vmem>>, vector<16xi32>,
    tpu.vector_store_idx %arg9[%get3A_822], %broadcast_in_dim3A_3 {add = true} : memref<10240xf32, #tpu.memory_space<vmem>>[vector<16xi32>], vector<16xf32>,
    %get3A_823 = arith.constant 3 : i32
    %get3A_824 = arith.index_cast %get3A_823 : i32 to index
    %get3A_825 = arith.constant 80 : index
    %get3A_826 = tpu.vector_load %arg7[%get3A_824, %get3A_825] {strides = array<i32>} : memref<8x128xi32, #tpu.memory_space<vmem>>, vector<16xi32>,
    tpu.vector_store_idx %arg9[%get3A_826], %broadcast_in_dim3A_3 {add = true} : memref<10240xf32, #tpu.memory_space<vmem>>[vector<16xi32>], vector<16xf32>,
    %get3A_827 = arith.constant 3 : i32
    %get3A_828 = arith.index_cast %get3A_827 : i32 to index
    %get3A_829 = arith.constant 96 : index
    %get3A_830 = tpu.vector_load %arg7[%get3A_828, %get3A_829] {strides = array<i32>} : memref<8x128xi32, #tpu.memory_space<vmem>>, vector<16xi32>,
    tpu.vector_store_idx %arg9[%get3A_830], %broadcast_in_dim3A_3 {add = true} : memref<10240xf32, #tpu.memory_space<vmem>>[vector<16xi32>], vector<16xf32>,
    %get3A_831 = arith.constant 3 : i32
    %get3A_832 = arith.index_cast %get3A_831 : i32 to index
    %get3A_833 = arith.constant 112 : index
    %get3A_834 = tpu.vector_load %arg7[%get3A_832, %get3A_833] {strides = array<i32>} : memref<8x128xi32, #tpu.memory_space<vmem>>, vector<16xi32>,
    tpu.vector_store_idx %arg9[%get3A_834], %broadcast_in_dim3A_3 {add = true} : memref<10240xf32, #tpu.memory_space<vmem>>[vector<16xi32>], vector<16xf32>,
    %dma_wait3A_835 = arith.constant 79 : i32
    %dma_wait3A_836 = arith.constant 3 : i32
    %dma_wait3A_837 = arith.constant 6 : i32
    %dma_wait3A_838 = arith.constant 0 : i32
    %dma_wait3A_839 = tpu.memref_slice %arg7[%dma_wait3A_837, %dma_wait3A_838] : memref<8x128xi32, #tpu.memory_space<vmem>> -> memref<2x128xi32, #tpu.memory_space<vmem>>
    %dma_wait3A_840 = arith.constant 0 : i32
    %dma_wait3A_841 = arith.constant 0 : i32
    %dma_wait3A_842 = tpu.memref_slice %arg2[%add3A, %dma_wait3A_835, %dma_wait3A_840, %dma_wait3A_841] : memref<32x80x2x128xi32, #tpu.memory_space<hbm>> -> memref<1x1x2x128xi32, #tpu.memory_space<hbm>>
    %dma_wait3A_843 = tpu.memref_squeeze %dma_wait3A_842 : memref<1x1x2x128xi32, #tpu.memory_space<hbm>> -> memref<2x128xi32, #tpu.memory_space<hbm>>
    %dma_wait3A_844 = tpu.memref_slice %arg12[%dma_wait3A_836] : memref<4x!tpu.dma_semaphore, #tpu.memory_space<semaphore_mem>> -> memref<1x!tpu.dma_semaphore, #tpu.memory_space<semaphore_mem>>
    %dma_wait3A_845 = tpu.memref_squeeze %dma_wait3A_844 : memref<1x!tpu.dma_semaphore, #tpu.memory_space<semaphore_mem>> -> memref<!tpu.dma_semaphore, #tpu.memory_space<semaphore_mem>>
    %dma_wait3A_846 = arith.constant 6 : i32
    %dma_wait3A_847 = arith.constant 0 : i32
    %dma_wait3A_848 = tpu.memref_slice %arg7[%dma_wait3A_846, %dma_wait3A_847] : memref<8x128xi32, #tpu.memory_space<vmem>> -> memref<2x128xi32, #tpu.memory_space<vmem>>
    %dma_wait3A_849 = arith.constant 0 : i32
    %dma_wait3A_850 = arith.constant 0 : i32
    %dma_wait3A_851 = tpu.memref_slice %arg2[%add3A, %dma_wait3A_835, %dma_wait3A_849, %dma_wait3A_850] : memref<32x80x2x128xi32, #tpu.memory_space<hbm>> -> memref<1x1x2x128xi32, #tpu.memory_space<hbm>>
    %dma_wait3A_852 = tpu.memref_squeeze %dma_wait3A_851 : memref<1x1x2x128xi32, #tpu.memory_space<hbm>> -> memref<2x128xi32, #tpu.memory_space<hbm>>
    tpu.wait_dma2 semaphore(%dma_wait3A_845 : memref<!tpu.dma_semaphore, #tpu.memory_space<semaphore_mem>>) src(%dma_wait3A_852 : memref<2x128xi32, #tpu.memory_space<hbm>>) dst(%dma_wait3A_848 : memref<2x128xi32, #tpu.memory_space<vmem>>)
    %dma_wait3A_853 = arith.constant 1 : i32
    %dma_wait3A_854 = arith.constant 3 : i32
    %dma_wait3A_855 = arith.constant 1 : i32
    %dma_wait3A_856 = arith.constant 0 : i32
    %dma_wait3A_857 = arith.constant 0 : i32
    %dma_wait3A_858 = tpu.memref_slice %arg8[%dma_wait3A_853, %dma_wait3A_856, %dma_wait3A_857] : memref<2x128x64xf32, #tpu.memory_space<vmem>> -> memref<1x128x64xf32, #tpu.memory_space<vmem>>
    %dma_wait3A_859 = tpu.memref_squeeze %dma_wait3A_858 : memref<1x128x64xf32, #tpu.memory_space<vmem>> -> memref<128x64xf32, #tpu.memory_space<vmem>>
    %dma_wait3A_860 = arith.constant 0 : i32
    %dma_wait3A_861 = tpu.memref_slice %arg7[%dma_wait3A_854, %dma_wait3A_860] : memref<8x128xi32, #tpu.memory_space<vmem>> -> memref<1x128xi32, #tpu.memory_space<vmem>>
    %dma_wait3A_862 = tpu.memref_squeeze %dma_wait3A_861 : memref<1x128xi32, #tpu.memory_space<vmem>> -> memref<128xi32, #tpu.memory_space<vmem>>
    %dma_wait3A_863 = arith.constant 0 : i32
    %dma_wait3A_864 = arith.constant 0 : i32
    %dma_wait3A_865 = tpu.memref_slice %arg11[%dma_wait3A_863, %dma_wait3A_864] : memref<10240x64xf32, #tpu.memory_space<vmem_shared>> -> memref<10240x64xf32, #tpu.memory_space<vmem_shared>>
    %dma_wait3A_866 = tpu.memref_slice %arg14[%dma_wait3A_855] : memref<2x!tpu.dma_semaphore, #tpu.memory_space<semaphore_mem>> -> memref<1x!tpu.dma_semaphore, #tpu.memory_space<semaphore_mem>>
    %dma_wait3A_867 = tpu.memref_squeeze %dma_wait3A_866 : memref<1x!tpu.dma_semaphore, #tpu.memory_space<semaphore_mem>> -> memref<!tpu.dma_semaphore, #tpu.memory_space<semaphore_mem>>
    tpu.wait_indirect_dma semaphore(%dma_wait3A_867 : memref<!tpu.dma_semaphore, #tpu.memory_space<semaphore_mem>>) src(%dma_wait3A_859 : memref<128x64xf32, #tpu.memory_space<vmem>>) dst(%dma_wait3A_865 : memref<10240x64xf32, #tpu.memory_space<vmem_shared>>)
    %dma_start3A_868 = arith.constant 6 : i32
    %dma_start3A_869 = arith.constant 1 : i32
    %dma_start3A_870 = arith.constant 1 : i32
    %dma_start3A_871 = arith.constant 0 : i32
    %dma_start3A_872 = arith.constant 0 : i32
    %dma_start3A_873 = tpu.memref_slice %arg8[%dma_start3A_869, %dma_start3A_871, %dma_start3A_872] : memref<2x128x64xf32, #tpu.memory_space<vmem>> -> memref<1x128x64xf32, #tpu.memory_space<vmem>>
    %dma_start3A_874 = tpu.memref_squeeze %dma_start3A_873 : memref<1x128x64xf32, #tpu.memory_space<vmem>> -> memref<128x64xf32, #tpu.memory_space<vmem>>
    %dma_start3A_875 = arith.constant 0 : i32
    %dma_start3A_876 = tpu.memref_slice %arg7[%dma_start3A_868, %dma_start3A_875] : memref<8x128xi32, #tpu.memory_space<vmem>> -> memref<1x128xi32, #tpu.memory_space<vmem>>
    %dma_start3A_877 = tpu.memref_squeeze %dma_start3A_876 : memref<1x128xi32, #tpu.memory_space<vmem>> -> memref<128xi32, #tpu.memory_space<vmem>>
    %dma_start3A_878 = arith.constant 0 : i32
    %dma_start3A_879 = arith.constant 0 : i32
    %dma_start3A_880 = tpu.memref_slice %arg10[%dma_start3A_878, %dma_start3A_879] : memref<10240x64xf32, #tpu.memory_space<vmem_shared>> -> memref<10240x64xf32, #tpu.memory_space<vmem_shared>>
    %dma_start3A_881 = tpu.memref_slice %arg13[%dma_start3A_870] : memref<2x!tpu.dma_semaphore, #tpu.memory_space<semaphore_mem>> -> memref<1x!tpu.dma_semaphore, #tpu.memory_space<semaphore_mem>>
    %dma_start3A_882 = tpu.memref_squeeze %dma_start3A_881 : memref<1x!tpu.dma_semaphore, #tpu.memory_space<semaphore_mem>> -> memref<!tpu.dma_semaphore, #tpu.memory_space<semaphore_mem>>
    tpu.enqueue_indirect_dma source(%dma_start3A_880 : memref<10240x64xf32, #tpu.memory_space<vmem_shared>>) target(%dma_start3A_874 : memref<128x64xf32, #tpu.memory_space<vmem>>) offsets(%dma_start3A_877 : memref<128xi32, #tpu.memory_space<vmem>>) semaphore(%dma_start3A_882 : memref<!tpu.dma_semaphore, #tpu.memory_space<semaphore_mem>>)
    %dma_wait3A_883 = arith.constant 4 : i32
    %dma_wait3A_884 = arith.constant 0 : i32
    %dma_wait3A_885 = arith.constant 0 : i32
    %dma_wait3A_886 = arith.constant 0 : i32
    %dma_wait3A_887 = arith.constant 0 : i32
    %dma_wait3A_888 = tpu.memref_slice %arg8[%dma_wait3A_884, %dma_wait3A_886, %dma_wait3A_887] : memref<2x128x64xf32, #tpu.memory_space<vmem>> -> memref<1x128x64xf32, #tpu.memory_space<vmem>>
    %dma_wait3A_889 = tpu.memref_squeeze %dma_wait3A_888 : memref<1x128x64xf32, #tpu.memory_space<vmem>> -> memref<128x64xf32, #tpu.memory_space<vmem>>
    %dma_wait3A_890 = arith.constant 0 : i32
    %dma_wait3A_891 = tpu.memref_slice %arg7[%dma_wait3A_883, %dma_wait3A_890] : memref<8x128xi32, #tpu.memory_space<vmem>> -> memref<1x128xi32, #tpu.memory_space<vmem>>
    %dma_wait3A_892 = tpu.memref_squeeze %dma_wait3A_891 : memref<1x128xi32, #tpu.memory_space<vmem>> -> memref<128xi32, #tpu.memory_space<vmem>>
    %dma_wait3A_893 = arith.constant 0 : i32
    %dma_wait3A_894 = arith.constant 0 : i32
    %dma_wait3A_895 = tpu.memref_slice %arg10[%dma_wait3A_893, %dma_wait3A_894] : memref<10240x64xf32, #tpu.memory_space<vmem_shared>> -> memref<10240x64xf32, #tpu.memory_space<vmem_shared>>
    %dma_wait3A_896 = tpu.memref_slice %arg13[%dma_wait3A_885] : memref<2x!tpu.dma_semaphore, #tpu.memory_space<semaphore_mem>> -> memref<1x!tpu.dma_semaphore, #tpu.memory_space<semaphore_mem>>
    %dma_wait3A_897 = tpu.memref_squeeze %dma_wait3A_896 : memref<1x!tpu.dma_semaphore, #tpu.memory_space<semaphore_mem>> -> memref<!tpu.dma_semaphore, #tpu.memory_space<semaphore_mem>>
    tpu.wait_indirect_dma semaphore(%dma_wait3A_897 : memref<!tpu.dma_semaphore, #tpu.memory_space<semaphore_mem>>) src(%dma_wait3A_895 : memref<10240x64xf32, #tpu.memory_space<vmem_shared>>) dst(%dma_wait3A_889 : memref<128x64xf32, #tpu.memory_space<vmem>>)
    %dma_start3A_898 = arith.constant 0 : i32
    %dma_start3A_899 = arith.constant 5 : i32
    %dma_start3A_900 = arith.constant 0 : i32
    %dma_start3A_901 = arith.constant 0 : i32
    %dma_start3A_902 = arith.constant 0 : i32
    %dma_start3A_903 = tpu.memref_slice %arg8[%dma_start3A_898, %dma_start3A_901, %dma_start3A_902] : memref<2x128x64xf32, #tpu.memory_space<vmem>> -> memref<1x128x64xf32, #tpu.memory_space<vmem>>
    %dma_start3A_904 = tpu.memref_squeeze %dma_start3A_903 : memref<1x128x64xf32, #tpu.memory_space<vmem>> -> memref<128x64xf32, #tpu.memory_space<vmem>>
    %dma_start3A_905 = arith.constant 0 : i32
    %dma_start3A_906 = tpu.memref_slice %arg7[%dma_start3A_899, %dma_start3A_905] : memref<8x128xi32, #tpu.memory_space<vmem>> -> memref<1x128xi32, #tpu.memory_space<vmem>>
    %dma_start3A_907 = tpu.memref_squeeze %dma_start3A_906 : memref<1x128xi32, #tpu.memory_space<vmem>> -> memref<128xi32, #tpu.memory_space<vmem>>
    %dma_start3A_908 = arith.constant 0 : i32
    %dma_start3A_909 = arith.constant 0 : i32
    %dma_start3A_910 = tpu.memref_slice %arg11[%dma_start3A_908, %dma_start3A_909] : memref<10240x64xf32, #tpu.memory_space<vmem_shared>> -> memref<10240x64xf32, #tpu.memory_space<vmem_shared>>
    %dma_start3A_911 = tpu.memref_slice %arg14[%dma_start3A_900] : memref<2x!tpu.dma_semaphore, #tpu.memory_space<semaphore_mem>> -> memref<1x!tpu.dma_semaphore, #tpu.memory_space<semaphore_mem>>
    %dma_start3A_912 = tpu.memref_squeeze %dma_start3A_911 : memref<1x!tpu.dma_semaphore, #tpu.memory_space<semaphore_mem>> -> memref<!tpu.dma_semaphore, #tpu.memory_space<semaphore_mem>>
    tpu.enqueue_indirect_dma source(%dma_start3A_904 : memref<128x64xf32, #tpu.memory_space<vmem>>) target(%dma_start3A_910 : memref<10240x64xf32, #tpu.memory_space<vmem_shared>>) offsets(%dma_start3A_907 : memref<128xi32, #tpu.memory_space<vmem>>) semaphore(%dma_start3A_912 : memref<!tpu.dma_semaphore, #tpu.memory_space<semaphore_mem>>) {add = true}
    %get3A_913 = arith.constant 5 : i32
    %get3A_914 = arith.index_cast %get3A_913 : i32 to index
    %get3A_915 = arith.constant 0 : index
    %get3A_916 = tpu.vector_load %arg7[%get3A_914, %get3A_915] {strides = array<i32>} : memref<8x128xi32, #tpu.memory_space<vmem>>, vector<16xi32>,
    tpu.vector_store_idx %arg9[%get3A_916], %broadcast_in_dim3A_3 {add = true} : memref<10240xf32, #tpu.memory_space<vmem>>[vector<16xi32>], vector<16xf32>,
    %get3A_917 = arith.constant 5 : i32
    %get3A_918 = arith.index_cast %get3A_917 : i32 to index
    %get3A_919 = arith.constant 16 : index
    %get3A_920 = tpu.vector_load %arg7[%get3A_918, %get3A_919] {strides = array<i32>} : memref<8x128xi32, #tpu.memory_space<vmem>>, vector<16xi32>,
    tpu.vector_store_idx %arg9[%get3A_920], %broadcast_in_dim3A_3 {add = true} : memref<10240xf32, #tpu.memory_space<vmem>>[vector<16xi32>], vector<16xf32>,
    %get3A_921 = arith.constant 5 : i32
    %get3A_922 = arith.index_cast %get3A_921 : i32 to index
    %get3A_923 = arith.constant 32 : index
    %get3A_924 = tpu.vector_load %arg7[%get3A_922, %get3A_923] {strides = array<i32>} : memref<8x128xi32, #tpu.memory_space<vmem>>, vector<16xi32>,
    tpu.vector_store_idx %arg9[%get3A_924], %broadcast_in_dim3A_3 {add = true} : memref<10240xf32, #tpu.memory_space<vmem>>[vector<16xi32>], vector<16xf32>,
    %get3A_925 = arith.constant 5 : i32
    %get3A_926 = arith.index_cast %get3A_925 : i32 to index
    %get3A_927 = arith.constant 48 : index
    %get3A_928 = tpu.vector_load %arg7[%get3A_926, %get3A_927] {strides = array<i32>} : memref<8x128xi32, #tpu.memory_space<vmem>>, vector<16xi32>,
    tpu.vector_store_idx %arg9[%get3A_928], %broadcast_in_dim3A_3 {add = true} : memref<10240xf32, #tpu.memory_space<vmem>>[vector<16xi32>], vector<16xf32>,
    %get3A_929 = arith.constant 5 : i32
    %get3A_930 = arith.index_cast %get3A_929 : i32 to index
    %get3A_931 = arith.constant 64 : index
    %get3A_932 = tpu.vector_load %arg7[%get3A_930, %get3A_931] {strides = array<i32>} : memref<8x128xi32, #tpu.memory_space<vmem>>, vector<16xi32>,
    tpu.vector_store_idx %arg9[%get3A_932], %broadcast_in_dim3A_3 {add = true} : memref<10240xf32, #tpu.memory_space<vmem>>[vector<16xi32>], vector<16xf32>,
    %get3A_933 = arith.constant 5 : i32
    %get3A_934 = arith.index_cast %get3A_933 : i32 to index
    %get3A_935 = arith.constant 80 : index
    %get3A_936 = tpu.vector_load %arg7[%get3A_934, %get3A_935] {strides = array<i32>} : memref<8x128xi32, #tpu.memory_space<vmem>>, vector<16xi32>,
    tpu.vector_store_idx %arg9[%get3A_936], %broadcast_in_dim3A_3 {add = true} : memref<10240xf32, #tpu.memory_space<vmem>>[vector<16xi32>], vector<16xf32>,
    %get3A_937 = arith.constant 5 : i32
    %get3A_938 = arith.index_cast %get3A_937 : i32 to index
    %get3A_939 = arith.constant 96 : index
    %get3A_940 = tpu.vector_load %arg7[%get3A_938, %get3A_939] {strides = array<i32>} : memref<8x128xi32, #tpu.memory_space<vmem>>, vector<16xi32>,
    tpu.vector_store_idx %arg9[%get3A_940], %broadcast_in_dim3A_3 {add = true} : memref<10240xf32, #tpu.memory_space<vmem>>[vector<16xi32>], vector<16xf32>,
    %get3A_941 = arith.constant 5 : i32
    %get3A_942 = arith.index_cast %get3A_941 : i32 to index
    %get3A_943 = arith.constant 112 : index
    %get3A_944 = tpu.vector_load %arg7[%get3A_942, %get3A_943] {strides = array<i32>} : memref<8x128xi32, #tpu.memory_space<vmem>>, vector<16xi32>,
    tpu.vector_store_idx %arg9[%get3A_944], %broadcast_in_dim3A_3 {add = true} : memref<10240xf32, #tpu.memory_space<vmem>>[vector<16xi32>], vector<16xf32>,
    %dma_wait3A_945 = arith.constant 0 : i32
    %dma_wait3A_946 = arith.constant 5 : i32
    %dma_wait3A_947 = arith.constant 0 : i32
    %dma_wait3A_948 = arith.constant 0 : i32
    %dma_wait3A_949 = arith.constant 0 : i32
    %dma_wait3A_950 = tpu.memref_slice %arg8[%dma_wait3A_945, %dma_wait3A_948, %dma_wait3A_949] : memref<2x128x64xf32, #tpu.memory_space<vmem>> -> memref<1x128x64xf32, #tpu.memory_space<vmem>>
    %dma_wait3A_951 = tpu.memref_squeeze %dma_wait3A_950 : memref<1x128x64xf32, #tpu.memory_space<vmem>> -> memref<128x64xf32, #tpu.memory_space<vmem>>
    %dma_wait3A_952 = arith.constant 0 : i32
    %dma_wait3A_953 = tpu.memref_slice %arg7[%dma_wait3A_946, %dma_wait3A_952] : memref<8x128xi32, #tpu.memory_space<vmem>> -> memref<1x128xi32, #tpu.memory_space<vmem>>
    %dma_wait3A_954 = tpu.memref_squeeze %dma_wait3A_953 : memref<1x128xi32, #tpu.memory_space<vmem>> -> memref<128xi32, #tpu.memory_space<vmem>>
    %dma_wait3A_955 = arith.constant 0 : i32
    %dma_wait3A_956 = arith.constant 0 : i32
    %dma_wait3A_957 = tpu.memref_slice %arg11[%dma_wait3A_955, %dma_wait3A_956] : memref<10240x64xf32, #tpu.memory_space<vmem_shared>> -> memref<10240x64xf32, #tpu.memory_space<vmem_shared>>
    %dma_wait3A_958 = tpu.memref_slice %arg14[%dma_wait3A_947] : memref<2x!tpu.dma_semaphore, #tpu.memory_space<semaphore_mem>> -> memref<1x!tpu.dma_semaphore, #tpu.memory_space<semaphore_mem>>
    %dma_wait3A_959 = tpu.memref_squeeze %dma_wait3A_958 : memref<1x!tpu.dma_semaphore, #tpu.memory_space<semaphore_mem>> -> memref<!tpu.dma_semaphore, #tpu.memory_space<semaphore_mem>>
    tpu.wait_indirect_dma semaphore(%dma_wait3A_959 : memref<!tpu.dma_semaphore, #tpu.memory_space<semaphore_mem>>) src(%dma_wait3A_951 : memref<128x64xf32, #tpu.memory_space<vmem>>) dst(%dma_wait3A_957 : memref<10240x64xf32, #tpu.memory_space<vmem_shared>>)
    %dma_wait3A_960 = arith.constant 6 : i32
    %dma_wait3A_961 = arith.constant 1 : i32
    %dma_wait3A_962 = arith.constant 1 : i32
    %dma_wait3A_963 = arith.constant 0 : i32
    %dma_wait3A_964 = arith.constant 0 : i32
    %dma_wait3A_965 = tpu.memref_slice %arg8[%dma_wait3A_961, %dma_wait3A_963, %dma_wait3A_964] : memref<2x128x64xf32, #tpu.memory_space<vmem>> -> memref<1x128x64xf32, #tpu.memory_space<vmem>>
    %dma_wait3A_966 = tpu.memref_squeeze %dma_wait3A_965 : memref<1x128x64xf32, #tpu.memory_space<vmem>> -> memref<128x64xf32, #tpu.memory_space<vmem>>
    %dma_wait3A_967 = arith.constant 0 : i32
    %dma_wait3A_968 = tpu.memref_slice %arg7[%dma_wait3A_960, %dma_wait3A_967] : memref<8x128xi32, #tpu.memory_space<vmem>> -> memref<1x128xi32, #tpu.memory_space<vmem>>
    %dma_wait3A_969 = tpu.memref_squeeze %dma_wait3A_968 : memref<1x128xi32, #tpu.memory_space<vmem>> -> memref<128xi32, #tpu.memory_space<vmem>>
    %dma_wait3A_970 = arith.constant 0 : i32
    %dma_wait3A_971 = arith.constant 0 : i32
    %dma_wait3A_972 = tpu.memref_slice %arg10[%dma_wait3A_970, %dma_wait3A_971] : memref<10240x64xf32, #tpu.memory_space<vmem_shared>> -> memref<10240x64xf32, #tpu.memory_space<vmem_shared>>
    %dma_wait3A_973 = tpu.memref_slice %arg13[%dma_wait3A_962] : memref<2x!tpu.dma_semaphore, #tpu.memory_space<semaphore_mem>> -> memref<1x!tpu.dma_semaphore, #tpu.memory_space<semaphore_mem>>
    %dma_wait3A_974 = tpu.memref_squeeze %dma_wait3A_973 : memref<1x!tpu.dma_semaphore, #tpu.memory_space<semaphore_mem>> -> memref<!tpu.dma_semaphore, #tpu.memory_space<semaphore_mem>>
    tpu.wait_indirect_dma semaphore(%dma_wait3A_974 : memref<!tpu.dma_semaphore, #tpu.memory_space<semaphore_mem>>) src(%dma_wait3A_972 : memref<10240x64xf32, #tpu.memory_space<vmem_shared>>) dst(%dma_wait3A_966 : memref<128x64xf32, #tpu.memory_space<vmem>>)
    %dma_start3A_975 = arith.constant 1 : i32
    %dma_start3A_976 = arith.constant 7 : i32
    %dma_start3A_977 = arith.constant 1 : i32
    %dma_start3A_978 = arith.constant 0 : i32
    %dma_start3A_979 = arith.constant 0 : i32
    %dma_start3A_980 = tpu.memref_slice %arg8[%dma_start3A_975, %dma_start3A_978, %dma_start3A_979] : memref<2x128x64xf32, #tpu.memory_space<vmem>> -> memref<1x128x64xf32, #tpu.memory_space<vmem>>
    %dma_start3A_981 = tpu.memref_squeeze %dma_start3A_980 : memref<1x128x64xf32, #tpu.memory_space<vmem>> -> memref<128x64xf32, #tpu.memory_space<vmem>>
    %dma_start3A_982 = arith.constant 0 : i32
    %dma_start3A_983 = tpu.memref_slice %arg7[%dma_start3A_976, %dma_start3A_982] : memref<8x128xi32, #tpu.memory_space<vmem>> -> memref<1x128xi32, #tpu.memory_space<vmem>>
    %dma_start3A_984 = tpu.memref_squeeze %dma_start3A_983 : memref<1x128xi32, #tpu.memory_space<vmem>> -> memref<128xi32, #tpu.memory_space<vmem>>
    %dma_start3A_985 = arith.constant 0 : i32
    %dma_start3A_986 = arith.constant 0 : i32
    %dma_start3A_987 = tpu.memref_slice %arg11[%dma_start3A_985, %dma_start3A_986] : memref<10240x64xf32, #tpu.memory_space<vmem_shared>> -> memref<10240x64xf32, #tpu.memory_space<vmem_shared>>
    %dma_start3A_988 = tpu.memref_slice %arg14[%dma_start3A_977] : memref<2x!tpu.dma_semaphore, #tpu.memory_space<semaphore_mem>> -> memref<1x!tpu.dma_semaphore, #tpu.memory_space<semaphore_mem>>
    %dma_start3A_989 = tpu.memref_squeeze %dma_start3A_988 : memref<1x!tpu.dma_semaphore, #tpu.memory_space<semaphore_mem>> -> memref<!tpu.dma_semaphore, #tpu.memory_space<semaphore_mem>>
    tpu.enqueue_indirect_dma source(%dma_start3A_981 : memref<128x64xf32, #tpu.memory_space<vmem>>) target(%dma_start3A_987 : memref<10240x64xf32, #tpu.memory_space<vmem_shared>>) offsets(%dma_start3A_984 : memref<128xi32, #tpu.memory_space<vmem>>) semaphore(%dma_start3A_989 : memref<!tpu.dma_semaphore, #tpu.memory_space<semaphore_mem>>) {add = true}
    %get3A_990 = arith.constant 7 : i32
    %get3A_991 = arith.index_cast %get3A_990 : i32 to index
    %get3A_992 = arith.constant 0 : index
    %get3A_993 = tpu.vector_load %arg7[%get3A_991, %get3A_992] {strides = array<i32>} : memref<8x128xi32, #tpu.memory_space<vmem>>, vector<16xi32>,
    tpu.vector_store_idx %arg9[%get3A_993], %broadcast_in_dim3A_3 {add = true} : memref<10240xf32, #tpu.memory_space<vmem>>[vector<16xi32>], vector<16xf32>,
    %get3A_994 = arith.constant 7 : i32
    %get3A_995 = arith.index_cast %get3A_994 : i32 to index
    %get3A_996 = arith.constant 16 : index
    %get3A_997 = tpu.vector_load %arg7[%get3A_995, %get3A_996] {strides = array<i32>} : memref<8x128xi32, #tpu.memory_space<vmem>>, vector<16xi32>,
    tpu.vector_store_idx %arg9[%get3A_997], %broadcast_in_dim3A_3 {add = true} : memref<10240xf32, #tpu.memory_space<vmem>>[vector<16xi32>], vector<16xf32>,
    %get3A_998 = arith.constant 7 : i32
    %get3A_999 = arith.index_cast %get3A_998 : i32 to index
    %get3A_1000 = arith.constant 32 : index
    %get3A_1001 = tpu.vector_load %arg7[%get3A_999, %get3A_1000] {strides = array<i32>} : memref<8x128xi32, #tpu.memory_space<vmem>>, vector<16xi32>,
    tpu.vector_store_idx %arg9[%get3A_1001], %broadcast_in_dim3A_3 {add = true} : memref<10240xf32, #tpu.memory_space<vmem>>[vector<16xi32>], vector<16xf32>,
    %get3A_1002 = arith.constant 7 : i32
    %get3A_1003 = arith.index_cast %get3A_1002 : i32 to index
    %get3A_1004 = arith.constant 48 : index
    %get3A_1005 = tpu.vector_load %arg7[%get3A_1003, %get3A_1004] {strides = array<i32>} : memref<8x128xi32, #tpu.memory_space<vmem>>, vector<16xi32>,
    tpu.vector_store_idx %arg9[%get3A_1005], %broadcast_in_dim3A_3 {add = true} : memref<10240xf32, #tpu.memory_space<vmem>>[vector<16xi32>], vector<16xf32>,
    %get3A_1006 = arith.constant 7 : i32
    %get3A_1007 = arith.index_cast %get3A_1006 : i32 to index
    %get3A_1008 = arith.constant 64 : index
    %get3A_1009 = tpu.vector_load %arg7[%get3A_1007, %get3A_1008] {strides = array<i32>} : memref<8x128xi32, #tpu.memory_space<vmem>>, vector<16xi32>,
    tpu.vector_store_idx %arg9[%get3A_1009], %broadcast_in_dim3A_3 {add = true} : memref<10240xf32, #tpu.memory_space<vmem>>[vector<16xi32>], vector<16xf32>,
    %get3A_1010 = arith.constant 7 : i32
    %get3A_1011 = arith.index_cast %get3A_1010 : i32 to index
    %get3A_1012 = arith.constant 80 : index
    %get3A_1013 = tpu.vector_load %arg7[%get3A_1011, %get3A_1012] {strides = array<i32>} : memref<8x128xi32, #tpu.memory_space<vmem>>, vector<16xi32>,
    tpu.vector_store_idx %arg9[%get3A_1013], %broadcast_in_dim3A_3 {add = true} : memref<10240xf32, #tpu.memory_space<vmem>>[vector<16xi32>], vector<16xf32>,
    %get3A_1014 = arith.constant 7 : i32
    %get3A_1015 = arith.index_cast %get3A_1014 : i32 to index
    %get3A_1016 = arith.constant 96 : index
    %get3A_1017 = tpu.vector_load %arg7[%get3A_1015, %get3A_1016] {strides = array<i32>} : memref<8x128xi32, #tpu.memory_space<vmem>>, vector<16xi32>,
    tpu.vector_store_idx %arg9[%get3A_1017], %broadcast_in_dim3A_3 {add = true} : memref<10240xf32, #tpu.memory_space<vmem>>[vector<16xi32>], vector<16xf32>,
    %get3A_1018 = arith.constant 7 : i32
    %get3A_1019 = arith.index_cast %get3A_1018 : i32 to index
    %get3A_1020 = arith.constant 112 : index
    %get3A_1021 = tpu.vector_load %arg7[%get3A_1019, %get3A_1020] {strides = array<i32>} : memref<8x128xi32, #tpu.memory_space<vmem>>, vector<16xi32>,
    tpu.vector_store_idx %arg9[%get3A_1021], %broadcast_in_dim3A_3 {add = true} : memref<10240xf32, #tpu.memory_space<vmem>>[vector<16xi32>], vector<16xf32>,
    %dma_wait3A_1022 = arith.constant 1 : i32
    %dma_wait3A_1023 = arith.constant 7 : i32
    %dma_wait3A_1024 = arith.constant 1 : i32
    %dma_wait3A_1025 = arith.constant 0 : i32
    %dma_wait3A_1026 = arith.constant 0 : i32
    %dma_wait3A_1027 = tpu.memref_slice %arg8[%dma_wait3A_1022, %dma_wait3A_1025, %dma_wait3A_1026] : memref<2x128x64xf32, #tpu.memory_space<vmem>> -> memref<1x128x64xf32, #tpu.memory_space<vmem>>
    %dma_wait3A_1028 = tpu.memref_squeeze %dma_wait3A_1027 : memref<1x128x64xf32, #tpu.memory_space<vmem>> -> memref<128x64xf32, #tpu.memory_space<vmem>>
    %dma_wait3A_1029 = arith.constant 0 : i32
    %dma_wait3A_1030 = tpu.memref_slice %arg7[%dma_wait3A_1023, %dma_wait3A_1029] : memref<8x128xi32, #tpu.memory_space<vmem>> -> memref<1x128xi32, #tpu.memory_space<vmem>>
    %dma_wait3A_1031 = tpu.memref_squeeze %dma_wait3A_1030 : memref<1x128xi32, #tpu.memory_space<vmem>> -> memref<128xi32, #tpu.memory_space<vmem>>
    %dma_wait3A_1032 = arith.constant 0 : i32
    %dma_wait3A_1033 = arith.constant 0 : i32
    %dma_wait3A_1034 = tpu.memref_slice %arg11[%dma_wait3A_1032, %dma_wait3A_1033] : memref<10240x64xf32, #tpu.memory_space<vmem_shared>> -> memref<10240x64xf32, #tpu.memory_space<vmem_shared>>
    %dma_wait3A_1035 = tpu.memref_slice %arg14[%dma_wait3A_1024] : memref<2x!tpu.dma_semaphore, #tpu.memory_space<semaphore_mem>> -> memref<1x!tpu.dma_semaphore, #tpu.memory_space<semaphore_mem>>
    %dma_wait3A_1036 = tpu.memref_squeeze %dma_wait3A_1035 : memref<1x!tpu.dma_semaphore, #tpu.memory_space<semaphore_mem>> -> memref<!tpu.dma_semaphore, #tpu.memory_space<semaphore_mem>>
    tpu.wait_indirect_dma semaphore(%dma_wait3A_1036 : memref<!tpu.dma_semaphore, #tpu.memory_space<semaphore_mem>>) src(%dma_wait3A_1028 : memref<128x64xf32, #tpu.memory_space<vmem>>) dst(%dma_wait3A_1034 : memref<10240x64xf32, #tpu.memory_space<vmem_shared>>)
    %barrier3A_1037 = arith.constant 0 : index
    tpu.barrier barrier_id(%barrier3A_1037)
    %run_scoped3A = arith.constant 0 : i32
    "tpu.region"() ({
      %run_scoped3A_1818 = tpu.sem_alloc : memref<!tpu.dma_semaphore, #tpu.memory_space<semaphore_mem>>
      %dma_start3A_1819 = arith.constant 0 : i32
      %dma_start3A_1820 = tpu.memref_slice %arg5[%run_scoped3A, %arg0, %mul3A_5, %dma_start3A_1819] : memref<2x2x10240x64xf32, #tpu.memory_space<hbm>> -> memref<1x1x640x64xf32, #tpu.memory_space<hbm>>
      %dma_start3A_1821 = tpu.memref_squeeze %dma_start3A_1820 : memref<1x1x640x64xf32, #tpu.memory_space<hbm>> -> memref<640x64xf32, #tpu.memory_space<hbm>>
      %dma_start3A_1822 = arith.constant 0 : i32
      %dma_start3A_1823 = tpu.memref_slice %arg11[%mul3A_5, %dma_start3A_1822] : memref<10240x64xf32, #tpu.memory_space<vmem_shared>> -> memref<640x64xf32, #tpu.memory_space<vmem_shared>>
      tpu.enqueue_dma source(%dma_start3A_1823 : memref<640x64xf32, #tpu.memory_space<vmem_shared>>) target(%dma_start3A_1821 : memref<640x64xf32, #tpu.memory_space<hbm>>) target_semaphore(%run_scoped3A_1818 : memref<!tpu.dma_semaphore, #tpu.memory_space<semaphore_mem>>)
      %dma_wait3A_1824 = arith.constant 0 : i32
      %dma_wait3A_1825 = tpu.memref_slice %arg5[%run_scoped3A, %arg0, %mul3A_5, %dma_wait3A_1824] : memref<2x2x10240x64xf32, #tpu.memory_space<hbm>> -> memref<1x1x640x64xf32, #tpu.memory_space<hbm>>
      %dma_wait3A_1826 = tpu.memref_squeeze %dma_wait3A_1825 : memref<1x1x640x64xf32, #tpu.memory_space<hbm>> -> memref<640x64xf32, #tpu.memory_space<hbm>>
      %dma_wait3A_1827 = arith.constant 0 : i32
      %dma_wait3A_1828 = tpu.memref_slice %arg11[%mul3A_5, %dma_wait3A_1827] : memref<10240x64xf32, #tpu.memory_space<vmem_shared>> -> memref<640x64xf32, #tpu.memory_space<vmem_shared>>
      tpu.wait_dma2 semaphore(%run_scoped3A_1818 : memref<!tpu.dma_semaphore, #tpu.memory_space<semaphore_mem>>) src(%dma_wait3A_1828 : memref<640x64xf32, #tpu.memory_space<vmem_shared>>) dst(%dma_wait3A_1826 : memref<640x64xf32, #tpu.memory_space<hbm>>)
      tpu.yield
    }) : () -> ()
    %barrier3A_1038 = arith.constant 0 : index
    tpu.barrier barrier_id(%barrier3A_1038)
    %min3A_1039 = arith.constant 9360 : i32
    %min3A_1040 = arith.minsi %mul3A_5, %min3A_1039 : i32
    %multiple_of3A_1041 = tpu.assume_multiple %min3A_1040, 8 : i32
    "tpu.region"() ({
      %run_scoped3A_1818 = tpu.sem_alloc : memref<!tpu.dma_semaphore, #tpu.memory_space<semaphore_mem>>
      %dma_start3A_1819 = arith.constant 0 : i32
      %dma_start3A_1820 = tpu.memref_slice %arg10[%multiple_of3A_1041, %dma_start3A_1819] : memref<10240x64xf32, #tpu.memory_space<vmem_shared>> -> memref<640x64xf32, #tpu.memory_space<vmem_shared>>
      %dma_start3A_1821 = arith.constant 64 : i32
      %dma_start3A_1822 = tpu.memref_slice %arg3[%multiple_of3A_1041, %dma_start3A_1821] : memref<10000x128xf32, #tpu.memory_space<hbm>> -> memref<640x64xf32, #tpu.memory_space<hbm>>
      tpu.enqueue_dma source(%dma_start3A_1822 : memref<640x64xf32, #tpu.memory_space<hbm>>) target(%dma_start3A_1820 : memref<640x64xf32, #tpu.memory_space<vmem_shared>>) target_semaphore(%run_scoped3A_1818 : memref<!tpu.dma_semaphore, #tpu.memory_space<semaphore_mem>>)
      %dma_wait3A_1823 = arith.constant 0 : i32
      %dma_wait3A_1824 = tpu.memref_slice %arg10[%multiple_of3A_1041, %dma_wait3A_1823] : memref<10240x64xf32, #tpu.memory_space<vmem_shared>> -> memref<640x64xf32, #tpu.memory_space<vmem_shared>>
      %dma_wait3A_1825 = arith.constant 64 : i32
      %dma_wait3A_1826 = tpu.memref_slice %arg3[%multiple_of3A_1041, %dma_wait3A_1825] : memref<10000x128xf32, #tpu.memory_space<hbm>> -> memref<640x64xf32, #tpu.memory_space<hbm>>
      tpu.wait_dma2 semaphore(%run_scoped3A_1818 : memref<!tpu.dma_semaphore, #tpu.memory_space<semaphore_mem>>) src(%dma_wait3A_1826 : memref<640x64xf32, #tpu.memory_space<hbm>>) dst(%dma_wait3A_1824 : memref<640x64xf32, #tpu.memory_space<vmem_shared>>)
      tpu.yield
    }) : () -> ()
    "tpu.region"() ({
      %run_scoped3A_1818 = tpu.sem_alloc : memref<!tpu.dma_semaphore, #tpu.memory_space<semaphore_mem>>
      %dma_start3A_1819 = arith.constant 0 : i32
      %dma_start3A_1820 = tpu.memref_slice %arg11[%mul3A_5, %dma_start3A_1819] : memref<10240x64xf32, #tpu.memory_space<vmem_shared>> -> memref<640x64xf32, #tpu.memory_space<vmem_shared>>
      tpu.enqueue_dma source(%arg4 : memref<640x64xf32, #tpu.memory_space<hbm>>) target(%dma_start3A_1820 : memref<640x64xf32, #tpu.memory_space<vmem_shared>>) target_semaphore(%run_scoped3A_1818 : memref<!tpu.dma_semaphore, #tpu.memory_space<semaphore_mem>>)
      %dma_wait3A_1821 = arith.constant 0 : i32
      %dma_wait3A_1822 = tpu.memref_slice %arg11[%mul3A_5, %dma_wait3A_1821] : memref<10240x64xf32, #tpu.memory_space<vmem_shared>> -> memref<640x64xf32, #tpu.memory_space<vmem_shared>>
      tpu.wait_dma2 semaphore(%run_scoped3A_1818 : memref<!tpu.dma_semaphore, #tpu.memory_space<semaphore_mem>>) src(%arg4 : memref<640x64xf32, #tpu.memory_space<hbm>>) dst(%dma_wait3A_1822 : memref<640x64xf32, #tpu.memory_space<vmem_shared>>)
      tpu.yield
    }) : () -> ()
    %dma_start3A_1042 = arith.constant 0 : i32
    %dma_start3A_1043 = arith.constant 0 : i32
    %dma_start3A_1044 = arith.constant 0 : i32
    %dma_start3A_1045 = arith.constant 0 : i32
    %dma_start3A_1046 = tpu.memref_slice %arg7[%dma_start3A_1044, %dma_start3A_1045] : memref<8x128xi32, #tpu.memory_space<vmem>> -> memref<2x128xi32, #tpu.memory_space<vmem>>
    %dma_start3A_1047 = arith.constant 0 : i32
    %dma_start3A_1048 = arith.constant 0 : i32
    %dma_start3A_1049 = tpu.memref_slice %arg2[%add3A, %dma_start3A_1042, %dma_start3A_1047, %dma_start3A_1048] : memref<32x80x2x128xi32, #tpu.memory_space<hbm>> -> memref<1x1x2x128xi32, #tpu.memory_space<hbm>>
    %dma_start3A_1050 = tpu.memref_squeeze %dma_start3A_1049 : memref<1x1x2x128xi32, #tpu.memory_space<hbm>> -> memref<2x128xi32, #tpu.memory_space<hbm>>
    %dma_start3A_1051 = tpu.memref_slice %arg12[%dma_start3A_1043] : memref<4x!tpu.dma_semaphore, #tpu.memory_space<semaphore_mem>> -> memref<1x!tpu.dma_semaphore, #tpu.memory_space<semaphore_mem>>
    %dma_start3A_1052 = tpu.memref_squeeze %dma_start3A_1051 : memref<1x!tpu.dma_semaphore, #tpu.memory_space<semaphore_mem>> -> memref<!tpu.dma_semaphore, #tpu.memory_space<semaphore_mem>>
    %dma_start3A_1053 = arith.constant 0 : i32
    %dma_start3A_1054 = arith.constant 0 : i32
    %dma_start3A_1055 = tpu.memref_slice %arg7[%dma_start3A_1053, %dma_start3A_1054] : memref<8x128xi32, #tpu.memory_space<vmem>> -> memref<2x128xi32, #tpu.memory_space<vmem>>
    %dma_start3A_1056 = arith.constant 0 : i32
    %dma_start3A_1057 = arith.constant 0 : i32
    %dma_start3A_1058 = tpu.memref_slice %arg2[%add3A, %dma_start3A_1042, %dma_start3A_1056, %dma_start3A_1057] : memref<32x80x2x128xi32, #tpu.memory_space<hbm>> -> memref<1x1x2x128xi32, #tpu.memory_space<hbm>>
    %dma_start3A_1059 = tpu.memref_squeeze %dma_start3A_1058 : memref<1x1x2x128xi32, #tpu.memory_space<hbm>> -> memref<2x128xi32, #tpu.memory_space<hbm>>
    tpu.enqueue_dma source(%dma_start3A_1059 : memref<2x128xi32, #tpu.memory_space<hbm>>) target(%dma_start3A_1055 : memref<2x128xi32, #tpu.memory_space<vmem>>) target_semaphore(%dma_start3A_1052 : memref<!tpu.dma_semaphore, #tpu.memory_space<semaphore_mem>>)
    %dma_start3A_1060 = arith.constant 1 : i32
    %dma_start3A_1061 = arith.constant 1 : i32
    %dma_start3A_1062 = arith.constant 2 : i32
    %dma_start3A_1063 = arith.constant 0 : i32
    %dma_start3A_1064 = tpu.memref_slice %arg7[%dma_start3A_1062, %dma_start3A_1063] : memref<8x128xi32, #tpu.memory_space<vmem>> -> memref<2x128xi32, #tpu.memory_space<vmem>>
    %dma_start3A_1065 = arith.constant 0 : i32
    %dma_start3A_1066 = arith.constant 0 : i32
    %dma_start3A_1067 = tpu.memref_slice %arg2[%add3A, %dma_start3A_1060, %dma_start3A_1065, %dma_start3A_1066] : memref<32x80x2x128xi32, #tpu.memory_space<hbm>> -> memref<1x1x2x128xi32, #tpu.memory_space<hbm>>
    %dma_start3A_1068 = tpu.memref_squeeze %dma_start3A_1067 : memref<1x1x2x128xi32, #tpu.memory_space<hbm>> -> memref<2x128xi32, #tpu.memory_space<hbm>>
    %dma_start3A_1069 = tpu.memref_slice %arg12[%dma_start3A_1061] : memref<4x!tpu.dma_semaphore, #tpu.memory_space<semaphore_mem>> -> memref<1x!tpu.dma_semaphore, #tpu.memory_space<semaphore_mem>>
    %dma_start3A_1070 = tpu.memref_squeeze %dma_start3A_1069 : memref<1x!tpu.dma_semaphore, #tpu.memory_space<semaphore_mem>> -> memref<!tpu.dma_semaphore, #tpu.memory_space<semaphore_mem>>
    %dma_start3A_1071 = arith.constant 2 : i32
    %dma_start3A_1072 = arith.constant 0 : i32
    %dma_start3A_1073 = tpu.memref_slice %arg7[%dma_start3A_1071, %dma_start3A_1072] : memref<8x128xi32, #tpu.memory_space<vmem>> -> memref<2x128xi32, #tpu.memory_space<vmem>>
    %dma_start3A_1074 = arith.constant 0 : i32
    %dma_start3A_1075 = arith.constant 0 : i32
    %dma_start3A_1076 = tpu.memref_slice %arg2[%add3A, %dma_start3A_1060, %dma_start3A_1074, %dma_start3A_1075] : memref<32x80x2x128xi32, #tpu.memory_space<hbm>> -> memref<1x1x2x128xi32, #tpu.memory_space<hbm>>
    %dma_start3A_1077 = tpu.memref_squeeze %dma_start3A_1076 : memref<1x1x2x128xi32, #tpu.memory_space<hbm>> -> memref<2x128xi32, #tpu.memory_space<hbm>>
    tpu.enqueue_dma source(%dma_start3A_1077 : memref<2x128xi32, #tpu.memory_space<hbm>>) target(%dma_start3A_1073 : memref<2x128xi32, #tpu.memory_space<vmem>>) target_semaphore(%dma_start3A_1070 : memref<!tpu.dma_semaphore, #tpu.memory_space<semaphore_mem>>)
    %dma_start3A_1078 = arith.constant 2 : i32
    %dma_start3A_1079 = arith.constant 2 : i32
    %dma_start3A_1080 = arith.constant 4 : i32
    %dma_start3A_1081 = arith.constant 0 : i32
    %dma_start3A_1082 = tpu.memref_slice %arg7[%dma_start3A_1080, %dma_start3A_1081] : memref<8x128xi32, #tpu.memory_space<vmem>> -> memref<2x128xi32, #tpu.memory_space<vmem>>
    %dma_start3A_1083 = arith.constant 0 : i32
    %dma_start3A_1084 = arith.constant 0 : i32
    %dma_start3A_1085 = tpu.memref_slice %arg2[%add3A, %dma_start3A_1078, %dma_start3A_1083, %dma_start3A_1084] : memref<32x80x2x128xi32, #tpu.memory_space<hbm>> -> memref<1x1x2x128xi32, #tpu.memory_space<hbm>>
    %dma_start3A_1086 = tpu.memref_squeeze %dma_start3A_1085 : memref<1x1x2x128xi32, #tpu.memory_space<hbm>> -> memref<2x128xi32, #tpu.memory_space<hbm>>
    %dma_start3A_1087 = tpu.memref_slice %arg12[%dma_start3A_1079] : memref<4x!tpu.dma_semaphore, #tpu.memory_space<semaphore_mem>> -> memref<1x!tpu.dma_semaphore, #tpu.memory_space<semaphore_mem>>
    %dma_start3A_1088 = tpu.memref_squeeze %dma_start3A_1087 : memref<1x!tpu.dma_semaphore, #tpu.memory_space<semaphore_mem>> -> memref<!tpu.dma_semaphore, #tpu.memory_space<semaphore_mem>>
    %dma_start3A_1089 = arith.constant 4 : i32
    %dma_start3A_1090 = arith.constant 0 : i32
    %dma_start3A_1091 = tpu.memref_slice %arg7[%dma_start3A_1089, %dma_start3A_1090] : memref<8x128xi32, #tpu.memory_space<vmem>> -> memref<2x128xi32, #tpu.memory_space<vmem>>
    %dma_start3A_1092 = arith.constant 0 : i32
    %dma_start3A_1093 = arith.constant 0 : i32
    %dma_start3A_1094 = tpu.memref_slice %arg2[%add3A, %dma_start3A_1078, %dma_start3A_1092, %dma_start3A_1093] : memref<32x80x2x128xi32, #tpu.memory_space<hbm>> -> memref<1x1x2x128xi32, #tpu.memory_space<hbm>>
    %dma_start3A_1095 = tpu.memref_squeeze %dma_start3A_1094 : memref<1x1x2x128xi32, #tpu.memory_space<hbm>> -> memref<2x128xi32, #tpu.memory_space<hbm>>
    tpu.enqueue_dma source(%dma_start3A_1095 : memref<2x128xi32, #tpu.memory_space<hbm>>) target(%dma_start3A_1091 : memref<2x128xi32, #tpu.memory_space<vmem>>) target_semaphore(%dma_start3A_1088 : memref<!tpu.dma_semaphore, #tpu.memory_space<semaphore_mem>>)
    %dma_wait3A_1096 = arith.constant 0 : i32
    %dma_wait3A_1097 = arith.constant 0 : i32
    %dma_wait3A_1098 = arith.constant 0 : i32
    %dma_wait3A_1099 = arith.constant 0 : i32
    %dma_wait3A_1100 = tpu.memref_slice %arg7[%dma_wait3A_1098, %dma_wait3A_1099] : memref<8x128xi32, #tpu.memory_space<vmem>> -> memref<2x128xi32, #tpu.memory_space<vmem>>
    %dma_wait3A_1101 = arith.constant 0 : i32
    %dma_wait3A_1102 = arith.constant 0 : i32
    %dma_wait3A_1103 = tpu.memref_slice %arg2[%add3A, %dma_wait3A_1096, %dma_wait3A_1101, %dma_wait3A_1102] : memref<32x80x2x128xi32, #tpu.memory_space<hbm>> -> memref<1x1x2x128xi32, #tpu.memory_space<hbm>>
    %dma_wait3A_1104 = tpu.memref_squeeze %dma_wait3A_1103 : memref<1x1x2x128xi32, #tpu.memory_space<hbm>> -> memref<2x128xi32, #tpu.memory_space<hbm>>
    %dma_wait3A_1105 = tpu.memref_slice %arg12[%dma_wait3A_1097] : memref<4x!tpu.dma_semaphore, #tpu.memory_space<semaphore_mem>> -> memref<1x!tpu.dma_semaphore, #tpu.memory_space<semaphore_mem>>
    %dma_wait3A_1106 = tpu.memref_squeeze %dma_wait3A_1105 : memref<1x!tpu.dma_semaphore, #tpu.memory_space<semaphore_mem>> -> memref<!tpu.dma_semaphore, #tpu.memory_space<semaphore_mem>>
    %dma_wait3A_1107 = arith.constant 0 : i32
    %dma_wait3A_1108 = arith.constant 0 : i32
    %dma_wait3A_1109 = tpu.memref_slice %arg7[%dma_wait3A_1107, %dma_wait3A_1108] : memref<8x128xi32, #tpu.memory_space<vmem>> -> memref<2x128xi32, #tpu.memory_space<vmem>>
    %dma_wait3A_1110 = arith.constant 0 : i32
    %dma_wait3A_1111 = arith.constant 0 : i32
    %dma_wait3A_1112 = tpu.memref_slice %arg2[%add3A, %dma_wait3A_1096, %dma_wait3A_1110, %dma_wait3A_1111] : memref<32x80x2x128xi32, #tpu.memory_space<hbm>> -> memref<1x1x2x128xi32, #tpu.memory_space<hbm>>
    %dma_wait3A_1113 = tpu.memref_squeeze %dma_wait3A_1112 : memref<1x1x2x128xi32, #tpu.memory_space<hbm>> -> memref<2x128xi32, #tpu.memory_space<hbm>>
    tpu.wait_dma2 semaphore(%dma_wait3A_1106 : memref<!tpu.dma_semaphore, #tpu.memory_space<semaphore_mem>>) src(%dma_wait3A_1113 : memref<2x128xi32, #tpu.memory_space<hbm>>) dst(%dma_wait3A_1109 : memref<2x128xi32, #tpu.memory_space<vmem>>)
    %barrier3A_1114 = arith.constant 0 : index
    tpu.barrier barrier_id(%barrier3A_1114)
    %dma_start3A_1115 = arith.constant 0 : i32
    %dma_start3A_1116 = arith.constant 0 : i32
    %dma_start3A_1117 = arith.constant 0 : i32
    %dma_start3A_1118 = arith.constant 0 : i32
    %dma_start3A_1119 = arith.constant 0 : i32
    %dma_start3A_1120 = tpu.memref_slice %arg8[%dma_start3A_1116, %dma_start3A_1118, %dma_start3A_1119] : memref<2x128x64xf32, #tpu.memory_space<vmem>> -> memref<1x128x64xf32, #tpu.memory_space<vmem>>
    %dma_start3A_1121 = tpu.memref_squeeze %dma_start3A_1120 : memref<1x128x64xf32, #tpu.memory_space<vmem>> -> memref<128x64xf32, #tpu.memory_space<vmem>>
    %dma_start3A_1122 = arith.constant 0 : i32
    %dma_start3A_1123 = tpu.memref_slice %arg7[%dma_start3A_1115, %dma_start3A_1122] : memref<8x128xi32, #tpu.memory_space<vmem>> -> memref<1x128xi32, #tpu.memory_space<vmem>>
    %dma_start3A_1124 = tpu.memref_squeeze %dma_start3A_1123 : memref<1x128xi32, #tpu.memory_space<vmem>> -> memref<128xi32, #tpu.memory_space<vmem>>
    %dma_start3A_1125 = arith.constant 0 : i32
    %dma_start3A_1126 = arith.constant 0 : i32
    %dma_start3A_1127 = tpu.memref_slice %arg10[%dma_start3A_1125, %dma_start3A_1126] : memref<10240x64xf32, #tpu.memory_space<vmem_shared>> -> memref<10240x64xf32, #tpu.memory_space<vmem_shared>>
    %dma_start3A_1128 = tpu.memref_slice %arg13[%dma_start3A_1117] : memref<2x!tpu.dma_semaphore, #tpu.memory_space<semaphore_mem>> -> memref<1x!tpu.dma_semaphore, #tpu.memory_space<semaphore_mem>>
    %dma_start3A_1129 = tpu.memref_squeeze %dma_start3A_1128 : memref<1x!tpu.dma_semaphore, #tpu.memory_space<semaphore_mem>> -> memref<!tpu.dma_semaphore, #tpu.memory_space<semaphore_mem>>
    tpu.enqueue_indirect_dma source(%dma_start3A_1127 : memref<10240x64xf32, #tpu.memory_space<vmem_shared>>) target(%dma_start3A_1121 : memref<128x64xf32, #tpu.memory_space<vmem>>) offsets(%dma_start3A_1124 : memref<128xi32, #tpu.memory_space<vmem>>) semaphore(%dma_start3A_1129 : memref<!tpu.dma_semaphore, #tpu.memory_space<semaphore_mem>>)
    %dma_wait3A_1130 = arith.constant 1 : i32
    %dma_wait3A_1131 = arith.constant 1 : i32
    %dma_wait3A_1132 = arith.constant 2 : i32
    %dma_wait3A_1133 = arith.constant 0 : i32
    %dma_wait3A_1134 = tpu.memref_slice %arg7[%dma_wait3A_1132, %dma_wait3A_1133] : memref<8x128xi32, #tpu.memory_space<vmem>> -> memref<2x128xi32, #tpu.memory_space<vmem>>
    %dma_wait3A_1135 = arith.constant 0 : i32
    %dma_wait3A_1136 = arith.constant 0 : i32
    %dma_wait3A_1137 = tpu.memref_slice %arg2[%add3A, %dma_wait3A_1130, %dma_wait3A_1135, %dma_wait3A_1136] : memref<32x80x2x128xi32, #tpu.memory_space<hbm>> -> memref<1x1x2x128xi32, #tpu.memory_space<hbm>>
    %dma_wait3A_1138 = tpu.memref_squeeze %dma_wait3A_1137 : memref<1x1x2x128xi32, #tpu.memory_space<hbm>> -> memref<2x128xi32, #tpu.memory_space<hbm>>
    %dma_wait3A_1139 = tpu.memref_slice %arg12[%dma_wait3A_1131] : memref<4x!tpu.dma_semaphore, #tpu.memory_space<semaphore_mem>> -> memref<1x!tpu.dma_semaphore, #tpu.memory_space<semaphore_mem>>
    %dma_wait3A_1140 = tpu.memref_squeeze %dma_wait3A_1139 : memref<1x!tpu.dma_semaphore, #tpu.memory_space<semaphore_mem>> -> memref<!tpu.dma_semaphore, #tpu.memory_space<semaphore_mem>>
    %dma_wait3A_1141 = arith.constant 2 : i32
    %dma_wait3A_1142 = arith.constant 0 : i32
    %dma_wait3A_1143 = tpu.memref_slice %arg7[%dma_wait3A_1141, %dma_wait3A_1142] : memref<8x128xi32, #tpu.memory_space<vmem>> -> memref<2x128xi32, #tpu.memory_space<vmem>>
    %dma_wait3A_1144 = arith.constant 0 : i32
    %dma_wait3A_1145 = arith.constant 0 : i32
    %dma_wait3A_1146 = tpu.memref_slice %arg2[%add3A, %dma_wait3A_1130, %dma_wait3A_1144, %dma_wait3A_1145] : memref<32x80x2x128xi32, #tpu.memory_space<hbm>> -> memref<1x1x2x128xi32, #tpu.memory_space<hbm>>
    %dma_wait3A_1147 = tpu.memref_squeeze %dma_wait3A_1146 : memref<1x1x2x128xi32, #tpu.memory_space<hbm>> -> memref<2x128xi32, #tpu.memory_space<hbm>>
    tpu.wait_dma2 semaphore(%dma_wait3A_1140 : memref<!tpu.dma_semaphore, #tpu.memory_space<semaphore_mem>>) src(%dma_wait3A_1147 : memref<2x128xi32, #tpu.memory_space<hbm>>) dst(%dma_wait3A_1143 : memref<2x128xi32, #tpu.memory_space<vmem>>)
    %dma_start3A_1148 = arith.constant 2 : i32
    %dma_start3A_1149 = arith.constant 1 : i32
    %dma_start3A_1150 = arith.constant 1 : i32
    %dma_start3A_1151 = arith.constant 0 : i32
    %dma_start3A_1152 = arith.constant 0 : i32
    %dma_start3A_1153 = tpu.memref_slice %arg8[%dma_start3A_1149, %dma_start3A_1151, %dma_start3A_1152] : memref<2x128x64xf32, #tpu.memory_space<vmem>> -> memref<1x128x64xf32, #tpu.memory_space<vmem>>
    %dma_start3A_1154 = tpu.memref_squeeze %dma_start3A_1153 : memref<1x128x64xf32, #tpu.memory_space<vmem>> -> memref<128x64xf32, #tpu.memory_space<vmem>>
    %dma_start3A_1155 = arith.constant 0 : i32
    %dma_start3A_1156 = tpu.memref_slice %arg7[%dma_start3A_1148, %dma_start3A_1155] : memref<8x128xi32, #tpu.memory_space<vmem>> -> memref<1x128xi32, #tpu.memory_space<vmem>>
    %dma_start3A_1157 = tpu.memref_squeeze %dma_start3A_1156 : memref<1x128xi32, #tpu.memory_space<vmem>> -> memref<128xi32, #tpu.memory_space<vmem>>
    %dma_start3A_1158 = arith.constant 0 : i32
    %dma_start3A_1159 = arith.constant 0 : i32
    %dma_start3A_1160 = tpu.memref_slice %arg10[%dma_start3A_1158, %dma_start3A_1159] : memref<10240x64xf32, #tpu.memory_space<vmem_shared>> -> memref<10240x64xf32, #tpu.memory_space<vmem_shared>>
    %dma_start3A_1161 = tpu.memref_slice %arg13[%dma_start3A_1150] : memref<2x!tpu.dma_semaphore, #tpu.memory_space<semaphore_mem>> -> memref<1x!tpu.dma_semaphore, #tpu.memory_space<semaphore_mem>>
    %dma_start3A_1162 = tpu.memref_squeeze %dma_start3A_1161 : memref<1x!tpu.dma_semaphore, #tpu.memory_space<semaphore_mem>> -> memref<!tpu.dma_semaphore, #tpu.memory_space<semaphore_mem>>
    tpu.enqueue_indirect_dma source(%dma_start3A_1160 : memref<10240x64xf32, #tpu.memory_space<vmem_shared>>) target(%dma_start3A_1154 : memref<128x64xf32, #tpu.memory_space<vmem>>) offsets(%dma_start3A_1157 : memref<128xi32, #tpu.memory_space<vmem>>) semaphore(%dma_start3A_1162 : memref<!tpu.dma_semaphore, #tpu.memory_space<semaphore_mem>>)
    %dma_start3A_1163 = arith.constant 3 : i32
    %dma_start3A_1164 = arith.constant 3 : i32
    %dma_start3A_1165 = arith.constant 6 : i32
    %dma_start3A_1166 = arith.constant 0 : i32
    %dma_start3A_1167 = tpu.memref_slice %arg7[%dma_start3A_1165, %dma_start3A_1166] : memref<8x128xi32, #tpu.memory_space<vmem>> -> memref<2x128xi32, #tpu.memory_space<vmem>>
    %dma_start3A_1168 = arith.constant 0 : i32
    %dma_start3A_1169 = arith.constant 0 : i32
    %dma_start3A_1170 = tpu.memref_slice %arg2[%add3A, %dma_start3A_1163, %dma_start3A_1168, %dma_start3A_1169] : memref<32x80x2x128xi32, #tpu.memory_space<hbm>> -> memref<1x1x2x128xi32, #tpu.memory_space<hbm>>
    %dma_start3A_1171 = tpu.memref_squeeze %dma_start3A_1170 : memref<1x1x2x128xi32, #tpu.memory_space<hbm>> -> memref<2x128xi32, #tpu.memory_space<hbm>>
    %dma_start3A_1172 = tpu.memref_slice %arg12[%dma_start3A_1164] : memref<4x!tpu.dma_semaphore, #tpu.memory_space<semaphore_mem>> -> memref<1x!tpu.dma_semaphore, #tpu.memory_space<semaphore_mem>>
    %dma_start3A_1173 = tpu.memref_squeeze %dma_start3A_1172 : memref<1x!tpu.dma_semaphore, #tpu.memory_space<semaphore_mem>> -> memref<!tpu.dma_semaphore, #tpu.memory_space<semaphore_mem>>
    %dma_start3A_1174 = arith.constant 6 : i32
    %dma_start3A_1175 = arith.constant 0 : i32
    %dma_start3A_1176 = tpu.memref_slice %arg7[%dma_start3A_1174, %dma_start3A_1175] : memref<8x128xi32, #tpu.memory_space<vmem>> -> memref<2x128xi32, #tpu.memory_space<vmem>>
    %dma_start3A_1177 = arith.constant 0 : i32
    %dma_start3A_1178 = arith.constant 0 : i32
    %dma_start3A_1179 = tpu.memref_slice %arg2[%add3A, %dma_start3A_1163, %dma_start3A_1177, %dma_start3A_1178] : memref<32x80x2x128xi32, #tpu.memory_space<hbm>> -> memref<1x1x2x128xi32, #tpu.memory_space<hbm>>
    %dma_start3A_1180 = tpu.memref_squeeze %dma_start3A_1179 : memref<1x1x2x128xi32, #tpu.memory_space<hbm>> -> memref<2x128xi32, #tpu.memory_space<hbm>>
    tpu.enqueue_dma source(%dma_start3A_1180 : memref<2x128xi32, #tpu.memory_space<hbm>>) target(%dma_start3A_1176 : memref<2x128xi32, #tpu.memory_space<vmem>>) target_semaphore(%dma_start3A_1173 : memref<!tpu.dma_semaphore, #tpu.memory_space<semaphore_mem>>)
    %dma_wait3A_1181 = arith.constant 0 : i32
    %dma_wait3A_1182 = arith.constant 0 : i32
    %dma_wait3A_1183 = arith.constant 0 : i32
    %dma_wait3A_1184 = arith.constant 0 : i32
    %dma_wait3A_1185 = arith.constant 0 : i32
    %dma_wait3A_1186 = tpu.memref_slice %arg8[%dma_wait3A_1182, %dma_wait3A_1184, %dma_wait3A_1185] : memref<2x128x64xf32, #tpu.memory_space<vmem>> -> memref<1x128x64xf32, #tpu.memory_space<vmem>>
    %dma_wait3A_1187 = tpu.memref_squeeze %dma_wait3A_1186 : memref<1x128x64xf32, #tpu.memory_space<vmem>> -> memref<128x64xf32, #tpu.memory_space<vmem>>
    %dma_wait3A_1188 = arith.constant 0 : i32
    %dma_wait3A_1189 = tpu.memref_slice %arg7[%dma_wait3A_1181, %dma_wait3A_1188] : memref<8x128xi32, #tpu.memory_space<vmem>> -> memref<1x128xi32, #tpu.memory_space<vmem>>
    %dma_wait3A_1190 = tpu.memref_squeeze %dma_wait3A_1189 : memref<1x128xi32, #tpu.memory_space<vmem>> -> memref<128xi32, #tpu.memory_space<vmem>>
    %dma_wait3A_1191 = arith.constant 0 : i32
    %dma_wait3A_1192 = arith.constant 0 : i32
    %dma_wait3A_1193 = tpu.memref_slice %arg10[%dma_wait3A_1191, %dma_wait3A_1192] : memref<10240x64xf32, #tpu.memory_space<vmem_shared>> -> memref<10240x64xf32, #tpu.memory_space<vmem_shared>>
    %dma_wait3A_1194 = tpu.memref_slice %arg13[%dma_wait3A_1183] : memref<2x!tpu.dma_semaphore, #tpu.memory_space<semaphore_mem>> -> memref<1x!tpu.dma_semaphore, #tpu.memory_space<semaphore_mem>>
    %dma_wait3A_1195 = tpu.memref_squeeze %dma_wait3A_1194 : memref<1x!tpu.dma_semaphore, #tpu.memory_space<semaphore_mem>> -> memref<!tpu.dma_semaphore, #tpu.memory_space<semaphore_mem>>
    tpu.wait_indirect_dma semaphore(%dma_wait3A_1195 : memref<!tpu.dma_semaphore, #tpu.memory_space<semaphore_mem>>) src(%dma_wait3A_1193 : memref<10240x64xf32, #tpu.memory_space<vmem_shared>>) dst(%dma_wait3A_1187 : memref<128x64xf32, #tpu.memory_space<vmem>>)
    %dma_start3A_1196 = arith.constant 0 : i32
    %dma_start3A_1197 = arith.constant 1 : i32
    %dma_start3A_1198 = arith.constant 0 : i32
    %dma_start3A_1199 = arith.constant 0 : i32
    %dma_start3A_1200 = arith.constant 0 : i32
    %dma_start3A_1201 = tpu.memref_slice %arg8[%dma_start3A_1196, %dma_start3A_1199, %dma_start3A_1200] : memref<2x128x64xf32, #tpu.memory_space<vmem>> -> memref<1x128x64xf32, #tpu.memory_space<vmem>>
    %dma_start3A_1202 = tpu.memref_squeeze %dma_start3A_1201 : memref<1x128x64xf32, #tpu.memory_space<vmem>> -> memref<128x64xf32, #tpu.memory_space<vmem>>
    %dma_start3A_1203 = arith.constant 0 : i32
    %dma_start3A_1204 = tpu.memref_slice %arg7[%dma_start3A_1197, %dma_start3A_1203] : memref<8x128xi32, #tpu.memory_space<vmem>> -> memref<1x128xi32, #tpu.memory_space<vmem>>
    %dma_start3A_1205 = tpu.memref_squeeze %dma_start3A_1204 : memref<1x128xi32, #tpu.memory_space<vmem>> -> memref<128xi32, #tpu.memory_space<vmem>>
    %dma_start3A_1206 = arith.constant 0 : i32
    %dma_start3A_1207 = arith.constant 0 : i32
    %dma_start3A_1208 = tpu.memref_slice %arg11[%dma_start3A_1206, %dma_start3A_1207] : memref<10240x64xf32, #tpu.memory_space<vmem_shared>> -> memref<10240x64xf32, #tpu.memory_space<vmem_shared>>
    %dma_start3A_1209 = tpu.memref_slice %arg14[%dma_start3A_1198] : memref<2x!tpu.dma_semaphore, #tpu.memory_space<semaphore_mem>> -> memref<1x!tpu.dma_semaphore, #tpu.memory_space<semaphore_mem>>
    %dma_start3A_1210 = tpu.memref_squeeze %dma_start3A_1209 : memref<1x!tpu.dma_semaphore, #tpu.memory_space<semaphore_mem>> -> memref<!tpu.dma_semaphore, #tpu.memory_space<semaphore_mem>>
    tpu.enqueue_indirect_dma source(%dma_start3A_1202 : memref<128x64xf32, #tpu.memory_space<vmem>>) target(%dma_start3A_1208 : memref<10240x64xf32, #tpu.memory_space<vmem_shared>>) offsets(%dma_start3A_1205 : memref<128xi32, #tpu.memory_space<vmem>>) semaphore(%dma_start3A_1210 : memref<!tpu.dma_semaphore, #tpu.memory_space<semaphore_mem>>) {add = true}
    %dma_wait3A_1211 = arith.constant 2 : i32
    %dma_wait3A_1212 = arith.constant 2 : i32
    %dma_wait3A_1213 = arith.constant 4 : i32
    %dma_wait3A_1214 = arith.constant 0 : i32
    %dma_wait3A_1215 = tpu.memref_slice %arg7[%dma_wait3A_1213, %dma_wait3A_1214] : memref<8x128xi32, #tpu.memory_space<vmem>> -> memref<2x128xi32, #tpu.memory_space<vmem>>
    %dma_wait3A_1216 = arith.constant 0 : i32
    %dma_wait3A_1217 = arith.constant 0 : i32
    %dma_wait3A_1218 = tpu.memref_slice %arg2[%add3A, %dma_wait3A_1211, %dma_wait3A_1216, %dma_wait3A_1217] : memref<32x80x2x128xi32, #tpu.memory_space<hbm>> -> memref<1x1x2x128xi32, #tpu.memory_space<hbm>>
    %dma_wait3A_1219 = tpu.memref_squeeze %dma_wait3A_1218 : memref<1x1x2x128xi32, #tpu.memory_space<hbm>> -> memref<2x128xi32, #tpu.memory_space<hbm>>
    %dma_wait3A_1220 = tpu.memref_slice %arg12[%dma_wait3A_1212] : memref<4x!tpu.dma_semaphore, #tpu.memory_space<semaphore_mem>> -> memref<1x!tpu.dma_semaphore, #tpu.memory_space<semaphore_mem>>
    %dma_wait3A_1221 = tpu.memref_squeeze %dma_wait3A_1220 : memref<1x!tpu.dma_semaphore, #tpu.memory_space<semaphore_mem>> -> memref<!tpu.dma_semaphore, #tpu.memory_space<semaphore_mem>>
    %dma_wait3A_1222 = arith.constant 4 : i32
    %dma_wait3A_1223 = arith.constant 0 : i32
    %dma_wait3A_1224 = tpu.memref_slice %arg7[%dma_wait3A_1222, %dma_wait3A_1223] : memref<8x128xi32, #tpu.memory_space<vmem>> -> memref<2x128xi32, #tpu.memory_space<vmem>>
    %dma_wait3A_1225 = arith.constant 0 : i32
    %dma_wait3A_1226 = arith.constant 0 : i32
    %dma_wait3A_1227 = tpu.memref_slice %arg2[%add3A, %dma_wait3A_1211, %dma_wait3A_1225, %dma_wait3A_1226] : memref<32x80x2x128xi32, #tpu.memory_space<hbm>> -> memref<1x1x2x128xi32, #tpu.memory_space<hbm>>
    %dma_wait3A_1228 = tpu.memref_squeeze %dma_wait3A_1227 : memref<1x1x2x128xi32, #tpu.memory_space<hbm>> -> memref<2x128xi32, #tpu.memory_space<hbm>>
    tpu.wait_dma2 semaphore(%dma_wait3A_1221 : memref<!tpu.dma_semaphore, #tpu.memory_space<semaphore_mem>>) src(%dma_wait3A_1228 : memref<2x128xi32, #tpu.memory_space<hbm>>) dst(%dma_wait3A_1224 : memref<2x128xi32, #tpu.memory_space<vmem>>)
    %dma_wait3A_1229 = arith.constant 0 : i32
    %dma_wait3A_1230 = arith.constant 1 : i32
    %dma_wait3A_1231 = arith.constant 0 : i32
    %dma_wait3A_1232 = arith.constant 0 : i32
    %dma_wait3A_1233 = arith.constant 0 : i32
    %dma_wait3A_1234 = tpu.memref_slice %arg8[%dma_wait3A_1229, %dma_wait3A_1232, %dma_wait3A_1233] : memref<2x128x64xf32, #tpu.memory_space<vmem>> -> memref<1x128x64xf32, #tpu.memory_space<vmem>>
    %dma_wait3A_1235 = tpu.memref_squeeze %dma_wait3A_1234 : memref<1x128x64xf32, #tpu.memory_space<vmem>> -> memref<128x64xf32, #tpu.memory_space<vmem>>
    %dma_wait3A_1236 = arith.constant 0 : i32
    %dma_wait3A_1237 = tpu.memref_slice %arg7[%dma_wait3A_1230, %dma_wait3A_1236] : memref<8x128xi32, #tpu.memory_space<vmem>> -> memref<1x128xi32, #tpu.memory_space<vmem>>
    %dma_wait3A_1238 = tpu.memref_squeeze %dma_wait3A_1237 : memref<1x128xi32, #tpu.memory_space<vmem>> -> memref<128xi32, #tpu.memory_space<vmem>>
    %dma_wait3A_1239 = arith.constant 0 : i32
    %dma_wait3A_1240 = arith.constant 0 : i32
    %dma_wait3A_1241 = tpu.memref_slice %arg11[%dma_wait3A_1239, %dma_wait3A_1240] : memref<10240x64xf32, #tpu.memory_space<vmem_shared>> -> memref<10240x64xf32, #tpu.memory_space<vmem_shared>>
    %dma_wait3A_1242 = tpu.memref_slice %arg14[%dma_wait3A_1231] : memref<2x!tpu.dma_semaphore, #tpu.memory_space<semaphore_mem>> -> memref<1x!tpu.dma_semaphore, #tpu.memory_space<semaphore_mem>>
    %dma_wait3A_1243 = tpu.memref_squeeze %dma_wait3A_1242 : memref<1x!tpu.dma_semaphore, #tpu.memory_space<semaphore_mem>> -> memref<!tpu.dma_semaphore, #tpu.memory_space<semaphore_mem>>
    tpu.wait_indirect_dma semaphore(%dma_wait3A_1243 : memref<!tpu.dma_semaphore, #tpu.memory_space<semaphore_mem>>) src(%dma_wait3A_1235 : memref<128x64xf32, #tpu.memory_space<vmem>>) dst(%dma_wait3A_1241 : memref<10240x64xf32, #tpu.memory_space<vmem_shared>>)
    %dma_start3A_1244 = arith.constant 4 : i32
    %dma_start3A_1245 = arith.constant 0 : i32
    %dma_start3A_1246 = arith.constant 0 : i32
    %dma_start3A_1247 = arith.constant 0 : i32
    %dma_start3A_1248 = arith.constant 0 : i32
    %dma_start3A_1249 = tpu.memref_slice %arg8[%dma_start3A_1245, %dma_start3A_1247, %dma_start3A_1248] : memref<2x128x64xf32, #tpu.memory_space<vmem>> -> memref<1x128x64xf32, #tpu.memory_space<vmem>>
    %dma_start3A_1250 = tpu.memref_squeeze %dma_start3A_1249 : memref<1x128x64xf32, #tpu.memory_space<vmem>> -> memref<128x64xf32, #tpu.memory_space<vmem>>
    %dma_start3A_1251 = arith.constant 0 : i32
    %dma_start3A_1252 = tpu.memref_slice %arg7[%dma_start3A_1244, %dma_start3A_1251] : memref<8x128xi32, #tpu.memory_space<vmem>> -> memref<1x128xi32, #tpu.memory_space<vmem>>
    %dma_start3A_1253 = tpu.memref_squeeze %dma_start3A_1252 : memref<1x128xi32, #tpu.memory_space<vmem>> -> memref<128xi32, #tpu.memory_space<vmem>>
    %dma_start3A_1254 = arith.constant 0 : i32
    %dma_start3A_1255 = arith.constant 0 : i32
    %dma_start3A_1256 = tpu.memref_slice %arg10[%dma_start3A_1254, %dma_start3A_1255] : memref<10240x64xf32, #tpu.memory_space<vmem_shared>> -> memref<10240x64xf32, #tpu.memory_space<vmem_shared>>
    %dma_start3A_1257 = tpu.memref_slice %arg13[%dma_start3A_1246] : memref<2x!tpu.dma_semaphore, #tpu.memory_space<semaphore_mem>> -> memref<1x!tpu.dma_semaphore, #tpu.memory_space<semaphore_mem>>
    %dma_start3A_1258 = tpu.memref_squeeze %dma_start3A_1257 : memref<1x!tpu.dma_semaphore, #tpu.memory_space<semaphore_mem>> -> memref<!tpu.dma_semaphore, #tpu.memory_space<semaphore_mem>>
    tpu.enqueue_indirect_dma source(%dma_start3A_1256 : memref<10240x64xf32, #tpu.memory_space<vmem_shared>>) target(%dma_start3A_1250 : memref<128x64xf32, #tpu.memory_space<vmem>>) offsets(%dma_start3A_1253 : memref<128xi32, #tpu.memory_space<vmem>>) semaphore(%dma_start3A_1258 : memref<!tpu.dma_semaphore, #tpu.memory_space<semaphore_mem>>)
    %dma_start3A_1259 = arith.constant 4 : i32
    %dma_start3A_1260 = arith.constant 0 : i32
    %dma_start3A_1261 = arith.constant 0 : i32
    %dma_start3A_1262 = arith.constant 0 : i32
    %dma_start3A_1263 = tpu.memref_slice %arg7[%dma_start3A_1261, %dma_start3A_1262] : memref<8x128xi32, #tpu.memory_space<vmem>> -> memref<2x128xi32, #tpu.memory_space<vmem>>
    %dma_start3A_1264 = arith.constant 0 : i32
    %dma_start3A_1265 = arith.constant 0 : i32
    %dma_start3A_1266 = tpu.memref_slice %arg2[%add3A, %dma_start3A_1259, %dma_start3A_1264, %dma_start3A_1265] : memref<32x80x2x128xi32, #tpu.memory_space<hbm>> -> memref<1x1x2x128xi32, #tpu.memory_space<hbm>>
    %dma_start3A_1267 = tpu.memref_squeeze %dma_start3A_1266 : memref<1x1x2x128xi32, #tpu.memory_space<hbm>> -> memref<2x128xi32, #tpu.memory_space<hbm>>
    %dma_start3A_1268 = tpu.memref_slice %arg12[%dma_start3A_1260] : memref<4x!tpu.dma_semaphore, #tpu.memory_space<semaphore_mem>> -> memref<1x!tpu.dma_semaphore, #tpu.memory_space<semaphore_mem>>
    %dma_start3A_1269 = tpu.memref_squeeze %dma_start3A_1268 : memref<1x!tpu.dma_semaphore, #tpu.memory_space<semaphore_mem>> -> memref<!tpu.dma_semaphore, #tpu.memory_space<semaphore_mem>>
    %dma_start3A_1270 = arith.constant 0 : i32
    %dma_start3A_1271 = arith.constant 0 : i32
    %dma_start3A_1272 = tpu.memref_slice %arg7[%dma_start3A_1270, %dma_start3A_1271] : memref<8x128xi32, #tpu.memory_space<vmem>> -> memref<2x128xi32, #tpu.memory_space<vmem>>
    %dma_start3A_1273 = arith.constant 0 : i32
    %dma_start3A_1274 = arith.constant 0 : i32
    %dma_start3A_1275 = tpu.memref_slice %arg2[%add3A, %dma_start3A_1259, %dma_start3A_1273, %dma_start3A_1274] : memref<32x80x2x128xi32, #tpu.memory_space<hbm>> -> memref<1x1x2x128xi32, #tpu.memory_space<hbm>>
    %dma_start3A_1276 = tpu.memref_squeeze %dma_start3A_1275 : memref<1x1x2x128xi32, #tpu.memory_space<hbm>> -> memref<2x128xi32, #tpu.memory_space<hbm>>
    tpu.enqueue_dma source(%dma_start3A_1276 : memref<2x128xi32, #tpu.memory_space<hbm>>) target(%dma_start3A_1272 : memref<2x128xi32, #tpu.memory_space<vmem>>) target_semaphore(%dma_start3A_1269 : memref<!tpu.dma_semaphore, #tpu.memory_space<semaphore_mem>>)
    %dma_wait3A_1277 = arith.constant 2 : i32
    %dma_wait3A_1278 = arith.constant 1 : i32
    %dma_wait3A_1279 = arith.constant 1 : i32
    %dma_wait3A_1280 = arith.constant 0 : i32
    %dma_wait3A_1281 = arith.constant 0 : i32
    %dma_wait3A_1282 = tpu.memref_slice %arg8[%dma_wait3A_1278, %dma_wait3A_1280, %dma_wait3A_1281] : memref<2x128x64xf32, #tpu.memory_space<vmem>> -> memref<1x128x64xf32, #tpu.memory_space<vmem>>
    %dma_wait3A_1283 = tpu.memref_squeeze %dma_wait3A_1282 : memref<1x128x64xf32, #tpu.memory_space<vmem>> -> memref<128x64xf32, #tpu.memory_space<vmem>>
    %dma_wait3A_1284 = arith.constant 0 : i32
    %dma_wait3A_1285 = tpu.memref_slice %arg7[%dma_wait3A_1277, %dma_wait3A_1284] : memref<8x128xi32, #tpu.memory_space<vmem>> -> memref<1x128xi32, #tpu.memory_space<vmem>>
    %dma_wait3A_1286 = tpu.memref_squeeze %dma_wait3A_1285 : memref<1x128xi32, #tpu.memory_space<vmem>> -> memref<128xi32, #tpu.memory_space<vmem>>
    %dma_wait3A_1287 = arith.constant 0 : i32
    %dma_wait3A_1288 = arith.constant 0 : i32
    %dma_wait3A_1289 = tpu.memref_slice %arg10[%dma_wait3A_1287, %dma_wait3A_1288] : memref<10240x64xf32, #tpu.memory_space<vmem_shared>> -> memref<10240x64xf32, #tpu.memory_space<vmem_shared>>
    %dma_wait3A_1290 = tpu.memref_slice %arg13[%dma_wait3A_1279] : memref<2x!tpu.dma_semaphore, #tpu.memory_space<semaphore_mem>> -> memref<1x!tpu.dma_semaphore, #tpu.memory_space<semaphore_mem>>
    %dma_wait3A_1291 = tpu.memref_squeeze %dma_wait3A_1290 : memref<1x!tpu.dma_semaphore, #tpu.memory_space<semaphore_mem>> -> memref<!tpu.dma_semaphore, #tpu.memory_space<semaphore_mem>>
    tpu.wait_indirect_dma semaphore(%dma_wait3A_1291 : memref<!tpu.dma_semaphore, #tpu.memory_space<semaphore_mem>>) src(%dma_wait3A_1289 : memref<10240x64xf32, #tpu.memory_space<vmem_shared>>) dst(%dma_wait3A_1283 : memref<128x64xf32, #tpu.memory_space<vmem>>)
    %dma_start3A_1292 = arith.constant 1 : i32
    %dma_start3A_1293 = arith.constant 3 : i32
    %dma_start3A_1294 = arith.constant 1 : i32
    %dma_start3A_1295 = arith.constant 0 : i32
    %dma_start3A_1296 = arith.constant 0 : i32
    %dma_start3A_1297 = tpu.memref_slice %arg8[%dma_start3A_1292, %dma_start3A_1295, %dma_start3A_1296] : memref<2x128x64xf32, #tpu.memory_space<vmem>> -> memref<1x128x64xf32, #tpu.memory_space<vmem>>
    %dma_start3A_1298 = tpu.memref_squeeze %dma_start3A_1297 : memref<1x128x64xf32, #tpu.memory_space<vmem>> -> memref<128x64xf32, #tpu.memory_space<vmem>>
    %dma_start3A_1299 = arith.constant 0 : i32
    %dma_start3A_1300 = tpu.memref_slice %arg7[%dma_start3A_1293, %dma_start3A_1299] : memref<8x128xi32, #tpu.memory_space<vmem>> -> memref<1x128xi32, #tpu.memory_space<vmem>>
    %dma_start3A_1301 = tpu.memref_squeeze %dma_start3A_1300 : memref<1x128xi32, #tpu.memory_space<vmem>> -> memref<128xi32, #tpu.memory_space<vmem>>
    %dma_start3A_1302 = arith.constant 0 : i32
    %dma_start3A_1303 = arith.constant 0 : i32
    %dma_start3A_1304 = tpu.memref_slice %arg11[%dma_start3A_1302, %dma_start3A_1303] : memref<10240x64xf32, #tpu.memory_space<vmem_shared>> -> memref<10240x64xf32, #tpu.memory_space<vmem_shared>>
    %dma_start3A_1305 = tpu.memref_slice %arg14[%dma_start3A_1294] : memref<2x!tpu.dma_semaphore, #tpu.memory_space<semaphore_mem>> -> memref<1x!tpu.dma_semaphore, #tpu.memory_space<semaphore_mem>>
    %dma_start3A_1306 = tpu.memref_squeeze %dma_start3A_1305 : memref<1x!tpu.dma_semaphore, #tpu.memory_space<semaphore_mem>> -> memref<!tpu.dma_semaphore, #tpu.memory_space<semaphore_mem>>
    tpu.enqueue_indirect_dma source(%dma_start3A_1298 : memref<128x64xf32, #tpu.memory_space<vmem>>) target(%dma_start3A_1304 : memref<10240x64xf32, #tpu.memory_space<vmem_shared>>) offsets(%dma_start3A_1301 : memref<128xi32, #tpu.memory_space<vmem>>) semaphore(%dma_start3A_1306 : memref<!tpu.dma_semaphore, #tpu.memory_space<semaphore_mem>>) {add = true}
    %dma_wait3A_1307 = arith.constant 3 : i32
    %dma_wait3A_1308 = arith.constant 3 : i32
    %dma_wait3A_1309 = arith.constant 6 : i32
    %dma_wait3A_1310 = arith.constant 0 : i32
    %dma_wait3A_1311 = tpu.memref_slice %arg7[%dma_wait3A_1309, %dma_wait3A_1310] : memref<8x128xi32, #tpu.memory_space<vmem>> -> memref<2x128xi32, #tpu.memory_space<vmem>>
    %dma_wait3A_1312 = arith.constant 0 : i32
    %dma_wait3A_1313 = arith.constant 0 : i32
    %dma_wait3A_1314 = tpu.memref_slice %arg2[%add3A, %dma_wait3A_1307, %dma_wait3A_1312, %dma_wait3A_1313] : memref<32x80x2x128xi32, #tpu.memory_space<hbm>> -> memref<1x1x2x128xi32, #tpu.memory_space<hbm>>
    %dma_wait3A_1315 = tpu.memref_squeeze %dma_wait3A_1314 : memref<1x1x2x128xi32, #tpu.memory_space<hbm>> -> memref<2x128xi32, #tpu.memory_space<hbm>>
    %dma_wait3A_1316 = tpu.memref_slice %arg12[%dma_wait3A_1308] : memref<4x!tpu.dma_semaphore, #tpu.memory_space<semaphore_mem>> -> memref<1x!tpu.dma_semaphore, #tpu.memory_space<semaphore_mem>>
    %dma_wait3A_1317 = tpu.memref_squeeze %dma_wait3A_1316 : memref<1x!tpu.dma_semaphore, #tpu.memory_space<semaphore_mem>> -> memref<!tpu.dma_semaphore, #tpu.memory_space<semaphore_mem>>
    %dma_wait3A_1318 = arith.constant 6 : i32
    %dma_wait3A_1319 = arith.constant 0 : i32
    %dma_wait3A_1320 = tpu.memref_slice %arg7[%dma_wait3A_1318, %dma_wait3A_1319] : memref<8x128xi32, #tpu.memory_space<vmem>> -> memref<2x128xi32, #tpu.memory_space<vmem>>
    %dma_wait3A_1321 = arith.constant 0 : i32
    %dma_wait3A_1322 = arith.constant 0 : i32
    %dma_wait3A_1323 = tpu.memref_slice %arg2[%add3A, %dma_wait3A_1307, %dma_wait3A_1321, %dma_wait3A_1322] : memref<32x80x2x128xi32, #tpu.memory_space<hbm>> -> memref<1x1x2x128xi32, #tpu.memory_space<hbm>>
    %dma_wait3A_1324 = tpu.memref_squeeze %dma_wait3A_1323 : memref<1x1x2x128xi32, #tpu.memory_space<hbm>> -> memref<2x128xi32, #tpu.memory_space<hbm>>
    tpu.wait_dma2 semaphore(%dma_wait3A_1317 : memref<!tpu.dma_semaphore, #tpu.memory_space<semaphore_mem>>) src(%dma_wait3A_1324 : memref<2x128xi32, #tpu.memory_space<hbm>>) dst(%dma_wait3A_1320 : memref<2x128xi32, #tpu.memory_space<vmem>>)
    %dma_wait3A_1325 = arith.constant 1 : i32
    %dma_wait3A_1326 = arith.constant 3 : i32
    %dma_wait3A_1327 = arith.constant 1 : i32
    %dma_wait3A_1328 = arith.constant 0 : i32
    %dma_wait3A_1329 = arith.constant 0 : i32
    %dma_wait3A_1330 = tpu.memref_slice %arg8[%dma_wait3A_1325, %dma_wait3A_1328, %dma_wait3A_1329] : memref<2x128x64xf32, #tpu.memory_space<vmem>> -> memref<1x128x64xf32, #tpu.memory_space<vmem>>
    %dma_wait3A_1331 = tpu.memref_squeeze %dma_wait3A_1330 : memref<1x128x64xf32, #tpu.memory_space<vmem>> -> memref<128x64xf32, #tpu.memory_space<vmem>>
    %dma_wait3A_1332 = arith.constant 0 : i32
    %dma_wait3A_1333 = tpu.memref_slice %arg7[%dma_wait3A_1326, %dma_wait3A_1332] : memref<8x128xi32, #tpu.memory_space<vmem>> -> memref<1x128xi32, #tpu.memory_space<vmem>>
    %dma_wait3A_1334 = tpu.memref_squeeze %dma_wait3A_1333 : memref<1x128xi32, #tpu.memory_space<vmem>> -> memref<128xi32, #tpu.memory_space<vmem>>
    %dma_wait3A_1335 = arith.constant 0 : i32
    %dma_wait3A_1336 = arith.constant 0 : i32
    %dma_wait3A_1337 = tpu.memref_slice %arg11[%dma_wait3A_1335, %dma_wait3A_1336] : memref<10240x64xf32, #tpu.memory_space<vmem_shared>> -> memref<10240x64xf32, #tpu.memory_space<vmem_shared>>
    %dma_wait3A_1338 = tpu.memref_slice %arg14[%dma_wait3A_1327] : memref<2x!tpu.dma_semaphore, #tpu.memory_space<semaphore_mem>> -> memref<1x!tpu.dma_semaphore, #tpu.memory_space<semaphore_mem>>
    %dma_wait3A_1339 = tpu.memref_squeeze %dma_wait3A_1338 : memref<1x!tpu.dma_semaphore, #tpu.memory_space<semaphore_mem>> -> memref<!tpu.dma_semaphore, #tpu.memory_space<semaphore_mem>>
    tpu.wait_indirect_dma semaphore(%dma_wait3A_1339 : memref<!tpu.dma_semaphore, #tpu.memory_space<semaphore_mem>>) src(%dma_wait3A_1331 : memref<128x64xf32, #tpu.memory_space<vmem>>) dst(%dma_wait3A_1337 : memref<10240x64xf32, #tpu.memory_space<vmem_shared>>)
    %dma_start3A_1340 = arith.constant 6 : i32
    %dma_start3A_1341 = arith.constant 1 : i32
    %dma_start3A_1342 = arith.constant 1 : i32
    %dma_start3A_1343 = arith.constant 0 : i32
    %dma_start3A_1344 = arith.constant 0 : i32
    %dma_start3A_1345 = tpu.memref_slice %arg8[%dma_start3A_1341, %dma_start3A_1343, %dma_start3A_1344] : memref<2x128x64xf32, #tpu.memory_space<vmem>> -> memref<1x128x64xf32, #tpu.memory_space<vmem>>
    %dma_start3A_1346 = tpu.memref_squeeze %dma_start3A_1345 : memref<1x128x64xf32, #tpu.memory_space<vmem>> -> memref<128x64xf32, #tpu.memory_space<vmem>>
    %dma_start3A_1347 = arith.constant 0 : i32
    %dma_start3A_1348 = tpu.memref_slice %arg7[%dma_start3A_1340, %dma_start3A_1347] : memref<8x128xi32, #tpu.memory_space<vmem>> -> memref<1x128xi32, #tpu.memory_space<vmem>>
    %dma_start3A_1349 = tpu.memref_squeeze %dma_start3A_1348 : memref<1x128xi32, #tpu.memory_space<vmem>> -> memref<128xi32, #tpu.memory_space<vmem>>
    %dma_start3A_1350 = arith.constant 0 : i32
    %dma_start3A_1351 = arith.constant 0 : i32
    %dma_start3A_1352 = tpu.memref_slice %arg10[%dma_start3A_1350, %dma_start3A_1351] : memref<10240x64xf32, #tpu.memory_space<vmem_shared>> -> memref<10240x64xf32, #tpu.memory_space<vmem_shared>>
    %dma_start3A_1353 = tpu.memref_slice %arg13[%dma_start3A_1342] : memref<2x!tpu.dma_semaphore, #tpu.memory_space<semaphore_mem>> -> memref<1x!tpu.dma_semaphore, #tpu.memory_space<semaphore_mem>>
    %dma_start3A_1354 = tpu.memref_squeeze %dma_start3A_1353 : memref<1x!tpu.dma_semaphore, #tpu.memory_space<semaphore_mem>> -> memref<!tpu.dma_semaphore, #tpu.memory_space<semaphore_mem>>
    tpu.enqueue_indirect_dma source(%dma_start3A_1352 : memref<10240x64xf32, #tpu.memory_space<vmem_shared>>) target(%dma_start3A_1346 : memref<128x64xf32, #tpu.memory_space<vmem>>) offsets(%dma_start3A_1349 : memref<128xi32, #tpu.memory_space<vmem>>) semaphore(%dma_start3A_1354 : memref<!tpu.dma_semaphore, #tpu.memory_space<semaphore_mem>>)
    %dma_start3A_1355 = arith.constant 5 : i32
    %dma_start3A_1356 = arith.constant 1 : i32
    %dma_start3A_1357 = arith.constant 2 : i32
    %dma_start3A_1358 = arith.constant 0 : i32
    %dma_start3A_1359 = tpu.memref_slice %arg7[%dma_start3A_1357, %dma_start3A_1358] : memref<8x128xi32, #tpu.memory_space<vmem>> -> memref<2x128xi32, #tpu.memory_space<vmem>>
    %dma_start3A_1360 = arith.constant 0 : i32
    %dma_start3A_1361 = arith.constant 0 : i32
    %dma_start3A_1362 = tpu.memref_slice %arg2[%add3A, %dma_start3A_1355, %dma_start3A_1360, %dma_start3A_1361] : memref<32x80x2x128xi32, #tpu.memory_space<hbm>> -> memref<1x1x2x128xi32, #tpu.memory_space<hbm>>
    %dma_start3A_1363 = tpu.memref_squeeze %dma_start3A_1362 : memref<1x1x2x128xi32, #tpu.memory_space<hbm>> -> memref<2x128xi32, #tpu.memory_space<hbm>>
    %dma_start3A_1364 = tpu.memref_slice %arg12[%dma_start3A_1356] : memref<4x!tpu.dma_semaphore, #tpu.memory_space<semaphore_mem>> -> memref<1x!tpu.dma_semaphore, #tpu.memory_space<semaphore_mem>>
    %dma_start3A_1365 = tpu.memref_squeeze %dma_start3A_1364 : memref<1x!tpu.dma_semaphore, #tpu.memory_space<semaphore_mem>> -> memref<!tpu.dma_semaphore, #tpu.memory_space<semaphore_mem>>
    %dma_start3A_1366 = arith.constant 2 : i32
    %dma_start3A_1367 = arith.constant 0 : i32
    %dma_start3A_1368 = tpu.memref_slice %arg7[%dma_start3A_1366, %dma_start3A_1367] : memref<8x128xi32, #tpu.memory_space<vmem>> -> memref<2x128xi32, #tpu.memory_space<vmem>>
    %dma_start3A_1369 = arith.constant 0 : i32
    %dma_start3A_1370 = arith.constant 0 : i32
    %dma_start3A_1371 = tpu.memref_slice %arg2[%add3A, %dma_start3A_1355, %dma_start3A_1369, %dma_start3A_1370] : memref<32x80x2x128xi32, #tpu.memory_space<hbm>> -> memref<1x1x2x128xi32, #tpu.memory_space<hbm>>
    %dma_start3A_1372 = tpu.memref_squeeze %dma_start3A_1371 : memref<1x1x2x128xi32, #tpu.memory_space<hbm>> -> memref<2x128xi32, #tpu.memory_space<hbm>>
    tpu.enqueue_dma source(%dma_start3A_1372 : memref<2x128xi32, #tpu.memory_space<hbm>>) target(%dma_start3A_1368 : memref<2x128xi32, #tpu.memory_space<vmem>>) target_semaphore(%dma_start3A_1365 : memref<!tpu.dma_semaphore, #tpu.memory_space<semaphore_mem>>)
    %dma_wait3A_1373 = arith.constant 4 : i32
    %dma_wait3A_1374 = arith.constant 0 : i32
    %dma_wait3A_1375 = arith.constant 0 : i32
    %dma_wait3A_1376 = arith.constant 0 : i32
    %dma_wait3A_1377 = arith.constant 0 : i32
    %dma_wait3A_1378 = tpu.memref_slice %arg8[%dma_wait3A_1374, %dma_wait3A_1376, %dma_wait3A_1377] : memref<2x128x64xf32, #tpu.memory_space<vmem>> -> memref<1x128x64xf32, #tpu.memory_space<vmem>>
    %dma_wait3A_1379 = tpu.memref_squeeze %dma_wait3A_1378 : memref<1x128x64xf32, #tpu.memory_space<vmem>> -> memref<128x64xf32, #tpu.memory_space<vmem>>
    %dma_wait3A_1380 = arith.constant 0 : i32
    %dma_wait3A_1381 = tpu.memref_slice %arg7[%dma_wait3A_1373, %dma_wait3A_1380] : memref<8x128xi32, #tpu.memory_space<vmem>> -> memref<1x128xi32, #tpu.memory_space<vmem>>
    %dma_wait3A_1382 = tpu.memref_squeeze %dma_wait3A_1381 : memref<1x128xi32, #tpu.memory_space<vmem>> -> memref<128xi32, #tpu.memory_space<vmem>>
    %dma_wait3A_1383 = arith.constant 0 : i32
    %dma_wait3A_1384 = arith.constant 0 : i32
    %dma_wait3A_1385 = tpu.memref_slice %arg10[%dma_wait3A_1383, %dma_wait3A_1384] : memref<10240x64xf32, #tpu.memory_space<vmem_shared>> -> memref<10240x64xf32, #tpu.memory_space<vmem_shared>>
    %dma_wait3A_1386 = tpu.memref_slice %arg13[%dma_wait3A_1375] : memref<2x!tpu.dma_semaphore, #tpu.memory_space<semaphore_mem>> -> memref<1x!tpu.dma_semaphore, #tpu.memory_space<semaphore_mem>>
    %dma_wait3A_1387 = tpu.memref_squeeze %dma_wait3A_1386 : memref<1x!tpu.dma_semaphore, #tpu.memory_space<semaphore_mem>> -> memref<!tpu.dma_semaphore, #tpu.memory_space<semaphore_mem>>
    tpu.wait_indirect_dma semaphore(%dma_wait3A_1387 : memref<!tpu.dma_semaphore, #tpu.memory_space<semaphore_mem>>) src(%dma_wait3A_1385 : memref<10240x64xf32, #tpu.memory_space<vmem_shared>>) dst(%dma_wait3A_1379 : memref<128x64xf32, #tpu.memory_space<vmem>>)
    %dma_start3A_1388 = arith.constant 0 : i32
    %dma_start3A_1389 = arith.constant 5 : i32
    %dma_start3A_1390 = arith.constant 0 : i32
    %dma_start3A_1391 = arith.constant 0 : i32
    %dma_start3A_1392 = arith.constant 0 : i32
    %dma_start3A_1393 = tpu.memref_slice %arg8[%dma_start3A_1388, %dma_start3A_1391, %dma_start3A_1392] : memref<2x128x64xf32, #tpu.memory_space<vmem>> -> memref<1x128x64xf32, #tpu.memory_space<vmem>>
    %dma_start3A_1394 = tpu.memref_squeeze %dma_start3A_1393 : memref<1x128x64xf32, #tpu.memory_space<vmem>> -> memref<128x64xf32, #tpu.memory_space<vmem>>
    %dma_start3A_1395 = arith.constant 0 : i32
    %dma_start3A_1396 = tpu.memref_slice %arg7[%dma_start3A_1389, %dma_start3A_1395] : memref<8x128xi32, #tpu.memory_space<vmem>> -> memref<1x128xi32, #tpu.memory_space<vmem>>
    %dma_start3A_1397 = tpu.memref_squeeze %dma_start3A_1396 : memref<1x128xi32, #tpu.memory_space<vmem>> -> memref<128xi32, #tpu.memory_space<vmem>>
    %dma_start3A_1398 = arith.constant 0 : i32
    %dma_start3A_1399 = arith.constant 0 : i32
    %dma_start3A_1400 = tpu.memref_slice %arg11[%dma_start3A_1398, %dma_start3A_1399] : memref<10240x64xf32, #tpu.memory_space<vmem_shared>> -> memref<10240x64xf32, #tpu.memory_space<vmem_shared>>
    %dma_start3A_1401 = tpu.memref_slice %arg14[%dma_start3A_1390] : memref<2x!tpu.dma_semaphore, #tpu.memory_space<semaphore_mem>> -> memref<1x!tpu.dma_semaphore, #tpu.memory_space<semaphore_mem>>
    %dma_start3A_1402 = tpu.memref_squeeze %dma_start3A_1401 : memref<1x!tpu.dma_semaphore, #tpu.memory_space<semaphore_mem>> -> memref<!tpu.dma_semaphore, #tpu.memory_space<semaphore_mem>>
    tpu.enqueue_indirect_dma source(%dma_start3A_1394 : memref<128x64xf32, #tpu.memory_space<vmem>>) target(%dma_start3A_1400 : memref<10240x64xf32, #tpu.memory_space<vmem_shared>>) offsets(%dma_start3A_1397 : memref<128xi32, #tpu.memory_space<vmem>>) semaphore(%dma_start3A_1402 : memref<!tpu.dma_semaphore, #tpu.memory_space<semaphore_mem>>) {add = true}
    %dma_wait3A_1403 = arith.constant 4 : i32
    %dma_wait3A_1404 = arith.constant 0 : i32
    %dma_wait3A_1405 = arith.constant 0 : i32
    %dma_wait3A_1406 = arith.constant 0 : i32
    %dma_wait3A_1407 = tpu.memref_slice %arg7[%dma_wait3A_1405, %dma_wait3A_1406] : memref<8x128xi32, #tpu.memory_space<vmem>> -> memref<2x128xi32, #tpu.memory_space<vmem>>
    %dma_wait3A_1408 = arith.constant 0 : i32
    %dma_wait3A_1409 = arith.constant 0 : i32
    %dma_wait3A_1410 = tpu.memref_slice %arg2[%add3A, %dma_wait3A_1403, %dma_wait3A_1408, %dma_wait3A_1409] : memref<32x80x2x128xi32, #tpu.memory_space<hbm>> -> memref<1x1x2x128xi32, #tpu.memory_space<hbm>>
    %dma_wait3A_1411 = tpu.memref_squeeze %dma_wait3A_1410 : memref<1x1x2x128xi32, #tpu.memory_space<hbm>> -> memref<2x128xi32, #tpu.memory_space<hbm>>
    %dma_wait3A_1412 = tpu.memref_slice %arg12[%dma_wait3A_1404] : memref<4x!tpu.dma_semaphore, #tpu.memory_space<semaphore_mem>> -> memref<1x!tpu.dma_semaphore, #tpu.memory_space<semaphore_mem>>
    %dma_wait3A_1413 = tpu.memref_squeeze %dma_wait3A_1412 : memref<1x!tpu.dma_semaphore, #tpu.memory_space<semaphore_mem>> -> memref<!tpu.dma_semaphore, #tpu.memory_space<semaphore_mem>>
    %dma_wait3A_1414 = arith.constant 0 : i32
    %dma_wait3A_1415 = arith.constant 0 : i32
    %dma_wait3A_1416 = tpu.memref_slice %arg7[%dma_wait3A_1414, %dma_wait3A_1415] : memref<8x128xi32, #tpu.memory_space<vmem>> -> memref<2x128xi32, #tpu.memory_space<vmem>>
    %dma_wait3A_1417 = arith.constant 0 : i32
    %dma_wait3A_1418 = arith.constant 0 : i32
    %dma_wait3A_1419 = tpu.memref_slice %arg2[%add3A, %dma_wait3A_1403, %dma_wait3A_1417, %dma_wait3A_1418] : memref<32x80x2x128xi32, #tpu.memory_space<hbm>> -> memref<1x1x2x128xi32, #tpu.memory_space<hbm>>
    %dma_wait3A_1420 = tpu.memref_squeeze %dma_wait3A_1419 : memref<1x1x2x128xi32, #tpu.memory_space<hbm>> -> memref<2x128xi32, #tpu.memory_space<hbm>>
    tpu.wait_dma2 semaphore(%dma_wait3A_1413 : memref<!tpu.dma_semaphore, #tpu.memory_space<semaphore_mem>>) src(%dma_wait3A_1420 : memref<2x128xi32, #tpu.memory_space<hbm>>) dst(%dma_wait3A_1416 : memref<2x128xi32, #tpu.memory_space<vmem>>)
    %dma_wait3A_1421 = arith.constant 0 : i32
    %dma_wait3A_1422 = arith.constant 5 : i32
    %dma_wait3A_1423 = arith.constant 0 : i32
    %dma_wait3A_1424 = arith.constant 0 : i32
    %dma_wait3A_1425 = arith.constant 0 : i32
    %dma_wait3A_1426 = tpu.memref_slice %arg8[%dma_wait3A_1421, %dma_wait3A_1424, %dma_wait3A_1425] : memref<2x128x64xf32, #tpu.memory_space<vmem>> -> memref<1x128x64xf32, #tpu.memory_space<vmem>>
    %dma_wait3A_1427 = tpu.memref_squeeze %dma_wait3A_1426 : memref<1x128x64xf32, #tpu.memory_space<vmem>> -> memref<128x64xf32, #tpu.memory_space<vmem>>
    %dma_wait3A_1428 = arith.constant 0 : i32
    %dma_wait3A_1429 = tpu.memref_slice %arg7[%dma_wait3A_1422, %dma_wait3A_1428] : memref<8x128xi32, #tpu.memory_space<vmem>> -> memref<1x128xi32, #tpu.memory_space<vmem>>
    %dma_wait3A_1430 = tpu.memref_squeeze %dma_wait3A_1429 : memref<1x128xi32, #tpu.memory_space<vmem>> -> memref<128xi32, #tpu.memory_space<vmem>>
    %dma_wait3A_1431 = arith.constant 0 : i32
    %dma_wait3A_1432 = arith.constant 0 : i32
    %dma_wait3A_1433 = tpu.memref_slice %arg11[%dma_wait3A_1431, %dma_wait3A_1432] : memref<10240x64xf32, #tpu.memory_space<vmem_shared>> -> memref<10240x64xf32, #tpu.memory_space<vmem_shared>>
    %dma_wait3A_1434 = tpu.memref_slice %arg14[%dma_wait3A_1423] : memref<2x!tpu.dma_semaphore, #tpu.memory_space<semaphore_mem>> -> memref<1x!tpu.dma_semaphore, #tpu.memory_space<semaphore_mem>>
    %dma_wait3A_1435 = tpu.memref_squeeze %dma_wait3A_1434 : memref<1x!tpu.dma_semaphore, #tpu.memory_space<semaphore_mem>> -> memref<!tpu.dma_semaphore, #tpu.memory_space<semaphore_mem>>
    tpu.wait_indirect_dma semaphore(%dma_wait3A_1435 : memref<!tpu.dma_semaphore, #tpu.memory_space<semaphore_mem>>) src(%dma_wait3A_1427 : memref<128x64xf32, #tpu.memory_space<vmem>>) dst(%dma_wait3A_1433 : memref<10240x64xf32, #tpu.memory_space<vmem_shared>>)
    %dma_start3A_1436 = arith.constant 0 : i32
    %dma_start3A_1437 = arith.constant 0 : i32
    %dma_start3A_1438 = arith.constant 0 : i32
    %dma_start3A_1439 = arith.constant 0 : i32
    %dma_start3A_1440 = arith.constant 0 : i32
    %dma_start3A_1441 = tpu.memref_slice %arg8[%dma_start3A_1437, %dma_start3A_1439, %dma_start3A_1440] : memref<2x128x64xf32, #tpu.memory_space<vmem>> -> memref<1x128x64xf32, #tpu.memory_space<vmem>>
    %dma_start3A_1442 = tpu.memref_squeeze %dma_start3A_1441 : memref<1x128x64xf32, #tpu.memory_space<vmem>> -> memref<128x64xf32, #tpu.memory_space<vmem>>
    %dma_start3A_1443 = arith.constant 0 : i32
    %dma_start3A_1444 = tpu.memref_slice %arg7[%dma_start3A_1436, %dma_start3A_1443] : memref<8x128xi32, #tpu.memory_space<vmem>> -> memref<1x128xi32, #tpu.memory_space<vmem>>
    %dma_start3A_1445 = tpu.memref_squeeze %dma_start3A_1444 : memref<1x128xi32, #tpu.memory_space<vmem>> -> memref<128xi32, #tpu.memory_space<vmem>>
    %dma_start3A_1446 = arith.constant 0 : i32
    %dma_start3A_1447 = arith.constant 0 : i32
    %dma_start3A_1448 = tpu.memref_slice %arg10[%dma_start3A_1446, %dma_start3A_1447] : memref<10240x64xf32, #tpu.memory_space<vmem_shared>> -> memref<10240x64xf32, #tpu.memory_space<vmem_shared>>
    %dma_start3A_1449 = tpu.memref_slice %arg13[%dma_start3A_1438] : memref<2x!tpu.dma_semaphore, #tpu.memory_space<semaphore_mem>> -> memref<1x!tpu.dma_semaphore, #tpu.memory_space<semaphore_mem>>
    %dma_start3A_1450 = tpu.memref_squeeze %dma_start3A_1449 : memref<1x!tpu.dma_semaphore, #tpu.memory_space<semaphore_mem>> -> memref<!tpu.dma_semaphore, #tpu.memory_space<semaphore_mem>>
    tpu.enqueue_indirect_dma source(%dma_start3A_1448 : memref<10240x64xf32, #tpu.memory_space<vmem_shared>>) target(%dma_start3A_1442 : memref<128x64xf32, #tpu.memory_space<vmem>>) offsets(%dma_start3A_1445 : memref<128xi32, #tpu.memory_space<vmem>>) semaphore(%dma_start3A_1450 : memref<!tpu.dma_semaphore, #tpu.memory_space<semaphore_mem>>)
    %dma_start3A_1451 = arith.constant 6 : i32
    %dma_start3A_1452 = arith.constant 2 : i32
    %dma_start3A_1453 = arith.constant 4 : i32
    %dma_start3A_1454 = arith.constant 0 : i32
    %dma_start3A_1455 = tpu.memref_slice %arg7[%dma_start3A_1453, %dma_start3A_1454] : memref<8x128xi32, #tpu.memory_space<vmem>> -> memref<2x128xi32, #tpu.memory_space<vmem>>
    %dma_start3A_1456 = arith.constant 0 : i32
    %dma_start3A_1457 = arith.constant 0 : i32
    %dma_start3A_1458 = tpu.memref_slice %arg2[%add3A, %dma_start3A_1451, %dma_start3A_1456, %dma_start3A_1457] : memref<32x80x2x128xi32, #tpu.memory_space<hbm>> -> memref<1x1x2x128xi32, #tpu.memory_space<hbm>>
    %dma_start3A_1459 = tpu.memref_squeeze %dma_start3A_1458 : memref<1x1x2x128xi32, #tpu.memory_space<hbm>> -> memref<2x128xi32, #tpu.memory_space<hbm>>
    %dma_start3A_1460 = tpu.memref_slice %arg12[%dma_start3A_1452] : memref<4x!tpu.dma_semaphore, #tpu.memory_space<semaphore_mem>> -> memref<1x!tpu.dma_semaphore, #tpu.memory_space<semaphore_mem>>
    %dma_start3A_1461 = tpu.memref_squeeze %dma_start3A_1460 : memref<1x!tpu.dma_semaphore, #tpu.memory_space<semaphore_mem>> -> memref<!tpu.dma_semaphore, #tpu.memory_space<semaphore_mem>>
    %dma_start3A_1462 = arith.constant 4 : i32
    %dma_start3A_1463 = arith.constant 0 : i32
    %dma_start3A_1464 = tpu.memref_slice %arg7[%dma_start3A_1462, %dma_start3A_1463] : memref<8x128xi32, #tpu.memory_space<vmem>> -> memref<2x128xi32, #tpu.memory_space<vmem>>
    %dma_start3A_1465 = arith.constant 0 : i32
    %dma_start3A_1466 = arith.constant 0 : i32
    %dma_start3A_1467 = tpu.memref_slice %arg2[%add3A, %dma_start3A_1451, %dma_start3A_1465, %dma_start3A_1466] : memref<32x80x2x128xi32, #tpu.memory_space<hbm>> -> memref<1x1x2x128xi32, #tpu.memory_space<hbm>>
    %dma_start3A_1468 = tpu.memref_squeeze %dma_start3A_1467 : memref<1x1x2x128xi32, #tpu.memory_space<hbm>> -> memref<2x128xi32, #tpu.memory_space<hbm>>
    tpu.enqueue_dma source(%dma_start3A_1468 : memref<2x128xi32, #tpu.memory_space<hbm>>) target(%dma_start3A_1464 : memref<2x128xi32, #tpu.memory_space<vmem>>) target_semaphore(%dma_start3A_1461 : memref<!tpu.dma_semaphore, #tpu.memory_space<semaphore_mem>>)
    %dma_wait3A_1469 = arith.constant 6 : i32
    %dma_wait3A_1470 = arith.constant 1 : i32
    %dma_wait3A_1471 = arith.constant 1 : i32
    %dma_wait3A_1472 = arith.constant 0 : i32
    %dma_wait3A_1473 = arith.constant 0 : i32
    %dma_wait3A_1474 = tpu.memref_slice %arg8[%dma_wait3A_1470, %dma_wait3A_1472, %dma_wait3A_1473] : memref<2x128x64xf32, #tpu.memory_space<vmem>> -> memref<1x128x64xf32, #tpu.memory_space<vmem>>
    %dma_wait3A_1475 = tpu.memref_squeeze %dma_wait3A_1474 : memref<1x128x64xf32, #tpu.memory_space<vmem>> -> memref<128x64xf32, #tpu.memory_space<vmem>>
    %dma_wait3A_1476 = arith.constant 0 : i32
    %dma_wait3A_1477 = tpu.memref_slice %arg7[%dma_wait3A_1469, %dma_wait3A_1476] : memref<8x128xi32, #tpu.memory_space<vmem>> -> memref<1x128xi32, #tpu.memory_space<vmem>>
    %dma_wait3A_1478 = tpu.memref_squeeze %dma_wait3A_1477 : memref<1x128xi32, #tpu.memory_space<vmem>> -> memref<128xi32, #tpu.memory_space<vmem>>
    %dma_wait3A_1479 = arith.constant 0 : i32
    %dma_wait3A_1480 = arith.constant 0 : i32
    %dma_wait3A_1481 = tpu.memref_slice %arg10[%dma_wait3A_1479, %dma_wait3A_1480] : memref<10240x64xf32, #tpu.memory_space<vmem_shared>> -> memref<10240x64xf32, #tpu.memory_space<vmem_shared>>
    %dma_wait3A_1482 = tpu.memref_slice %arg13[%dma_wait3A_1471] : memref<2x!tpu.dma_semaphore, #tpu.memory_space<semaphore_mem>> -> memref<1x!tpu.dma_semaphore, #tpu.memory_space<semaphore_mem>>
    %dma_wait3A_1483 = tpu.memref_squeeze %dma_wait3A_1482 : memref<1x!tpu.dma_semaphore, #tpu.memory_space<semaphore_mem>> -> memref<!tpu.dma_semaphore, #tpu.memory_space<semaphore_mem>>
    tpu.wait_indirect_dma semaphore(%dma_wait3A_1483 : memref<!tpu.dma_semaphore, #tpu.memory_space<semaphore_mem>>) src(%dma_wait3A_1481 : memref<10240x64xf32, #tpu.memory_space<vmem_shared>>) dst(%dma_wait3A_1475 : memref<128x64xf32, #tpu.memory_space<vmem>>)
    %dma_start3A_1484 = arith.constant 1 : i32
    %dma_start3A_1485 = arith.constant 7 : i32
    %dma_start3A_1486 = arith.constant 1 : i32
    %dma_start3A_1487 = arith.constant 0 : i32
    %dma_start3A_1488 = arith.constant 0 : i32
    %dma_start3A_1489 = tpu.memref_slice %arg8[%dma_start3A_1484, %dma_start3A_1487, %dma_start3A_1488] : memref<2x128x64xf32, #tpu.memory_space<vmem>> -> memref<1x128x64xf32, #tpu.memory_space<vmem>>
    %dma_start3A_1490 = tpu.memref_squeeze %dma_start3A_1489 : memref<1x128x64xf32, #tpu.memory_space<vmem>> -> memref<128x64xf32, #tpu.memory_space<vmem>>
    %dma_start3A_1491 = arith.constant 0 : i32
    %dma_start3A_1492 = tpu.memref_slice %arg7[%dma_start3A_1485, %dma_start3A_1491] : memref<8x128xi32, #tpu.memory_space<vmem>> -> memref<1x128xi32, #tpu.memory_space<vmem>>
    %dma_start3A_1493 = tpu.memref_squeeze %dma_start3A_1492 : memref<1x128xi32, #tpu.memory_space<vmem>> -> memref<128xi32, #tpu.memory_space<vmem>>
    %dma_start3A_1494 = arith.constant 0 : i32
    %dma_start3A_1495 = arith.constant 0 : i32
    %dma_start3A_1496 = tpu.memref_slice %arg11[%dma_start3A_1494, %dma_start3A_1495] : memref<10240x64xf32, #tpu.memory_space<vmem_shared>> -> memref<10240x64xf32, #tpu.memory_space<vmem_shared>>
    %dma_start3A_1497 = tpu.memref_slice %arg14[%dma_start3A_1486] : memref<2x!tpu.dma_semaphore, #tpu.memory_space<semaphore_mem>> -> memref<1x!tpu.dma_semaphore, #tpu.memory_space<semaphore_mem>>
    %dma_start3A_1498 = tpu.memref_squeeze %dma_start3A_1497 : memref<1x!tpu.dma_semaphore, #tpu.memory_space<semaphore_mem>> -> memref<!tpu.dma_semaphore, #tpu.memory_space<semaphore_mem>>
    tpu.enqueue_indirect_dma source(%dma_start3A_1490 : memref<128x64xf32, #tpu.memory_space<vmem>>) target(%dma_start3A_1496 : memref<10240x64xf32, #tpu.memory_space<vmem_shared>>) offsets(%dma_start3A_1493 : memref<128xi32, #tpu.memory_space<vmem>>) semaphore(%dma_start3A_1498 : memref<!tpu.dma_semaphore, #tpu.memory_space<semaphore_mem>>) {add = true}
    %scan3A_1499 = arith.constant 0 : i32
    %scan3A_1500 = arith.constant 18 : i32
    %scan3A_1501 = arith.addi %scan3A_1499, %scan3A_1500 : i32
    %scan3A_1502 = arith.constant 1 : i32
    scf.for %scan3A_1818 = %scan3A_1499 to %scan3A_1501 step %scan3A_1502  : i32 {
      %mul3A_1819 = arith.constant 1 : i32
      %mul3A_1820 = arith.muli %scan3A_1818, %mul3A_1819 : i32
      %add3A_1821 = arith.constant 1 : i32
      %add3A_1822 = arith.addi %add3A_1821, %mul3A_1820 : i32
      %mul3A_1823 = arith.constant 4 : i32
      %mul3A_1824 = arith.muli %mul3A_1823, %add3A_1822 : i32
      %add3A_1825 = arith.constant 0 : i32
      %add3A_1826 = arith.addi %mul3A_1824, %add3A_1825 : i32
      %add3A_1827 = arith.constant 1 : i32
      %add3A_1828 = arith.addi %add3A_1826, %add3A_1827 : i32
      %dma_wait3A_1829 = arith.constant 1 : i32
      %dma_wait3A_1830 = arith.constant 2 : i32
      %dma_wait3A_1831 = arith.constant 0 : i32
      %dma_wait3A_1832 = tpu.memref_slice %arg7[%dma_wait3A_1830, %dma_wait3A_1831] : memref<8x128xi32, #tpu.memory_space<vmem>> -> memref<2x128xi32, #tpu.memory_space<vmem>>
      %dma_wait3A_1833 = arith.constant 0 : i32
      %dma_wait3A_1834 = arith.constant 0 : i32
      %dma_wait3A_1835 = tpu.memref_slice %arg2[%add3A, %add3A_1828, %dma_wait3A_1833, %dma_wait3A_1834] : memref<32x80x2x128xi32, #tpu.memory_space<hbm>> -> memref<1x1x2x128xi32, #tpu.memory_space<hbm>>
      %dma_wait3A_1836 = tpu.memref_squeeze %dma_wait3A_1835 : memref<1x1x2x128xi32, #tpu.memory_space<hbm>> -> memref<2x128xi32, #tpu.memory_space<hbm>>
      %dma_wait3A_1837 = tpu.memref_slice %arg12[%dma_wait3A_1829] : memref<4x!tpu.dma_semaphore, #tpu.memory_space<semaphore_mem>> -> memref<1x!tpu.dma_semaphore, #tpu.memory_space<semaphore_mem>>
      %dma_wait3A_1838 = tpu.memref_squeeze %dma_wait3A_1837 : memref<1x!tpu.dma_semaphore, #tpu.memory_space<semaphore_mem>> -> memref<!tpu.dma_semaphore, #tpu.memory_space<semaphore_mem>>
      %dma_wait3A_1839 = arith.constant 2 : i32
      %dma_wait3A_1840 = arith.constant 0 : i32
      %dma_wait3A_1841 = tpu.memref_slice %arg7[%dma_wait3A_1839, %dma_wait3A_1840] : memref<8x128xi32, #tpu.memory_space<vmem>> -> memref<2x128xi32, #tpu.memory_space<vmem>>
      %dma_wait3A_1842 = arith.constant 0 : i32
      %dma_wait3A_1843 = arith.constant 0 : i32
      %dma_wait3A_1844 = tpu.memref_slice %arg2[%add3A, %add3A_1828, %dma_wait3A_1842, %dma_wait3A_1843] : memref<32x80x2x128xi32, #tpu.memory_space<hbm>> -> memref<1x1x2x128xi32, #tpu.memory_space<hbm>>
      %dma_wait3A_1845 = tpu.memref_squeeze %dma_wait3A_1844 : memref<1x1x2x128xi32, #tpu.memory_space<hbm>> -> memref<2x128xi32, #tpu.memory_space<hbm>>
      tpu.wait_dma2 semaphore(%dma_wait3A_1838 : memref<!tpu.dma_semaphore, #tpu.memory_space<semaphore_mem>>) src(%dma_wait3A_1845 : memref<2x128xi32, #tpu.memory_space<hbm>>) dst(%dma_wait3A_1841 : memref<2x128xi32, #tpu.memory_space<vmem>>)
      %dma_wait3A_1846 = arith.constant 1 : i32
      %dma_wait3A_1847 = arith.constant 7 : i32
      %dma_wait3A_1848 = arith.constant 1 : i32
      %dma_wait3A_1849 = arith.constant 0 : i32
      %dma_wait3A_1850 = arith.constant 0 : i32
      %dma_wait3A_1851 = tpu.memref_slice %arg8[%dma_wait3A_1846, %dma_wait3A_1849, %dma_wait3A_1850] : memref<2x128x64xf32, #tpu.memory_space<vmem>> -> memref<1x128x64xf32, #tpu.memory_space<vmem>>
      %dma_wait3A_1852 = tpu.memref_squeeze %dma_wait3A_1851 : memref<1x128x64xf32, #tpu.memory_space<vmem>> -> memref<128x64xf32, #tpu.memory_space<vmem>>
      %dma_wait3A_1853 = arith.constant 0 : i32
      %dma_wait3A_1854 = tpu.memref_slice %arg7[%dma_wait3A_1847, %dma_wait3A_1853] : memref<8x128xi32, #tpu.memory_space<vmem>> -> memref<1x128xi32, #tpu.memory_space<vmem>>
      %dma_wait3A_1855 = tpu.memref_squeeze %dma_wait3A_1854 : memref<1x128xi32, #tpu.memory_space<vmem>> -> memref<128xi32, #tpu.memory_space<vmem>>
      %dma_wait3A_1856 = arith.constant 0 : i32
      %dma_wait3A_1857 = arith.constant 0 : i32
      %dma_wait3A_1858 = tpu.memref_slice %arg11[%dma_wait3A_1856, %dma_wait3A_1857] : memref<10240x64xf32, #tpu.memory_space<vmem_shared>> -> memref<10240x64xf32, #tpu.memory_space<vmem_shared>>
      %dma_wait3A_1859 = tpu.memref_slice %arg14[%dma_wait3A_1848] : memref<2x!tpu.dma_semaphore, #tpu.memory_space<semaphore_mem>> -> memref<1x!tpu.dma_semaphore, #tpu.memory_space<semaphore_mem>>
      %dma_wait3A_1860 = tpu.memref_squeeze %dma_wait3A_1859 : memref<1x!tpu.dma_semaphore, #tpu.memory_space<semaphore_mem>> -> memref<!tpu.dma_semaphore, #tpu.memory_space<semaphore_mem>>
      tpu.wait_indirect_dma semaphore(%dma_wait3A_1860 : memref<!tpu.dma_semaphore, #tpu.memory_space<semaphore_mem>>) src(%dma_wait3A_1852 : memref<128x64xf32, #tpu.memory_space<vmem>>) dst(%dma_wait3A_1858 : memref<10240x64xf32, #tpu.memory_space<vmem_shared>>)
      %dma_start3A_1861 = arith.constant 2 : i32
      %dma_start3A_1862 = arith.constant 1 : i32
      %dma_start3A_1863 = arith.constant 1 : i32
      %dma_start3A_1864 = arith.constant 0 : i32
      %dma_start3A_1865 = arith.constant 0 : i32
      %dma_start3A_1866 = tpu.memref_slice %arg8[%dma_start3A_1862, %dma_start3A_1864, %dma_start3A_1865] : memref<2x128x64xf32, #tpu.memory_space<vmem>> -> memref<1x128x64xf32, #tpu.memory_space<vmem>>
      %dma_start3A_1867 = tpu.memref_squeeze %dma_start3A_1866 : memref<1x128x64xf32, #tpu.memory_space<vmem>> -> memref<128x64xf32, #tpu.memory_space<vmem>>
      %dma_start3A_1868 = arith.constant 0 : i32
      %dma_start3A_1869 = tpu.memref_slice %arg7[%dma_start3A_1861, %dma_start3A_1868] : memref<8x128xi32, #tpu.memory_space<vmem>> -> memref<1x128xi32, #tpu.memory_space<vmem>>
      %dma_start3A_1870 = tpu.memref_squeeze %dma_start3A_1869 : memref<1x128xi32, #tpu.memory_space<vmem>> -> memref<128xi32, #tpu.memory_space<vmem>>
      %dma_start3A_1871 = arith.constant 0 : i32
      %dma_start3A_1872 = arith.constant 0 : i32
      %dma_start3A_1873 = tpu.memref_slice %arg10[%dma_start3A_1871, %dma_start3A_1872] : memref<10240x64xf32, #tpu.memory_space<vmem_shared>> -> memref<10240x64xf32, #tpu.memory_space<vmem_shared>>
      %dma_start3A_1874 = tpu.memref_slice %arg13[%dma_start3A_1863] : memref<2x!tpu.dma_semaphore, #tpu.memory_space<semaphore_mem>> -> memref<1x!tpu.dma_semaphore, #tpu.memory_space<semaphore_mem>>
      %dma_start3A_1875 = tpu.memref_squeeze %dma_start3A_1874 : memref<1x!tpu.dma_semaphore, #tpu.memory_space<semaphore_mem>> -> memref<!tpu.dma_semaphore, #tpu.memory_space<semaphore_mem>>
      tpu.enqueue_indirect_dma source(%dma_start3A_1873 : memref<10240x64xf32, #tpu.memory_space<vmem_shared>>) target(%dma_start3A_1867 : memref<128x64xf32, #tpu.memory_space<vmem>>) offsets(%dma_start3A_1870 : memref<128xi32, #tpu.memory_space<vmem>>) semaphore(%dma_start3A_1875 : memref<!tpu.dma_semaphore, #tpu.memory_space<semaphore_mem>>)
      %add3A_1876 = arith.constant 3 : i32
      %add3A_1877 = arith.addi %add3A_1826, %add3A_1876 : i32
      %dma_start3A_1878 = arith.constant 3 : i32
      %dma_start3A_1879 = arith.constant 6 : i32
      %dma_start3A_1880 = arith.constant 0 : i32
      %dma_start3A_1881 = tpu.memref_slice %arg7[%dma_start3A_1879, %dma_start3A_1880] : memref<8x128xi32, #tpu.memory_space<vmem>> -> memref<2x128xi32, #tpu.memory_space<vmem>>
      %dma_start3A_1882 = arith.constant 0 : i32
      %dma_start3A_1883 = arith.constant 0 : i32
      %dma_start3A_1884 = tpu.memref_slice %arg2[%add3A, %add3A_1877, %dma_start3A_1882, %dma_start3A_1883] : memref<32x80x2x128xi32, #tpu.memory_space<hbm>> -> memref<1x1x2x128xi32, #tpu.memory_space<hbm>>
      %dma_start3A_1885 = tpu.memref_squeeze %dma_start3A_1884 : memref<1x1x2x128xi32, #tpu.memory_space<hbm>> -> memref<2x128xi32, #tpu.memory_space<hbm>>
      %dma_start3A_1886 = tpu.memref_slice %arg12[%dma_start3A_1878] : memref<4x!tpu.dma_semaphore, #tpu.memory_space<semaphore_mem>> -> memref<1x!tpu.dma_semaphore, #tpu.memory_space<semaphore_mem>>
      %dma_start3A_1887 = tpu.memref_squeeze %dma_start3A_1886 : memref<1x!tpu.dma_semaphore, #tpu.memory_space<semaphore_mem>> -> memref<!tpu.dma_semaphore, #tpu.memory_space<semaphore_mem>>
      %dma_start3A_1888 = arith.constant 6 : i32
      %dma_start3A_1889 = arith.constant 0 : i32
      %dma_start3A_1890 = tpu.memref_slice %arg7[%dma_start3A_1888, %dma_start3A_1889] : memref<8x128xi32, #tpu.memory_space<vmem>> -> memref<2x128xi32, #tpu.memory_space<vmem>>
      %dma_start3A_1891 = arith.constant 0 : i32
      %dma_start3A_1892 = arith.constant 0 : i32
      %dma_start3A_1893 = tpu.memref_slice %arg2[%add3A, %add3A_1877, %dma_start3A_1891, %dma_start3A_1892] : memref<32x80x2x128xi32, #tpu.memory_space<hbm>> -> memref<1x1x2x128xi32, #tpu.memory_space<hbm>>
      %dma_start3A_1894 = tpu.memref_squeeze %dma_start3A_1893 : memref<1x1x2x128xi32, #tpu.memory_space<hbm>> -> memref<2x128xi32, #tpu.memory_space<hbm>>
      tpu.enqueue_dma source(%dma_start3A_1894 : memref<2x128xi32, #tpu.memory_space<hbm>>) target(%dma_start3A_1890 : memref<2x128xi32, #tpu.memory_space<vmem>>) target_semaphore(%dma_start3A_1887 : memref<!tpu.dma_semaphore, #tpu.memory_space<semaphore_mem>>)
      %dma_wait3A_1895 = arith.constant 0 : i32
      %dma_wait3A_1896 = arith.constant 0 : i32
      %dma_wait3A_1897 = arith.constant 0 : i32
      %dma_wait3A_1898 = arith.constant 0 : i32
      %dma_wait3A_1899 = arith.constant 0 : i32
      %dma_wait3A_1900 = tpu.memref_slice %arg8[%dma_wait3A_1896, %dma_wait3A_1898, %dma_wait3A_1899] : memref<2x128x64xf32, #tpu.memory_space<vmem>> -> memref<1x128x64xf32, #tpu.memory_space<vmem>>
      %dma_wait3A_1901 = tpu.memref_squeeze %dma_wait3A_1900 : memref<1x128x64xf32, #tpu.memory_space<vmem>> -> memref<128x64xf32, #tpu.memory_space<vmem>>
      %dma_wait3A_1902 = arith.constant 0 : i32
      %dma_wait3A_1903 = tpu.memref_slice %arg7[%dma_wait3A_1895, %dma_wait3A_1902] : memref<8x128xi32, #tpu.memory_space<vmem>> -> memref<1x128xi32, #tpu.memory_space<vmem>>
      %dma_wait3A_1904 = tpu.memref_squeeze %dma_wait3A_1903 : memref<1x128xi32, #tpu.memory_space<vmem>> -> memref<128xi32, #tpu.memory_space<vmem>>
      %dma_wait3A_1905 = arith.constant 0 : i32
      %dma_wait3A_1906 = arith.constant 0 : i32
      %dma_wait3A_1907 = tpu.memref_slice %arg10[%dma_wait3A_1905, %dma_wait3A_1906] : memref<10240x64xf32, #tpu.memory_space<vmem_shared>> -> memref<10240x64xf32, #tpu.memory_space<vmem_shared>>
      %dma_wait3A_1908 = tpu.memref_slice %arg13[%dma_wait3A_1897] : memref<2x!tpu.dma_semaphore, #tpu.memory_space<semaphore_mem>> -> memref<1x!tpu.dma_semaphore, #tpu.memory_space<semaphore_mem>>
      %dma_wait3A_1909 = tpu.memref_squeeze %dma_wait3A_1908 : memref<1x!tpu.dma_semaphore, #tpu.memory_space<semaphore_mem>> -> memref<!tpu.dma_semaphore, #tpu.memory_space<semaphore_mem>>
      tpu.wait_indirect_dma semaphore(%dma_wait3A_1909 : memref<!tpu.dma_semaphore, #tpu.memory_space<semaphore_mem>>) src(%dma_wait3A_1907 : memref<10240x64xf32, #tpu.memory_space<vmem_shared>>) dst(%dma_wait3A_1901 : memref<128x64xf32, #tpu.memory_space<vmem>>)
      %dma_start3A_1910 = arith.constant 0 : i32
      %dma_start3A_1911 = arith.constant 1 : i32
      %dma_start3A_1912 = arith.constant 0 : i32
      %dma_start3A_1913 = arith.constant 0 : i32
      %dma_start3A_1914 = arith.constant 0 : i32
      %dma_start3A_1915 = tpu.memref_slice %arg8[%dma_start3A_1910, %dma_start3A_1913, %dma_start3A_1914] : memref<2x128x64xf32, #tpu.memory_space<vmem>> -> memref<1x128x64xf32, #tpu.memory_space<vmem>>
      %dma_start3A_1916 = tpu.memref_squeeze %dma_start3A_1915 : memref<1x128x64xf32, #tpu.memory_space<vmem>> -> memref<128x64xf32, #tpu.memory_space<vmem>>
      %dma_start3A_1917 = arith.constant 0 : i32
      %dma_start3A_1918 = tpu.memref_slice %arg7[%dma_start3A_1911, %dma_start3A_1917] : memref<8x128xi32, #tpu.memory_space<vmem>> -> memref<1x128xi32, #tpu.memory_space<vmem>>
      %dma_start3A_1919 = tpu.memref_squeeze %dma_start3A_1918 : memref<1x128xi32, #tpu.memory_space<vmem>> -> memref<128xi32, #tpu.memory_space<vmem>>
      %dma_start3A_1920 = arith.constant 0 : i32
      %dma_start3A_1921 = arith.constant 0 : i32
      %dma_start3A_1922 = tpu.memref_slice %arg11[%dma_start3A_1920, %dma_start3A_1921] : memref<10240x64xf32, #tpu.memory_space<vmem_shared>> -> memref<10240x64xf32, #tpu.memory_space<vmem_shared>>
      %dma_start3A_1923 = tpu.memref_slice %arg14[%dma_start3A_1912] : memref<2x!tpu.dma_semaphore, #tpu.memory_space<semaphore_mem>> -> memref<1x!tpu.dma_semaphore, #tpu.memory_space<semaphore_mem>>
      %dma_start3A_1924 = tpu.memref_squeeze %dma_start3A_1923 : memref<1x!tpu.dma_semaphore, #tpu.memory_space<semaphore_mem>> -> memref<!tpu.dma_semaphore, #tpu.memory_space<semaphore_mem>>
      tpu.enqueue_indirect_dma source(%dma_start3A_1916 : memref<128x64xf32, #tpu.memory_space<vmem>>) target(%dma_start3A_1922 : memref<10240x64xf32, #tpu.memory_space<vmem_shared>>) offsets(%dma_start3A_1919 : memref<128xi32, #tpu.memory_space<vmem>>) semaphore(%dma_start3A_1924 : memref<!tpu.dma_semaphore, #tpu.memory_space<semaphore_mem>>) {add = true}
      %mul3A_1925 = arith.constant 4 : i32
      %mul3A_1926 = arith.muli %mul3A_1925, %add3A_1822 : i32
      %add3A_1927 = arith.constant 1 : i32
      %add3A_1928 = arith.addi %mul3A_1926, %add3A_1927 : i32
      %add3A_1929 = arith.constant 1 : i32
      %add3A_1930 = arith.addi %add3A_1928, %add3A_1929 : i32
      %dma_wait3A_1931 = arith.constant 2 : i32
      %dma_wait3A_1932 = arith.constant 4 : i32
      %dma_wait3A_1933 = arith.constant 0 : i32
      %dma_wait3A_1934 = tpu.memref_slice %arg7[%dma_wait3A_1932, %dma_wait3A_1933] : memref<8x128xi32, #tpu.memory_space<vmem>> -> memref<2x128xi32, #tpu.memory_space<vmem>>
      %dma_wait3A_1935 = arith.constant 0 : i32
      %dma_wait3A_1936 = arith.constant 0 : i32
      %dma_wait3A_1937 = tpu.memref_slice %arg2[%add3A, %add3A_1930, %dma_wait3A_1935, %dma_wait3A_1936] : memref<32x80x2x128xi32, #tpu.memory_space<hbm>> -> memref<1x1x2x128xi32, #tpu.memory_space<hbm>>
      %dma_wait3A_1938 = tpu.memref_squeeze %dma_wait3A_1937 : memref<1x1x2x128xi32, #tpu.memory_space<hbm>> -> memref<2x128xi32, #tpu.memory_space<hbm>>
      %dma_wait3A_1939 = tpu.memref_slice %arg12[%dma_wait3A_1931] : memref<4x!tpu.dma_semaphore, #tpu.memory_space<semaphore_mem>> -> memref<1x!tpu.dma_semaphore, #tpu.memory_space<semaphore_mem>>
      %dma_wait3A_1940 = tpu.memref_squeeze %dma_wait3A_1939 : memref<1x!tpu.dma_semaphore, #tpu.memory_space<semaphore_mem>> -> memref<!tpu.dma_semaphore, #tpu.memory_space<semaphore_mem>>
      %dma_wait3A_1941 = arith.constant 4 : i32
      %dma_wait3A_1942 = arith.constant 0 : i32
      %dma_wait3A_1943 = tpu.memref_slice %arg7[%dma_wait3A_1941, %dma_wait3A_1942] : memref<8x128xi32, #tpu.memory_space<vmem>> -> memref<2x128xi32, #tpu.memory_space<vmem>>
      %dma_wait3A_1944 = arith.constant 0 : i32
      %dma_wait3A_1945 = arith.constant 0 : i32
      %dma_wait3A_1946 = tpu.memref_slice %arg2[%add3A, %add3A_1930, %dma_wait3A_1944, %dma_wait3A_1945] : memref<32x80x2x128xi32, #tpu.memory_space<hbm>> -> memref<1x1x2x128xi32, #tpu.memory_space<hbm>>
      %dma_wait3A_1947 = tpu.memref_squeeze %dma_wait3A_1946 : memref<1x1x2x128xi32, #tpu.memory_space<hbm>> -> memref<2x128xi32, #tpu.memory_space<hbm>>
      tpu.wait_dma2 semaphore(%dma_wait3A_1940 : memref<!tpu.dma_semaphore, #tpu.memory_space<semaphore_mem>>) src(%dma_wait3A_1947 : memref<2x128xi32, #tpu.memory_space<hbm>>) dst(%dma_wait3A_1943 : memref<2x128xi32, #tpu.memory_space<vmem>>)
      %dma_wait3A_1948 = arith.constant 0 : i32
      %dma_wait3A_1949 = arith.constant 1 : i32
      %dma_wait3A_1950 = arith.constant 0 : i32
      %dma_wait3A_1951 = arith.constant 0 : i32
      %dma_wait3A_1952 = arith.constant 0 : i32
      %dma_wait3A_1953 = tpu.memref_slice %arg8[%dma_wait3A_1948, %dma_wait3A_1951, %dma_wait3A_1952] : memref<2x128x64xf32, #tpu.memory_space<vmem>> -> memref<1x128x64xf32, #tpu.memory_space<vmem>>
      %dma_wait3A_1954 = tpu.memref_squeeze %dma_wait3A_1953 : memref<1x128x64xf32, #tpu.memory_space<vmem>> -> memref<128x64xf32, #tpu.memory_space<vmem>>
      %dma_wait3A_1955 = arith.constant 0 : i32
      %dma_wait3A_1956 = tpu.memref_slice %arg7[%dma_wait3A_1949, %dma_wait3A_1955] : memref<8x128xi32, #tpu.memory_space<vmem>> -> memref<1x128xi32, #tpu.memory_space<vmem>>
      %dma_wait3A_1957 = tpu.memref_squeeze %dma_wait3A_1956 : memref<1x128xi32, #tpu.memory_space<vmem>> -> memref<128xi32, #tpu.memory_space<vmem>>
      %dma_wait3A_1958 = arith.constant 0 : i32
      %dma_wait3A_1959 = arith.constant 0 : i32
      %dma_wait3A_1960 = tpu.memref_slice %arg11[%dma_wait3A_1958, %dma_wait3A_1959] : memref<10240x64xf32, #tpu.memory_space<vmem_shared>> -> memref<10240x64xf32, #tpu.memory_space<vmem_shared>>
      %dma_wait3A_1961 = tpu.memref_slice %arg14[%dma_wait3A_1950] : memref<2x!tpu.dma_semaphore, #tpu.memory_space<semaphore_mem>> -> memref<1x!tpu.dma_semaphore, #tpu.memory_space<semaphore_mem>>
      %dma_wait3A_1962 = tpu.memref_squeeze %dma_wait3A_1961 : memref<1x!tpu.dma_semaphore, #tpu.memory_space<semaphore_mem>> -> memref<!tpu.dma_semaphore, #tpu.memory_space<semaphore_mem>>
      tpu.wait_indirect_dma semaphore(%dma_wait3A_1962 : memref<!tpu.dma_semaphore, #tpu.memory_space<semaphore_mem>>) src(%dma_wait3A_1954 : memref<128x64xf32, #tpu.memory_space<vmem>>) dst(%dma_wait3A_1960 : memref<10240x64xf32, #tpu.memory_space<vmem_shared>>)
      %dma_start3A_1963 = arith.constant 4 : i32
      %dma_start3A_1964 = arith.constant 0 : i32
      %dma_start3A_1965 = arith.constant 0 : i32
      %dma_start3A_1966 = arith.constant 0 : i32
      %dma_start3A_1967 = arith.constant 0 : i32
      %dma_start3A_1968 = tpu.memref_slice %arg8[%dma_start3A_1964, %dma_start3A_1966, %dma_start3A_1967] : memref<2x128x64xf32, #tpu.memory_space<vmem>> -> memref<1x128x64xf32, #tpu.memory_space<vmem>>
      %dma_start3A_1969 = tpu.memref_squeeze %dma_start3A_1968 : memref<1x128x64xf32, #tpu.memory_space<vmem>> -> memref<128x64xf32, #tpu.memory_space<vmem>>
      %dma_start3A_1970 = arith.constant 0 : i32
      %dma_start3A_1971 = tpu.memref_slice %arg7[%dma_start3A_1963, %dma_start3A_1970] : memref<8x128xi32, #tpu.memory_space<vmem>> -> memref<1x128xi32, #tpu.memory_space<vmem>>
      %dma_start3A_1972 = tpu.memref_squeeze %dma_start3A_1971 : memref<1x128xi32, #tpu.memory_space<vmem>> -> memref<128xi32, #tpu.memory_space<vmem>>
      %dma_start3A_1973 = arith.constant 0 : i32
      %dma_start3A_1974 = arith.constant 0 : i32
      %dma_start3A_1975 = tpu.memref_slice %arg10[%dma_start3A_1973, %dma_start3A_1974] : memref<10240x64xf32, #tpu.memory_space<vmem_shared>> -> memref<10240x64xf32, #tpu.memory_space<vmem_shared>>
      %dma_start3A_1976 = tpu.memref_slice %arg13[%dma_start3A_1965] : memref<2x!tpu.dma_semaphore, #tpu.memory_space<semaphore_mem>> -> memref<1x!tpu.dma_semaphore, #tpu.memory_space<semaphore_mem>>
      %dma_start3A_1977 = tpu.memref_squeeze %dma_start3A_1976 : memref<1x!tpu.dma_semaphore, #tpu.memory_space<semaphore_mem>> -> memref<!tpu.dma_semaphore, #tpu.memory_space<semaphore_mem>>
      tpu.enqueue_indirect_dma source(%dma_start3A_1975 : memref<10240x64xf32, #tpu.memory_space<vmem_shared>>) target(%dma_start3A_1969 : memref<128x64xf32, #tpu.memory_space<vmem>>) offsets(%dma_start3A_1972 : memref<128xi32, #tpu.memory_space<vmem>>) semaphore(%dma_start3A_1977 : memref<!tpu.dma_semaphore, #tpu.memory_space<semaphore_mem>>)
      %add3A_1978 = arith.constant 3 : i32
      %add3A_1979 = arith.addi %add3A_1928, %add3A_1978 : i32
      %dma_start3A_1980 = arith.constant 0 : i32
      %dma_start3A_1981 = arith.constant 0 : i32
      %dma_start3A_1982 = arith.constant 0 : i32
      %dma_start3A_1983 = tpu.memref_slice %arg7[%dma_start3A_1981, %dma_start3A_1982] : memref<8x128xi32, #tpu.memory_space<vmem>> -> memref<2x128xi32, #tpu.memory_space<vmem>>
      %dma_start3A_1984 = arith.constant 0 : i32
      %dma_start3A_1985 = arith.constant 0 : i32
      %dma_start3A_1986 = tpu.memref_slice %arg2[%add3A, %add3A_1979, %dma_start3A_1984, %dma_start3A_1985] : memref<32x80x2x128xi32, #tpu.memory_space<hbm>> -> memref<1x1x2x128xi32, #tpu.memory_space<hbm>>
      %dma_start3A_1987 = tpu.memref_squeeze %dma_start3A_1986 : memref<1x1x2x128xi32, #tpu.memory_space<hbm>> -> memref<2x128xi32, #tpu.memory_space<hbm>>
      %dma_start3A_1988 = tpu.memref_slice %arg12[%dma_start3A_1980] : memref<4x!tpu.dma_semaphore, #tpu.memory_space<semaphore_mem>> -> memref<1x!tpu.dma_semaphore, #tpu.memory_space<semaphore_mem>>
      %dma_start3A_1989 = tpu.memref_squeeze %dma_start3A_1988 : memref<1x!tpu.dma_semaphore, #tpu.memory_space<semaphore_mem>> -> memref<!tpu.dma_semaphore, #tpu.memory_space<semaphore_mem>>
      %dma_start3A_1990 = arith.constant 0 : i32
      %dma_start3A_1991 = arith.constant 0 : i32
      %dma_start3A_1992 = tpu.memref_slice %arg7[%dma_start3A_1990, %dma_start3A_1991] : memref<8x128xi32, #tpu.memory_space<vmem>> -> memref<2x128xi32, #tpu.memory_space<vmem>>
      %dma_start3A_1993 = arith.constant 0 : i32
      %dma_start3A_1994 = arith.constant 0 : i32
      %dma_start3A_1995 = tpu.memref_slice %arg2[%add3A, %add3A_1979, %dma_start3A_1993, %dma_start3A_1994] : memref<32x80x2x128xi32, #tpu.memory_space<hbm>> -> memref<1x1x2x128xi32, #tpu.memory_space<hbm>>
      %dma_start3A_1996 = tpu.memref_squeeze %dma_start3A_1995 : memref<1x1x2x128xi32, #tpu.memory_space<hbm>> -> memref<2x128xi32, #tpu.memory_space<hbm>>
      tpu.enqueue_dma source(%dma_start3A_1996 : memref<2x128xi32, #tpu.memory_space<hbm>>) target(%dma_start3A_1992 : memref<2x128xi32, #tpu.memory_space<vmem>>) target_semaphore(%dma_start3A_1989 : memref<!tpu.dma_semaphore, #tpu.memory_space<semaphore_mem>>)
      %dma_wait3A_1997 = arith.constant 2 : i32
      %dma_wait3A_1998 = arith.constant 1 : i32
      %dma_wait3A_1999 = arith.constant 1 : i32
      %dma_wait3A_2000 = arith.constant 0 : i32
      %dma_wait3A_2001 = arith.constant 0 : i32
      %dma_wait3A_2002 = tpu.memref_slice %arg8[%dma_wait3A_1998, %dma_wait3A_2000, %dma_wait3A_2001] : memref<2x128x64xf32, #tpu.memory_space<vmem>> -> memref<1x128x64xf32, #tpu.memory_space<vmem>>
      %dma_wait3A_2003 = tpu.memref_squeeze %dma_wait3A_2002 : memref<1x128x64xf32, #tpu.memory_space<vmem>> -> memref<128x64xf32, #tpu.memory_space<vmem>>
      %dma_wait3A_2004 = arith.constant 0 : i32
      %dma_wait3A_2005 = tpu.memref_slice %arg7[%dma_wait3A_1997, %dma_wait3A_2004] : memref<8x128xi32, #tpu.memory_space<vmem>> -> memref<1x128xi32, #tpu.memory_space<vmem>>
      %dma_wait3A_2006 = tpu.memref_squeeze %dma_wait3A_2005 : memref<1x128xi32, #tpu.memory_space<vmem>> -> memref<128xi32, #tpu.memory_space<vmem>>
      %dma_wait3A_2007 = arith.constant 0 : i32
      %dma_wait3A_2008 = arith.constant 0 : i32
      %dma_wait3A_2009 = tpu.memref_slice %arg10[%dma_wait3A_2007, %dma_wait3A_2008] : memref<10240x64xf32, #tpu.memory_space<vmem_shared>> -> memref<10240x64xf32, #tpu.memory_space<vmem_shared>>
      %dma_wait3A_2010 = tpu.memref_slice %arg13[%dma_wait3A_1999] : memref<2x!tpu.dma_semaphore, #tpu.memory_space<semaphore_mem>> -> memref<1x!tpu.dma_semaphore, #tpu.memory_space<semaphore_mem>>
      %dma_wait3A_2011 = tpu.memref_squeeze %dma_wait3A_2010 : memref<1x!tpu.dma_semaphore, #tpu.memory_space<semaphore_mem>> -> memref<!tpu.dma_semaphore, #tpu.memory_space<semaphore_mem>>
      tpu.wait_indirect_dma semaphore(%dma_wait3A_2011 : memref<!tpu.dma_semaphore, #tpu.memory_space<semaphore_mem>>) src(%dma_wait3A_2009 : memref<10240x64xf32, #tpu.memory_space<vmem_shared>>) dst(%dma_wait3A_2003 : memref<128x64xf32, #tpu.memory_space<vmem>>)
      %dma_start3A_2012 = arith.constant 1 : i32
      %dma_start3A_2013 = arith.constant 3 : i32
      %dma_start3A_2014 = arith.constant 1 : i32
      %dma_start3A_2015 = arith.constant 0 : i32
      %dma_start3A_2016 = arith.constant 0 : i32
      %dma_start3A_2017 = tpu.memref_slice %arg8[%dma_start3A_2012, %dma_start3A_2015, %dma_start3A_2016] : memref<2x128x64xf32, #tpu.memory_space<vmem>> -> memref<1x128x64xf32, #tpu.memory_space<vmem>>
      %dma_start3A_2018 = tpu.memref_squeeze %dma_start3A_2017 : memref<1x128x64xf32, #tpu.memory_space<vmem>> -> memref<128x64xf32, #tpu.memory_space<vmem>>
      %dma_start3A_2019 = arith.constant 0 : i32
      %dma_start3A_2020 = tpu.memref_slice %arg7[%dma_start3A_2013, %dma_start3A_2019] : memref<8x128xi32, #tpu.memory_space<vmem>> -> memref<1x128xi32, #tpu.memory_space<vmem>>
      %dma_start3A_2021 = tpu.memref_squeeze %dma_start3A_2020 : memref<1x128xi32, #tpu.memory_space<vmem>> -> memref<128xi32, #tpu.memory_space<vmem>>
      %dma_start3A_2022 = arith.constant 0 : i32
      %dma_start3A_2023 = arith.constant 0 : i32
      %dma_start3A_2024 = tpu.memref_slice %arg11[%dma_start3A_2022, %dma_start3A_2023] : memref<10240x64xf32, #tpu.memory_space<vmem_shared>> -> memref<10240x64xf32, #tpu.memory_space<vmem_shared>>
      %dma_start3A_2025 = tpu.memref_slice %arg14[%dma_start3A_2014] : memref<2x!tpu.dma_semaphore, #tpu.memory_space<semaphore_mem>> -> memref<1x!tpu.dma_semaphore, #tpu.memory_space<semaphore_mem>>
      %dma_start3A_2026 = tpu.memref_squeeze %dma_start3A_2025 : memref<1x!tpu.dma_semaphore, #tpu.memory_space<semaphore_mem>> -> memref<!tpu.dma_semaphore, #tpu.memory_space<semaphore_mem>>
      tpu.enqueue_indirect_dma source(%dma_start3A_2018 : memref<128x64xf32, #tpu.memory_space<vmem>>) target(%dma_start3A_2024 : memref<10240x64xf32, #tpu.memory_space<vmem_shared>>) offsets(%dma_start3A_2021 : memref<128xi32, #tpu.memory_space<vmem>>) semaphore(%dma_start3A_2026 : memref<!tpu.dma_semaphore, #tpu.memory_space<semaphore_mem>>) {add = true}
      %mul3A_2027 = arith.constant 4 : i32
      %mul3A_2028 = arith.muli %mul3A_2027, %add3A_1822 : i32
      %add3A_2029 = arith.constant 2 : i32
      %add3A_2030 = arith.addi %mul3A_2028, %add3A_2029 : i32
      %add3A_2031 = arith.constant 1 : i32
      %add3A_2032 = arith.addi %add3A_2030, %add3A_2031 : i32
      %dma_wait3A_2033 = arith.constant 3 : i32
      %dma_wait3A_2034 = arith.constant 6 : i32
      %dma_wait3A_2035 = arith.constant 0 : i32
      %dma_wait3A_2036 = tpu.memref_slice %arg7[%dma_wait3A_2034, %dma_wait3A_2035] : memref<8x128xi32, #tpu.memory_space<vmem>> -> memref<2x128xi32, #tpu.memory_space<vmem>>
      %dma_wait3A_2037 = arith.constant 0 : i32
      %dma_wait3A_2038 = arith.constant 0 : i32
      %dma_wait3A_2039 = tpu.memref_slice %arg2[%add3A, %add3A_2032, %dma_wait3A_2037, %dma_wait3A_2038] : memref<32x80x2x128xi32, #tpu.memory_space<hbm>> -> memref<1x1x2x128xi32, #tpu.memory_space<hbm>>
      %dma_wait3A_2040 = tpu.memref_squeeze %dma_wait3A_2039 : memref<1x1x2x128xi32, #tpu.memory_space<hbm>> -> memref<2x128xi32, #tpu.memory_space<hbm>>
      %dma_wait3A_2041 = tpu.memref_slice %arg12[%dma_wait3A_2033] : memref<4x!tpu.dma_semaphore, #tpu.memory_space<semaphore_mem>> -> memref<1x!tpu.dma_semaphore, #tpu.memory_space<semaphore_mem>>
      %dma_wait3A_2042 = tpu.memref_squeeze %dma_wait3A_2041 : memref<1x!tpu.dma_semaphore, #tpu.memory_space<semaphore_mem>> -> memref<!tpu.dma_semaphore, #tpu.memory_space<semaphore_mem>>
      %dma_wait3A_2043 = arith.constant 6 : i32
      %dma_wait3A_2044 = arith.constant 0 : i32
      %dma_wait3A_2045 = tpu.memref_slice %arg7[%dma_wait3A_2043, %dma_wait3A_2044] : memref<8x128xi32, #tpu.memory_space<vmem>> -> memref<2x128xi32, #tpu.memory_space<vmem>>
      %dma_wait3A_2046 = arith.constant 0 : i32
      %dma_wait3A_2047 = arith.constant 0 : i32
      %dma_wait3A_2048 = tpu.memref_slice %arg2[%add3A, %add3A_2032, %dma_wait3A_2046, %dma_wait3A_2047] : memref<32x80x2x128xi32, #tpu.memory_space<hbm>> -> memref<1x1x2x128xi32, #tpu.memory_space<hbm>>
      %dma_wait3A_2049 = tpu.memref_squeeze %dma_wait3A_2048 : memref<1x1x2x128xi32, #tpu.memory_space<hbm>> -> memref<2x128xi32, #tpu.memory_space<hbm>>
      tpu.wait_dma2 semaphore(%dma_wait3A_2042 : memref<!tpu.dma_semaphore, #tpu.memory_space<semaphore_mem>>) src(%dma_wait3A_2049 : memref<2x128xi32, #tpu.memory_space<hbm>>) dst(%dma_wait3A_2045 : memref<2x128xi32, #tpu.memory_space<vmem>>)
      %dma_wait3A_2050 = arith.constant 1 : i32
      %dma_wait3A_2051 = arith.constant 3 : i32
      %dma_wait3A_2052 = arith.constant 1 : i32
      %dma_wait3A_2053 = arith.constant 0 : i32
      %dma_wait3A_2054 = arith.constant 0 : i32
      %dma_wait3A_2055 = tpu.memref_slice %arg8[%dma_wait3A_2050, %dma_wait3A_2053, %dma_wait3A_2054] : memref<2x128x64xf32, #tpu.memory_space<vmem>> -> memref<1x128x64xf32, #tpu.memory_space<vmem>>
      %dma_wait3A_2056 = tpu.memref_squeeze %dma_wait3A_2055 : memref<1x128x64xf32, #tpu.memory_space<vmem>> -> memref<128x64xf32, #tpu.memory_space<vmem>>
      %dma_wait3A_2057 = arith.constant 0 : i32
      %dma_wait3A_2058 = tpu.memref_slice %arg7[%dma_wait3A_2051, %dma_wait3A_2057] : memref<8x128xi32, #tpu.memory_space<vmem>> -> memref<1x128xi32, #tpu.memory_space<vmem>>
      %dma_wait3A_2059 = tpu.memref_squeeze %dma_wait3A_2058 : memref<1x128xi32, #tpu.memory_space<vmem>> -> memref<128xi32, #tpu.memory_space<vmem>>
      %dma_wait3A_2060 = arith.constant 0 : i32
      %dma_wait3A_2061 = arith.constant 0 : i32
      %dma_wait3A_2062 = tpu.memref_slice %arg11[%dma_wait3A_2060, %dma_wait3A_2061] : memref<10240x64xf32, #tpu.memory_space<vmem_shared>> -> memref<10240x64xf32, #tpu.memory_space<vmem_shared>>
      %dma_wait3A_2063 = tpu.memref_slice %arg14[%dma_wait3A_2052] : memref<2x!tpu.dma_semaphore, #tpu.memory_space<semaphore_mem>> -> memref<1x!tpu.dma_semaphore, #tpu.memory_space<semaphore_mem>>
      %dma_wait3A_2064 = tpu.memref_squeeze %dma_wait3A_2063 : memref<1x!tpu.dma_semaphore, #tpu.memory_space<semaphore_mem>> -> memref<!tpu.dma_semaphore, #tpu.memory_space<semaphore_mem>>
      tpu.wait_indirect_dma semaphore(%dma_wait3A_2064 : memref<!tpu.dma_semaphore, #tpu.memory_space<semaphore_mem>>) src(%dma_wait3A_2056 : memref<128x64xf32, #tpu.memory_space<vmem>>) dst(%dma_wait3A_2062 : memref<10240x64xf32, #tpu.memory_space<vmem_shared>>)
      %dma_start3A_2065 = arith.constant 6 : i32
      %dma_start3A_2066 = arith.constant 1 : i32
      %dma_start3A_2067 = arith.constant 1 : i32
      %dma_start3A_2068 = arith.constant 0 : i32
      %dma_start3A_2069 = arith.constant 0 : i32
      %dma_start3A_2070 = tpu.memref_slice %arg8[%dma_start3A_2066, %dma_start3A_2068, %dma_start3A_2069] : memref<2x128x64xf32, #tpu.memory_space<vmem>> -> memref<1x128x64xf32, #tpu.memory_space<vmem>>
      %dma_start3A_2071 = tpu.memref_squeeze %dma_start3A_2070 : memref<1x128x64xf32, #tpu.memory_space<vmem>> -> memref<128x64xf32, #tpu.memory_space<vmem>>
      %dma_start3A_2072 = arith.constant 0 : i32
      %dma_start3A_2073 = tpu.memref_slice %arg7[%dma_start3A_2065, %dma_start3A_2072] : memref<8x128xi32, #tpu.memory_space<vmem>> -> memref<1x128xi32, #tpu.memory_space<vmem>>
      %dma_start3A_2074 = tpu.memref_squeeze %dma_start3A_2073 : memref<1x128xi32, #tpu.memory_space<vmem>> -> memref<128xi32, #tpu.memory_space<vmem>>
      %dma_start3A_2075 = arith.constant 0 : i32
      %dma_start3A_2076 = arith.constant 0 : i32
      %dma_start3A_2077 = tpu.memref_slice %arg10[%dma_start3A_2075, %dma_start3A_2076] : memref<10240x64xf32, #tpu.memory_space<vmem_shared>> -> memref<10240x64xf32, #tpu.memory_space<vmem_shared>>
      %dma_start3A_2078 = tpu.memref_slice %arg13[%dma_start3A_2067] : memref<2x!tpu.dma_semaphore, #tpu.memory_space<semaphore_mem>> -> memref<1x!tpu.dma_semaphore, #tpu.memory_space<semaphore_mem>>
      %dma_start3A_2079 = tpu.memref_squeeze %dma_start3A_2078 : memref<1x!tpu.dma_semaphore, #tpu.memory_space<semaphore_mem>> -> memref<!tpu.dma_semaphore, #tpu.memory_space<semaphore_mem>>
      tpu.enqueue_indirect_dma source(%dma_start3A_2077 : memref<10240x64xf32, #tpu.memory_space<vmem_shared>>) target(%dma_start3A_2071 : memref<128x64xf32, #tpu.memory_space<vmem>>) offsets(%dma_start3A_2074 : memref<128xi32, #tpu.memory_space<vmem>>) semaphore(%dma_start3A_2079 : memref<!tpu.dma_semaphore, #tpu.memory_space<semaphore_mem>>)
      %add3A_2080 = arith.constant 3 : i32
      %add3A_2081 = arith.addi %add3A_2030, %add3A_2080 : i32
      %dma_start3A_2082 = arith.constant 1 : i32
      %dma_start3A_2083 = arith.constant 2 : i32
      %dma_start3A_2084 = arith.constant 0 : i32
      %dma_start3A_2085 = tpu.memref_slice %arg7[%dma_start3A_2083, %dma_start3A_2084] : memref<8x128xi32, #tpu.memory_space<vmem>> -> memref<2x128xi32, #tpu.memory_space<vmem>>
      %dma_start3A_2086 = arith.constant 0 : i32
      %dma_start3A_2087 = arith.constant 0 : i32
      %dma_start3A_2088 = tpu.memref_slice %arg2[%add3A, %add3A_2081, %dma_start3A_2086, %dma_start3A_2087] : memref<32x80x2x128xi32, #tpu.memory_space<hbm>> -> memref<1x1x2x128xi32, #tpu.memory_space<hbm>>
      %dma_start3A_2089 = tpu.memref_squeeze %dma_start3A_2088 : memref<1x1x2x128xi32, #tpu.memory_space<hbm>> -> memref<2x128xi32, #tpu.memory_space<hbm>>
      %dma_start3A_2090 = tpu.memref_slice %arg12[%dma_start3A_2082] : memref<4x!tpu.dma_semaphore, #tpu.memory_space<semaphore_mem>> -> memref<1x!tpu.dma_semaphore, #tpu.memory_space<semaphore_mem>>
      %dma_start3A_2091 = tpu.memref_squeeze %dma_start3A_2090 : memref<1x!tpu.dma_semaphore, #tpu.memory_space<semaphore_mem>> -> memref<!tpu.dma_semaphore, #tpu.memory_space<semaphore_mem>>
      %dma_start3A_2092 = arith.constant 2 : i32
      %dma_start3A_2093 = arith.constant 0 : i32
      %dma_start3A_2094 = tpu.memref_slice %arg7[%dma_start3A_2092, %dma_start3A_2093] : memref<8x128xi32, #tpu.memory_space<vmem>> -> memref<2x128xi32, #tpu.memory_space<vmem>>
      %dma_start3A_2095 = arith.constant 0 : i32
      %dma_start3A_2096 = arith.constant 0 : i32
      %dma_start3A_2097 = tpu.memref_slice %arg2[%add3A, %add3A_2081, %dma_start3A_2095, %dma_start3A_2096] : memref<32x80x2x128xi32, #tpu.memory_space<hbm>> -> memref<1x1x2x128xi32, #tpu.memory_space<hbm>>
      %dma_start3A_2098 = tpu.memref_squeeze %dma_start3A_2097 : memref<1x1x2x128xi32, #tpu.memory_space<hbm>> -> memref<2x128xi32, #tpu.memory_space<hbm>>
      tpu.enqueue_dma source(%dma_start3A_2098 : memref<2x128xi32, #tpu.memory_space<hbm>>) target(%dma_start3A_2094 : memref<2x128xi32, #tpu.memory_space<vmem>>) target_semaphore(%dma_start3A_2091 : memref<!tpu.dma_semaphore, #tpu.memory_space<semaphore_mem>>)
      %dma_wait3A_2099 = arith.constant 4 : i32
      %dma_wait3A_2100 = arith.constant 0 : i32
      %dma_wait3A_2101 = arith.constant 0 : i32
      %dma_wait3A_2102 = arith.constant 0 : i32
      %dma_wait3A_2103 = arith.constant 0 : i32
      %dma_wait3A_2104 = tpu.memref_slice %arg8[%dma_wait3A_2100, %dma_wait3A_2102, %dma_wait3A_2103] : memref<2x128x64xf32, #tpu.memory_space<vmem>> -> memref<1x128x64xf32, #tpu.memory_space<vmem>>
      %dma_wait3A_2105 = tpu.memref_squeeze %dma_wait3A_2104 : memref<1x128x64xf32, #tpu.memory_space<vmem>> -> memref<128x64xf32, #tpu.memory_space<vmem>>
      %dma_wait3A_2106 = arith.constant 0 : i32
      %dma_wait3A_2107 = tpu.memref_slice %arg7[%dma_wait3A_2099, %dma_wait3A_2106] : memref<8x128xi32, #tpu.memory_space<vmem>> -> memref<1x128xi32, #tpu.memory_space<vmem>>
      %dma_wait3A_2108 = tpu.memref_squeeze %dma_wait3A_2107 : memref<1x128xi32, #tpu.memory_space<vmem>> -> memref<128xi32, #tpu.memory_space<vmem>>
      %dma_wait3A_2109 = arith.constant 0 : i32
      %dma_wait3A_2110 = arith.constant 0 : i32
      %dma_wait3A_2111 = tpu.memref_slice %arg10[%dma_wait3A_2109, %dma_wait3A_2110] : memref<10240x64xf32, #tpu.memory_space<vmem_shared>> -> memref<10240x64xf32, #tpu.memory_space<vmem_shared>>
      %dma_wait3A_2112 = tpu.memref_slice %arg13[%dma_wait3A_2101] : memref<2x!tpu.dma_semaphore, #tpu.memory_space<semaphore_mem>> -> memref<1x!tpu.dma_semaphore, #tpu.memory_space<semaphore_mem>>
      %dma_wait3A_2113 = tpu.memref_squeeze %dma_wait3A_2112 : memref<1x!tpu.dma_semaphore, #tpu.memory_space<semaphore_mem>> -> memref<!tpu.dma_semaphore, #tpu.memory_space<semaphore_mem>>
      tpu.wait_indirect_dma semaphore(%dma_wait3A_2113 : memref<!tpu.dma_semaphore, #tpu.memory_space<semaphore_mem>>) src(%dma_wait3A_2111 : memref<10240x64xf32, #tpu.memory_space<vmem_shared>>) dst(%dma_wait3A_2105 : memref<128x64xf32, #tpu.memory_space<vmem>>)
      %dma_start3A_2114 = arith.constant 0 : i32
      %dma_start3A_2115 = arith.constant 5 : i32
      %dma_start3A_2116 = arith.constant 0 : i32
      %dma_start3A_2117 = arith.constant 0 : i32
      %dma_start3A_2118 = arith.constant 0 : i32
      %dma_start3A_2119 = tpu.memref_slice %arg8[%dma_start3A_2114, %dma_start3A_2117, %dma_start3A_2118] : memref<2x128x64xf32, #tpu.memory_space<vmem>> -> memref<1x128x64xf32, #tpu.memory_space<vmem>>
      %dma_start3A_2120 = tpu.memref_squeeze %dma_start3A_2119 : memref<1x128x64xf32, #tpu.memory_space<vmem>> -> memref<128x64xf32, #tpu.memory_space<vmem>>
      %dma_start3A_2121 = arith.constant 0 : i32
      %dma_start3A_2122 = tpu.memref_slice %arg7[%dma_start3A_2115, %dma_start3A_2121] : memref<8x128xi32, #tpu.memory_space<vmem>> -> memref<1x128xi32, #tpu.memory_space<vmem>>
      %dma_start3A_2123 = tpu.memref_squeeze %dma_start3A_2122 : memref<1x128xi32, #tpu.memory_space<vmem>> -> memref<128xi32, #tpu.memory_space<vmem>>
      %dma_start3A_2124 = arith.constant 0 : i32
      %dma_start3A_2125 = arith.constant 0 : i32
      %dma_start3A_2126 = tpu.memref_slice %arg11[%dma_start3A_2124, %dma_start3A_2125] : memref<10240x64xf32, #tpu.memory_space<vmem_shared>> -> memref<10240x64xf32, #tpu.memory_space<vmem_shared>>
      %dma_start3A_2127 = tpu.memref_slice %arg14[%dma_start3A_2116] : memref<2x!tpu.dma_semaphore, #tpu.memory_space<semaphore_mem>> -> memref<1x!tpu.dma_semaphore, #tpu.memory_space<semaphore_mem>>
      %dma_start3A_2128 = tpu.memref_squeeze %dma_start3A_2127 : memref<1x!tpu.dma_semaphore, #tpu.memory_space<semaphore_mem>> -> memref<!tpu.dma_semaphore, #tpu.memory_space<semaphore_mem>>
      tpu.enqueue_indirect_dma source(%dma_start3A_2120 : memref<128x64xf32, #tpu.memory_space<vmem>>) target(%dma_start3A_2126 : memref<10240x64xf32, #tpu.memory_space<vmem_shared>>) offsets(%dma_start3A_2123 : memref<128xi32, #tpu.memory_space<vmem>>) semaphore(%dma_start3A_2128 : memref<!tpu.dma_semaphore, #tpu.memory_space<semaphore_mem>>) {add = true}
      %mul3A_2129 = arith.constant 4 : i32
      %mul3A_2130 = arith.muli %mul3A_2129, %add3A_1822 : i32
      %add3A_2131 = arith.constant 3 : i32
      %add3A_2132 = arith.addi %mul3A_2130, %add3A_2131 : i32
      %add3A_2133 = arith.constant 1 : i32
      %add3A_2134 = arith.addi %add3A_2132, %add3A_2133 : i32
      %dma_wait3A_2135 = arith.constant 0 : i32
      %dma_wait3A_2136 = arith.constant 0 : i32
      %dma_wait3A_2137 = arith.constant 0 : i32
      %dma_wait3A_2138 = tpu.memref_slice %arg7[%dma_wait3A_2136, %dma_wait3A_2137] : memref<8x128xi32, #tpu.memory_space<vmem>> -> memref<2x128xi32, #tpu.memory_space<vmem>>
      %dma_wait3A_2139 = arith.constant 0 : i32
      %dma_wait3A_2140 = arith.constant 0 : i32
      %dma_wait3A_2141 = tpu.memref_slice %arg2[%add3A, %add3A_2134, %dma_wait3A_2139, %dma_wait3A_2140] : memref<32x80x2x128xi32, #tpu.memory_space<hbm>> -> memref<1x1x2x128xi32, #tpu.memory_space<hbm>>
      %dma_wait3A_2142 = tpu.memref_squeeze %dma_wait3A_2141 : memref<1x1x2x128xi32, #tpu.memory_space<hbm>> -> memref<2x128xi32, #tpu.memory_space<hbm>>
      %dma_wait3A_2143 = tpu.memref_slice %arg12[%dma_wait3A_2135] : memref<4x!tpu.dma_semaphore, #tpu.memory_space<semaphore_mem>> -> memref<1x!tpu.dma_semaphore, #tpu.memory_space<semaphore_mem>>
      %dma_wait3A_2144 = tpu.memref_squeeze %dma_wait3A_2143 : memref<1x!tpu.dma_semaphore, #tpu.memory_space<semaphore_mem>> -> memref<!tpu.dma_semaphore, #tpu.memory_space<semaphore_mem>>
      %dma_wait3A_2145 = arith.constant 0 : i32
      %dma_wait3A_2146 = arith.constant 0 : i32
      %dma_wait3A_2147 = tpu.memref_slice %arg7[%dma_wait3A_2145, %dma_wait3A_2146] : memref<8x128xi32, #tpu.memory_space<vmem>> -> memref<2x128xi32, #tpu.memory_space<vmem>>
      %dma_wait3A_2148 = arith.constant 0 : i32
      %dma_wait3A_2149 = arith.constant 0 : i32
      %dma_wait3A_2150 = tpu.memref_slice %arg2[%add3A, %add3A_2134, %dma_wait3A_2148, %dma_wait3A_2149] : memref<32x80x2x128xi32, #tpu.memory_space<hbm>> -> memref<1x1x2x128xi32, #tpu.memory_space<hbm>>
      %dma_wait3A_2151 = tpu.memref_squeeze %dma_wait3A_2150 : memref<1x1x2x128xi32, #tpu.memory_space<hbm>> -> memref<2x128xi32, #tpu.memory_space<hbm>>
      tpu.wait_dma2 semaphore(%dma_wait3A_2144 : memref<!tpu.dma_semaphore, #tpu.memory_space<semaphore_mem>>) src(%dma_wait3A_2151 : memref<2x128xi32, #tpu.memory_space<hbm>>) dst(%dma_wait3A_2147 : memref<2x128xi32, #tpu.memory_space<vmem>>)
      %dma_wait3A_2152 = arith.constant 0 : i32
      %dma_wait3A_2153 = arith.constant 5 : i32
      %dma_wait3A_2154 = arith.constant 0 : i32
      %dma_wait3A_2155 = arith.constant 0 : i32
      %dma_wait3A_2156 = arith.constant 0 : i32
      %dma_wait3A_2157 = tpu.memref_slice %arg8[%dma_wait3A_2152, %dma_wait3A_2155, %dma_wait3A_2156] : memref<2x128x64xf32, #tpu.memory_space<vmem>> -> memref<1x128x64xf32, #tpu.memory_space<vmem>>
      %dma_wait3A_2158 = tpu.memref_squeeze %dma_wait3A_2157 : memref<1x128x64xf32, #tpu.memory_space<vmem>> -> memref<128x64xf32, #tpu.memory_space<vmem>>
      %dma_wait3A_2159 = arith.constant 0 : i32
      %dma_wait3A_2160 = tpu.memref_slice %arg7[%dma_wait3A_2153, %dma_wait3A_2159] : memref<8x128xi32, #tpu.memory_space<vmem>> -> memref<1x128xi32, #tpu.memory_space<vmem>>
      %dma_wait3A_2161 = tpu.memref_squeeze %dma_wait3A_2160 : memref<1x128xi32, #tpu.memory_space<vmem>> -> memref<128xi32, #tpu.memory_space<vmem>>
      %dma_wait3A_2162 = arith.constant 0 : i32
      %dma_wait3A_2163 = arith.constant 0 : i32
      %dma_wait3A_2164 = tpu.memref_slice %arg11[%dma_wait3A_2162, %dma_wait3A_2163] : memref<10240x64xf32, #tpu.memory_space<vmem_shared>> -> memref<10240x64xf32, #tpu.memory_space<vmem_shared>>
      %dma_wait3A_2165 = tpu.memref_slice %arg14[%dma_wait3A_2154] : memref<2x!tpu.dma_semaphore, #tpu.memory_space<semaphore_mem>> -> memref<1x!tpu.dma_semaphore, #tpu.memory_space<semaphore_mem>>
      %dma_wait3A_2166 = tpu.memref_squeeze %dma_wait3A_2165 : memref<1x!tpu.dma_semaphore, #tpu.memory_space<semaphore_mem>> -> memref<!tpu.dma_semaphore, #tpu.memory_space<semaphore_mem>>
      tpu.wait_indirect_dma semaphore(%dma_wait3A_2166 : memref<!tpu.dma_semaphore, #tpu.memory_space<semaphore_mem>>) src(%dma_wait3A_2158 : memref<128x64xf32, #tpu.memory_space<vmem>>) dst(%dma_wait3A_2164 : memref<10240x64xf32, #tpu.memory_space<vmem_shared>>)
      %dma_start3A_2167 = arith.constant 0 : i32
      %dma_start3A_2168 = arith.constant 0 : i32
      %dma_start3A_2169 = arith.constant 0 : i32
      %dma_start3A_2170 = arith.constant 0 : i32
      %dma_start3A_2171 = arith.constant 0 : i32
      %dma_start3A_2172 = tpu.memref_slice %arg8[%dma_start3A_2168, %dma_start3A_2170, %dma_start3A_2171] : memref<2x128x64xf32, #tpu.memory_space<vmem>> -> memref<1x128x64xf32, #tpu.memory_space<vmem>>
      %dma_start3A_2173 = tpu.memref_squeeze %dma_start3A_2172 : memref<1x128x64xf32, #tpu.memory_space<vmem>> -> memref<128x64xf32, #tpu.memory_space<vmem>>
      %dma_start3A_2174 = arith.constant 0 : i32
      %dma_start3A_2175 = tpu.memref_slice %arg7[%dma_start3A_2167, %dma_start3A_2174] : memref<8x128xi32, #tpu.memory_space<vmem>> -> memref<1x128xi32, #tpu.memory_space<vmem>>
      %dma_start3A_2176 = tpu.memref_squeeze %dma_start3A_2175 : memref<1x128xi32, #tpu.memory_space<vmem>> -> memref<128xi32, #tpu.memory_space<vmem>>
      %dma_start3A_2177 = arith.constant 0 : i32
      %dma_start3A_2178 = arith.constant 0 : i32
      %dma_start3A_2179 = tpu.memref_slice %arg10[%dma_start3A_2177, %dma_start3A_2178] : memref<10240x64xf32, #tpu.memory_space<vmem_shared>> -> memref<10240x64xf32, #tpu.memory_space<vmem_shared>>
      %dma_start3A_2180 = tpu.memref_slice %arg13[%dma_start3A_2169] : memref<2x!tpu.dma_semaphore, #tpu.memory_space<semaphore_mem>> -> memref<1x!tpu.dma_semaphore, #tpu.memory_space<semaphore_mem>>
      %dma_start3A_2181 = tpu.memref_squeeze %dma_start3A_2180 : memref<1x!tpu.dma_semaphore, #tpu.memory_space<semaphore_mem>> -> memref<!tpu.dma_semaphore, #tpu.memory_space<semaphore_mem>>
      tpu.enqueue_indirect_dma source(%dma_start3A_2179 : memref<10240x64xf32, #tpu.memory_space<vmem_shared>>) target(%dma_start3A_2173 : memref<128x64xf32, #tpu.memory_space<vmem>>) offsets(%dma_start3A_2176 : memref<128xi32, #tpu.memory_space<vmem>>) semaphore(%dma_start3A_2181 : memref<!tpu.dma_semaphore, #tpu.memory_space<semaphore_mem>>)
      %add3A_2182 = arith.constant 3 : i32
      %add3A_2183 = arith.addi %add3A_2132, %add3A_2182 : i32
      %dma_start3A_2184 = arith.constant 2 : i32
      %dma_start3A_2185 = arith.constant 4 : i32
      %dma_start3A_2186 = arith.constant 0 : i32
      %dma_start3A_2187 = tpu.memref_slice %arg7[%dma_start3A_2185, %dma_start3A_2186] : memref<8x128xi32, #tpu.memory_space<vmem>> -> memref<2x128xi32, #tpu.memory_space<vmem>>
      %dma_start3A_2188 = arith.constant 0 : i32
      %dma_start3A_2189 = arith.constant 0 : i32
      %dma_start3A_2190 = tpu.memref_slice %arg2[%add3A, %add3A_2183, %dma_start3A_2188, %dma_start3A_2189] : memref<32x80x2x128xi32, #tpu.memory_space<hbm>> -> memref<1x1x2x128xi32, #tpu.memory_space<hbm>>
      %dma_start3A_2191 = tpu.memref_squeeze %dma_start3A_2190 : memref<1x1x2x128xi32, #tpu.memory_space<hbm>> -> memref<2x128xi32, #tpu.memory_space<hbm>>
      %dma_start3A_2192 = tpu.memref_slice %arg12[%dma_start3A_2184] : memref<4x!tpu.dma_semaphore, #tpu.memory_space<semaphore_mem>> -> memref<1x!tpu.dma_semaphore, #tpu.memory_space<semaphore_mem>>
      %dma_start3A_2193 = tpu.memref_squeeze %dma_start3A_2192 : memref<1x!tpu.dma_semaphore, #tpu.memory_space<semaphore_mem>> -> memref<!tpu.dma_semaphore, #tpu.memory_space<semaphore_mem>>
      %dma_start3A_2194 = arith.constant 4 : i32
      %dma_start3A_2195 = arith.constant 0 : i32
      %dma_start3A_2196 = tpu.memref_slice %arg7[%dma_start3A_2194, %dma_start3A_2195] : memref<8x128xi32, #tpu.memory_space<vmem>> -> memref<2x128xi32, #tpu.memory_space<vmem>>
      %dma_start3A_2197 = arith.constant 0 : i32
      %dma_start3A_2198 = arith.constant 0 : i32
      %dma_start3A_2199 = tpu.memref_slice %arg2[%add3A, %add3A_2183, %dma_start3A_2197, %dma_start3A_2198] : memref<32x80x2x128xi32, #tpu.memory_space<hbm>> -> memref<1x1x2x128xi32, #tpu.memory_space<hbm>>
      %dma_start3A_2200 = tpu.memref_squeeze %dma_start3A_2199 : memref<1x1x2x128xi32, #tpu.memory_space<hbm>> -> memref<2x128xi32, #tpu.memory_space<hbm>>
      tpu.enqueue_dma source(%dma_start3A_2200 : memref<2x128xi32, #tpu.memory_space<hbm>>) target(%dma_start3A_2196 : memref<2x128xi32, #tpu.memory_space<vmem>>) target_semaphore(%dma_start3A_2193 : memref<!tpu.dma_semaphore, #tpu.memory_space<semaphore_mem>>)
      %dma_wait3A_2201 = arith.constant 6 : i32
      %dma_wait3A_2202 = arith.constant 1 : i32
      %dma_wait3A_2203 = arith.constant 1 : i32
      %dma_wait3A_2204 = arith.constant 0 : i32
      %dma_wait3A_2205 = arith.constant 0 : i32
      %dma_wait3A_2206 = tpu.memref_slice %arg8[%dma_wait3A_2202, %dma_wait3A_2204, %dma_wait3A_2205] : memref<2x128x64xf32, #tpu.memory_space<vmem>> -> memref<1x128x64xf32, #tpu.memory_space<vmem>>
      %dma_wait3A_2207 = tpu.memref_squeeze %dma_wait3A_2206 : memref<1x128x64xf32, #tpu.memory_space<vmem>> -> memref<128x64xf32, #tpu.memory_space<vmem>>
      %dma_wait3A_2208 = arith.constant 0 : i32
      %dma_wait3A_2209 = tpu.memref_slice %arg7[%dma_wait3A_2201, %dma_wait3A_2208] : memref<8x128xi32, #tpu.memory_space<vmem>> -> memref<1x128xi32, #tpu.memory_space<vmem>>
      %dma_wait3A_2210 = tpu.memref_squeeze %dma_wait3A_2209 : memref<1x128xi32, #tpu.memory_space<vmem>> -> memref<128xi32, #tpu.memory_space<vmem>>
      %dma_wait3A_2211 = arith.constant 0 : i32
      %dma_wait3A_2212 = arith.constant 0 : i32
      %dma_wait3A_2213 = tpu.memref_slice %arg10[%dma_wait3A_2211, %dma_wait3A_2212] : memref<10240x64xf32, #tpu.memory_space<vmem_shared>> -> memref<10240x64xf32, #tpu.memory_space<vmem_shared>>
      %dma_wait3A_2214 = tpu.memref_slice %arg13[%dma_wait3A_2203] : memref<2x!tpu.dma_semaphore, #tpu.memory_space<semaphore_mem>> -> memref<1x!tpu.dma_semaphore, #tpu.memory_space<semaphore_mem>>
      %dma_wait3A_2215 = tpu.memref_squeeze %dma_wait3A_2214 : memref<1x!tpu.dma_semaphore, #tpu.memory_space<semaphore_mem>> -> memref<!tpu.dma_semaphore, #tpu.memory_space<semaphore_mem>>
      tpu.wait_indirect_dma semaphore(%dma_wait3A_2215 : memref<!tpu.dma_semaphore, #tpu.memory_space<semaphore_mem>>) src(%dma_wait3A_2213 : memref<10240x64xf32, #tpu.memory_space<vmem_shared>>) dst(%dma_wait3A_2207 : memref<128x64xf32, #tpu.memory_space<vmem>>)
      %dma_start3A_2216 = arith.constant 1 : i32
      %dma_start3A_2217 = arith.constant 7 : i32
      %dma_start3A_2218 = arith.constant 1 : i32
      %dma_start3A_2219 = arith.constant 0 : i32
      %dma_start3A_2220 = arith.constant 0 : i32
      %dma_start3A_2221 = tpu.memref_slice %arg8[%dma_start3A_2216, %dma_start3A_2219, %dma_start3A_2220] : memref<2x128x64xf32, #tpu.memory_space<vmem>> -> memref<1x128x64xf32, #tpu.memory_space<vmem>>
      %dma_start3A_2222 = tpu.memref_squeeze %dma_start3A_2221 : memref<1x128x64xf32, #tpu.memory_space<vmem>> -> memref<128x64xf32, #tpu.memory_space<vmem>>
      %dma_start3A_2223 = arith.constant 0 : i32
      %dma_start3A_2224 = tpu.memref_slice %arg7[%dma_start3A_2217, %dma_start3A_2223] : memref<8x128xi32, #tpu.memory_space<vmem>> -> memref<1x128xi32, #tpu.memory_space<vmem>>
      %dma_start3A_2225 = tpu.memref_squeeze %dma_start3A_2224 : memref<1x128xi32, #tpu.memory_space<vmem>> -> memref<128xi32, #tpu.memory_space<vmem>>
      %dma_start3A_2226 = arith.constant 0 : i32
      %dma_start3A_2227 = arith.constant 0 : i32
      %dma_start3A_2228 = tpu.memref_slice %arg11[%dma_start3A_2226, %dma_start3A_2227] : memref<10240x64xf32, #tpu.memory_space<vmem_shared>> -> memref<10240x64xf32, #tpu.memory_space<vmem_shared>>
      %dma_start3A_2229 = tpu.memref_slice %arg14[%dma_start3A_2218] : memref<2x!tpu.dma_semaphore, #tpu.memory_space<semaphore_mem>> -> memref<1x!tpu.dma_semaphore, #tpu.memory_space<semaphore_mem>>
      %dma_start3A_2230 = tpu.memref_squeeze %dma_start3A_2229 : memref<1x!tpu.dma_semaphore, #tpu.memory_space<semaphore_mem>> -> memref<!tpu.dma_semaphore, #tpu.memory_space<semaphore_mem>>
      tpu.enqueue_indirect_dma source(%dma_start3A_2222 : memref<128x64xf32, #tpu.memory_space<vmem>>) target(%dma_start3A_2228 : memref<10240x64xf32, #tpu.memory_space<vmem_shared>>) offsets(%dma_start3A_2225 : memref<128xi32, #tpu.memory_space<vmem>>) semaphore(%dma_start3A_2230 : memref<!tpu.dma_semaphore, #tpu.memory_space<semaphore_mem>>) {add = true}
    }
    %scan3A_1503 = arith.constant 18 : i32
    %dma_wait3A_1504 = arith.constant 77 : i32
    %dma_wait3A_1505 = arith.constant 1 : i32
    %dma_wait3A_1506 = arith.constant 2 : i32
    %dma_wait3A_1507 = arith.constant 0 : i32
    %dma_wait3A_1508 = tpu.memref_slice %arg7[%dma_wait3A_1506, %dma_wait3A_1507] : memref<8x128xi32, #tpu.memory_space<vmem>> -> memref<2x128xi32, #tpu.memory_space<vmem>>
    %dma_wait3A_1509 = arith.constant 0 : i32
    %dma_wait3A_1510 = arith.constant 0 : i32
    %dma_wait3A_1511 = tpu.memref_slice %arg2[%add3A, %dma_wait3A_1504, %dma_wait3A_1509, %dma_wait3A_1510] : memref<32x80x2x128xi32, #tpu.memory_space<hbm>> -> memref<1x1x2x128xi32, #tpu.memory_space<hbm>>
    %dma_wait3A_1512 = tpu.memref_squeeze %dma_wait3A_1511 : memref<1x1x2x128xi32, #tpu.memory_space<hbm>> -> memref<2x128xi32, #tpu.memory_space<hbm>>
    %dma_wait3A_1513 = tpu.memref_slice %arg12[%dma_wait3A_1505] : memref<4x!tpu.dma_semaphore, #tpu.memory_space<semaphore_mem>> -> memref<1x!tpu.dma_semaphore, #tpu.memory_space<semaphore_mem>>
    %dma_wait3A_1514 = tpu.memref_squeeze %dma_wait3A_1513 : memref<1x!tpu.dma_semaphore, #tpu.memory_space<semaphore_mem>> -> memref<!tpu.dma_semaphore, #tpu.memory_space<semaphore_mem>>
    %dma_wait3A_1515 = arith.constant 2 : i32
    %dma_wait3A_1516 = arith.constant 0 : i32
    %dma_wait3A_1517 = tpu.memref_slice %arg7[%dma_wait3A_1515, %dma_wait3A_1516] : memref<8x128xi32, #tpu.memory_space<vmem>> -> memref<2x128xi32, #tpu.memory_space<vmem>>
    %dma_wait3A_1518 = arith.constant 0 : i32
    %dma_wait3A_1519 = arith.constant 0 : i32
    %dma_wait3A_1520 = tpu.memref_slice %arg2[%add3A, %dma_wait3A_1504, %dma_wait3A_1518, %dma_wait3A_1519] : memref<32x80x2x128xi32, #tpu.memory_space<hbm>> -> memref<1x1x2x128xi32, #tpu.memory_space<hbm>>
    %dma_wait3A_1521 = tpu.memref_squeeze %dma_wait3A_1520 : memref<1x1x2x128xi32, #tpu.memory_space<hbm>> -> memref<2x128xi32, #tpu.memory_space<hbm>>
    tpu.wait_dma2 semaphore(%dma_wait3A_1514 : memref<!tpu.dma_semaphore, #tpu.memory_space<semaphore_mem>>) src(%dma_wait3A_1521 : memref<2x128xi32, #tpu.memory_space<hbm>>) dst(%dma_wait3A_1517 : memref<2x128xi32, #tpu.memory_space<vmem>>)
    %dma_wait3A_1522 = arith.constant 1 : i32
    %dma_wait3A_1523 = arith.constant 7 : i32
    %dma_wait3A_1524 = arith.constant 1 : i32
    %dma_wait3A_1525 = arith.constant 0 : i32
    %dma_wait3A_1526 = arith.constant 0 : i32
    %dma_wait3A_1527 = tpu.memref_slice %arg8[%dma_wait3A_1522, %dma_wait3A_1525, %dma_wait3A_1526] : memref<2x128x64xf32, #tpu.memory_space<vmem>> -> memref<1x128x64xf32, #tpu.memory_space<vmem>>
    %dma_wait3A_1528 = tpu.memref_squeeze %dma_wait3A_1527 : memref<1x128x64xf32, #tpu.memory_space<vmem>> -> memref<128x64xf32, #tpu.memory_space<vmem>>
    %dma_wait3A_1529 = arith.constant 0 : i32
    %dma_wait3A_1530 = tpu.memref_slice %arg7[%dma_wait3A_1523, %dma_wait3A_1529] : memref<8x128xi32, #tpu.memory_space<vmem>> -> memref<1x128xi32, #tpu.memory_space<vmem>>
    %dma_wait3A_1531 = tpu.memref_squeeze %dma_wait3A_1530 : memref<1x128xi32, #tpu.memory_space<vmem>> -> memref<128xi32, #tpu.memory_space<vmem>>
    %dma_wait3A_1532 = arith.constant 0 : i32
    %dma_wait3A_1533 = arith.constant 0 : i32
    %dma_wait3A_1534 = tpu.memref_slice %arg11[%dma_wait3A_1532, %dma_wait3A_1533] : memref<10240x64xf32, #tpu.memory_space<vmem_shared>> -> memref<10240x64xf32, #tpu.memory_space<vmem_shared>>
    %dma_wait3A_1535 = tpu.memref_slice %arg14[%dma_wait3A_1524] : memref<2x!tpu.dma_semaphore, #tpu.memory_space<semaphore_mem>> -> memref<1x!tpu.dma_semaphore, #tpu.memory_space<semaphore_mem>>
    %dma_wait3A_1536 = tpu.memref_squeeze %dma_wait3A_1535 : memref<1x!tpu.dma_semaphore, #tpu.memory_space<semaphore_mem>> -> memref<!tpu.dma_semaphore, #tpu.memory_space<semaphore_mem>>
    tpu.wait_indirect_dma semaphore(%dma_wait3A_1536 : memref<!tpu.dma_semaphore, #tpu.memory_space<semaphore_mem>>) src(%dma_wait3A_1528 : memref<128x64xf32, #tpu.memory_space<vmem>>) dst(%dma_wait3A_1534 : memref<10240x64xf32, #tpu.memory_space<vmem_shared>>)
    %dma_start3A_1537 = arith.constant 2 : i32
    %dma_start3A_1538 = arith.constant 1 : i32
    %dma_start3A_1539 = arith.constant 1 : i32
    %dma_start3A_1540 = arith.constant 0 : i32
    %dma_start3A_1541 = arith.constant 0 : i32
    %dma_start3A_1542 = tpu.memref_slice %arg8[%dma_start3A_1538, %dma_start3A_1540, %dma_start3A_1541] : memref<2x128x64xf32, #tpu.memory_space<vmem>> -> memref<1x128x64xf32, #tpu.memory_space<vmem>>
    %dma_start3A_1543 = tpu.memref_squeeze %dma_start3A_1542 : memref<1x128x64xf32, #tpu.memory_space<vmem>> -> memref<128x64xf32, #tpu.memory_space<vmem>>
    %dma_start3A_1544 = arith.constant 0 : i32
    %dma_start3A_1545 = tpu.memref_slice %arg7[%dma_start3A_1537, %dma_start3A_1544] : memref<8x128xi32, #tpu.memory_space<vmem>> -> memref<1x128xi32, #tpu.memory_space<vmem>>
    %dma_start3A_1546 = tpu.memref_squeeze %dma_start3A_1545 : memref<1x128xi32, #tpu.memory_space<vmem>> -> memref<128xi32, #tpu.memory_space<vmem>>
    %dma_start3A_1547 = arith.constant 0 : i32
    %dma_start3A_1548 = arith.constant 0 : i32
    %dma_start3A_1549 = tpu.memref_slice %arg10[%dma_start3A_1547, %dma_start3A_1548] : memref<10240x64xf32, #tpu.memory_space<vmem_shared>> -> memref<10240x64xf32, #tpu.memory_space<vmem_shared>>
    %dma_start3A_1550 = tpu.memref_slice %arg13[%dma_start3A_1539] : memref<2x!tpu.dma_semaphore, #tpu.memory_space<semaphore_mem>> -> memref<1x!tpu.dma_semaphore, #tpu.memory_space<semaphore_mem>>
    %dma_start3A_1551 = tpu.memref_squeeze %dma_start3A_1550 : memref<1x!tpu.dma_semaphore, #tpu.memory_space<semaphore_mem>> -> memref<!tpu.dma_semaphore, #tpu.memory_space<semaphore_mem>>
    tpu.enqueue_indirect_dma source(%dma_start3A_1549 : memref<10240x64xf32, #tpu.memory_space<vmem_shared>>) target(%dma_start3A_1543 : memref<128x64xf32, #tpu.memory_space<vmem>>) offsets(%dma_start3A_1546 : memref<128xi32, #tpu.memory_space<vmem>>) semaphore(%dma_start3A_1551 : memref<!tpu.dma_semaphore, #tpu.memory_space<semaphore_mem>>)
    %dma_start3A_1552 = arith.constant 79 : i32
    %dma_start3A_1553 = arith.constant 3 : i32
    %dma_start3A_1554 = arith.constant 6 : i32
    %dma_start3A_1555 = arith.constant 0 : i32
    %dma_start3A_1556 = tpu.memref_slice %arg7[%dma_start3A_1554, %dma_start3A_1555] : memref<8x128xi32, #tpu.memory_space<vmem>> -> memref<2x128xi32, #tpu.memory_space<vmem>>
    %dma_start3A_1557 = arith.constant 0 : i32
    %dma_start3A_1558 = arith.constant 0 : i32
    %dma_start3A_1559 = tpu.memref_slice %arg2[%add3A, %dma_start3A_1552, %dma_start3A_1557, %dma_start3A_1558] : memref<32x80x2x128xi32, #tpu.memory_space<hbm>> -> memref<1x1x2x128xi32, #tpu.memory_space<hbm>>
    %dma_start3A_1560 = tpu.memref_squeeze %dma_start3A_1559 : memref<1x1x2x128xi32, #tpu.memory_space<hbm>> -> memref<2x128xi32, #tpu.memory_space<hbm>>
    %dma_start3A_1561 = tpu.memref_slice %arg12[%dma_start3A_1553] : memref<4x!tpu.dma_semaphore, #tpu.memory_space<semaphore_mem>> -> memref<1x!tpu.dma_semaphore, #tpu.memory_space<semaphore_mem>>
    %dma_start3A_1562 = tpu.memref_squeeze %dma_start3A_1561 : memref<1x!tpu.dma_semaphore, #tpu.memory_space<semaphore_mem>> -> memref<!tpu.dma_semaphore, #tpu.memory_space<semaphore_mem>>
    %dma_start3A_1563 = arith.constant 6 : i32
    %dma_start3A_1564 = arith.constant 0 : i32
    %dma_start3A_1565 = tpu.memref_slice %arg7[%dma_start3A_1563, %dma_start3A_1564] : memref<8x128xi32, #tpu.memory_space<vmem>> -> memref<2x128xi32, #tpu.memory_space<vmem>>
    %dma_start3A_1566 = arith.constant 0 : i32
    %dma_start3A_1567 = arith.constant 0 : i32
    %dma_start3A_1568 = tpu.memref_slice %arg2[%add3A, %dma_start3A_1552, %dma_start3A_1566, %dma_start3A_1567] : memref<32x80x2x128xi32, #tpu.memory_space<hbm>> -> memref<1x1x2x128xi32, #tpu.memory_space<hbm>>
    %dma_start3A_1569 = tpu.memref_squeeze %dma_start3A_1568 : memref<1x1x2x128xi32, #tpu.memory_space<hbm>> -> memref<2x128xi32, #tpu.memory_space<hbm>>
    tpu.enqueue_dma source(%dma_start3A_1569 : memref<2x128xi32, #tpu.memory_space<hbm>>) target(%dma_start3A_1565 : memref<2x128xi32, #tpu.memory_space<vmem>>) target_semaphore(%dma_start3A_1562 : memref<!tpu.dma_semaphore, #tpu.memory_space<semaphore_mem>>)
    %dma_wait3A_1570 = arith.constant 0 : i32
    %dma_wait3A_1571 = arith.constant 0 : i32
    %dma_wait3A_1572 = arith.constant 0 : i32
    %dma_wait3A_1573 = arith.constant 0 : i32
    %dma_wait3A_1574 = arith.constant 0 : i32
    %dma_wait3A_1575 = tpu.memref_slice %arg8[%dma_wait3A_1571, %dma_wait3A_1573, %dma_wait3A_1574] : memref<2x128x64xf32, #tpu.memory_space<vmem>> -> memref<1x128x64xf32, #tpu.memory_space<vmem>>
    %dma_wait3A_1576 = tpu.memref_squeeze %dma_wait3A_1575 : memref<1x128x64xf32, #tpu.memory_space<vmem>> -> memref<128x64xf32, #tpu.memory_space<vmem>>
    %dma_wait3A_1577 = arith.constant 0 : i32
    %dma_wait3A_1578 = tpu.memref_slice %arg7[%dma_wait3A_1570, %dma_wait3A_1577] : memref<8x128xi32, #tpu.memory_space<vmem>> -> memref<1x128xi32, #tpu.memory_space<vmem>>
    %dma_wait3A_1579 = tpu.memref_squeeze %dma_wait3A_1578 : memref<1x128xi32, #tpu.memory_space<vmem>> -> memref<128xi32, #tpu.memory_space<vmem>>
    %dma_wait3A_1580 = arith.constant 0 : i32
    %dma_wait3A_1581 = arith.constant 0 : i32
    %dma_wait3A_1582 = tpu.memref_slice %arg10[%dma_wait3A_1580, %dma_wait3A_1581] : memref<10240x64xf32, #tpu.memory_space<vmem_shared>> -> memref<10240x64xf32, #tpu.memory_space<vmem_shared>>
    %dma_wait3A_1583 = tpu.memref_slice %arg13[%dma_wait3A_1572] : memref<2x!tpu.dma_semaphore, #tpu.memory_space<semaphore_mem>> -> memref<1x!tpu.dma_semaphore, #tpu.memory_space<semaphore_mem>>
    %dma_wait3A_1584 = tpu.memref_squeeze %dma_wait3A_1583 : memref<1x!tpu.dma_semaphore, #tpu.memory_space<semaphore_mem>> -> memref<!tpu.dma_semaphore, #tpu.memory_space<semaphore_mem>>
    tpu.wait_indirect_dma semaphore(%dma_wait3A_1584 : memref<!tpu.dma_semaphore, #tpu.memory_space<semaphore_mem>>) src(%dma_wait3A_1582 : memref<10240x64xf32, #tpu.memory_space<vmem_shared>>) dst(%dma_wait3A_1576 : memref<128x64xf32, #tpu.memory_space<vmem>>)
    %dma_start3A_1585 = arith.constant 0 : i32
    %dma_start3A_1586 = arith.constant 1 : i32
    %dma_start3A_1587 = arith.constant 0 : i32
    %dma_start3A_1588 = arith.constant 0 : i32
    %dma_start3A_1589 = arith.constant 0 : i32
    %dma_start3A_1590 = tpu.memref_slice %arg8[%dma_start3A_1585, %dma_start3A_1588, %dma_start3A_1589] : memref<2x128x64xf32, #tpu.memory_space<vmem>> -> memref<1x128x64xf32, #tpu.memory_space<vmem>>
    %dma_start3A_1591 = tpu.memref_squeeze %dma_start3A_1590 : memref<1x128x64xf32, #tpu.memory_space<vmem>> -> memref<128x64xf32, #tpu.memory_space<vmem>>
    %dma_start3A_1592 = arith.constant 0 : i32
    %dma_start3A_1593 = tpu.memref_slice %arg7[%dma_start3A_1586, %dma_start3A_1592] : memref<8x128xi32, #tpu.memory_space<vmem>> -> memref<1x128xi32, #tpu.memory_space<vmem>>
    %dma_start3A_1594 = tpu.memref_squeeze %dma_start3A_1593 : memref<1x128xi32, #tpu.memory_space<vmem>> -> memref<128xi32, #tpu.memory_space<vmem>>
    %dma_start3A_1595 = arith.constant 0 : i32
    %dma_start3A_1596 = arith.constant 0 : i32
    %dma_start3A_1597 = tpu.memref_slice %arg11[%dma_start3A_1595, %dma_start3A_1596] : memref<10240x64xf32, #tpu.memory_space<vmem_shared>> -> memref<10240x64xf32, #tpu.memory_space<vmem_shared>>
    %dma_start3A_1598 = tpu.memref_slice %arg14[%dma_start3A_1587] : memref<2x!tpu.dma_semaphore, #tpu.memory_space<semaphore_mem>> -> memref<1x!tpu.dma_semaphore, #tpu.memory_space<semaphore_mem>>
    %dma_start3A_1599 = tpu.memref_squeeze %dma_start3A_1598 : memref<1x!tpu.dma_semaphore, #tpu.memory_space<semaphore_mem>> -> memref<!tpu.dma_semaphore, #tpu.memory_space<semaphore_mem>>
    tpu.enqueue_indirect_dma source(%dma_start3A_1591 : memref<128x64xf32, #tpu.memory_space<vmem>>) target(%dma_start3A_1597 : memref<10240x64xf32, #tpu.memory_space<vmem_shared>>) offsets(%dma_start3A_1594 : memref<128xi32, #tpu.memory_space<vmem>>) semaphore(%dma_start3A_1599 : memref<!tpu.dma_semaphore, #tpu.memory_space<semaphore_mem>>) {add = true}
    %dma_wait3A_1600 = arith.constant 78 : i32
    %dma_wait3A_1601 = arith.constant 2 : i32
    %dma_wait3A_1602 = arith.constant 4 : i32
    %dma_wait3A_1603 = arith.constant 0 : i32
    %dma_wait3A_1604 = tpu.memref_slice %arg7[%dma_wait3A_1602, %dma_wait3A_1603] : memref<8x128xi32, #tpu.memory_space<vmem>> -> memref<2x128xi32, #tpu.memory_space<vmem>>
    %dma_wait3A_1605 = arith.constant 0 : i32
    %dma_wait3A_1606 = arith.constant 0 : i32
    %dma_wait3A_1607 = tpu.memref_slice %arg2[%add3A, %dma_wait3A_1600, %dma_wait3A_1605, %dma_wait3A_1606] : memref<32x80x2x128xi32, #tpu.memory_space<hbm>> -> memref<1x1x2x128xi32, #tpu.memory_space<hbm>>
    %dma_wait3A_1608 = tpu.memref_squeeze %dma_wait3A_1607 : memref<1x1x2x128xi32, #tpu.memory_space<hbm>> -> memref<2x128xi32, #tpu.memory_space<hbm>>
    %dma_wait3A_1609 = tpu.memref_slice %arg12[%dma_wait3A_1601] : memref<4x!tpu.dma_semaphore, #tpu.memory_space<semaphore_mem>> -> memref<1x!tpu.dma_semaphore, #tpu.memory_space<semaphore_mem>>
    %dma_wait3A_1610 = tpu.memref_squeeze %dma_wait3A_1609 : memref<1x!tpu.dma_semaphore, #tpu.memory_space<semaphore_mem>> -> memref<!tpu.dma_semaphore, #tpu.memory_space<semaphore_mem>>
    %dma_wait3A_1611 = arith.constant 4 : i32
    %dma_wait3A_1612 = arith.constant 0 : i32
    %dma_wait3A_1613 = tpu.memref_slice %arg7[%dma_wait3A_1611, %dma_wait3A_1612] : memref<8x128xi32, #tpu.memory_space<vmem>> -> memref<2x128xi32, #tpu.memory_space<vmem>>
    %dma_wait3A_1614 = arith.constant 0 : i32
    %dma_wait3A_1615 = arith.constant 0 : i32
    %dma_wait3A_1616 = tpu.memref_slice %arg2[%add3A, %dma_wait3A_1600, %dma_wait3A_1614, %dma_wait3A_1615] : memref<32x80x2x128xi32, #tpu.memory_space<hbm>> -> memref<1x1x2x128xi32, #tpu.memory_space<hbm>>
    %dma_wait3A_1617 = tpu.memref_squeeze %dma_wait3A_1616 : memref<1x1x2x128xi32, #tpu.memory_space<hbm>> -> memref<2x128xi32, #tpu.memory_space<hbm>>
    tpu.wait_dma2 semaphore(%dma_wait3A_1610 : memref<!tpu.dma_semaphore, #tpu.memory_space<semaphore_mem>>) src(%dma_wait3A_1617 : memref<2x128xi32, #tpu.memory_space<hbm>>) dst(%dma_wait3A_1613 : memref<2x128xi32, #tpu.memory_space<vmem>>)
    %dma_wait3A_1618 = arith.constant 0 : i32
    %dma_wait3A_1619 = arith.constant 1 : i32
    %dma_wait3A_1620 = arith.constant 0 : i32
    %dma_wait3A_1621 = arith.constant 0 : i32
    %dma_wait3A_1622 = arith.constant 0 : i32
    %dma_wait3A_1623 = tpu.memref_slice %arg8[%dma_wait3A_1618, %dma_wait3A_1621, %dma_wait3A_1622] : memref<2x128x64xf32, #tpu.memory_space<vmem>> -> memref<1x128x64xf32, #tpu.memory_space<vmem>>
    %dma_wait3A_1624 = tpu.memref_squeeze %dma_wait3A_1623 : memref<1x128x64xf32, #tpu.memory_space<vmem>> -> memref<128x64xf32, #tpu.memory_space<vmem>>
    %dma_wait3A_1625 = arith.constant 0 : i32
    %dma_wait3A_1626 = tpu.memref_slice %arg7[%dma_wait3A_1619, %dma_wait3A_1625] : memref<8x128xi32, #tpu.memory_space<vmem>> -> memref<1x128xi32, #tpu.memory_space<vmem>>
    %dma_wait3A_1627 = tpu.memref_squeeze %dma_wait3A_1626 : memref<1x128xi32, #tpu.memory_space<vmem>> -> memref<128xi32, #tpu.memory_space<vmem>>
    %dma_wait3A_1628 = arith.constant 0 : i32
    %dma_wait3A_1629 = arith.constant 0 : i32
    %dma_wait3A_1630 = tpu.memref_slice %arg11[%dma_wait3A_1628, %dma_wait3A_1629] : memref<10240x64xf32, #tpu.memory_space<vmem_shared>> -> memref<10240x64xf32, #tpu.memory_space<vmem_shared>>
    %dma_wait3A_1631 = tpu.memref_slice %arg14[%dma_wait3A_1620] : memref<2x!tpu.dma_semaphore, #tpu.memory_space<semaphore_mem>> -> memref<1x!tpu.dma_semaphore, #tpu.memory_space<semaphore_mem>>
    %dma_wait3A_1632 = tpu.memref_squeeze %dma_wait3A_1631 : memref<1x!tpu.dma_semaphore, #tpu.memory_space<semaphore_mem>> -> memref<!tpu.dma_semaphore, #tpu.memory_space<semaphore_mem>>
    tpu.wait_indirect_dma semaphore(%dma_wait3A_1632 : memref<!tpu.dma_semaphore, #tpu.memory_space<semaphore_mem>>) src(%dma_wait3A_1624 : memref<128x64xf32, #tpu.memory_space<vmem>>) dst(%dma_wait3A_1630 : memref<10240x64xf32, #tpu.memory_space<vmem_shared>>)
    %dma_start3A_1633 = arith.constant 4 : i32
    %dma_start3A_1634 = arith.constant 0 : i32
    %dma_start3A_1635 = arith.constant 0 : i32
    %dma_start3A_1636 = arith.constant 0 : i32
    %dma_start3A_1637 = arith.constant 0 : i32
    %dma_start3A_1638 = tpu.memref_slice %arg8[%dma_start3A_1634, %dma_start3A_1636, %dma_start3A_1637] : memref<2x128x64xf32, #tpu.memory_space<vmem>> -> memref<1x128x64xf32, #tpu.memory_space<vmem>>
    %dma_start3A_1639 = tpu.memref_squeeze %dma_start3A_1638 : memref<1x128x64xf32, #tpu.memory_space<vmem>> -> memref<128x64xf32, #tpu.memory_space<vmem>>
    %dma_start3A_1640 = arith.constant 0 : i32
    %dma_start3A_1641 = tpu.memref_slice %arg7[%dma_start3A_1633, %dma_start3A_1640] : memref<8x128xi32, #tpu.memory_space<vmem>> -> memref<1x128xi32, #tpu.memory_space<vmem>>
    %dma_start3A_1642 = tpu.memref_squeeze %dma_start3A_1641 : memref<1x128xi32, #tpu.memory_space<vmem>> -> memref<128xi32, #tpu.memory_space<vmem>>
    %dma_start3A_1643 = arith.constant 0 : i32
    %dma_start3A_1644 = arith.constant 0 : i32
    %dma_start3A_1645 = tpu.memref_slice %arg10[%dma_start3A_1643, %dma_start3A_1644] : memref<10240x64xf32, #tpu.memory_space<vmem_shared>> -> memref<10240x64xf32, #tpu.memory_space<vmem_shared>>
    %dma_start3A_1646 = tpu.memref_slice %arg13[%dma_start3A_1635] : memref<2x!tpu.dma_semaphore, #tpu.memory_space<semaphore_mem>> -> memref<1x!tpu.dma_semaphore, #tpu.memory_space<semaphore_mem>>
    %dma_start3A_1647 = tpu.memref_squeeze %dma_start3A_1646 : memref<1x!tpu.dma_semaphore, #tpu.memory_space<semaphore_mem>> -> memref<!tpu.dma_semaphore, #tpu.memory_space<semaphore_mem>>
    tpu.enqueue_indirect_dma source(%dma_start3A_1645 : memref<10240x64xf32, #tpu.memory_space<vmem_shared>>) target(%dma_start3A_1639 : memref<128x64xf32, #tpu.memory_space<vmem>>) offsets(%dma_start3A_1642 : memref<128xi32, #tpu.memory_space<vmem>>) semaphore(%dma_start3A_1647 : memref<!tpu.dma_semaphore, #tpu.memory_space<semaphore_mem>>)
    %dma_wait3A_1648 = arith.constant 2 : i32
    %dma_wait3A_1649 = arith.constant 1 : i32
    %dma_wait3A_1650 = arith.constant 1 : i32
    %dma_wait3A_1651 = arith.constant 0 : i32
    %dma_wait3A_1652 = arith.constant 0 : i32
    %dma_wait3A_1653 = tpu.memref_slice %arg8[%dma_wait3A_1649, %dma_wait3A_1651, %dma_wait3A_1652] : memref<2x128x64xf32, #tpu.memory_space<vmem>> -> memref<1x128x64xf32, #tpu.memory_space<vmem>>
    %dma_wait3A_1654 = tpu.memref_squeeze %dma_wait3A_1653 : memref<1x128x64xf32, #tpu.memory_space<vmem>> -> memref<128x64xf32, #tpu.memory_space<vmem>>
    %dma_wait3A_1655 = arith.constant 0 : i32
    %dma_wait3A_1656 = tpu.memref_slice %arg7[%dma_wait3A_1648, %dma_wait3A_1655] : memref<8x128xi32, #tpu.memory_space<vmem>> -> memref<1x128xi32, #tpu.memory_space<vmem>>
    %dma_wait3A_1657 = tpu.memref_squeeze %dma_wait3A_1656 : memref<1x128xi32, #tpu.memory_space<vmem>> -> memref<128xi32, #tpu.memory_space<vmem>>
    %dma_wait3A_1658 = arith.constant 0 : i32
    %dma_wait3A_1659 = arith.constant 0 : i32
    %dma_wait3A_1660 = tpu.memref_slice %arg10[%dma_wait3A_1658, %dma_wait3A_1659] : memref<10240x64xf32, #tpu.memory_space<vmem_shared>> -> memref<10240x64xf32, #tpu.memory_space<vmem_shared>>
    %dma_wait3A_1661 = tpu.memref_slice %arg13[%dma_wait3A_1650] : memref<2x!tpu.dma_semaphore, #tpu.memory_space<semaphore_mem>> -> memref<1x!tpu.dma_semaphore, #tpu.memory_space<semaphore_mem>>
    %dma_wait3A_1662 = tpu.memref_squeeze %dma_wait3A_1661 : memref<1x!tpu.dma_semaphore, #tpu.memory_space<semaphore_mem>> -> memref<!tpu.dma_semaphore, #tpu.memory_space<semaphore_mem>>
    tpu.wait_indirect_dma semaphore(%dma_wait3A_1662 : memref<!tpu.dma_semaphore, #tpu.memory_space<semaphore_mem>>) src(%dma_wait3A_1660 : memref<10240x64xf32, #tpu.memory_space<vmem_shared>>) dst(%dma_wait3A_1654 : memref<128x64xf32, #tpu.memory_space<vmem>>)
    %dma_start3A_1663 = arith.constant 1 : i32
    %dma_start3A_1664 = arith.constant 3 : i32
    %dma_start3A_1665 = arith.constant 1 : i32
    %dma_start3A_1666 = arith.constant 0 : i32
    %dma_start3A_1667 = arith.constant 0 : i32
    %dma_start3A_1668 = tpu.memref_slice %arg8[%dma_start3A_1663, %dma_start3A_1666, %dma_start3A_1667] : memref<2x128x64xf32, #tpu.memory_space<vmem>> -> memref<1x128x64xf32, #tpu.memory_space<vmem>>
    %dma_start3A_1669 = tpu.memref_squeeze %dma_start3A_1668 : memref<1x128x64xf32, #tpu.memory_space<vmem>> -> memref<128x64xf32, #tpu.memory_space<vmem>>
    %dma_start3A_1670 = arith.constant 0 : i32
    %dma_start3A_1671 = tpu.memref_slice %arg7[%dma_start3A_1664, %dma_start3A_1670] : memref<8x128xi32, #tpu.memory_space<vmem>> -> memref<1x128xi32, #tpu.memory_space<vmem>>
    %dma_start3A_1672 = tpu.memref_squeeze %dma_start3A_1671 : memref<1x128xi32, #tpu.memory_space<vmem>> -> memref<128xi32, #tpu.memory_space<vmem>>
    %dma_start3A_1673 = arith.constant 0 : i32
    %dma_start3A_1674 = arith.constant 0 : i32
    %dma_start3A_1675 = tpu.memref_slice %arg11[%dma_start3A_1673, %dma_start3A_1674] : memref<10240x64xf32, #tpu.memory_space<vmem_shared>> -> memref<10240x64xf32, #tpu.memory_space<vmem_shared>>
    %dma_start3A_1676 = tpu.memref_slice %arg14[%dma_start3A_1665] : memref<2x!tpu.dma_semaphore, #tpu.memory_space<semaphore_mem>> -> memref<1x!tpu.dma_semaphore, #tpu.memory_space<semaphore_mem>>
    %dma_start3A_1677 = tpu.memref_squeeze %dma_start3A_1676 : memref<1x!tpu.dma_semaphore, #tpu.memory_space<semaphore_mem>> -> memref<!tpu.dma_semaphore, #tpu.memory_space<semaphore_mem>>
    tpu.enqueue_indirect_dma source(%dma_start3A_1669 : memref<128x64xf32, #tpu.memory_space<vmem>>) target(%dma_start3A_1675 : memref<10240x64xf32, #tpu.memory_space<vmem_shared>>) offsets(%dma_start3A_1672 : memref<128xi32, #tpu.memory_space<vmem>>) semaphore(%dma_start3A_1677 : memref<!tpu.dma_semaphore, #tpu.memory_space<semaphore_mem>>) {add = true}
    %dma_wait3A_1678 = arith.constant 79 : i32
    %dma_wait3A_1679 = arith.constant 3 : i32
    %dma_wait3A_1680 = arith.constant 6 : i32
    %dma_wait3A_1681 = arith.constant 0 : i32
    %dma_wait3A_1682 = tpu.memref_slice %arg7[%dma_wait3A_1680, %dma_wait3A_1681] : memref<8x128xi32, #tpu.memory_space<vmem>> -> memref<2x128xi32, #tpu.memory_space<vmem>>
    %dma_wait3A_1683 = arith.constant 0 : i32
    %dma_wait3A_1684 = arith.constant 0 : i32
    %dma_wait3A_1685 = tpu.memref_slice %arg2[%add3A, %dma_wait3A_1678, %dma_wait3A_1683, %dma_wait3A_1684] : memref<32x80x2x128xi32, #tpu.memory_space<hbm>> -> memref<1x1x2x128xi32, #tpu.memory_space<hbm>>
    %dma_wait3A_1686 = tpu.memref_squeeze %dma_wait3A_1685 : memref<1x1x2x128xi32, #tpu.memory_space<hbm>> -> memref<2x128xi32, #tpu.memory_space<hbm>>
    %dma_wait3A_1687 = tpu.memref_slice %arg12[%dma_wait3A_1679] : memref<4x!tpu.dma_semaphore, #tpu.memory_space<semaphore_mem>> -> memref<1x!tpu.dma_semaphore, #tpu.memory_space<semaphore_mem>>
    %dma_wait3A_1688 = tpu.memref_squeeze %dma_wait3A_1687 : memref<1x!tpu.dma_semaphore, #tpu.memory_space<semaphore_mem>> -> memref<!tpu.dma_semaphore, #tpu.memory_space<semaphore_mem>>
    %dma_wait3A_1689 = arith.constant 6 : i32
    %dma_wait3A_1690 = arith.constant 0 : i32
    %dma_wait3A_1691 = tpu.memref_slice %arg7[%dma_wait3A_1689, %dma_wait3A_1690] : memref<8x128xi32, #tpu.memory_space<vmem>> -> memref<2x128xi32, #tpu.memory_space<vmem>>
    %dma_wait3A_1692 = arith.constant 0 : i32
    %dma_wait3A_1693 = arith.constant 0 : i32
    %dma_wait3A_1694 = tpu.memref_slice %arg2[%add3A, %dma_wait3A_1678, %dma_wait3A_1692, %dma_wait3A_1693] : memref<32x80x2x128xi32, #tpu.memory_space<hbm>> -> memref<1x1x2x128xi32, #tpu.memory_space<hbm>>
    %dma_wait3A_1695 = tpu.memref_squeeze %dma_wait3A_1694 : memref<1x1x2x128xi32, #tpu.memory_space<hbm>> -> memref<2x128xi32, #tpu.memory_space<hbm>>
    tpu.wait_dma2 semaphore(%dma_wait3A_1688 : memref<!tpu.dma_semaphore, #tpu.memory_space<semaphore_mem>>) src(%dma_wait3A_1695 : memref<2x128xi32, #tpu.memory_space<hbm>>) dst(%dma_wait3A_1691 : memref<2x128xi32, #tpu.memory_space<vmem>>)
    %dma_wait3A_1696 = arith.constant 1 : i32
    %dma_wait3A_1697 = arith.constant 3 : i32
    %dma_wait3A_1698 = arith.constant 1 : i32
    %dma_wait3A_1699 = arith.constant 0 : i32
    %dma_wait3A_1700 = arith.constant 0 : i32
    %dma_wait3A_1701 = tpu.memref_slice %arg8[%dma_wait3A_1696, %dma_wait3A_1699, %dma_wait3A_1700] : memref<2x128x64xf32, #tpu.memory_space<vmem>> -> memref<1x128x64xf32, #tpu.memory_space<vmem>>
    %dma_wait3A_1702 = tpu.memref_squeeze %dma_wait3A_1701 : memref<1x128x64xf32, #tpu.memory_space<vmem>> -> memref<128x64xf32, #tpu.memory_space<vmem>>
    %dma_wait3A_1703 = arith.constant 0 : i32
    %dma_wait3A_1704 = tpu.memref_slice %arg7[%dma_wait3A_1697, %dma_wait3A_1703] : memref<8x128xi32, #tpu.memory_space<vmem>> -> memref<1x128xi32, #tpu.memory_space<vmem>>
    %dma_wait3A_1705 = tpu.memref_squeeze %dma_wait3A_1704 : memref<1x128xi32, #tpu.memory_space<vmem>> -> memref<128xi32, #tpu.memory_space<vmem>>
    %dma_wait3A_1706 = arith.constant 0 : i32
    %dma_wait3A_1707 = arith.constant 0 : i32
    %dma_wait3A_1708 = tpu.memref_slice %arg11[%dma_wait3A_1706, %dma_wait3A_1707] : memref<10240x64xf32, #tpu.memory_space<vmem_shared>> -> memref<10240x64xf32, #tpu.memory_space<vmem_shared>>
    %dma_wait3A_1709 = tpu.memref_slice %arg14[%dma_wait3A_1698] : memref<2x!tpu.dma_semaphore, #tpu.memory_space<semaphore_mem>> -> memref<1x!tpu.dma_semaphore, #tpu.memory_space<semaphore_mem>>
    %dma_wait3A_1710 = tpu.memref_squeeze %dma_wait3A_1709 : memref<1x!tpu.dma_semaphore, #tpu.memory_space<semaphore_mem>> -> memref<!tpu.dma_semaphore, #tpu.memory_space<semaphore_mem>>
    tpu.wait_indirect_dma semaphore(%dma_wait3A_1710 : memref<!tpu.dma_semaphore, #tpu.memory_space<semaphore_mem>>) src(%dma_wait3A_1702 : memref<128x64xf32, #tpu.memory_space<vmem>>) dst(%dma_wait3A_1708 : memref<10240x64xf32, #tpu.memory_space<vmem_shared>>)
    %dma_start3A_1711 = arith.constant 6 : i32
    %dma_start3A_1712 = arith.constant 1 : i32
    %dma_start3A_1713 = arith.constant 1 : i32
    %dma_start3A_1714 = arith.constant 0 : i32
    %dma_start3A_1715 = arith.constant 0 : i32
    %dma_start3A_1716 = tpu.memref_slice %arg8[%dma_start3A_1712, %dma_start3A_1714, %dma_start3A_1715] : memref<2x128x64xf32, #tpu.memory_space<vmem>> -> memref<1x128x64xf32, #tpu.memory_space<vmem>>
    %dma_start3A_1717 = tpu.memref_squeeze %dma_start3A_1716 : memref<1x128x64xf32, #tpu.memory_space<vmem>> -> memref<128x64xf32, #tpu.memory_space<vmem>>
    %dma_start3A_1718 = arith.constant 0 : i32
    %dma_start3A_1719 = tpu.memref_slice %arg7[%dma_start3A_1711, %dma_start3A_1718] : memref<8x128xi32, #tpu.memory_space<vmem>> -> memref<1x128xi32, #tpu.memory_space<vmem>>
    %dma_start3A_1720 = tpu.memref_squeeze %dma_start3A_1719 : memref<1x128xi32, #tpu.memory_space<vmem>> -> memref<128xi32, #tpu.memory_space<vmem>>
    %dma_start3A_1721 = arith.constant 0 : i32
    %dma_start3A_1722 = arith.constant 0 : i32
    %dma_start3A_1723 = tpu.memref_slice %arg10[%dma_start3A_1721, %dma_start3A_1722] : memref<10240x64xf32, #tpu.memory_space<vmem_shared>> -> memref<10240x64xf32, #tpu.memory_space<vmem_shared>>
    %dma_start3A_1724 = tpu.memref_slice %arg13[%dma_start3A_1713] : memref<2x!tpu.dma_semaphore, #tpu.memory_space<semaphore_mem>> -> memref<1x!tpu.dma_semaphore, #tpu.memory_space<semaphore_mem>>
    %dma_start3A_1725 = tpu.memref_squeeze %dma_start3A_1724 : memref<1x!tpu.dma_semaphore, #tpu.memory_space<semaphore_mem>> -> memref<!tpu.dma_semaphore, #tpu.memory_space<semaphore_mem>>
    tpu.enqueue_indirect_dma source(%dma_start3A_1723 : memref<10240x64xf32, #tpu.memory_space<vmem_shared>>) target(%dma_start3A_1717 : memref<128x64xf32, #tpu.memory_space<vmem>>) offsets(%dma_start3A_1720 : memref<128xi32, #tpu.memory_space<vmem>>) semaphore(%dma_start3A_1725 : memref<!tpu.dma_semaphore, #tpu.memory_space<semaphore_mem>>)
    %dma_wait3A_1726 = arith.constant 4 : i32
    %dma_wait3A_1727 = arith.constant 0 : i32
    %dma_wait3A_1728 = arith.constant 0 : i32
    %dma_wait3A_1729 = arith.constant 0 : i32
    %dma_wait3A_1730 = arith.constant 0 : i32
    %dma_wait3A_1731 = tpu.memref_slice %arg8[%dma_wait3A_1727, %dma_wait3A_1729, %dma_wait3A_1730] : memref<2x128x64xf32, #tpu.memory_space<vmem>> -> memref<1x128x64xf32, #tpu.memory_space<vmem>>
    %dma_wait3A_1732 = tpu.memref_squeeze %dma_wait3A_1731 : memref<1x128x64xf32, #tpu.memory_space<vmem>> -> memref<128x64xf32, #tpu.memory_space<vmem>>
    %dma_wait3A_1733 = arith.constant 0 : i32
    %dma_wait3A_1734 = tpu.memref_slice %arg7[%dma_wait3A_1726, %dma_wait3A_1733] : memref<8x128xi32, #tpu.memory_space<vmem>> -> memref<1x128xi32, #tpu.memory_space<vmem>>
    %dma_wait3A_1735 = tpu.memref_squeeze %dma_wait3A_1734 : memref<1x128xi32, #tpu.memory_space<vmem>> -> memref<128xi32, #tpu.memory_space<vmem>>
    %dma_wait3A_1736 = arith.constant 0 : i32
    %dma_wait3A_1737 = arith.constant 0 : i32
    %dma_wait3A_1738 = tpu.memref_slice %arg10[%dma_wait3A_1736, %dma_wait3A_1737] : memref<10240x64xf32, #tpu.memory_space<vmem_shared>> -> memref<10240x64xf32, #tpu.memory_space<vmem_shared>>
    %dma_wait3A_1739 = tpu.memref_slice %arg13[%dma_wait3A_1728] : memref<2x!tpu.dma_semaphore, #tpu.memory_space<semaphore_mem>> -> memref<1x!tpu.dma_semaphore, #tpu.memory_space<semaphore_mem>>
    %dma_wait3A_1740 = tpu.memref_squeeze %dma_wait3A_1739 : memref<1x!tpu.dma_semaphore, #tpu.memory_space<semaphore_mem>> -> memref<!tpu.dma_semaphore, #tpu.memory_space<semaphore_mem>>
    tpu.wait_indirect_dma semaphore(%dma_wait3A_1740 : memref<!tpu.dma_semaphore, #tpu.memory_space<semaphore_mem>>) src(%dma_wait3A_1738 : memref<10240x64xf32, #tpu.memory_space<vmem_shared>>) dst(%dma_wait3A_1732 : memref<128x64xf32, #tpu.memory_space<vmem>>)
    %dma_start3A_1741 = arith.constant 0 : i32
    %dma_start3A_1742 = arith.constant 5 : i32
    %dma_start3A_1743 = arith.constant 0 : i32
    %dma_start3A_1744 = arith.constant 0 : i32
    %dma_start3A_1745 = arith.constant 0 : i32
    %dma_start3A_1746 = tpu.memref_slice %arg8[%dma_start3A_1741, %dma_start3A_1744, %dma_start3A_1745] : memref<2x128x64xf32, #tpu.memory_space<vmem>> -> memref<1x128x64xf32, #tpu.memory_space<vmem>>
    %dma_start3A_1747 = tpu.memref_squeeze %dma_start3A_1746 : memref<1x128x64xf32, #tpu.memory_space<vmem>> -> memref<128x64xf32, #tpu.memory_space<vmem>>
    %dma_start3A_1748 = arith.constant 0 : i32
    %dma_start3A_1749 = tpu.memref_slice %arg7[%dma_start3A_1742, %dma_start3A_1748] : memref<8x128xi32, #tpu.memory_space<vmem>> -> memref<1x128xi32, #tpu.memory_space<vmem>>
    %dma_start3A_1750 = tpu.memref_squeeze %dma_start3A_1749 : memref<1x128xi32, #tpu.memory_space<vmem>> -> memref<128xi32, #tpu.memory_space<vmem>>
    %dma_start3A_1751 = arith.constant 0 : i32
    %dma_start3A_1752 = arith.constant 0 : i32
    %dma_start3A_1753 = tpu.memref_slice %arg11[%dma_start3A_1751, %dma_start3A_1752] : memref<10240x64xf32, #tpu.memory_space<vmem_shared>> -> memref<10240x64xf32, #tpu.memory_space<vmem_shared>>
    %dma_start3A_1754 = tpu.memref_slice %arg14[%dma_start3A_1743] : memref<2x!tpu.dma_semaphore, #tpu.memory_space<semaphore_mem>> -> memref<1x!tpu.dma_semaphore, #tpu.memory_space<semaphore_mem>>
    %dma_start3A_1755 = tpu.memref_squeeze %dma_start3A_1754 : memref<1x!tpu.dma_semaphore, #tpu.memory_space<semaphore_mem>> -> memref<!tpu.dma_semaphore, #tpu.memory_space<semaphore_mem>>
    tpu.enqueue_indirect_dma source(%dma_start3A_1747 : memref<128x64xf32, #tpu.memory_space<vmem>>) target(%dma_start3A_1753 : memref<10240x64xf32, #tpu.memory_space<vmem_shared>>) offsets(%dma_start3A_1750 : memref<128xi32, #tpu.memory_space<vmem>>) semaphore(%dma_start3A_1755 : memref<!tpu.dma_semaphore, #tpu.memory_space<semaphore_mem>>) {add = true}
    %dma_wait3A_1756 = arith.constant 0 : i32
    %dma_wait3A_1757 = arith.constant 5 : i32
    %dma_wait3A_1758 = arith.constant 0 : i32
    %dma_wait3A_1759 = arith.constant 0 : i32
    %dma_wait3A_1760 = arith.constant 0 : i32
    %dma_wait3A_1761 = tpu.memref_slice %arg8[%dma_wait3A_1756, %dma_wait3A_1759, %dma_wait3A_1760] : memref<2x128x64xf32, #tpu.memory_space<vmem>> -> memref<1x128x64xf32, #tpu.memory_space<vmem>>
    %dma_wait3A_1762 = tpu.memref_squeeze %dma_wait3A_1761 : memref<1x128x64xf32, #tpu.memory_space<vmem>> -> memref<128x64xf32, #tpu.memory_space<vmem>>
    %dma_wait3A_1763 = arith.constant 0 : i32
    %dma_wait3A_1764 = tpu.memref_slice %arg7[%dma_wait3A_1757, %dma_wait3A_1763] : memref<8x128xi32, #tpu.memory_space<vmem>> -> memref<1x128xi32, #tpu.memory_space<vmem>>
    %dma_wait3A_1765 = tpu.memref_squeeze %dma_wait3A_1764 : memref<1x128xi32, #tpu.memory_space<vmem>> -> memref<128xi32, #tpu.memory_space<vmem>>
    %dma_wait3A_1766 = arith.constant 0 : i32
    %dma_wait3A_1767 = arith.constant 0 : i32
    %dma_wait3A_1768 = tpu.memref_slice %arg11[%dma_wait3A_1766, %dma_wait3A_1767] : memref<10240x64xf32, #tpu.memory_space<vmem_shared>> -> memref<10240x64xf32, #tpu.memory_space<vmem_shared>>
    %dma_wait3A_1769 = tpu.memref_slice %arg14[%dma_wait3A_1758] : memref<2x!tpu.dma_semaphore, #tpu.memory_space<semaphore_mem>> -> memref<1x!tpu.dma_semaphore, #tpu.memory_space<semaphore_mem>>
    %dma_wait3A_1770 = tpu.memref_squeeze %dma_wait3A_1769 : memref<1x!tpu.dma_semaphore, #tpu.memory_space<semaphore_mem>> -> memref<!tpu.dma_semaphore, #tpu.memory_space<semaphore_mem>>
    tpu.wait_indirect_dma semaphore(%dma_wait3A_1770 : memref<!tpu.dma_semaphore, #tpu.memory_space<semaphore_mem>>) src(%dma_wait3A_1762 : memref<128x64xf32, #tpu.memory_space<vmem>>) dst(%dma_wait3A_1768 : memref<10240x64xf32, #tpu.memory_space<vmem_shared>>)
    %dma_wait3A_1771 = arith.constant 6 : i32
    %dma_wait3A_1772 = arith.constant 1 : i32
    %dma_wait3A_1773 = arith.constant 1 : i32
    %dma_wait3A_1774 = arith.constant 0 : i32
    %dma_wait3A_1775 = arith.constant 0 : i32
    %dma_wait3A_1776 = tpu.memref_slice %arg8[%dma_wait3A_1772, %dma_wait3A_1774, %dma_wait3A_1775] : memref<2x128x64xf32, #tpu.memory_space<vmem>> -> memref<1x128x64xf32, #tpu.memory_space<vmem>>
    %dma_wait3A_1777 = tpu.memref_squeeze %dma_wait3A_1776 : memref<1x128x64xf32, #tpu.memory_space<vmem>> -> memref<128x64xf32, #tpu.memory_space<vmem>>
    %dma_wait3A_1778 = arith.constant 0 : i32
    %dma_wait3A_1779 = tpu.memref_slice %arg7[%dma_wait3A_1771, %dma_wait3A_1778] : memref<8x128xi32, #tpu.memory_space<vmem>> -> memref<1x128xi32, #tpu.memory_space<vmem>>
    %dma_wait3A_1780 = tpu.memref_squeeze %dma_wait3A_1779 : memref<1x128xi32, #tpu.memory_space<vmem>> -> memref<128xi32, #tpu.memory_space<vmem>>
    %dma_wait3A_1781 = arith.constant 0 : i32
    %dma_wait3A_1782 = arith.constant 0 : i32
    %dma_wait3A_1783 = tpu.memref_slice %arg10[%dma_wait3A_1781, %dma_wait3A_1782] : memref<10240x64xf32, #tpu.memory_space<vmem_shared>> -> memref<10240x64xf32, #tpu.memory_space<vmem_shared>>
    %dma_wait3A_1784 = tpu.memref_slice %arg13[%dma_wait3A_1773] : memref<2x!tpu.dma_semaphore, #tpu.memory_space<semaphore_mem>> -> memref<1x!tpu.dma_semaphore, #tpu.memory_space<semaphore_mem>>
    %dma_wait3A_1785 = tpu.memref_squeeze %dma_wait3A_1784 : memref<1x!tpu.dma_semaphore, #tpu.memory_space<semaphore_mem>> -> memref<!tpu.dma_semaphore, #tpu.memory_space<semaphore_mem>>
    tpu.wait_indirect_dma semaphore(%dma_wait3A_1785 : memref<!tpu.dma_semaphore, #tpu.memory_space<semaphore_mem>>) src(%dma_wait3A_1783 : memref<10240x64xf32, #tpu.memory_space<vmem_shared>>) dst(%dma_wait3A_1777 : memref<128x64xf32, #tpu.memory_space<vmem>>)
    %dma_start3A_1786 = arith.constant 1 : i32
    %dma_start3A_1787 = arith.constant 7 : i32
    %dma_start3A_1788 = arith.constant 1 : i32
    %dma_start3A_1789 = arith.constant 0 : i32
    %dma_start3A_1790 = arith.constant 0 : i32
    %dma_start3A_1791 = tpu.memref_slice %arg8[%dma_start3A_1786, %dma_start3A_1789, %dma_start3A_1790] : memref<2x128x64xf32, #tpu.memory_space<vmem>> -> memref<1x128x64xf32, #tpu.memory_space<vmem>>
    %dma_start3A_1792 = tpu.memref_squeeze %dma_start3A_1791 : memref<1x128x64xf32, #tpu.memory_space<vmem>> -> memref<128x64xf32, #tpu.memory_space<vmem>>
    %dma_start3A_1793 = arith.constant 0 : i32
    %dma_start3A_1794 = tpu.memref_slice %arg7[%dma_start3A_1787, %dma_start3A_1793] : memref<8x128xi32, #tpu.memory_space<vmem>> -> memref<1x128xi32, #tpu.memory_space<vmem>>
    %dma_start3A_1795 = tpu.memref_squeeze %dma_start3A_1794 : memref<1x128xi32, #tpu.memory_space<vmem>> -> memref<128xi32, #tpu.memory_space<vmem>>
    %dma_start3A_1796 = arith.constant 0 : i32
    %dma_start3A_1797 = arith.constant 0 : i32
    %dma_start3A_1798 = tpu.memref_slice %arg11[%dma_start3A_1796, %dma_start3A_1797] : memref<10240x64xf32, #tpu.memory_space<vmem_shared>> -> memref<10240x64xf32, #tpu.memory_space<vmem_shared>>
    %dma_start3A_1799 = tpu.memref_slice %arg14[%dma_start3A_1788] : memref<2x!tpu.dma_semaphore, #tpu.memory_space<semaphore_mem>> -> memref<1x!tpu.dma_semaphore, #tpu.memory_space<semaphore_mem>>
    %dma_start3A_1800 = tpu.memref_squeeze %dma_start3A_1799 : memref<1x!tpu.dma_semaphore, #tpu.memory_space<semaphore_mem>> -> memref<!tpu.dma_semaphore, #tpu.memory_space<semaphore_mem>>
    tpu.enqueue_indirect_dma source(%dma_start3A_1792 : memref<128x64xf32, #tpu.memory_space<vmem>>) target(%dma_start3A_1798 : memref<10240x64xf32, #tpu.memory_space<vmem_shared>>) offsets(%dma_start3A_1795 : memref<128xi32, #tpu.memory_space<vmem>>) semaphore(%dma_start3A_1800 : memref<!tpu.dma_semaphore, #tpu.memory_space<semaphore_mem>>) {add = true}
    %dma_wait3A_1801 = arith.constant 1 : i32
    %dma_wait3A_1802 = arith.constant 7 : i32
    %dma_wait3A_1803 = arith.constant 1 : i32
    %dma_wait3A_1804 = arith.constant 0 : i32
    %dma_wait3A_1805 = arith.constant 0 : i32
    %dma_wait3A_1806 = tpu.memref_slice %arg8[%dma_wait3A_1801, %dma_wait3A_1804, %dma_wait3A_1805] : memref<2x128x64xf32, #tpu.memory_space<vmem>> -> memref<1x128x64xf32, #tpu.memory_space<vmem>>
    %dma_wait3A_1807 = tpu.memref_squeeze %dma_wait3A_1806 : memref<1x128x64xf32, #tpu.memory_space<vmem>> -> memref<128x64xf32, #tpu.memory_space<vmem>>
    %dma_wait3A_1808 = arith.constant 0 : i32
    %dma_wait3A_1809 = tpu.memref_slice %arg7[%dma_wait3A_1802, %dma_wait3A_1808] : memref<8x128xi32, #tpu.memory_space<vmem>> -> memref<1x128xi32, #tpu.memory_space<vmem>>
    %dma_wait3A_1810 = tpu.memref_squeeze %dma_wait3A_1809 : memref<1x128xi32, #tpu.memory_space<vmem>> -> memref<128xi32, #tpu.memory_space<vmem>>
    %dma_wait3A_1811 = arith.constant 0 : i32
    %dma_wait3A_1812 = arith.constant 0 : i32
    %dma_wait3A_1813 = tpu.memref_slice %arg11[%dma_wait3A_1811, %dma_wait3A_1812] : memref<10240x64xf32, #tpu.memory_space<vmem_shared>> -> memref<10240x64xf32, #tpu.memory_space<vmem_shared>>
    %dma_wait3A_1814 = tpu.memref_slice %arg14[%dma_wait3A_1803] : memref<2x!tpu.dma_semaphore, #tpu.memory_space<semaphore_mem>> -> memref<1x!tpu.dma_semaphore, #tpu.memory_space<semaphore_mem>>
    %dma_wait3A_1815 = tpu.memref_squeeze %dma_wait3A_1814 : memref<1x!tpu.dma_semaphore, #tpu.memory_space<semaphore_mem>> -> memref<!tpu.dma_semaphore, #tpu.memory_space<semaphore_mem>>
    tpu.wait_indirect_dma semaphore(%dma_wait3A_1815 : memref<!tpu.dma_semaphore, #tpu.memory_space<semaphore_mem>>) src(%dma_wait3A_1807 : memref<128x64xf32, #tpu.memory_space<vmem>>) dst(%dma_wait3A_1813 : memref<10240x64xf32, #tpu.memory_space<vmem_shared>>)
    %barrier3A_1816 = arith.constant 0 : index
    tpu.barrier barrier_id(%barrier3A_1816)
    %run_scoped3A_1817 = arith.constant 1 : i32
    "tpu.region"() ({
      %run_scoped3A_1818 = tpu.sem_alloc : memref<!tpu.dma_semaphore, #tpu.memory_space<semaphore_mem>>
      %dma_start3A_1819 = arith.constant 0 : i32
      %dma_start3A_1820 = tpu.memref_slice %arg5[%run_scoped3A_1817, %arg0, %mul3A_5, %dma_start3A_1819] : memref<2x2x10240x64xf32, #tpu.memory_space<hbm>> -> memref<1x1x640x64xf32, #tpu.memory_space<hbm>>
      %dma_start3A_1821 = tpu.memref_squeeze %dma_start3A_1820 : memref<1x1x640x64xf32, #tpu.memory_space<hbm>> -> memref<640x64xf32, #tpu.memory_space<hbm>>
      %dma_start3A_1822 = arith.constant 0 : i32
      %dma_start3A_1823 = tpu.memref_slice %arg11[%mul3A_5, %dma_start3A_1822] : memref<10240x64xf32, #tpu.memory_space<vmem_shared>> -> memref<640x64xf32, #tpu.memory_space<vmem_shared>>
      tpu.enqueue_dma source(%dma_start3A_1823 : memref<640x64xf32, #tpu.memory_space<vmem_shared>>) target(%dma_start3A_1821 : memref<640x64xf32, #tpu.memory_space<hbm>>) target_semaphore(%run_scoped3A_1818 : memref<!tpu.dma_semaphore, #tpu.memory_space<semaphore_mem>>)
      %dma_wait3A_1824 = arith.constant 0 : i32
      %dma_wait3A_1825 = tpu.memref_slice %arg5[%run_scoped3A_1817, %arg0, %mul3A_5, %dma_wait3A_1824] : memref<2x2x10240x64xf32, #tpu.memory_space<hbm>> -> memref<1x1x640x64xf32, #tpu.memory_space<hbm>>
      %dma_wait3A_1826 = tpu.memref_squeeze %dma_wait3A_1825 : memref<1x1x640x64xf32, #tpu.memory_space<hbm>> -> memref<640x64xf32, #tpu.memory_space<hbm>>
      %dma_wait3A_1827 = arith.constant 0 : i32
      %dma_wait3A_1828 = tpu.memref_slice %arg11[%mul3A_5, %dma_wait3A_1827] : memref<10240x64xf32, #tpu.memory_space<vmem_shared>> -> memref<640x64xf32, #tpu.memory_space<vmem_shared>>
      tpu.wait_dma2 semaphore(%run_scoped3A_1818 : memref<!tpu.dma_semaphore, #tpu.memory_space<semaphore_mem>>) src(%dma_wait3A_1828 : memref<640x64xf32, #tpu.memory_space<vmem_shared>>) dst(%dma_wait3A_1826 : memref<640x64xf32, #tpu.memory_space<hbm>>)
      tpu.yield
    }) : () -> ()
    "tpu.region"() ({
      %run_scoped3A_1818 = tpu.sem_alloc : memref<!tpu.dma_semaphore, #tpu.memory_space<semaphore_mem>>
      %dma_start3A_1819 = arith.constant 0 : i32
      %dma_start3A_1820 = tpu.memref_slice %arg6[%add3A, %dma_start3A_1819] : memref<32x10240xf32, #tpu.memory_space<hbm>> -> memref<1x10240xf32, #tpu.memory_space<hbm>>
      %dma_start3A_1821 = tpu.memref_squeeze %dma_start3A_1820 : memref<1x10240xf32, #tpu.memory_space<hbm>> -> memref<10240xf32, #tpu.memory_space<hbm>>
      %dma_start3A_1822 = arith.constant 0 : i32
      %dma_start3A_1823 = tpu.memref_slice %arg6[%add3A, %dma_start3A_1822] : memref<32x10240xf32, #tpu.memory_space<hbm>> -> memref<1x10240xf32, #tpu.memory_space<hbm>>
      %dma_start3A_1824 = tpu.memref_squeeze %dma_start3A_1823 : memref<1x10240xf32, #tpu.memory_space<hbm>> -> memref<10240xf32, #tpu.memory_space<hbm>>
      tpu.enqueue_dma source(%arg9 : memref<10240xf32, #tpu.memory_space<vmem>>) target(%dma_start3A_1824 : memref<10240xf32, #tpu.memory_space<hbm>>) target_semaphore(%run_scoped3A_1818 : memref<!tpu.dma_semaphore, #tpu.memory_space<semaphore_mem>>)
      %dma_wait3A_1825 = arith.constant 0 : i32
      %dma_wait3A_1826 = tpu.memref_slice %arg6[%add3A, %dma_wait3A_1825] : memref<32x10240xf32, #tpu.memory_space<hbm>> -> memref<1x10240xf32, #tpu.memory_space<hbm>>
      %dma_wait3A_1827 = tpu.memref_squeeze %dma_wait3A_1826 : memref<1x10240xf32, #tpu.memory_space<hbm>> -> memref<10240xf32, #tpu.memory_space<hbm>>
      %dma_wait3A_1828 = arith.constant 0 : i32
      %dma_wait3A_1829 = tpu.memref_slice %arg6[%add3A, %dma_wait3A_1828] : memref<32x10240xf32, #tpu.memory_space<hbm>> -> memref<1x10240xf32, #tpu.memory_space<hbm>>
      %dma_wait3A_1830 = tpu.memref_squeeze %dma_wait3A_1829 : memref<1x10240xf32, #tpu.memory_space<hbm>> -> memref<10240xf32, #tpu.memory_space<hbm>>
      tpu.wait_dma2 semaphore(%run_scoped3A_1818 : memref<!tpu.dma_semaphore, #tpu.memory_space<semaphore_mem>>) src(%arg9 : memref<10240xf32, #tpu.memory_space<vmem>>) dst(%dma_wait3A_1830 : memref<10240xf32, #tpu.memory_space<hbm>>)
      tpu.yield
    }) : () -> ()
    return
  }
}

module attributes {stable_mosaic.version = 14 : i64} {
  func.func @_tc_body(%arg0: i32, %arg1: memref<2000x128xf32, #tpu.memory_space<vmem>>, %arg2: memref<1x2000x64xf32, #tpu.memory_space<vmem>>, %arg3: memref<1x2000x64xf32, #tpu.memory_space<vmem>>, %arg4: memref<1x2000x64xf32, #tpu.memory_space<vmem>>, %arg5: memref<1x2000x64xf32, #tpu.memory_space<vmem>>, %arg6: memref<2000x32xf32, #tpu.memory_space<vmem>>, %arg7: memref<64x128xf32, #tpu.memory_space<vmem>>, %arg8: memref<64x128xf32, #tpu.memory_space<vmem>>, %arg9: memref<128x128xf32, #tpu.memory_space<vmem>>, %arg10: memref<128x128xf32, #tpu.memory_space<vmem>>, %arg11: memref<128x64xf32, #tpu.memory_space<vmem>>, %arg12: memref<1x128xf32, #tpu.memory_space<vmem>>, %arg13: memref<1x128xf32, #tpu.memory_space<vmem>>, %arg14: memref<1x64xf32, #tpu.memory_space<vmem>>, %arg15: memref<2000x64xf32, #tpu.memory_space<vmem>>) attributes {dimension_semantics = [#tpu.dimension_semantics<arbitrary>], iteration_bounds = array<i64: 5>, scalar_prefetch = 0 : i64, scratch_operands = 0 : i64, tpu.core_type = #tpu.core_type<tc>, window_params = [{transform_indices = @transform_0, window_bounds = array<i64: 2000, 128>}, {transform_indices = @transform_1, window_bounds = array<i64: 1, 2000, 64>}, {transform_indices = @transform_2, window_bounds = array<i64: 1, 2000, 64>}, {transform_indices = @transform_3, window_bounds = array<i64: 1, 2000, 64>}, {transform_indices = @transform_4, window_bounds = array<i64: 1, 2000, 64>}, {transform_indices = @transform_5, window_bounds = array<i64: 2000, 32>}, {pipeline_mode = #tpu.pipeline_mode<synchronous>, transform_indices = @transform_6, window_bounds = array<i64: 64, 128>}, {pipeline_mode = #tpu.pipeline_mode<synchronous>, transform_indices = @transform_7, window_bounds = array<i64: 64, 128>}, {pipeline_mode = #tpu.pipeline_mode<synchronous>, transform_indices = @transform_8, window_bounds = array<i64: 128, 128>}, {pipeline_mode = #tpu.pipeline_mode<synchronous>, transform_indices = @transform_9, window_bounds = array<i64: 128, 128>}, {pipeline_mode = #tpu.pipeline_mode<synchronous>, transform_indices = @transform_10, window_bounds = array<i64: 128, 64>}, {pipeline_mode = #tpu.pipeline_mode<synchronous>, transform_indices = @transform_11, window_bounds = array<i64: 1, 128>}, {pipeline_mode = #tpu.pipeline_mode<synchronous>, transform_indices = @transform_12, window_bounds = array<i64: 1, 128>}, {pipeline_mode = #tpu.pipeline_mode<synchronous>, transform_indices = @transform_13, window_bounds = array<i64: 1, 64>}, {transform_indices = @transform_14, window_bounds = array<i64: 2000, 64>}]} {
    %get3A = arith.constant 0 : index
    %get3A_0 = arith.constant 0 : index
    %get3A_1 = vector.load %arg6[%get3A, %get3A_0] : memref<2000x32xf32, #tpu.memory_space<vmem>>, vector<2000x32xf32>
    %reduce_sum3A = arith.constant dense<0.000000e+00> : vector<2000xf32>
    %reduce_sum3A_2 = vector.multi_reduction <add>, %get3A_1, %reduce_sum3A [1] : vector<2000x32xf32> to vector<2000xf32>
    %broadcast_in_dim3A = vector.shape_cast %reduce_sum3A_2 : vector<2000xf32> to vector<2000x1xf32>
    %max3A = arith.constant 1.000000e+00 : f32
    %max3A_3 = vector.broadcast %max3A : f32 to vector<2000x1xf32>
    %max3A_4 = arith.maximumf %broadcast_in_dim3A, %max3A_3 : vector<2000x1xf32>
    %div3A = arith.constant 1.000000e+00 : f32
    %div3A_5 = vector.broadcast %div3A : f32 to vector<2000x1xf32>
    %div3A_6 = arith.divf %div3A_5, %max3A_4 : vector<2000x1xf32>
    %get3A_7 = arith.constant 0 : index
    %get3A_8 = arith.constant 0 : index
    %get3A_9 = arith.constant 0 : index
    %get3A_10 = vector.load %arg2[%get3A_7, %get3A_8, %get3A_9] : memref<1x2000x64xf32, #tpu.memory_space<vmem>>, vector<1x2000x64xf32>
    %get3A_11 = vector.shape_cast %get3A_10 : vector<1x2000x64xf32> to vector<2000x64xf32>
    %get3A_12 = arith.constant 0 : index
    %get3A_13 = arith.constant 0 : index
    %get3A_14 = arith.constant 0 : index
    %get3A_15 = vector.load %arg3[%get3A_12, %get3A_13, %get3A_14] : memref<1x2000x64xf32, #tpu.memory_space<vmem>>, vector<1x2000x64xf32>
    %get3A_16 = vector.shape_cast %get3A_15 : vector<1x2000x64xf32> to vector<2000x64xf32>
    %add3A = arith.addf %get3A_11, %get3A_16 : vector<2000x64xf32>
    %mul3A = vector.broadcast %div3A_6 : vector<2000x1xf32> to vector<2000x64xf32>
    %mul3A_17 = arith.mulf %add3A, %mul3A : vector<2000x64xf32>
    %get3A_18 = arith.constant 0 : index
    %get3A_19 = arith.constant 0 : index
    %get3A_20 = arith.constant 0 : index
    %get3A_21 = vector.load %arg4[%get3A_18, %get3A_19, %get3A_20] : memref<1x2000x64xf32, #tpu.memory_space<vmem>>, vector<1x2000x64xf32>
    %get3A_22 = vector.shape_cast %get3A_21 : vector<1x2000x64xf32> to vector<2000x64xf32>
    %get3A_23 = arith.constant 0 : index
    %get3A_24 = arith.constant 0 : index
    %get3A_25 = arith.constant 0 : index
    %get3A_26 = vector.load %arg5[%get3A_23, %get3A_24, %get3A_25] : memref<1x2000x64xf32, #tpu.memory_space<vmem>>, vector<1x2000x64xf32>
    %get3A_27 = vector.shape_cast %get3A_26 : vector<1x2000x64xf32> to vector<2000x64xf32>
    %add3A_28 = arith.addf %get3A_22, %get3A_27 : vector<2000x64xf32>
    %mul3A_29 = vector.broadcast %div3A_6 : vector<2000x1xf32> to vector<2000x64xf32>
    %mul3A_30 = arith.mulf %add3A_28, %mul3A_29 : vector<2000x64xf32>
    %get3A_31 = arith.constant 0 : index
    %get3A_32 = arith.constant 0 : index
    %get3A_33 = vector.load %arg7[%get3A_31, %get3A_32] : memref<64x128xf32, #tpu.memory_space<vmem>>, vector<64x128xf32>
    %dot_general3A = arith.constant dense<0.000000e+00> : vector<2000x128xf32>
    %dot_general3A_34 = tpu.matmul %mul3A_17, %get3A_33, %dot_general3A {dimension_numbers = #tpu.dot_dimension_numbers<[1], [0], [0], [1], [0, 0, 1, 1], [], []>, transpose_lhs_hint = false} : vector<2000x64xf32>, vector<64x128xf32>, vector<2000x128xf32> -> vector<2000x128xf32>
    %get3A_35 = arith.constant 0 : index
    %get3A_36 = arith.constant 0 : index
    %get3A_37 = vector.load %arg8[%get3A_35, %get3A_36] : memref<64x128xf32, #tpu.memory_space<vmem>>, vector<64x128xf32>
    %dot_general3A_38 = arith.constant dense<0.000000e+00> : vector<2000x128xf32>
    %dot_general3A_39 = tpu.matmul %mul3A_30, %get3A_37, %dot_general3A_38 {dimension_numbers = #tpu.dot_dimension_numbers<[1], [0], [0], [1], [0, 0, 1, 1], [], []>, transpose_lhs_hint = false} : vector<2000x64xf32>, vector<64x128xf32>, vector<2000x128xf32> -> vector<2000x128xf32>
    %add3A_40 = arith.addf %dot_general3A_34, %dot_general3A_39 : vector<2000x128xf32>
    %get3A_41 = arith.constant 0 : index
    %get3A_42 = arith.constant 0 : index
    %get3A_43 = vector.load %arg1[%get3A_41, %get3A_42] : memref<2000x128xf32, #tpu.memory_space<vmem>>, vector<2000x128xf32>
    %get3A_44 = arith.constant 0 : index
    %get3A_45 = arith.constant 0 : index
    %get3A_46 = vector.load %arg9[%get3A_44, %get3A_45] : memref<128x128xf32, #tpu.memory_space<vmem>>, vector<128x128xf32>
    %dot_general3A_47 = arith.constant dense<0.000000e+00> : vector<2000x128xf32>
    %dot_general3A_48 = tpu.matmul %get3A_43, %get3A_46, %dot_general3A_47 {dimension_numbers = #tpu.dot_dimension_numbers<[1], [0], [0], [1], [0, 0, 1, 1], [], []>, transpose_lhs_hint = false} : vector<2000x128xf32>, vector<128x128xf32>, vector<2000x128xf32> -> vector<2000x128xf32>
    %add3A_49 = arith.addf %add3A_40, %dot_general3A_48 : vector<2000x128xf32>
    %get3A_50 = arith.constant 0 : index
    %get3A_51 = arith.constant 0 : index
    %get3A_52 = vector.load %arg12[%get3A_50, %get3A_51] : memref<1x128xf32, #tpu.memory_space<vmem>>, vector<1x128xf32>
    %add3A_53 = vector.broadcast %get3A_52 : vector<1x128xf32> to vector<2000x128xf32>
    %add3A_54 = arith.addf %add3A_49, %add3A_53 : vector<2000x128xf32>
    %get3A_55 = arith.constant 0 : index
    %get3A_56 = arith.constant 0 : index
    %get3A_57 = vector.load %arg10[%get3A_55, %get3A_56] : memref<128x128xf32, #tpu.memory_space<vmem>>, vector<128x128xf32>
    %dot_general3A_58 = arith.constant dense<0.000000e+00> : vector<2000x128xf32>
    %dot_general3A_59 = tpu.matmul %add3A_54, %get3A_57, %dot_general3A_58 {dimension_numbers = #tpu.dot_dimension_numbers<[1], [0], [0], [1], [0, 0, 1, 1], [], []>, transpose_lhs_hint = false} : vector<2000x128xf32>, vector<128x128xf32>, vector<2000x128xf32> -> vector<2000x128xf32>
    %get3A_60 = arith.constant 0 : index
    %get3A_61 = arith.constant 0 : index
    %get3A_62 = vector.load %arg13[%get3A_60, %get3A_61] : memref<1x128xf32, #tpu.memory_space<vmem>>, vector<1x128xf32>
    %add3A_63 = vector.broadcast %get3A_62 : vector<1x128xf32> to vector<2000x128xf32>
    %add3A_64 = arith.addf %dot_general3A_59, %add3A_63 : vector<2000x128xf32>
    %max3A_65 = arith.constant 0.000000e+00 : f32
    %max3A_66 = vector.broadcast %max3A_65 : f32 to vector<2000x128xf32>
    %max3A_67 = arith.maximumf %add3A_64, %max3A_66 : vector<2000x128xf32>
    %get3A_68 = arith.constant 0 : index
    %get3A_69 = arith.constant 0 : index
    %get3A_70 = vector.load %arg11[%get3A_68, %get3A_69] : memref<128x64xf32, #tpu.memory_space<vmem>>, vector<128x64xf32>
    %dot_general3A_71 = arith.constant dense<0.000000e+00> : vector<2000x64xf32>
    %dot_general3A_72 = tpu.matmul %max3A_67, %get3A_70, %dot_general3A_71 {dimension_numbers = #tpu.dot_dimension_numbers<[1], [0], [0], [1], [0, 0, 1, 1], [], []>, transpose_lhs_hint = false} : vector<2000x128xf32>, vector<128x64xf32>, vector<2000x64xf32> -> vector<2000x64xf32>
    %get3A_73 = arith.constant 0 : index
    %get3A_74 = arith.constant 0 : index
    %get3A_75 = vector.load %arg14[%get3A_73, %get3A_74] : memref<1x64xf32, #tpu.memory_space<vmem>>, vector<1x64xf32>
    %add3A_76 = vector.broadcast %get3A_75 : vector<1x64xf32> to vector<2000x64xf32>
    %add3A_77 = arith.addf %dot_general3A_72, %add3A_76 : vector<2000x64xf32>
    %swap3A = arith.constant 0 : index
    %swap3A_78 = arith.constant 0 : index
    %swap3A_79 = vector.load %arg15[%swap3A, %swap3A_78] : memref<2000x64xf32, #tpu.memory_space<vmem>>, vector<2000x64xf32>
    tpu.vector_store %arg15[%swap3A, %swap3A_78], %add3A_77 {strides = array<i32>} : memref<2000x64xf32, #tpu.memory_space<vmem>>, vector<2000x64xf32>,
    return
  }
  func.func @transform_0(%arg0: i32) -> (i32, i32) {
    %c0_i32 = arith.constant 0 : i32
    %c0_i32_0 = arith.constant 0 : i32
    return %arg0, %c0_i32 : i32, i32
  }
  func.func @transform_1(%arg0: i32) -> (i32, i32, i32) {
    %c0_i32 = arith.constant 0 : i32
    %c0_i32_0 = arith.constant 0 : i32
    %c0_i32_1 = arith.constant 0 : i32
    return %c0_i32, %arg0, %c0_i32_0 : i32, i32, i32
  }
  func.func @transform_2(%arg0: i32) -> (i32, i32, i32) {
    %c1_i32 = arith.constant 1 : i32
    %c0_i32 = arith.constant 0 : i32
    %c0_i32_0 = arith.constant 0 : i32
    return %c1_i32, %arg0, %c0_i32 : i32, i32, i32
  }
  func.func @transform_3(%arg0: i32) -> (i32, i32, i32) {
    %c2_i32 = arith.constant 2 : i32
    %c0_i32 = arith.constant 0 : i32
    %c0_i32_0 = arith.constant 0 : i32
    return %c2_i32, %arg0, %c0_i32 : i32, i32, i32
  }
  func.func @transform_4(%arg0: i32) -> (i32, i32, i32) {
    %c3_i32 = arith.constant 3 : i32
    %c0_i32 = arith.constant 0 : i32
    %c0_i32_0 = arith.constant 0 : i32
    return %c3_i32, %arg0, %c0_i32 : i32, i32, i32
  }
  func.func @transform_5(%arg0: i32) -> (i32, i32) {
    %c0_i32 = arith.constant 0 : i32
    %c0_i32_0 = arith.constant 0 : i32
    return %arg0, %c0_i32 : i32, i32
  }
  func.func @transform_6(%arg0: i32) -> (i32, i32) {
    %c0_i32 = arith.constant 0 : i32
    %c0_i32_0 = arith.constant 0 : i32
    %c0_i32_1 = arith.constant 0 : i32
    return %c0_i32, %c0_i32_0 : i32, i32
  }
  func.func @transform_7(%arg0: i32) -> (i32, i32) {
    %c0_i32 = arith.constant 0 : i32
    %c0_i32_0 = arith.constant 0 : i32
    %c0_i32_1 = arith.constant 0 : i32
    return %c0_i32, %c0_i32_0 : i32, i32
  }
  func.func @transform_8(%arg0: i32) -> (i32, i32) {
    %c0_i32 = arith.constant 0 : i32
    %c0_i32_0 = arith.constant 0 : i32
    %c0_i32_1 = arith.constant 0 : i32
    return %c0_i32, %c0_i32_0 : i32, i32
  }
  func.func @transform_9(%arg0: i32) -> (i32, i32) {
    %c0_i32 = arith.constant 0 : i32
    %c0_i32_0 = arith.constant 0 : i32
    %c0_i32_1 = arith.constant 0 : i32
    return %c0_i32, %c0_i32_0 : i32, i32
  }
  func.func @transform_10(%arg0: i32) -> (i32, i32) {
    %c0_i32 = arith.constant 0 : i32
    %c0_i32_0 = arith.constant 0 : i32
    %c0_i32_1 = arith.constant 0 : i32
    return %c0_i32, %c0_i32_0 : i32, i32
  }
  func.func @transform_11(%arg0: i32) -> (i32, i32) {
    %c0_i32 = arith.constant 0 : i32
    %c0_i32_0 = arith.constant 0 : i32
    %c0_i32_1 = arith.constant 0 : i32
    return %c0_i32, %c0_i32_0 : i32, i32
  }
  func.func @transform_12(%arg0: i32) -> (i32, i32) {
    %c0_i32 = arith.constant 0 : i32
    %c0_i32_0 = arith.constant 0 : i32
    %c0_i32_1 = arith.constant 0 : i32
    return %c0_i32, %c0_i32_0 : i32, i32
  }
  func.func @transform_13(%arg0: i32) -> (i32, i32) {
    %c0_i32 = arith.constant 0 : i32
    %c0_i32_0 = arith.constant 0 : i32
    %c0_i32_1 = arith.constant 0 : i32
    return %c0_i32, %c0_i32_0 : i32, i32
  }
  func.func @transform_14(%arg0: i32) -> (i32, i32) {
    %c0_i32 = arith.constant 0 : i32
    %c0_i32_0 = arith.constant 0 : i32
    return %arg0, %c0_i32 : i32, i32
  }
}

</mosaic_0001>

<sc_bundles>
// kernel: kernel.4.cloned.1.call-start
scs
__scs_entry_jumppad:
0x0: {  	(pc) =	sbr.rel $0x88, $3  }
0x1: {  	(tag) =	ssettag $0x0;
	lr =	simm.s32 $0x1  }
0x2: {  	[smem:$0x3F96] =	sst lr;
	_ =	strace $0xD0000000  }
0x3: {  	_ = 	snop  }
0x4: {  	_ = 	snop  }
0x5: {  	_ = 	snop  }
0x6: {  	_ = 	snop  }
0x7: {  	_ = 	snop  }
__scs_overlays_trampoline_lowered:
0x8: {  	[smem:$0x3FA5] =	sst s0  }
0x9: {  	[smem:$0x3FA6] =	sst s1  }
0xa: {  	[smem:$0x3FA7] =	sst s2  }
0xb: {  	[smem:$0x3FA8] =	sst s3  }
0xc: {  	[smem:$0x3FA9] =	sst s4  }
0xd: {  	[smem:$0x3FAA] =	sst s5  }
0xe: {  	[smem:$0x3FAB] =	sst s6  }
0xf: {  	[smem:$0x3FAC] =	sst s7  }
0x10: {  	[smem:$0x3FAD] =	sst s8  }
0x11: {  	[smem:$0x3FAE] =	sst s9;
	s0 =	simm.s32 @!p0 $0x0  }
0x12: {  	s1 =	sld [smem:$0x3F94];
	s0 =	simm.s32 @p0 $0x1  }
0x13: {  	[smem:$0x3FAF] =	sst s0;
	s0 =	simm.s32 @!p1 $0x0  }
0x14: {  	s2 =	sld [smem:$0x3F93];
	s0 =	simm.s32 @p1 $0x1  }
0x15: {  	[smem:$0x3FB0] =	sst s0;
	s0 =	simm.s32 @!p2 $0x0  }
0x16: {  	s3 =	sld [smem:$0x3FDB];
	s0 =	simm.s32 @p2 $0x1  }
0x17: {  	s4 =	simm.s32 $0x1BF5;
	[smem:$0x3FB2] =	sst s0  }
0x18: {  	s0 =	sld [smem:$0x3F95];
	_ =	swait.ge [sflag:s4], $0x0  }
0x19: {  	s7 =	sld [smem:$0x3F96]  }
0x1a: {  	s8 =	sadd.s32 $0xFFFFE003, lr  }
0x1b: {  	s9 =	sadd.s32 $0xFFFFFEF7, lr;
	s5 =	simm.s32 $0xFFFFFFFF;
	p2 =	slt.u32 s8, $0xFFFFF086  }
0x1c: {  	p1 =	slt.u32 s9, $0xF7A;
	s5 =	simm.s32 @!p2 $0x0  }
0x1d: {  	s5 =	simm.s32 @p1 $0x1;
	p0 =	seq.s32 s7, s2  }
0x1e: {  	s7 =	smul.u32 @!p0 $0xF7A, s2;
	p2 =	seq.s32 @!p0 s5, $0x0  }
0x1f: {  	s9 =	smul.u32 $0xF7A, s1;
	s8 =	simm.s32 @!p0 $0x1BF5;
	p2 =	por !p2, p0  }
0x20: {  	[sflag:s8] =	ssyncset.s32 @!p0 $0xFFFFF086;
	s6 =	sadd.s32 @!p0 s3, s7;
	s7 =	simm.s32 @!p0 $0x108  }
0x21: {  	s3 =	sadd.s32 s3, s9;
	s6 =	sadd.s32 @!p0 $0x88, s6;
	s7 =	simm.s32 @p2 $0x1082  }
0x22: {  	[simem:s7], [sflag:s8] =	dma.local @!p0 [hbm:s6], $0xF7A  }
0x23: {  	s9 =	sor.u32 $0xD0000000, s2;
	s6 =	simm.s32 $0x108;
	_ =	swait.ge @!p0 [sflag:s8], $0x0  }
0x24: {  	s3 =	sadd.s32 $0x88, s3;
	s6 =	simm.s32 @!p1 $0x1082;
	[sflag:s4] =	ssyncset.s32 $0xFFFFF086  }
0x25: {  	[simem:s6], [sflag:s4] =	dma.local [hbm:s3], $0xF7A  }
0x26: {  	[smem:$0x3F96] =	sst s1;
	(tag) =	ssettag s2;
	_ =	strace s9  }
0x27: {  	s1 =	sld [smem:$0x3FA6]  }
0x28: {  	s2 =	sld [smem:$0x3FA7]  }
0x29: {  	s4 =	sld [smem:$0x3FA9]  }
0x2a: {  	p0 =	seq.s32 s5, $0x0;
	s5 =	sld [smem:$0x3FAA]  }
0x2b: {  	s6 =	sld [smem:$0x3FAB]  }
0x2c: {  	s7 =	sld [smem:$0x3FAC]  }
0x2d: {  	s3 =	simm.s32 $0x108;
	s8 =	sld [smem:$0x3FAD]  }
0x2e: {  	s3 =	simm.s32 @!p0 $0x1082;
	s9 =	sld [smem:$0x3FAE]  }
0x2f: {  	lr =	sadd.s32 s0, s3;
	s0 =	sld [smem:$0x3FA5]  }
0x30: {  	s3 =	sld [smem:$0x3FA8]  }
0x31: {  	[smem:$0x3FB1] =	sst s10  }
0x32: {  	s10 =	sld [smem:$0x3FAF];
	_ =	sdelay $0x3  }
0x33: {  	p0 =	seq.s32 s10, $0x1;
	s10 =	sld [smem:$0x3FB1];
	_ =	sdelay $0x3  }
0x34: {  	[smem:$0x3FB1] =	sst s10  }
0x35: {  	s10 =	sld [smem:$0x3FB0];
	_ =	sdelay $0x3  }
0x36: {  	p1 =	seq.s32 s10, $0x1;
	s10 =	sld [smem:$0x3FB1];
	_ =	sdelay $0x3  }
0x37: {  	[smem:$0x3FB1] =	sst s10  }
0x38: {  	s10 =	sld [smem:$0x3FB2]  }
0x39: {  	_ = 	snop;
	(pc) =	sbr.ind lr, $3  }
0x3a: {  	_ = 	snop  }
0x3b: {  	_ = 	snop  }
0x3c: {  	p2 =	seq.s32 s10, $0x1;
	s10 =	sld [smem:$0x3FB1]  }
0x3d: {  	_ =	shalt  }
0x3e: {  	_ =	shalt  }
0x3f: {  	_ =	shalt  }
0x40: {  	_ =	shalt  }
0x41: {  	_ =	shalt  }
0x42: {  	_ =	shalt  }
0x43: {  	_ =	shalt  }
0x44: {  	_ =	shalt  }
0x45: {  	_ =	shalt  }
0x46: {  	_ =	shalt  }
0x47: {  	_ =	shalt  }
0x48: {  	_ =	shalt  }
0x49: {  	_ =	shalt  }
0x4a: {  	_ =	shalt  }
0x4b: {  	_ =	shalt  }
0x4c: {  	_ =	shalt  }
0x4d: {  	_ =	shalt  }
0x4e: {  	_ =	shalt  }
0x4f: {  	_ =	shalt  }
0x50: {  	_ =	shalt  }
0x51: {  	_ =	shalt  }
0x52: {  	_ =	shalt  }
0x53: {  	_ =	shalt  }
0x54: {  	_ =	shalt  }
0x55: {  	_ =	shalt  }
0x56: {  	_ =	shalt  }
0x57: {  	_ =	shalt  }
0x58: {  	_ =	shalt  }
0x59: {  	_ =	shalt  }
0x5a: {  	_ =	shalt  }
0x5b: {  	_ =	shalt  }
0x5c: {  	_ =	shalt  }
0x5d: {  	_ =	shalt  }
0x5e: {  	_ =	shalt  }
0x5f: {  	_ =	shalt  }
0x60: {  	_ =	shalt  }
0x61: {  	_ =	shalt  }
0x62: {  	_ =	shalt  }
0x63: {  	_ =	shalt  }
0x64: {  	_ =	shalt  }
0x65: {  	_ =	shalt  }
0x66: {  	_ =	shalt  }
0x67: {  	_ =	shalt  }
0x68: {  	_ =	shalt  }
0x69: {  	_ =	shalt  }
0x6a: {  	_ =	shalt  }
0x6b: {  	_ =	shalt  }
0x6c: {  	_ =	shalt  }
0x6d: {  	_ =	shalt  }
0x6e: {  	_ =	shalt  }
0x6f: {  	_ =	shalt  }
0x70: {  	_ =	shalt  }
0x71: {  	_ =	shalt  }
0x72: {  	_ =	shalt  }
0x73: {  	_ =	shalt  }
0x74: {  	_ =	shalt  }
0x75: {  	_ =	shalt  }
0x76: {  	_ =	shalt  }
0x77: {  	_ =	shalt  }
0x78: {  	_ =	shalt  }
0x79: {  	_ =	shalt  }
0x7a: {  	_ =	shalt  }
0x7b: {  	_ =	shalt  }
0x7c: {  	_ =	shalt  }
0x7d: {  	_ =	shalt  }
0x7e: {  	_ =	shalt  }
0x7f: {  	_ =	shalt  }
0x80: {  	_ =	shalt  }
0x81: {  	_ =	shalt  }
0x82: {  	_ =	shalt  }
0x83: {  	_ =	shalt  }
0x84: {  	_ =	shalt  }
0x85: {  	_ =	shalt  }
0x86: {  	_ =	shalt  }
0x87: {  	_ =	shalt  }
.Lfunc_end0:
.L_simem_size_0:
called_computation_lowered:
.L_overlay_start_0:
0x88: {  	s2 =	sld [smem:$0x3FD9]  }
0x89: {  	s3 =	sld [smem:$0x3FFE];
	_ =	sdelay $0x1  }
0x8a: {  	s1 =	srdreg.scid  }
0x8b: {  	s0 =	sand.u32 $0x1, s1  }
0x8c: {  	s17 =	sshll.u32 s0, $0xA;
	s2 =	sadd.s32 s3, s2  }
0x8d: {  	s2 =	sadd.s32 s2, s17  }
0x8e: {  	[smem:$0x3FBD] =	sst s2  }
0x8f: {  	_ = 	snop  }
0x90: {  	s2 =	sld [smem:$0x3FC9]  }
0x91: {  	s18 =	sld [smem:$0x3FD0];
	(tm) =	ssettm $0x1  }
0x92: {  	s4 =	sld [smem:$0x3FFB];
	_ =	sdelay $0x3  }
0x93: {  	_ =	strace s4  }
0x94: {  	s4 =	sld [smem:$0x3FFC];
	_ =	sdelay $0x3  }
0x95: {  	_ =	strace s4  }
0x96: {  	s4 =	sld [smem:$0x3FFD];
	_ =	sdelay $0x3  }
0x97: {  	_ =	strace s4  }
0x98: {  	_ =	strace $0x8FFFFFFF  }
0x99: {  	s19 =	sld [smem:$0x3FDB];
	_ =	sdelay $0x1  }
0x9a: {  	s5 =	simm.s32 $_scs_section_size  }
0x9b: {  	s6 =	simm.s32 $_size__tile_overlayer_lowered;
	s7 =	simm.s32 $_tile_overlayer_lowered  }
0x9c: {  	s22 =	simm.s32 $0x1BFF;
	s21 =	sshll.u32 s7, $0x1;
	s4 =	sadd.s32 s5, s19  }
0x9d: {  	s8 =	simm.s32 $0x0;
	s20 =	sshll.u32 s6, $0x1;
	s6 =	sadd.s32 s21, s4  }
0x9e: {  	[timem:s8], [sflag:s22] =	dma.local [hbm:s6], s20  }
0x9f: {  	_ =	swait.ge [sflag:s22], s20  }
0xa0: {  	s5 =	ssub.s32 $0x0, s20;
	[sflag:s22] =	ssyncset.done $0x0  }
0xa1: {  	[sflag:s22] =	ssyncadd.s32 s5;
	_ =	sdelay $0x1  }
0xa2: {  	s23 =	simm.s32 $0x1B8B  }
0xa3: {  	_ =	swait.ge [sflag:s23], $0x1  }
0xa4: {  	[sflag:s23] =	ssyncset.done $0x0  }
0xa5: {  	s25 =	simm.s32 $0x1B8E;
	s24 =	sld [smem:$0x3FFE];
	[sflag:s23] =	ssyncadd.s32 $0xFFFFFFFF  }
0xa6: {  	s26 =	simm.s32 $execute0_lowered;
	[smem:$0x3FD2] =	sst s25  }
0xa7: {  	s6 =	sshll.u32 s26, $0x1;
	_ =	strace $0x80000046;
	[dreg:$0x1] =	wrdreg $0xFFFFFFFF  }
0xa8: {  	s28 =	simm.s32 $_size_execute0_lowered;
	s4 =	sadd.s32 s4, s6;
	[dreg:$0x0] =	wrdreg $0x0  }
0xa9: {  	s6 =	sshll.u32 s28, $0x1;
	[dreg:$0x2] =	wrdreg s4  }
0xaa: {  	[dreg:$0x3] =	wrdreg s6  }
0xab: {  	[dreg:$0x4] =	wrdreg $0xC0  }
0xac: {  	_ =	task [dreg:s8], $0x5FFFF  }
0xad: {  	[dreg:$0x1] =	wrdreg $0xFFFFFFFF  }
0xae: {  	[dreg:$0x0] =	wrdreg $0x60  }
0xaf: {  	[dreg:$0x2] =	wrdreg s24  }
0xb0: {  	[dreg:$0x3] =	wrdreg s2  }
0xb1: {  	[dreg:$0x4] =	wrdreg s18  }
0xb2: {  	[dreg:$0x5] =	wrdreg $0x6C000  }
0xb3: {  	[dreg:$0x6] =	wrdreg $0x10C000  }
0xb4: {  	[dreg:$0x7] =	wrdreg $0x9  }
0xb5: {  	_ =	task.clear_ibuf [dreg:s8], $0x8FFFF;
	_ =	strace $0x90000046  }
0xb6: {  	s29 =	simm.s32 $0x9;
	_ =	strace $0x80000048  }
0xb7: {  	_ =	swait.ge [sflag:s29], $0x1  }
0xb8: {  	[sflag:s29] =	ssyncadd.s32 $0xFFFFFFFF  }
0xb9: {  	_ =	strace $0x90000048  }
0xba: {  	_ =	sfence  }
0xbb: {  	s30 =	sld [smem:$0x0];
	_ =	sdelay $0x2  }
0xbc: {  	s31 =	sshll.u32 s1, $0xD;
	s1 =	sshrl.u32 s1, $0x2  }
0xbd: {  	s3 =	sand.u32 $0x4000, s31;
	s1 =	sadd.s32 s1, s30  }
0xbe: {  	s0 =	sor.u32 s3, s0;
	s1 =	sshll.u32 s1, $0x11  }
0xbf: {  	s0 =	sor.u32 s1, s0  }
0xc0: {  	s0 =	sadd.s32 $0x8F2B, s0  }
0xc1: {  	[sflag:s0] =	ssyncadd.remote.s32 $0x1  }
0xc2: {  	_ =	sfence.sel $0xFFFF  }
0xc3: {  	[dreg:$0x0] =	wrdreg $0xFFFFFFFF;
	(pc) =	sbr.abs _section_cstart, $3  }
0xc4: {  	[dreg:$0x1] =	wrdreg $0xFFFFFFFF  }
0xc5: {  	_ =	task.clear_ibuf [dreg:s8], $0x2FFFF;
	_ =	strace $0x9FFFFFFF  }
0xc6: {  	(tm) =	ssettm $0x7FFFFFFF  }
0xc7: {  	_ =	shalt  }
tec
execute0_lowered:
.L_overlay_start_1:
0x0: {  	(tag) =	ssettag $0x1  }
0x1: {  	s0 =	rddreg [dreg:$0x0]  }
0x2: {  	s1 =	rddreg [dreg:$0x1]  }
0x3: {  	s5 =	rddreg [dreg:$0x2]  }
0x4: {  	s2 =	rddreg [dreg:$0x3];
	s4 =	srdreg.scid  }
0x5: {  	s15 =	stileid.u32;
	s3 =	rddreg [dreg:$0x4]  }
0x6: {  	s28 =	simm.s32 $0x1;
	s29 =	simm.s32 $0x8;
	s31 =	simm.s32 $0x9  }
0x7: {  	s30 =	simm.s32 $0x300;
	s6 =	sand.u32 $0x1, s4;
	s7 =	smul.u32 $0xA000, s15  }
0x8: {  	s4 =	simm.s32 $0x0;
	s9 =	sadd.s32 $0x2600, s0;
	s20 =	smul.u32 $0x280, s15  }
0x9: {  	s10 =	sadd.s32 $0x16600, s0;
	s23 =	sshll.u32 s15, $0x6;
	s25 =	smul.u32 $0x5000, s15  }
0xa: {  	s8 =	smul.u32 $0xA0000, s6;
	[smem:$0x7FF] =	sst s4;
	s21 =	ssub.s32 $0x2, s6  }
0xb: {  	s11 =	sshll.u32 s6, $0x4;
	s6 =	smul.u32 $0x50000, s6;
	_ =	strace $0x80000047  }
0xc: {  	[dreg:$0x6] =	wrdreg s10;
	s12 =	sshrl.u32 s21, $0x1;
	s10 =	smin.u32 s20, $0x2490  }
0xd: {  	s11 =	sor.u32 s15, s11;
	s8 =	sadd.s32 s7, s8;
	s13 =	sshll.u32 s10, $0x6  }
0xe: {  	s10 =	sshll.u32 s10, $0x4;
	s14 =	smul.u32 $0x5000, s11;
	s12 =	ssub.s32 s21, s12  }
0xf: {  	s7 =	sadd.s32 s7, s3;
	s18 =	smul.u32 $0x500, s11;
	s11 =	simm.s32 $0x180  }
0x10: {  	s8 =	sshrl.u32 s8, $0x3;
	s22 =	sadd.s32 s13, s2;
	s13 =	sadd.s32 s1, s10  }
0x11: {  	[dreg:$0xa] =	wrdreg s7;
	s1 =	sadd.s32 s25, s6;
	s25 =	smax.u32 s12, $0x1  }
0x12: {  	s6 =	simm.s32 $0x80;
	s12 =	simm.s32 $0x4;
	s0 =	sadd.s32 s8, s0  }
0x13: {  	[dreg:$0x7] =	wrdreg s22;
	s24 =	sshrl.u32 s14, $0x3;
	s8 =	sor.u32 $0x1C09, s23  }
0x14: {  	s19 =	sor.u32 $0xA00, s1;
	s5 =	sadd.s32 s5, s18;
	s21 =	sor.u32 $0x900, s1  }
0x15: {  	s22 =	sor.u32 $0x800, s1;
	s1 =	sor.u32 $0x700, s1;
	[dreg:$0x15] =	wrdreg s25  }
0x16: {  	[dreg:$0x8] =	wrdreg s13;
	s18 =	simm.s32 $0x2;
	s25 =	simm.s32 $0x3  }
0x17: {  	s10 =	sadd.s32 s9, s24;
	s7 =	sshrl.u32 s19, $0x3;
	[dreg:$0x12] =	wrdreg s5  }
0x18: {  	s5 =	sshrl.u32 s21, $0x3;
	s24 =	sadd.s32 $0x17A00, s0;
	[dreg:$0x9] =	wrdreg s10  }
0x19: {  	s23 =	sshrl.u32 s22, $0x3;
	s0 =	sadd.s32 $0x3FA00, s0;
	[dreg:$0x13] =	wrdreg s24  }
0x1a: {  	s1 =	sshrl.u32 s1, $0x3;
	s26 =	sadd.s32 $0x20, s10;
	[dreg:$0x14] =	wrdreg s0  }
0x1b: {  	s14 =	sadd.s32 $0x40, s10;
	s15 =	sadd.s32 $0x60, s10;
	[dreg:$0xb] =	wrdreg s26  }
0x1c: {  	s16 =	sadd.s32 $0x80, s10;
	s17 =	sadd.s32 $0xA0, s10;
	[dreg:$0xc] =	wrdreg s14  }
0x1d: {  	s20 =	sadd.s32 $0xC0, s10;
	s10 =	sadd.s32 $0x9E0, s10;
	[dreg:$0xd] =	wrdreg s15  }
0x1e: {  	s19 =	sadd.s32 s7, s9;
	s21 =	sadd.s32 s23, s9;
	[dreg:$0xe] =	wrdreg s16  }
0x1f: {  	s22 =	sadd.s32 s1, s9;
	s1 =	simm.s32 $0x100;
	[dreg:$0xf] =	wrdreg s17  }
0x20: {  	s0 =	simm.s32 $0x200;
	s7 =	simm.s32 $0x2400;
	[dreg:$0x10] =	wrdreg s20  }
0x21: {  	s23 =	simm.s32 $0x5;
	s24 =	simm.s32 $0x4400;
	[dreg:$0x11] =	wrdreg s10  }
0x22: {  	s20 =	sadd.s32 s5, s9;
	s26 =	sadd.s32 $0x8, s13;
	s10 =	simm.s32 $0x400  }
0x23: {  	s5 =	simm.s32 $0x6;
	s13 =	simm.s32 $0x280;
	s14 =	simm.s32 $0x380  }
0x24: {  	v0 =	vimm.f32 $0.0e+00;
	v1 =	vimm.f32 $1.000000000e+00;
	s15 =	simm.s32 $0x0;
	[dreg:$0x16] =	wrdreg s26;
	s26 =	simm.s32 $0x7  }
.LBB2_1:
0x25: {  	s9 =	simm.s32 $0x40;
	s16 =	simm.s32 $0x0  }
.LBB2_2:
0x26: {  	p0 =	sne.s32 s9, $0x9FC0;
	[tilespmem:s16+$0x4400] =	vst v0;
	s16 =	smov.u32 s9;
	s9 =	sadd.s32 $0x40, s9  }
.Ltmp0:
0x27: {  	(pc) =	sbr.rel @p0 .LBB2_2-.Ltmp0, $2  }
0x28: {  	_ =	sdelay $0x2  }
0x29: {  	s16 =	sshra.s32 s16, $0x2  }
0x2a: {  	[dreg:$0x18] =	wrdreg s15  }
0x2b: {  	s9 =	rddreg [dreg:$0x7]  }
0x2c: {  	[tilespmem:s16+$0x4400] =	vst v0;
	s16 =	rddreg [dreg:$0x8];
	s9 =	sshrl.u32 s9, $0x3  }
0x2d: {  	s17 =	simm.s32 $0x10;
	[dreg:$0x19] =	wrdreg s9  }
0x2e: {  	[spmem:s9@s29], [sflag:s8] =	dma.strided [hbm:s16@s17], $0x1400, s28, $0x8   }
0x2f: {  	_ =	swait.ge [sflag:s31], $0x1400  }
0x30: {  	s17 =	rddreg [dreg:$0xa]  }
0x31: {  	[sflag:s31] =	ssyncset.done $0x0;
	s15 =	rddreg [dreg:$0x6];
	s9 =	sshrl.u32 s17, $0x3  }
0x32: {  	[sflag:s31] =	ssyncadd.s32 $0xFFFFEC00;
	[dreg:$0x17] =	wrdreg s9  }
0x33: {  	[spmem:s9], [sflag:s8] =	dma.local [hbm:s15], $0x1400  }
0x34: {  	_ =	swait.ge [sflag:s31], $0x1400  }
0x35: {  	[sflag:s31] =	ssyncset.done $0x0  }
0x36: {  	s9 =	simm.s32 $0x0;
	s15 =	rddreg [dreg:$0x9];
	[sflag:s31] =	ssyncadd.s32 $0xFFFFEC00  }
0x37: {  	[tilespmem:s9], [sflag:$0x1] =	stream.linear.gather [hbm4b:s15+s9], $0x100, $0x38;
	[tilespmem:$0x1AC00] =	vst v63  }
0x38: {  	s17 =	smov.u32 s8;
	s8 =	rddreg [dreg:$0xb]  }
0x39: {  	[tilespmem:s1], [sflag:$0x2] =	stream.linear.gather [hbm4b:s8+s9], $0x100, $0x38;
	[tilespmem:$0x1AC00] =	vst v63  }
0x3a: {  	s15 =	rddreg [dreg:$0xc]  }
0x3b: {  	[tilespmem:s0], [sflag:$0x3] =	stream.linear.gather [hbm4b:s15+s9], $0x100, $0x38;
	[tilespmem:$0x1AC00] =	vst v63  }
0x3c: {  	_ =	swait.ge [sflag:s28], $0x100  }
0x3d: {  	[sflag:s28] =	ssyncset.done $0x0  }
0x3e: {  	[sflag:s28] =	ssyncadd.s32 $0xFFFFFF00  }
0x3f: {  	[bflag:$0x0] =	sbarrier.arrive $0xFFFF  }
0x40: {  	[tilespmem:s10], [sflag:$0x5] =	stream.indirect.gather [spmem:s2], $0x40, s9, s6, $0xb8;
	[tilespmem:$0x1AC00] =	vst v63  }
0x41: {  	_ =	swait.ge [sflag:s18], $0x100  }
0x42: {  	[sflag:s18] =	ssyncset.done $0x0  }
0x43: {  	[sflag:s18] =	ssyncadd.s32 $0xFFFFFF00  }
0x44: {  	[tilespmem:s7], [sflag:$0x6] =	stream.indirect.gather [spmem:s2], $0x40, s1, s6, $0xb8;
	[tilespmem:$0x1AC00] =	vst v63  }
0x45: {  	s8 =	rddreg [dreg:$0xd]  }
0x46: {  	[tilespmem:s30], [sflag:$0x4] =	stream.linear.gather [hbm4b:s8+s9], $0x100, $0x38;
	[tilespmem:$0x1AC00] =	vst v63  }
0x47: {  	_ =	swait.ge [sflag:s23], $0x2000  }
0x48: {  	[sflag:s23] =	ssyncset.done $0x0  }
0x49: {  	[sflag:s23] =	ssyncadd.s32 $0xFFFFE000  }
0x4a: {  	[spmem:s3] =	stream.indirect.scatter.add.f32 [tilespmem:s10], [sflag:$0x7], $0x40, s6, s6, $0xb8;
	[tilespmem:$0x1AC00] =	vst v63  }
0x4b: {  	v2 =	vld [tilespmem:$0x80];
	_ =	sdelay $0x7  }
0x4c: {  	[tilespmem:v2+s24+$0x0] =	vst.idx.add.f32.msk $0xffff, v1  }
0x4d: {  	v2 =	vld [tilespmem:$0x90];
	_ =	sdelay $0x7  }
0x4e: {  	[tilespmem:v2+s24+$0x0] =	vst.idx.add.f32.msk $0xffff, v1  }
0x4f: {  	v2 =	vld [tilespmem:$0xA0];
	_ =	sdelay $0x7  }
0x50: {  	[tilespmem:v2+s24+$0x0] =	vst.idx.add.f32.msk $0xffff, v1  }
0x51: {  	v2 =	vld [tilespmem:$0xB0];
	_ =	sdelay $0x7  }
0x52: {  	[tilespmem:v2+s24+$0x0] =	vst.idx.add.f32.msk $0xffff, v1  }
0x53: {  	v2 =	vld [tilespmem:$0xC0];
	_ =	sdelay $0x7  }
0x54: {  	[tilespmem:v2+s24+$0x0] =	vst.idx.add.f32.msk $0xffff, v1  }
0x55: {  	v2 =	vld [tilespmem:$0xD0];
	_ =	sdelay $0x7  }
0x56: {  	[tilespmem:v2+s24+$0x0] =	vst.idx.add.f32.msk $0xffff, v1  }
0x57: {  	v2 =	vld [tilespmem:$0xE0];
	_ =	sdelay $0x7  }
0x58: {  	[tilespmem:v2+s24+$0x0] =	vst.idx.add.f32.msk $0xffff, v1  }
0x59: {  	v2 =	vld [tilespmem:$0xF0];
	_ =	sdelay $0x7  }
0x5a: {  	[tilespmem:v2+s24+$0x0] =	vst.idx.add.f32.msk $0xffff, v1  }
0x5b: {  	_ =	swait.ge [sflag:s25], $0x100  }
0x5c: {  	[sflag:s25] =	ssyncset.done $0x0  }
0x5d: {  	[sflag:s25] =	ssyncadd.s32 $0xFFFFFF00  }
0x5e: {  	_ =	swait.ge [sflag:s26], $0x2000  }
0x5f: {  	[sflag:s26] =	ssyncset.done $0x0  }
0x60: {  	[sflag:s26] =	ssyncadd.s32 $0xFFFFE000  }
0x61: {  	[tilespmem:s10], [sflag:$0x5] =	stream.indirect.gather [spmem:s2], $0x40, s0, s6, $0xb8;
	[tilespmem:$0x1AC00] =	vst v63  }
0x62: {  	s15 =	rddreg [dreg:$0xe]  }
0x63: {  	[tilespmem:s9], [sflag:$0x1] =	stream.linear.gather [hbm4b:s15+s9], $0x100, $0x38;
	[tilespmem:$0x1AC00] =	vst v63  }
0x64: {  	_ =	swait.ge [sflag:s5], $0x2000  }
0x65: {  	[sflag:s5] =	ssyncset.done $0x0  }
0x66: {  	[sflag:s5] =	ssyncadd.s32 $0xFFFFE000  }
0x67: {  	[spmem:s3] =	stream.indirect.scatter.add.f32 [tilespmem:s7], [sflag:$0x8], $0x40, s11, s6, $0xb8;
	[tilespmem:$0x1AC00] =	vst v63  }
0x68: {  	v2 =	vld [tilespmem:$0x180];
	_ =	sdelay $0x7  }
0x69: {  	[tilespmem:v2+s24+$0x0] =	vst.idx.add.f32.msk $0xffff, v1  }
0x6a: {  	v2 =	vld [tilespmem:$0x190];
	_ =	sdelay $0x7  }
0x6b: {  	[tilespmem:v2+s24+$0x0] =	vst.idx.add.f32.msk $0xffff, v1  }
0x6c: {  	v2 =	vld [tilespmem:$0x1A0];
	_ =	sdelay $0x7  }
0x6d: {  	[tilespmem:v2+s24+$0x0] =	vst.idx.add.f32.msk $0xffff, v1  }
0x6e: {  	v2 =	vld [tilespmem:$0x1B0];
	_ =	sdelay $0x7  }
0x6f: {  	[tilespmem:v2+s24+$0x0] =	vst.idx.add.f32.msk $0xffff, v1  }
0x70: {  	v2 =	vld [tilespmem:$0x1C0];
	_ =	sdelay $0x7  }
0x71: {  	[tilespmem:v2+s24+$0x0] =	vst.idx.add.f32.msk $0xffff, v1  }
0x72: {  	v2 =	vld [tilespmem:$0x1D0];
	_ =	sdelay $0x7  }
0x73: {  	[tilespmem:v2+s24+$0x0] =	vst.idx.add.f32.msk $0xffff, v1  }
0x74: {  	v2 =	vld [tilespmem:$0x1E0];
	_ =	sdelay $0x7  }
0x75: {  	[tilespmem:v2+s24+$0x0] =	vst.idx.add.f32.msk $0xffff, v1  }
0x76: {  	v2 =	vld [tilespmem:$0x1F0];
	_ =	sdelay $0x7  }
0x77: {  	[tilespmem:v2+s24+$0x0] =	vst.idx.add.f32.msk $0xffff, v1  }
0x78: {  	_ =	swait.ge [sflag:s12], $0x100  }
0x79: {  	[sflag:s12] =	ssyncset.done $0x0  }
0x7a: {  	[sflag:s12] =	ssyncadd.s32 $0xFFFFFF00  }
0x7b: {  	_ =	swait.ge [sflag:s29], $0x2000  }
0x7c: {  	[sflag:s29] =	ssyncset.done $0x0  }
0x7d: {  	[sflag:s29] =	ssyncadd.s32 $0xFFFFE000  }
0x7e: {  	[tilespmem:s7], [sflag:$0x6] =	stream.indirect.gather [spmem:s2], $0x40, s30, s6, $0xb8;
	[tilespmem:$0x1AC00] =	vst v63  }
0x7f: {  	s8 =	rddreg [dreg:$0xf]  }
0x80: {  	[tilespmem:s1], [sflag:$0x2] =	stream.linear.gather [hbm4b:s8+s9], $0x100, $0x38;
	[tilespmem:$0x1AC00] =	vst v63  }
0x81: {  	_ =	swait.ge [sflag:s23], $0x2000  }
0x82: {  	[sflag:s23] =	ssyncset.done $0x0  }
0x83: {  	[sflag:s23] =	ssyncadd.s32 $0xFFFFE000  }
0x84: {  	[spmem:s3] =	stream.indirect.scatter.add.f32 [tilespmem:s10], [sflag:$0x7], $0x40, s13, s6, $0xb8;
	[tilespmem:$0x1AC00] =	vst v63  }
0x85: {  	v2 =	vld [tilespmem:$0x280];
	_ =	sdelay $0x7  }
0x86: {  	[tilespmem:v2+s24+$0x0] =	vst.idx.add.f32.msk $0xffff, v1  }
0x87: {  	v2 =	vld [tilespmem:$0x290];
	_ =	sdelay $0x7  }
0x88: {  	[tilespmem:v2+s24+$0x0] =	vst.idx.add.f32.msk $0xffff, v1  }
0x89: {  	v2 =	vld [tilespmem:$0x2A0];
	_ =	sdelay $0x7  }
0x8a: {  	[tilespmem:v2+s24+$0x0] =	vst.idx.add.f32.msk $0xffff, v1  }
0x8b: {  	v2 =	vld [tilespmem:$0x2B0];
	_ =	sdelay $0x7  }
0x8c: {  	[tilespmem:v2+s24+$0x0] =	vst.idx.add.f32.msk $0xffff, v1  }
0x8d: {  	v2 =	vld [tilespmem:$0x2C0];
	_ =	sdelay $0x7  }
0x8e: {  	[tilespmem:v2+s24+$0x0] =	vst.idx.add.f32.msk $0xffff, v1  }
0x8f: {  	v2 =	vld [tilespmem:$0x2D0];
	_ =	sdelay $0x7  }
0x90: {  	[tilespmem:v2+s24+$0x0] =	vst.idx.add.f32.msk $0xffff, v1  }
0x91: {  	v2 =	vld [tilespmem:$0x2E0];
	_ =	sdelay $0x7  }
0x92: {  	[tilespmem:v2+s24+$0x0] =	vst.idx.add.f32.msk $0xffff, v1  }
0x93: {  	v2 =	vld [tilespmem:$0x2F0];
	_ =	sdelay $0x7  }
0x94: {  	[tilespmem:v2+s24+$0x0] =	vst.idx.add.f32.msk $0xffff, v1  }
0x95: {  	_ =	swait.ge [sflag:s28], $0x100  }
0x96: {  	[sflag:s28] =	ssyncset.done $0x0  }
0x97: {  	[sflag:s28] =	ssyncadd.s32 $0xFFFFFF00  }
0x98: {  	_ =	swait.ge [sflag:s26], $0x2000  }
0x99: {  	[sflag:s26] =	ssyncset.done $0x0  }
0x9a: {  	[sflag:s26] =	ssyncadd.s32 $0xFFFFE000  }
0x9b: {  	[tilespmem:s10], [sflag:$0x5] =	stream.indirect.gather [spmem:s2], $0x40, s9, s6, $0xb8;
	[tilespmem:$0x1AC00] =	vst v63  }
0x9c: {  	s15 =	rddreg [dreg:$0x10]  }
0x9d: {  	[tilespmem:s0], [sflag:$0x3] =	stream.linear.gather [hbm4b:s15+s9], $0x100, $0x38;
	[tilespmem:$0x1AC00] =	vst v63  }
0x9e: {  	_ =	swait.ge [sflag:s5], $0x2000  }
0x9f: {  	[sflag:s5] =	ssyncset.done $0x0  }
0xa0: {  	[sflag:s5] =	ssyncadd.s32 $0xFFFFE000  }
0xa1: {  	[spmem:s3] =	stream.indirect.scatter.add.f32 [tilespmem:s7], [sflag:$0x8], $0x40, s14, s6, $0xb8;
	[tilespmem:$0x1AC00] =	vst v63  }
0xa2: {  	v2 =	vld [tilespmem:$0x380];
	_ =	sdelay $0x7  }
0xa3: {  	[tilespmem:v2+s24+$0x0] =	vst.idx.add.f32.msk $0xffff, v1  }
0xa4: {  	v2 =	vld [tilespmem:$0x390];
	_ =	sdelay $0x7  }
0xa5: {  	[tilespmem:v2+s24+$0x0] =	vst.idx.add.f32.msk $0xffff, v1  }
0xa6: {  	v2 =	vld [tilespmem:$0x3A0];
	_ =	sdelay $0x7  }
0xa7: {  	[tilespmem:v2+s24+$0x0] =	vst.idx.add.f32.msk $0xffff, v1  }
0xa8: {  	v2 =	vld [tilespmem:$0x3B0];
	_ =	sdelay $0x7  }
0xa9: {  	[tilespmem:v2+s24+$0x0] =	vst.idx.add.f32.msk $0xffff, v1  }
0xaa: {  	v2 =	vld [tilespmem:$0x3C0];
	_ =	sdelay $0x7  }
0xab: {  	[tilespmem:v2+s24+$0x0] =	vst.idx.add.f32.msk $0xffff, v1  }
0xac: {  	v2 =	vld [tilespmem:$0x3D0];
	_ =	sdelay $0x7  }
0xad: {  	[tilespmem:v2+s24+$0x0] =	vst.idx.add.f32.msk $0xffff, v1  }
0xae: {  	v2 =	vld [tilespmem:$0x3E0];
	_ =	sdelay $0x7  }
0xaf: {  	[tilespmem:v2+s24+$0x0] =	vst.idx.add.f32.msk $0xffff, v1  }
0xb0: {  	v2 =	vld [tilespmem:$0x3F0];
	_ =	sdelay $0x7  }
0xb1: {  	[tilespmem:v2+s24+$0x0] =	vst.idx.add.f32.msk $0xffff, v1  }
.LBB2_4:
0xb2: {  	_ =	swait.ge [sflag:s18], $0x100  }
0xb3: {  	[sflag:s18] =	ssyncset.done $0x0  }
0xb4: {  	[sflag:s18] =	ssyncadd.s32 $0xFFFFFF00  }
0xb5: {  	_ =	swait.ge [sflag:s29], $0x2000  }
0xb6: {  	[sflag:s29] =	ssyncset.done $0x0  }
0xb7: {  	[sflag:s29] =	ssyncadd.s32 $0xFFFFE000  }
0xb8: {  	[tilespmem:s7], [sflag:$0x6] =	stream.indirect.gather [spmem:s2], $0x40, s1, s6, $0xb8;
	[tilespmem:$0x1AC00] =	vst v63  }
0xb9: {  	s16 =	sadd.s32 s9, s22  }
0xba: {  	[tilespmem:s30], [sflag:$0x4] =	stream.linear.gather [hbm4b:s16+s4], $0x100, $0x38;
	[tilespmem:$0x1AC00] =	vst v63  }
0xbb: {  	_ =	swait.ge [sflag:s23], $0x2000  }
0xbc: {  	[sflag:s23] =	ssyncset.done $0x0  }
0xbd: {  	[sflag:s23] =	ssyncadd.s32 $0xFFFFE000  }
0xbe: {  	[spmem:s3] =	stream.indirect.scatter.add.f32 [tilespmem:s10], [sflag:$0x7], $0x40, s6, s6, $0xb8;
	[tilespmem:$0x1AC00] =	vst v63  }
0xbf: {  	v2 =	vld [tilespmem:$0x80];
	_ =	sdelay $0x7  }
0xc0: {  	[tilespmem:v2+s24+$0x0] =	vst.idx.add.f32.msk $0xffff, v1  }
0xc1: {  	v2 =	vld [tilespmem:$0x90];
	_ =	sdelay $0x7  }
0xc2: {  	[tilespmem:v2+s24+$0x0] =	vst.idx.add.f32.msk $0xffff, v1  }
0xc3: {  	v2 =	vld [tilespmem:$0xA0];
	_ =	sdelay $0x7  }
0xc4: {  	[tilespmem:v2+s24+$0x0] =	vst.idx.add.f32.msk $0xffff, v1  }
0xc5: {  	v2 =	vld [tilespmem:$0xB0];
	_ =	sdelay $0x7  }
0xc6: {  	[tilespmem:v2+s24+$0x0] =	vst.idx.add.f32.msk $0xffff, v1  }
0xc7: {  	v2 =	vld [tilespmem:$0xC0];
	_ =	sdelay $0x7  }
0xc8: {  	[tilespmem:v2+s24+$0x0] =	vst.idx.add.f32.msk $0xffff, v1  }
0xc9: {  	v2 =	vld [tilespmem:$0xD0];
	_ =	sdelay $0x7  }
0xca: {  	[tilespmem:v2+s24+$0x0] =	vst.idx.add.f32.msk $0xffff, v1  }
0xcb: {  	v2 =	vld [tilespmem:$0xE0];
	_ =	sdelay $0x7  }
0xcc: {  	[tilespmem:v2+s24+$0x0] =	vst.idx.add.f32.msk $0xffff, v1  }
0xcd: {  	v2 =	vld [tilespmem:$0xF0];
	_ =	sdelay $0x7  }
0xce: {  	[tilespmem:v2+s24+$0x0] =	vst.idx.add.f32.msk $0xffff, v1  }
0xcf: {  	_ =	swait.ge [sflag:s25], $0x100  }
0xd0: {  	[sflag:s25] =	ssyncset.done $0x0  }
0xd1: {  	[sflag:s25] =	ssyncadd.s32 $0xFFFFFF00  }
0xd2: {  	_ =	swait.ge [sflag:s26], $0x2000  }
0xd3: {  	[sflag:s26] =	ssyncset.done $0x0  }
0xd4: {  	[sflag:s26] =	ssyncadd.s32 $0xFFFFE000  }
0xd5: {  	[tilespmem:s10], [sflag:$0x5] =	stream.indirect.gather [spmem:s2], $0x40, s0, s6, $0xb8;
	[tilespmem:$0x1AC00] =	vst v63  }
0xd6: {  	s15 =	sadd.s32 s9, s21  }
0xd7: {  	[tilespmem:s4], [sflag:$0x1] =	stream.linear.gather [hbm4b:s15+s4], $0x100, $0x38;
	[tilespmem:$0x1AC00] =	vst v63  }
0xd8: {  	_ =	swait.ge [sflag:s5], $0x2000  }
0xd9: {  	[sflag:s5] =	ssyncset.done $0x0  }
0xda: {  	[sflag:s5] =	ssyncadd.s32 $0xFFFFE000  }
0xdb: {  	[spmem:s3] =	stream.indirect.scatter.add.f32 [tilespmem:s7], [sflag:$0x8], $0x40, s11, s6, $0xb8;
	[tilespmem:$0x1AC00] =	vst v63  }
0xdc: {  	v2 =	vld [tilespmem:$0x180];
	_ =	sdelay $0x7  }
0xdd: {  	[tilespmem:v2+s24+$0x0] =	vst.idx.add.f32.msk $0xffff, v1  }
0xde: {  	v2 =	vld [tilespmem:$0x190];
	_ =	sdelay $0x7  }
0xdf: {  	[tilespmem:v2+s24+$0x0] =	vst.idx.add.f32.msk $0xffff, v1  }
0xe0: {  	v2 =	vld [tilespmem:$0x1A0];
	_ =	sdelay $0x7  }
0xe1: {  	[tilespmem:v2+s24+$0x0] =	vst.idx.add.f32.msk $0xffff, v1  }
0xe2: {  	v2 =	vld [tilespmem:$0x1B0];
	_ =	sdelay $0x7  }
0xe3: {  	[tilespmem:v2+s24+$0x0] =	vst.idx.add.f32.msk $0xffff, v1  }
0xe4: {  	v2 =	vld [tilespmem:$0x1C0];
	_ =	sdelay $0x7  }
0xe5: {  	[tilespmem:v2+s24+$0x0] =	vst.idx.add.f32.msk $0xffff, v1  }
0xe6: {  	v2 =	vld [tilespmem:$0x1D0];
	_ =	sdelay $0x7  }
0xe7: {  	[tilespmem:v2+s24+$0x0] =	vst.idx.add.f32.msk $0xffff, v1  }
0xe8: {  	v2 =	vld [tilespmem:$0x1E0];
	_ =	sdelay $0x7  }
0xe9: {  	[tilespmem:v2+s24+$0x0] =	vst.idx.add.f32.msk $0xffff, v1  }
0xea: {  	v2 =	vld [tilespmem:$0x1F0];
	_ =	sdelay $0x7  }
0xeb: {  	[tilespmem:v2+s24+$0x0] =	vst.idx.add.f32.msk $0xffff, v1  }
0xec: {  	_ =	swait.ge [sflag:s12], $0x100  }
0xed: {  	[sflag:s12] =	ssyncset.done $0x0  }
0xee: {  	[sflag:s12] =	ssyncadd.s32 $0xFFFFFF00  }
0xef: {  	_ =	swait.ge [sflag:s29], $0x2000  }
0xf0: {  	[sflag:s29] =	ssyncset.done $0x0  }
0xf1: {  	[sflag:s29] =	ssyncadd.s32 $0xFFFFE000  }
0xf2: {  	[tilespmem:s7], [sflag:$0x6] =	stream.indirect.gather [spmem:s2], $0x40, s30, s6, $0xb8;
	[tilespmem:$0x1AC00] =	vst v63  }
0xf3: {  	s8 =	sadd.s32 s9, s20  }
0xf4: {  	[tilespmem:s1], [sflag:$0x2] =	stream.linear.gather [hbm4b:s8+s4], $0x100, $0x38;
	[tilespmem:$0x1AC00] =	vst v63  }
0xf5: {  	_ =	swait.ge [sflag:s23], $0x2000  }
0xf6: {  	[sflag:s23] =	ssyncset.done $0x0  }
0xf7: {  	[sflag:s23] =	ssyncadd.s32 $0xFFFFE000  }
0xf8: {  	[spmem:s3] =	stream.indirect.scatter.add.f32 [tilespmem:s10], [sflag:$0x7], $0x40, s13, s6, $0xb8;
	[tilespmem:$0x1AC00] =	vst v63  }
0xf9: {  	v2 =	vld [tilespmem:$0x280];
	_ =	sdelay $0x7  }
0xfa: {  	[tilespmem:v2+s24+$0x0] =	vst.idx.add.f32.msk $0xffff, v1  }
0xfb: {  	v2 =	vld [tilespmem:$0x290];
	_ =	sdelay $0x7  }
0xfc: {  	[tilespmem:v2+s24+$0x0] =	vst.idx.add.f32.msk $0xffff, v1  }
0xfd: {  	v2 =	vld [tilespmem:$0x2A0];
	_ =	sdelay $0x7  }
0xfe: {  	[tilespmem:v2+s24+$0x0] =	vst.idx.add.f32.msk $0xffff, v1  }
0xff: {  	v2 =	vld [tilespmem:$0x2B0];
	_ =	sdelay $0x7  }
0x100: {  	[tilespmem:v2+s24+$0x0] =	vst.idx.add.f32.msk $0xffff, v1  }
0x101: {  	v2 =	vld [tilespmem:$0x2C0];
	_ =	sdelay $0x7  }
0x102: {  	[tilespmem:v2+s24+$0x0] =	vst.idx.add.f32.msk $0xffff, v1  }
0x103: {  	v2 =	vld [tilespmem:$0x2D0];
	_ =	sdelay $0x7  }
0x104: {  	[tilespmem:v2+s24+$0x0] =	vst.idx.add.f32.msk $0xffff, v1  }
0x105: {  	v2 =	vld [tilespmem:$0x2E0];
	_ =	sdelay $0x7  }
0x106: {  	[tilespmem:v2+s24+$0x0] =	vst.idx.add.f32.msk $0xffff, v1  }
0x107: {  	v2 =	vld [tilespmem:$0x2F0];
	_ =	sdelay $0x7  }
0x108: {  	[tilespmem:v2+s24+$0x0] =	vst.idx.add.f32.msk $0xffff, v1  }
0x109: {  	_ =	swait.ge [sflag:s28], $0x100  }
0x10a: {  	[sflag:s28] =	ssyncset.done $0x0  }
0x10b: {  	[sflag:s28] =	ssyncadd.s32 $0xFFFFFF00  }
0x10c: {  	_ =	swait.ge [sflag:s26], $0x2000  }
0x10d: {  	[sflag:s26] =	ssyncset.done $0x0  }
0x10e: {  	[sflag:s26] =	ssyncadd.s32 $0xFFFFE000  }
0x10f: {  	[tilespmem:s10], [sflag:$0x5] =	stream.indirect.gather [spmem:s2], $0x40, s4, s6, $0xb8;
	[tilespmem:$0x1AC00] =	vst v63  }
0x110: {  	s15 =	sadd.s32 s9, s19  }
0x111: {  	[tilespmem:s0], [sflag:$0x3] =	stream.linear.gather [hbm4b:s15+s4], $0x100, $0x38;
	[tilespmem:$0x1AC00] =	vst v63  }
0x112: {  	_ =	swait.ge [sflag:s5], $0x2000  }
0x113: {  	[sflag:s5] =	ssyncset.done $0x0  }
0x114: {  	[sflag:s5] =	ssyncadd.s32 $0xFFFFE000  }
0x115: {  	[spmem:s3] =	stream.indirect.scatter.add.f32 [tilespmem:s7], [sflag:$0x8], $0x40, s14, s6, $0xb8;
	[tilespmem:$0x1AC00] =	vst v63  }
0x116: {  	v2 =	vld [tilespmem:$0x380];
	_ =	sdelay $0x7  }
0x117: {  	[tilespmem:v2+s24+$0x0] =	vst.idx.add.f32.msk $0xffff, v1  }
0x118: {  	v2 =	vld [tilespmem:$0x390];
	_ =	sdelay $0x7  }
0x119: {  	[tilespmem:v2+s24+$0x0] =	vst.idx.add.f32.msk $0xffff, v1  }
0x11a: {  	v2 =	vld [tilespmem:$0x3A0];
	_ =	sdelay $0x7  }
0x11b: {  	[tilespmem:v2+s24+$0x0] =	vst.idx.add.f32.msk $0xffff, v1  }
0x11c: {  	v2 =	vld [tilespmem:$0x3B0];
	_ =	sdelay $0x7  }
0x11d: {  	[tilespmem:v2+s24+$0x0] =	vst.idx.add.f32.msk $0xffff, v1  }
0x11e: {  	v2 =	vld [tilespmem:$0x3C0];
	_ =	sdelay $0x7  }
0x11f: {  	[tilespmem:v2+s24+$0x0] =	vst.idx.add.f32.msk $0xffff, v1  }
0x120: {  	v2 =	vld [tilespmem:$0x3D0];
	_ =	sdelay $0x7  }
0x121: {  	[tilespmem:v2+s24+$0x0] =	vst.idx.add.f32.msk $0xffff, v1  }
0x122: {  	v2 =	vld [tilespmem:$0x3E0];
	_ =	sdelay $0x7  }
0x123: {  	[tilespmem:v2+s24+$0x0] =	vst.idx.add.f32.msk $0xffff, v1  }
0x124: {  	v2 =	vld [tilespmem:$0x3F0];
	_ =	sdelay $0x2  }
0x125: {  	p0 =	sne.s32 s9, $0x880  }
.Ltmp1:
0x126: {  	_ = 	snop;
	(pc) =	sbr.rel @p0 .LBB2_4-.Ltmp1, $2  }
0x127: {  	_ =	sdelay $0x2  }
0x128: {  	s9 =	sadd.s32 $0x80, s9;
	[tilespmem:v2+s24+$0x0] =	vst.idx.add.f32.msk $0xffff, v1  }
0x129: {  	_ =	swait.ge [sflag:s18], $0x100  }
0x12a: {  	[sflag:s18] =	ssyncset.done $0x0  }
0x12b: {  	[sflag:s18] =	ssyncadd.s32 $0xFFFFFF00  }
0x12c: {  	_ =	swait.ge [sflag:s29], $0x2000  }
0x12d: {  	[sflag:s29] =	ssyncset.done $0x0  }
0x12e: {  	[sflag:s29] =	ssyncadd.s32 $0xFFFFE000  }
0x12f: {  	[tilespmem:s7], [sflag:$0x6] =	stream.indirect.gather [spmem:s2], $0x40, s1, s6, $0xb8;
	[tilespmem:$0x1AC00] =	vst v63  }
0x130: {  	s9 =	simm.s32 $0x0;
	s16 =	rddreg [dreg:$0x11]  }
0x131: {  	[tilespmem:s30], [sflag:$0x4] =	stream.linear.gather [hbm4b:s16+s9], $0x100, $0x38;
	[tilespmem:$0x1AC00] =	vst v63  }
0x132: {  	_ =	swait.ge [sflag:s23], $0x2000  }
0x133: {  	[sflag:s23] =	ssyncset.done $0x0  }
0x134: {  	[sflag:s23] =	ssyncadd.s32 $0xFFFFE000  }
0x135: {  	[spmem:s3] =	stream.indirect.scatter.add.f32 [tilespmem:s10], [sflag:$0x7], $0x40, s6, s6, $0xb8;
	[tilespmem:$0x1AC00] =	vst v63  }
0x136: {  	v2 =	vld [tilespmem:$0x80];
	_ =	sdelay $0x7  }
0x137: {  	[tilespmem:v2+s24+$0x0] =	vst.idx.add.f32.msk $0xffff, v1  }
0x138: {  	v2 =	vld [tilespmem:$0x90];
	_ =	sdelay $0x7  }
0x139: {  	[tilespmem:v2+s24+$0x0] =	vst.idx.add.f32.msk $0xffff, v1  }
0x13a: {  	v2 =	vld [tilespmem:$0xA0];
	_ =	sdelay $0x7  }
0x13b: {  	[tilespmem:v2+s24+$0x0] =	vst.idx.add.f32.msk $0xffff, v1  }
0x13c: {  	v2 =	vld [tilespmem:$0xB0];
	_ =	sdelay $0x7  }
0x13d: {  	[tilespmem:v2+s24+$0x0] =	vst.idx.add.f32.msk $0xffff, v1  }
0x13e: {  	v2 =	vld [tilespmem:$0xC0];
	_ =	sdelay $0x7  }
0x13f: {  	[tilespmem:v2+s24+$0x0] =	vst.idx.add.f32.msk $0xffff, v1  }
0x140: {  	v2 =	vld [tilespmem:$0xD0];
	_ =	sdelay $0x7  }
0x141: {  	[tilespmem:v2+s24+$0x0] =	vst.idx.add.f32.msk $0xffff, v1  }
0x142: {  	v2 =	vld [tilespmem:$0xE0];
	_ =	sdelay $0x7  }
0x143: {  	[tilespmem:v2+s24+$0x0] =	vst.idx.add.f32.msk $0xffff, v1  }
0x144: {  	v2 =	vld [tilespmem:$0xF0];
	_ =	sdelay $0x7  }
0x145: {  	[tilespmem:v2+s24+$0x0] =	vst.idx.add.f32.msk $0xffff, v1  }
0x146: {  	_ =	swait.ge [sflag:s25], $0x100  }
0x147: {  	[sflag:s25] =	ssyncset.done $0x0  }
0x148: {  	[sflag:s25] =	ssyncadd.s32 $0xFFFFFF00  }
0x149: {  	_ =	swait.ge [sflag:s26], $0x2000  }
0x14a: {  	[sflag:s26] =	ssyncset.done $0x0  }
0x14b: {  	[sflag:s26] =	ssyncadd.s32 $0xFFFFE000  }
0x14c: {  	[tilespmem:s10], [sflag:$0x5] =	stream.indirect.gather [spmem:s2], $0x40, s0, s6, $0xb8;
	[tilespmem:$0x1AC00] =	vst v63  }
0x14d: {  	_ =	swait.ge [sflag:s5], $0x2000  }
0x14e: {  	[sflag:s5] =	ssyncset.done $0x0  }
0x14f: {  	[sflag:s5] =	ssyncadd.s32 $0xFFFFE000  }
0x150: {  	[spmem:s3] =	stream.indirect.scatter.add.f32 [tilespmem:s7], [sflag:$0x8], $0x40, s11, s6, $0xb8;
	[tilespmem:$0x1AC00] =	vst v63  }
0x151: {  	v2 =	vld [tilespmem:$0x180];
	_ =	sdelay $0x7  }
0x152: {  	[tilespmem:v2+s24+$0x0] =	vst.idx.add.f32.msk $0xffff, v1  }
0x153: {  	v2 =	vld [tilespmem:$0x190];
	_ =	sdelay $0x7  }
0x154: {  	[tilespmem:v2+s24+$0x0] =	vst.idx.add.f32.msk $0xffff, v1  }
0x155: {  	v2 =	vld [tilespmem:$0x1A0];
	_ =	sdelay $0x7  }
0x156: {  	[tilespmem:v2+s24+$0x0] =	vst.idx.add.f32.msk $0xffff, v1  }
0x157: {  	v2 =	vld [tilespmem:$0x1B0];
	_ =	sdelay $0x7  }
0x158: {  	[tilespmem:v2+s24+$0x0] =	vst.idx.add.f32.msk $0xffff, v1  }
0x159: {  	v2 =	vld [tilespmem:$0x1C0];
	_ =	sdelay $0x7  }
0x15a: {  	[tilespmem:v2+s24+$0x0] =	vst.idx.add.f32.msk $0xffff, v1  }
0x15b: {  	v2 =	vld [tilespmem:$0x1D0];
	_ =	sdelay $0x7  }
0x15c: {  	[tilespmem:v2+s24+$0x0] =	vst.idx.add.f32.msk $0xffff, v1  }
0x15d: {  	v2 =	vld [tilespmem:$0x1E0];
	_ =	sdelay $0x7  }
0x15e: {  	[tilespmem:v2+s24+$0x0] =	vst.idx.add.f32.msk $0xffff, v1  }
0x15f: {  	v2 =	vld [tilespmem:$0x1F0];
	_ =	sdelay $0x7  }
0x160: {  	[tilespmem:v2+s24+$0x0] =	vst.idx.add.f32.msk $0xffff, v1  }
0x161: {  	_ =	swait.ge [sflag:s12], $0x100  }
0x162: {  	[sflag:s12] =	ssyncset.done $0x0  }
0x163: {  	[sflag:s12] =	ssyncadd.s32 $0xFFFFFF00  }
0x164: {  	_ =	swait.ge [sflag:s29], $0x2000  }
0x165: {  	[sflag:s29] =	ssyncset.done $0x0  }
0x166: {  	[sflag:s29] =	ssyncadd.s32 $0xFFFFE000  }
0x167: {  	[tilespmem:s7], [sflag:$0x6] =	stream.indirect.gather [spmem:s2], $0x40, s30, s6, $0xb8;
	[tilespmem:$0x1AC00] =	vst v63  }
0x168: {  	_ =	swait.ge [sflag:s23], $0x2000  }
0x169: {  	[sflag:s23] =	ssyncset.done $0x0  }
0x16a: {  	[sflag:s23] =	ssyncadd.s32 $0xFFFFE000  }
0x16b: {  	[spmem:s3] =	stream.indirect.scatter.add.f32 [tilespmem:s10], [sflag:$0x7], $0x40, s13, s6, $0xb8;
	[tilespmem:$0x1AC00] =	vst v63  }
0x16c: {  	v2 =	vld [tilespmem:$0x280];
	_ =	sdelay $0x7  }
0x16d: {  	[tilespmem:v2+s24+$0x0] =	vst.idx.add.f32.msk $0xffff, v1  }
0x16e: {  	v2 =	vld [tilespmem:$0x290];
	_ =	sdelay $0x7  }
0x16f: {  	[tilespmem:v2+s24+$0x0] =	vst.idx.add.f32.msk $0xffff, v1  }
0x170: {  	v2 =	vld [tilespmem:$0x2A0];
	_ =	sdelay $0x7  }
0x171: {  	[tilespmem:v2+s24+$0x0] =	vst.idx.add.f32.msk $0xffff, v1  }
0x172: {  	v2 =	vld [tilespmem:$0x2B0];
	_ =	sdelay $0x7  }
0x173: {  	[tilespmem:v2+s24+$0x0] =	vst.idx.add.f32.msk $0xffff, v1  }
0x174: {  	v2 =	vld [tilespmem:$0x2C0];
	_ =	sdelay $0x7  }
0x175: {  	[tilespmem:v2+s24+$0x0] =	vst.idx.add.f32.msk $0xffff, v1  }
0x176: {  	v2 =	vld [tilespmem:$0x2D0];
	_ =	sdelay $0x7  }
0x177: {  	[tilespmem:v2+s24+$0x0] =	vst.idx.add.f32.msk $0xffff, v1  }
0x178: {  	v2 =	vld [tilespmem:$0x2E0];
	_ =	sdelay $0x7  }
0x179: {  	[tilespmem:v2+s24+$0x0] =	vst.idx.add.f32.msk $0xffff, v1  }
0x17a: {  	v2 =	vld [tilespmem:$0x2F0];
	_ =	sdelay $0x7  }
0x17b: {  	[tilespmem:v2+s24+$0x0] =	vst.idx.add.f32.msk $0xffff, v1  }
0x17c: {  	_ =	swait.ge [sflag:s26], $0x2000  }
0x17d: {  	[sflag:s26] =	ssyncset.done $0x0  }
0x17e: {  	[sflag:s26] =	ssyncadd.s32 $0xFFFFE000  }
0x17f: {  	_ =	swait.ge [sflag:s5], $0x2000  }
0x180: {  	[sflag:s5] =	ssyncset.done $0x0  }
0x181: {  	[sflag:s5] =	ssyncadd.s32 $0xFFFFE000  }
0x182: {  	[spmem:s3] =	stream.indirect.scatter.add.f32 [tilespmem:s7], [sflag:$0x8], $0x40, s14, s6, $0xb8;
	[tilespmem:$0x1AC00] =	vst v63  }
0x183: {  	v2 =	vld [tilespmem:$0x380];
	_ =	sdelay $0x7  }
0x184: {  	[tilespmem:v2+s24+$0x0] =	vst.idx.add.f32.msk $0xffff, v1  }
0x185: {  	v2 =	vld [tilespmem:$0x390];
	_ =	sdelay $0x7  }
0x186: {  	[tilespmem:v2+s24+$0x0] =	vst.idx.add.f32.msk $0xffff, v1  }
0x187: {  	v2 =	vld [tilespmem:$0x3A0];
	_ =	sdelay $0x7  }
0x188: {  	[tilespmem:v2+s24+$0x0] =	vst.idx.add.f32.msk $0xffff, v1  }
0x189: {  	v2 =	vld [tilespmem:$0x3B0];
	_ =	sdelay $0x7  }
0x18a: {  	[tilespmem:v2+s24+$0x0] =	vst.idx.add.f32.msk $0xffff, v1  }
0x18b: {  	v2 =	vld [tilespmem:$0x3C0];
	_ =	sdelay $0x7  }
0x18c: {  	[tilespmem:v2+s24+$0x0] =	vst.idx.add.f32.msk $0xffff, v1  }
0x18d: {  	v2 =	vld [tilespmem:$0x3D0];
	_ =	sdelay $0x7  }
0x18e: {  	[tilespmem:v2+s24+$0x0] =	vst.idx.add.f32.msk $0xffff, v1  }
0x18f: {  	v2 =	vld [tilespmem:$0x3E0];
	_ =	sdelay $0x7  }
0x190: {  	[tilespmem:v2+s24+$0x0] =	vst.idx.add.f32.msk $0xffff, v1  }
0x191: {  	v2 =	vld [tilespmem:$0x3F0];
	_ =	sdelay $0x7  }
0x192: {  	[tilespmem:v2+s24+$0x0] =	vst.idx.add.f32.msk $0xffff, v1  }
0x193: {  	_ =	swait.ge [sflag:s29], $0x2000  }
0x194: {  	[sflag:s29] =	ssyncset.done $0x0  }
0x195: {  	[sflag:s29] =	ssyncadd.s32 $0xFFFFE000  }
0x196: {  	[bflag:$0x0] =	sbarrier.arrive $0xFFFF  }
0x197: {  	s16 =	rddreg [dreg:$0x13]  }
0x198: {  	s15 =	rddreg [dreg:$0x17]  }
0x199: {  	[hbm:s16], [sflag:s17] =	dma.local [spmem:s15], $0x1400  }
0x19a: {  	_ =	swait.ge [sflag:s31], $0x1400  }
0x19b: {  	[sflag:s31] =	ssyncset.done $0x0  }
0x19c: {  	[sflag:s31] =	ssyncadd.s32 $0xFFFFEC00  }
0x19d: {  	[bflag:$0x0] =	sbarrier.arrive $0xFFFF  }
0x19e: {  	s16 =	rddreg [dreg:$0x16]  }
0x19f: {  	s8 =	smov.u32 s17;
	s17 =	simm.s32 $0x10;
	s31 =	rddreg [dreg:$0x19]  }
0x1a0: {  	[spmem:s31@s29], [sflag:s8] =	dma.strided [hbm:s16@s17], $0x1400, s28, $0x8   }
0x1a1: {  	s31 =	simm.s32 $0x9  }
0x1a2: {  	_ =	swait.ge [sflag:s31], $0x1400  }
0x1a3: {  	[sflag:s31] =	ssyncset.done $0x0  }
0x1a4: {  	s17 =	rddreg [dreg:$0x6];
	[sflag:s31] =	ssyncadd.s32 $0xFFFFEC00  }
0x1a5: {  	[spmem:s15], [sflag:s8] =	dma.local [hbm:s17], $0x1400  }
0x1a6: {  	_ =	swait.ge [sflag:s31], $0x1400  }
0x1a7: {  	[sflag:s31] =	ssyncset.done $0x0  }
0x1a8: {  	s15 =	rddreg [dreg:$0x9];
	[sflag:s31] =	ssyncadd.s32 $0xFFFFEC00  }
0x1a9: {  	[tilespmem:s9], [sflag:$0x1] =	stream.linear.gather [hbm4b:s15+s9], $0x100, $0x38;
	[tilespmem:$0x1AC00] =	vst v63  }
0x1aa: {  	s17 =	rddreg [dreg:$0xb]  }
0x1ab: {  	[tilespmem:s1], [sflag:$0x2] =	stream.linear.gather [hbm4b:s17+s9], $0x100, $0x38;
	[tilespmem:$0x1AC00] =	vst v63  }
0x1ac: {  	s15 =	rddreg [dreg:$0xc]  }
0x1ad: {  	[tilespmem:s0], [sflag:$0x3] =	stream.linear.gather [hbm4b:s15+s9], $0x100, $0x38;
	[tilespmem:$0x1AC00] =	vst v63  }
0x1ae: {  	_ =	swait.ge [sflag:s28], $0x100  }
0x1af: {  	[sflag:s28] =	ssyncset.done $0x0  }
0x1b0: {  	[sflag:s28] =	ssyncadd.s32 $0xFFFFFF00  }
0x1b1: {  	[bflag:$0x0] =	sbarrier.arrive $0xFFFF  }
0x1b2: {  	[tilespmem:s10], [sflag:$0x5] =	stream.indirect.gather [spmem:s2], $0x40, s9, s6, $0xb8;
	[tilespmem:$0x1AC00] =	vst v63  }
0x1b3: {  	_ =	swait.ge [sflag:s18], $0x100  }
0x1b4: {  	[sflag:s18] =	ssyncset.done $0x0  }
0x1b5: {  	[sflag:s18] =	ssyncadd.s32 $0xFFFFFF00  }
0x1b6: {  	[tilespmem:s7], [sflag:$0x6] =	stream.indirect.gather [spmem:s2], $0x40, s1, s6, $0xb8;
	[tilespmem:$0x1AC00] =	vst v63  }
0x1b7: {  	s17 =	rddreg [dreg:$0xd]  }
0x1b8: {  	[tilespmem:s30], [sflag:$0x4] =	stream.linear.gather [hbm4b:s17+s9], $0x100, $0x38;
	[tilespmem:$0x1AC00] =	vst v63  }
0x1b9: {  	_ =	swait.ge [sflag:s23], $0x2000  }
0x1ba: {  	[sflag:s23] =	ssyncset.done $0x0  }
0x1bb: {  	[sflag:s23] =	ssyncadd.s32 $0xFFFFE000  }
0x1bc: {  	[spmem:s3] =	stream.indirect.scatter.add.f32 [tilespmem:s10], [sflag:$0x7], $0x40, s6, s6, $0xb8;
	[tilespmem:$0x1AC00] =	vst v63  }
0x1bd: {  	_ =	swait.ge [sflag:s25], $0x100  }
0x1be: {  	[sflag:s25] =	ssyncset.done $0x0  }
0x1bf: {  	[sflag:s25] =	ssyncadd.s32 $0xFFFFFF00  }
0x1c0: {  	_ =	swait.ge [sflag:s26], $0x2000  }
0x1c1: {  	[sflag:s26] =	ssyncset.done $0x0  }
0x1c2: {  	[sflag:s26] =	ssyncadd.s32 $0xFFFFE000  }
0x1c3: {  	[tilespmem:s10], [sflag:$0x5] =	stream.indirect.gather [spmem:s2], $0x40, s0, s6, $0xb8;
	[tilespmem:$0x1AC00] =	vst v63  }
0x1c4: {  	s15 =	rddreg [dreg:$0xe]  }
0x1c5: {  	[tilespmem:s9], [sflag:$0x1] =	stream.linear.gather [hbm4b:s15+s9], $0x100, $0x38;
	[tilespmem:$0x1AC00] =	vst v63  }
0x1c6: {  	_ =	swait.ge [sflag:s5], $0x2000  }
0x1c7: {  	[sflag:s5] =	ssyncset.done $0x0  }
0x1c8: {  	[sflag:s5] =	ssyncadd.s32 $0xFFFFE000  }
0x1c9: {  	[spmem:s3] =	stream.indirect.scatter.add.f32 [tilespmem:s7], [sflag:$0x8], $0x40, s11, s6, $0xb8;
	[tilespmem:$0x1AC00] =	vst v63  }
0x1ca: {  	_ =	swait.ge [sflag:s12], $0x100  }
0x1cb: {  	[sflag:s12] =	ssyncset.done $0x0  }
0x1cc: {  	[sflag:s12] =	ssyncadd.s32 $0xFFFFFF00  }
0x1cd: {  	_ =	swait.ge [sflag:s29], $0x2000  }
0x1ce: {  	[sflag:s29] =	ssyncset.done $0x0  }
0x1cf: {  	[sflag:s29] =	ssyncadd.s32 $0xFFFFE000  }
0x1d0: {  	[tilespmem:s7], [sflag:$0x6] =	stream.indirect.gather [spmem:s2], $0x40, s30, s6, $0xb8;
	[tilespmem:$0x1AC00] =	vst v63  }
0x1d1: {  	s17 =	rddreg [dreg:$0xf]  }
0x1d2: {  	[tilespmem:s1], [sflag:$0x2] =	stream.linear.gather [hbm4b:s17+s9], $0x100, $0x38;
	[tilespmem:$0x1AC00] =	vst v63  }
0x1d3: {  	_ =	swait.ge [sflag:s23], $0x2000  }
0x1d4: {  	[sflag:s23] =	ssyncset.done $0x0  }
0x1d5: {  	[sflag:s23] =	ssyncadd.s32 $0xFFFFE000  }
0x1d6: {  	[spmem:s3] =	stream.indirect.scatter.add.f32 [tilespmem:s10], [sflag:$0x7], $0x40, s13, s6, $0xb8;
	[tilespmem:$0x1AC00] =	vst v63  }
0x1d7: {  	_ =	swait.ge [sflag:s28], $0x100  }
0x1d8: {  	[sflag:s28] =	ssyncset.done $0x0  }
0x1d9: {  	[sflag:s28] =	ssyncadd.s32 $0xFFFFFF00  }
0x1da: {  	_ =	swait.ge [sflag:s26], $0x2000  }
0x1db: {  	[sflag:s26] =	ssyncset.done $0x0  }
0x1dc: {  	[sflag:s26] =	ssyncadd.s32 $0xFFFFE000  }
0x1dd: {  	[tilespmem:s10], [sflag:$0x5] =	stream.indirect.gather [spmem:s2], $0x40, s9, s6, $0xb8;
	[tilespmem:$0x1AC00] =	vst v63  }
0x1de: {  	s15 =	rddreg [dreg:$0x10]  }
0x1df: {  	[tilespmem:s0], [sflag:$0x3] =	stream.linear.gather [hbm4b:s15+s9], $0x100, $0x38;
	[tilespmem:$0x1AC00] =	vst v63  }
0x1e0: {  	_ =	swait.ge [sflag:s5], $0x2000  }
0x1e1: {  	[sflag:s5] =	ssyncset.done $0x0  }
0x1e2: {  	[sflag:s5] =	ssyncadd.s32 $0xFFFFE000  }
0x1e3: {  	[spmem:s3] =	stream.indirect.scatter.add.f32 [tilespmem:s7], [sflag:$0x8], $0x40, s14, s6, $0xb8;
	[tilespmem:$0x1AC00] =	vst v63  }
0x1e4: {  	_ =	swait.ge [sflag:s18], $0x100  }
0x1e5: {  	[sflag:s18] =	ssyncset.done $0x0  }
0x1e6: {  	[sflag:s18] =	ssyncadd.s32 $0xFFFFFF00  }
0x1e7: {  	_ =	swait.ge [sflag:s29], $0x2000  }
0x1e8: {  	[sflag:s29] =	ssyncset.done $0x0  }
0x1e9: {  	[sflag:s29] =	ssyncadd.s32 $0xFFFFE000  }
0x1ea: {  	[tilespmem:s7], [sflag:$0x6] =	stream.indirect.gather [spmem:s2], $0x40, s1, s6, $0xb8;
	[tilespmem:$0x1AC00] =	vst v63  }
0x1eb: {  	s17 =	sadd.s32 $0x0, s22  }
0x1ec: {  	[tilespmem:s30], [sflag:$0x4] =	stream.linear.gather [hbm4b:s17+s4], $0x100, $0x38;
	[tilespmem:$0x1AC00] =	vst v63  }
0x1ed: {  	_ =	swait.ge [sflag:s23], $0x2000  }
0x1ee: {  	[sflag:s23] =	ssyncset.done $0x0  }
0x1ef: {  	[sflag:s23] =	ssyncadd.s32 $0xFFFFE000  }
0x1f0: {  	[spmem:s3] =	stream.indirect.scatter.add.f32 [tilespmem:s10], [sflag:$0x7], $0x40, s6, s6, $0xb8;
	[tilespmem:$0x1AC00] =	vst v63  }
0x1f1: {  	_ =	swait.ge [sflag:s25], $0x100  }
0x1f2: {  	[sflag:s25] =	ssyncset.done $0x0  }
0x1f3: {  	[sflag:s25] =	ssyncadd.s32 $0xFFFFFF00  }
0x1f4: {  	_ =	swait.ge [sflag:s26], $0x2000  }
0x1f5: {  	[sflag:s26] =	ssyncset.done $0x0  }
0x1f6: {  	[sflag:s26] =	ssyncadd.s32 $0xFFFFE000  }
0x1f7: {  	[tilespmem:s10], [sflag:$0x5] =	stream.indirect.gather [spmem:s2], $0x40, s0, s6, $0xb8;
	[tilespmem:$0x1AC00] =	vst v63  }
0x1f8: {  	s15 =	sadd.s32 $0x0, s21  }
0x1f9: {  	[tilespmem:s4], [sflag:$0x1] =	stream.linear.gather [hbm4b:s15+s4], $0x100, $0x38;
	[tilespmem:$0x1AC00] =	vst v63  }
0x1fa: {  	_ =	swait.ge [sflag:s5], $0x2000  }
0x1fb: {  	[sflag:s5] =	ssyncset.done $0x0  }
0x1fc: {  	[sflag:s5] =	ssyncadd.s32 $0xFFFFE000  }
0x1fd: {  	[spmem:s3] =	stream.indirect.scatter.add.f32 [tilespmem:s7], [sflag:$0x8], $0x40, s11, s6, $0xb8;
	[tilespmem:$0x1AC00] =	vst v63  }
0x1fe: {  	_ =	swait.ge [sflag:s12], $0x100  }
0x1ff: {  	[sflag:s12] =	ssyncset.done $0x0  }
0x200: {  	[sflag:s12] =	ssyncadd.s32 $0xFFFFFF00  }
0x201: {  	_ =	swait.ge [sflag:s29], $0x2000  }
0x202: {  	[sflag:s29] =	ssyncset.done $0x0  }
0x203: {  	[sflag:s29] =	ssyncadd.s32 $0xFFFFE000  }
0x204: {  	[tilespmem:s7], [sflag:$0x6] =	stream.indirect.gather [spmem:s2], $0x40, s30, s6, $0xb8;
	[tilespmem:$0x1AC00] =	vst v63  }
0x205: {  	s16 =	sadd.s32 $0x0, s20  }
0x206: {  	[tilespmem:s1], [sflag:$0x2] =	stream.linear.gather [hbm4b:s16+s4], $0x100, $0x38;
	[tilespmem:$0x1AC00] =	vst v63  }
0x207: {  	_ =	swait.ge [sflag:s23], $0x2000  }
0x208: {  	[sflag:s23] =	ssyncset.done $0x0  }
0x209: {  	[sflag:s23] =	ssyncadd.s32 $0xFFFFE000  }
0x20a: {  	[spmem:s3] =	stream.indirect.scatter.add.f32 [tilespmem:s10], [sflag:$0x7], $0x40, s13, s6, $0xb8;
	[tilespmem:$0x1AC00] =	vst v63  }
0x20b: {  	_ =	swait.ge [sflag:s28], $0x100  }
0x20c: {  	[sflag:s28] =	ssyncset.done $0x0  }
0x20d: {  	[sflag:s28] =	ssyncadd.s32 $0xFFFFFF00  }
0x20e: {  	_ =	swait.ge [sflag:s26], $0x2000  }
0x20f: {  	[sflag:s26] =	ssyncset.done $0x0  }
0x210: {  	[sflag:s26] =	ssyncadd.s32 $0xFFFFE000  }
0x211: {  	[tilespmem:s10], [sflag:$0x5] =	stream.indirect.gather [spmem:s2], $0x40, s4, s6, $0xb8;
	[tilespmem:$0x1AC00] =	vst v63  }
0x212: {  	s17 =	sadd.s32 $0x0, s19  }
0x213: {  	[tilespmem:s0], [sflag:$0x3] =	stream.linear.gather [hbm4b:s17+s4], $0x100, $0x38;
	[tilespmem:$0x1AC00] =	vst v63  }
0x214: {  	_ =	swait.ge [sflag:s5], $0x2000  }
0x215: {  	[sflag:s5] =	ssyncset.done $0x0  }
0x216: {  	s9 =	simm.s32 $0x80;
	[sflag:s5] =	ssyncadd.s32 $0xFFFFE000  }
.LBB2_6:
0x217: {  	[spmem:s3] =	stream.indirect.scatter.add.f32 [tilespmem:s7], [sflag:$0x8], $0x40, s14, s6, $0xb8;
	[tilespmem:$0x1AC00] =	vst v63  }
0x218: {  	s17 =	smov.u32 s9  }
0x219: {  	p0 =	sne.s32 s9, $0x880;
	s9 =	sadd.s32 $0x80, s9;
	_ =	swait.ge [sflag:s18], $0x100  }
0x21a: {  	[sflag:s18] =	ssyncset.done $0x0  }
0x21b: {  	[sflag:s18] =	ssyncadd.s32 $0xFFFFFF00  }
0x21c: {  	_ =	swait.ge [sflag:s29], $0x2000  }
0x21d: {  	[sflag:s29] =	ssyncset.done $0x0  }
0x21e: {  	[sflag:s29] =	ssyncadd.s32 $0xFFFFE000  }
0x21f: {  	[tilespmem:s7], [sflag:$0x6] =	stream.indirect.gather [spmem:s2], $0x40, s1, s6, $0xb8;
	[tilespmem:$0x1AC00] =	vst v63  }
0x220: {  	s16 =	sadd.s32 s17, s22  }
0x221: {  	[tilespmem:s30], [sflag:$0x4] =	stream.linear.gather [hbm4b:s16+s4], $0x100, $0x38;
	[tilespmem:$0x1AC00] =	vst v63  }
0x222: {  	_ =	swait.ge [sflag:s23], $0x2000  }
0x223: {  	[sflag:s23] =	ssyncset.done $0x0  }
0x224: {  	[sflag:s23] =	ssyncadd.s32 $0xFFFFE000  }
0x225: {  	[spmem:s3] =	stream.indirect.scatter.add.f32 [tilespmem:s10], [sflag:$0x7], $0x40, s6, s6, $0xb8;
	[tilespmem:$0x1AC00] =	vst v63  }
0x226: {  	_ =	swait.ge [sflag:s25], $0x100  }
0x227: {  	[sflag:s25] =	ssyncset.done $0x0  }
0x228: {  	[sflag:s25] =	ssyncadd.s32 $0xFFFFFF00  }
0x229: {  	_ =	swait.ge [sflag:s26], $0x2000  }
0x22a: {  	[sflag:s26] =	ssyncset.done $0x0  }
0x22b: {  	[sflag:s26] =	ssyncadd.s32 $0xFFFFE000  }
0x22c: {  	[tilespmem:s10], [sflag:$0x5] =	stream.indirect.gather [spmem:s2], $0x40, s0, s6, $0xb8;
	[tilespmem:$0x1AC00] =	vst v63  }
0x22d: {  	s16 =	sadd.s32 s17, s21  }
0x22e: {  	[tilespmem:s4], [sflag:$0x1] =	stream.linear.gather [hbm4b:s16+s4], $0x100, $0x38;
	[tilespmem:$0x1AC00] =	vst v63  }
0x22f: {  	_ =	swait.ge [sflag:s5], $0x2000  }
0x230: {  	[sflag:s5] =	ssyncset.done $0x0  }
0x231: {  	[sflag:s5] =	ssyncadd.s32 $0xFFFFE000  }
0x232: {  	[spmem:s3] =	stream.indirect.scatter.add.f32 [tilespmem:s7], [sflag:$0x8], $0x40, s11, s6, $0xb8;
	[tilespmem:$0x1AC00] =	vst v63  }
0x233: {  	_ =	swait.ge [sflag:s12], $0x100  }
0x234: {  	[sflag:s12] =	ssyncset.done $0x0  }
0x235: {  	[sflag:s12] =	ssyncadd.s32 $0xFFFFFF00  }
0x236: {  	_ =	swait.ge [sflag:s29], $0x2000  }
0x237: {  	[sflag:s29] =	ssyncset.done $0x0  }
0x238: {  	[sflag:s29] =	ssyncadd.s32 $0xFFFFE000  }
0x239: {  	[tilespmem:s7], [sflag:$0x6] =	stream.indirect.gather [spmem:s2], $0x40, s30, s6, $0xb8;
	[tilespmem:$0x1AC00] =	vst v63  }
0x23a: {  	s16 =	sadd.s32 s17, s20  }
0x23b: {  	[tilespmem:s1], [sflag:$0x2] =	stream.linear.gather [hbm4b:s16+s4], $0x100, $0x38;
	[tilespmem:$0x1AC00] =	vst v63  }
0x23c: {  	_ =	swait.ge [sflag:s23], $0x2000  }
0x23d: {  	[sflag:s23] =	ssyncset.done $0x0  }
0x23e: {  	[sflag:s23] =	ssyncadd.s32 $0xFFFFE000  }
0x23f: {  	[spmem:s3] =	stream.indirect.scatter.add.f32 [tilespmem:s10], [sflag:$0x7], $0x40, s13, s6, $0xb8;
	[tilespmem:$0x1AC00] =	vst v63  }
0x240: {  	_ =	swait.ge [sflag:s28], $0x100  }
0x241: {  	[sflag:s28] =	ssyncset.done $0x0  }
0x242: {  	[sflag:s28] =	ssyncadd.s32 $0xFFFFFF00  }
0x243: {  	_ =	swait.ge [sflag:s26], $0x2000  }
0x244: {  	[sflag:s26] =	ssyncset.done $0x0  }
0x245: {  	[sflag:s26] =	ssyncadd.s32 $0xFFFFE000  }
0x246: {  	[tilespmem:s10], [sflag:$0x5] =	stream.indirect.gather [spmem:s2], $0x40, s4, s6, $0xb8;
	[tilespmem:$0x1AC00] =	vst v63  }
.Ltmp2:
0x247: {  	s16 =	sadd.s32 s17, s19;
	(pc) =	sbr.rel @p0 .LBB2_6-.Ltmp2, $4  }
0x248: {  	[tilespmem:s0], [sflag:$0x3] =	stream.linear.gather [hbm4b:s16+s4], $0x100, $0x38;
	[tilespmem:$0x1AC00] =	vst v63  }
0x249: {  	_ =	swait.ge [sflag:s5], $0x2000  }
0x24a: {  	[sflag:s5] =	ssyncset.done $0x0  }
0x24b: {  	[sflag:s5] =	ssyncadd.s32 $0xFFFFE000  }
0x24c: {  	[spmem:s3] =	stream.indirect.scatter.add.f32 [tilespmem:s7], [sflag:$0x8], $0x40, s14, s6, $0xb8;
	[tilespmem:$0x1AC00] =	vst v63  }
0x24d: {  	_ =	swait.ge [sflag:s18], $0x100  }
0x24e: {  	[sflag:s18] =	ssyncset.done $0x0  }
0x24f: {  	[sflag:s18] =	ssyncadd.s32 $0xFFFFFF00  }
0x250: {  	_ =	swait.ge [sflag:s29], $0x2000  }
0x251: {  	[sflag:s29] =	ssyncset.done $0x0  }
0x252: {  	[sflag:s29] =	ssyncadd.s32 $0xFFFFE000  }
0x253: {  	[tilespmem:s7], [sflag:$0x6] =	stream.indirect.gather [spmem:s2], $0x40, s1, s6, $0xb8;
	[tilespmem:$0x1AC00] =	vst v63  }
0x254: {  	s9 =	rddreg [dreg:$0x11]  }
0x255: {  	[tilespmem:s30], [sflag:$0x4] =	stream.linear.gather [hbm4b:s9+s4], $0x100, $0x38;
	[tilespmem:$0x1AC00] =	vst v63  }
0x256: {  	_ =	swait.ge [sflag:s23], $0x2000  }
0x257: {  	[sflag:s23] =	ssyncset.done $0x0  }
0x258: {  	[sflag:s23] =	ssyncadd.s32 $0xFFFFE000  }
0x259: {  	[spmem:s3] =	stream.indirect.scatter.add.f32 [tilespmem:s10], [sflag:$0x7], $0x40, s6, s6, $0xb8;
	[tilespmem:$0x1AC00] =	vst v63  }
0x25a: {  	_ =	swait.ge [sflag:s25], $0x100  }
0x25b: {  	[sflag:s25] =	ssyncset.done $0x0  }
0x25c: {  	[sflag:s25] =	ssyncadd.s32 $0xFFFFFF00  }
0x25d: {  	_ =	swait.ge [sflag:s26], $0x2000  }
0x25e: {  	[sflag:s26] =	ssyncset.done $0x0  }
0x25f: {  	[sflag:s26] =	ssyncadd.s32 $0xFFFFE000  }
0x260: {  	[tilespmem:s10], [sflag:$0x5] =	stream.indirect.gather [spmem:s2], $0x40, s0, s6, $0xb8;
	[tilespmem:$0x1AC00] =	vst v63  }
0x261: {  	_ =	swait.ge [sflag:s5], $0x2000  }
0x262: {  	[sflag:s5] =	ssyncset.done $0x0  }
0x263: {  	[sflag:s5] =	ssyncadd.s32 $0xFFFFE000  }
0x264: {  	[spmem:s3] =	stream.indirect.scatter.add.f32 [tilespmem:s7], [sflag:$0x8], $0x40, s11, s6, $0xb8;
	[tilespmem:$0x1AC00] =	vst v63  }
0x265: {  	_ =	swait.ge [sflag:s12], $0x100  }
0x266: {  	[sflag:s12] =	ssyncset.done $0x0  }
0x267: {  	[sflag:s12] =	ssyncadd.s32 $0xFFFFFF00  }
0x268: {  	_ =	swait.ge [sflag:s29], $0x2000  }
0x269: {  	[sflag:s29] =	ssyncset.done $0x0  }
0x26a: {  	[sflag:s29] =	ssyncadd.s32 $0xFFFFE000  }
0x26b: {  	[tilespmem:s7], [sflag:$0x6] =	stream.indirect.gather [spmem:s2], $0x40, s30, s6, $0xb8;
	[tilespmem:$0x1AC00] =	vst v63  }
0x26c: {  	_ =	swait.ge [sflag:s23], $0x2000  }
0x26d: {  	[sflag:s23] =	ssyncset.done $0x0  }
0x26e: {  	[sflag:s23] =	ssyncadd.s32 $0xFFFFE000  }
0x26f: {  	[spmem:s3] =	stream.indirect.scatter.add.f32 [tilespmem:s10], [sflag:$0x7], $0x40, s13, s6, $0xb8;
	[tilespmem:$0x1AC00] =	vst v63  }
0x270: {  	_ =	swait.ge [sflag:s26], $0x2000  }
0x271: {  	[sflag:s26] =	ssyncset.done $0x0  }
0x272: {  	[sflag:s26] =	ssyncadd.s32 $0xFFFFE000  }
0x273: {  	_ =	swait.ge [sflag:s5], $0x2000  }
0x274: {  	[sflag:s5] =	ssyncset.done $0x0  }
0x275: {  	[sflag:s5] =	ssyncadd.s32 $0xFFFFE000  }
0x276: {  	[spmem:s3] =	stream.indirect.scatter.add.f32 [tilespmem:s7], [sflag:$0x8], $0x40, s14, s6, $0xb8;
	[tilespmem:$0x1AC00] =	vst v63  }
0x277: {  	_ =	swait.ge [sflag:s29], $0x2000  }
0x278: {  	[sflag:s29] =	ssyncset.done $0x0  }
0x279: {  	[sflag:s29] =	ssyncadd.s32 $0xFFFFE000  }
0x27a: {  	[bflag:$0x0] =	sbarrier.arrive $0xFFFF  }
0x27b: {  	s15 =	rddreg [dreg:$0x14]  }
0x27c: {  	s16 =	rddreg [dreg:$0x17]  }
0x27d: {  	[hbm:s15], [sflag:s8] =	dma.local [spmem:s16], $0x1400  }
0x27e: {  	_ =	swait.ge [sflag:s31], $0x1400  }
0x27f: {  	[sflag:s31] =	ssyncset.done $0x0  }
0x280: {  	s16 =	rddreg [dreg:$0x12];
	[sflag:s31] =	ssyncadd.s32 $0xFFFFEC00  }
0x281: {  	[hbm4b:s16+s4] =	stream.linear.scatter [tilespmem:s24], [sflag:$0x9], $0x2800, $0x38;
	[tilespmem:$0x1AC00] =	vst v63  }
0x282: {  	_ =	swait.ge [sflag:s31], $0x2800  }
0x283: {  	s15 =	rddreg [dreg:$0x18]  }
0x284: {  	s17 =	rddreg [dreg:$0x15];
	s15 =	sadd.s32 $0x1, s15  }
0x285: {  	p0 =	sne.s32 s15, s17  }
.Ltmp3:
0x286: {  	_ = 	snop;
	(pc) =	sbr.rel @p0 .LBB2_1-.Ltmp3, $3  }
0x287: {  	_ =	sdelay $0x1  }
0x288: {  	[sflag:s31] =	ssyncset.done $0x0  }
0x289: {  	[sflag:s31] =	ssyncadd.s32 $0xFFFFD800  }
0x28a: {  	_ =	sfence.sel $0x180000  }
0x28b: {  	[bflag:$0x0] =	sbarrier.arrive $0xFFFF  }
0x28c: {  	_ =	strace $0x90000047  }
0x28d: {  	s0 =	stileid.u32;
	[bflag:$0x2] =	sbarrier.arrive $0xFFFF  }
0x28e: {  	p0 =	sne.s32 s0, $0x0;
	s0 =	rddreg [dreg:$0x5]  }
0x28f: {  	s0 =	sadd.s32 @!p0 $0x100000, s0  }
0x290: {  	[sflag:s0] =	ssyncadd.tile.s32 @!p0 $0x1;
	_ =	shalt  }
.Lfunc_end2:
_tile_overlayer_lowered:
.L_overlay_start_2:
0x291: {  	(tag) =	ssettag $0x2  }
0x292: {  	s0 =	rddreg [dreg:$0x0];
	s2 =	stileid.u32  }
0x293: {  	s1 =	rddreg [dreg:$0x1];
	p0 =	sne.s32 s2, $0x0  }
0x294: {  	s3 =	rddreg [dreg:$0x2];
	[bflag:$0x3] =	sbarrier.arrive $0xFFFF;
	s2 =	simm.s32 @!p0 $0x1C09  }
0x295: {  	[timem:s3], [sflag:s2] =	dma.local @!p0 [hbm:s0], s1  }
0x296: {  	s0 =	simm.s32 @!p0 $0x9  }
0x297: {  	_ =	swait.ge @!p0 [sflag:s0], s1  }
0x298: {  	s1 =	ssub.s32 @!p0 $0x0, s1;
	[sflag:s0] =	ssyncset.done @!p0 $0x0  }
0x299: {  	[sflag:s0] =	ssyncadd.s32 @!p0 s1  }
0x29a: {  	[bflag:$0x3] =	sbarrier.arrive $0xFFFF  }
0x29b: {  	_ =	shalt  }

</sc_bundles>
